<compile_context>
chip_gen: v7x
topology: tpu7x:2x2x1
jax: 0.10.2.dev20260603
libtpu: 0.0.44.dev20260713+nightly
codegen_flags: <defaults>
</compile_context>

<pallas_src>
import jax
import jax.numpy as jnp
from jax import lax
from jax.experimental import pallas as pl
from jax.experimental.pallas import tpu as pltpu
from jax.experimental.pallas import tpu_sc as plsc

NC = 2
NS = 16
L = 16
NW = NC * NS

BATCH = 16384
DIM = 32
G = 4
S = 8
TW = 128
RS = 4
NSLOT = 3
EXTS = (64, 128)
BPW = BATCH // NW
NSET = BPW // RS
PPW = 2 * BPW


def _body(u_hbm, i_hbm, wtu_hbm, wti_hbm, out_hbm,
          uidx_v, iidx_v, ublk, iblk, opad_v, out_v, sem0):
    wid = lax.axis_index("s") * NC + lax.axis_index("c")

    pltpu.sync_copy(u_hbm.at[pl.ds(wid * PPW, PPW)], uidx_v.at[pl.ds(0, PPW)])
    pltpu.sync_copy(i_hbm.at[pl.ds(wid * PPW, PPW)], iidx_v.at[pl.ds(0, PPW)])

    lane = lax.iota(jnp.int32, L)
    set_mask = lane < RS

    def fire(k, slot):
        off = pl.multiple_of(k * 2 * RS, 8)
        ruv = uidx_v[pl.ds(off, L)]
        riv = iidx_v[pl.ds(off, L)]
        for j in range(RS):
            for src, idx, blk in ((wtu_hbm, ruv, ublk), (wti_hbm, riv, iblk)):
                r = idx[j]
                rt = pl.multiple_of(r - (r & (TW - 1)), TW)
                band = lax.shift_right_logical(r & (TW - 1), 6)
                for bb in range(len(EXTS)):

                    @pl.when(band == bb)
                    def _copy(src=src, blk=blk, rt=rt, j=j, ext=EXTS[bb]):
                        pltpu.async_copy(
                            src.at[:, :, pl.ds(rt, ext)],
                            blk.at[slot, j, :, :, pl.ds(0, ext)], sem0)

    def step(k, _):
        @pl.when(k + 2 < NSET)
        def _fire_next():
            nxt = k + 2
            fire(nxt, nxt - (nxt // NSLOT) * NSLOT)

        doff = pl.multiple_of(k * 2 * RS, 8)
        druv = uidx_v[pl.ds(doff, L)]
        driv = iidx_v[pl.ds(doff, L)]
        for j in range(RS):
            for idx in (druv, driv):
                band = lax.shift_right_logical(idx[j] & (TW - 1), 6)
                for bb in range(len(EXTS)):

                    @pl.when(band == bb)
                    def _wait(ext=EXTS[bb]):
                        pltpu.make_async_copy(
                            wtu_hbm.at[:, :, pl.ds(0, ext)],
                            ublk.at[0, 0, :, :, pl.ds(0, ext)], sem0).wait()

        off = pl.multiple_of(k * 2 * RS, 8)
        ruv = uidx_v[pl.ds(off, L)]
        riv = iidx_v[pl.ds(off, L)]
        slot = k - (k // NSLOT) * NSLOT
        slotv = jnp.zeros((L,), jnp.int32) + slot
        rowv = lane & (RS - 1)
        colu = ruv & (TW - 1)
        coli = riv & (TW - 1)
        acc = jnp.zeros((L,), jnp.float32)
        for gg in range(G):
            ggv = jnp.full((L,), gg, jnp.int32)
            for s in range(S):
                sv = jnp.full((L,), s, jnp.int32)
                acc = acc + (plsc.load_gather(ublk, [slotv, rowv, ggv, sv, colu])
                             * plsc.load_gather(iblk, [slotv, rowv, ggv, sv, coli]))
        plsc.store_compressed(opad_v.at[pl.ds(off, L)], acc, mask=set_mask)
        return _

    fire(0, 0)
    fire(1, 1)
    lax.fori_loop(0, NSET, step, 0)

    def compact(g, _):
        src = g * 2 * L + lax.shift_right_logical(lane, 2) * 2 * RS + (lane & (RS - 1))
        out_v[pl.ds(pl.multiple_of(g * L, L), L)] = plsc.load_gather(opad_v, [src])
        return _

    lax.fori_loop(0, BPW // L, compact, 0)

    pltpu.sync_copy(out_v, out_hbm.at[pl.ds(wid * BPW, BPW)])


def kernel(u, i, user_weight, item_weight):
    u32 = u.astype(jnp.int32)
    i32 = i.astype(jnp.int32)
    up = jnp.pad(u32.reshape(-1, RS), ((0, 0), (0, 8 - RS))).reshape(-1)
    ip = jnp.pad(i32.reshape(-1, RS), ((0, 0), (0, 8 - RS))).reshape(-1)
    wtu = user_weight.T.reshape(G, S, -1)
    wti = item_weight.T.reshape(G, S, -1)
    mesh = plsc.VectorSubcoreMesh(core_axis_name="c", subcore_axis_name="s",
                                  num_cores=NC, num_subcores=NS)
    f = pl.kernel(
        _body,
        out_type=jax.ShapeDtypeStruct((BATCH,), jnp.float32),
        mesh=mesh,
        compiler_params=pltpu.CompilerParams(needs_layout_passes=False,
                                             use_tc_tiling_on_sc=True),
        scratch_types=[
            pltpu.VMEM((PPW + 8,), jnp.int32),
            pltpu.VMEM((PPW + 8,), jnp.int32),
            pltpu.VMEM((NSLOT, RS, G, S, TW), jnp.float32),
            pltpu.VMEM((NSLOT, RS, G, S, TW), jnp.float32),
            pltpu.VMEM((PPW + 8,), jnp.float32),
            pltpu.VMEM((BPW,), jnp.float32),
            pltpu.SemaphoreType.DMA,
        ],
    )
    return f(up, ip, wtu, wti)

# --- scband reference (transcript-rebuilt; emitter-appended) ---
"""Pipeline reference for scband-bce-24524263260619 (READ-ONLY COPY).

The authoritative reference and input builder live on the scoring server;
editing this copy changes nothing except your own understanding.
"""

import jax, jax.numpy as jnp
import numpy as np

USER_SIZE = 1000000
ITEM_SIZE = 1000000
DIM = 32
BATCH = 16384


def setup_inputs(seed: int = 0) -> dict:
    key = jax.random.key(seed)
    k1, k2, k3, k4 = jax.random.split(key, 4)
    # xavier_normal std for embedding weight [num, dim]: sqrt(2/(num+dim))
    std_u = float(np.sqrt(2.0 / (USER_SIZE + DIM)))
    std_i = float(np.sqrt(2.0 / (ITEM_SIZE + DIM)))
    user_weight = jax.random.normal(k1, (USER_SIZE, DIM), dtype=jnp.float32) * std_u
    item_weight = jax.random.normal(k2, (ITEM_SIZE, DIM), dtype=jnp.float32) * std_i
    u = jax.random.randint(k3, (BATCH,), 0, USER_SIZE, dtype=jnp.int64 if jax.config.jax_enable_x64 else jnp.int32)
    i = jax.random.randint(k4, (BATCH,), 0, ITEM_SIZE, dtype=jnp.int64 if jax.config.jax_enable_x64 else jnp.int32)
    return {"u": u, "i": i, "user_weight": user_weight, "item_weight": item_weight}


def reference(u, i, user_weight, item_weight):
    user = jnp.take(user_weight, u, axis=0)
    item = jnp.take(item_weight, i, axis=0)
    prediction = (user * item).sum(axis=-1)
    return jnp.squeeze(prediction)

if __name__ == "__main__":
    import jax
    _d = setup_inputs()
    print(jax.jit(kernel)(*tuple(_d.values())))

</pallas_src>

<mosaic_0001>
#map = affine_map<(d0, d1) -> (0)>
#map1 = affine_map<(d0, d1) -> (0, 0, 0)>
module attributes {stable_mosaic.version = 14 : i64} {
  func.func @_body(%arg0: i32, %arg1: i32, %arg2: memref<32768xi32, #tpu.memory_space<hbm>>, %arg3: memref<32768xi32, #tpu.memory_space<hbm>>, %arg4: memref<4x8x1000000xf32, #tpu.memory_space<hbm>>, %arg5: memref<4x8x1000000xf32, #tpu.memory_space<hbm>>, %arg6: memref<16384xf32, #tpu.memory_space<hbm>>, %arg7: memref<1032xi32, #tpu.memory_space<vmem>>, %arg8: memref<1032xi32, #tpu.memory_space<vmem>>, %arg9: memref<3x4x4x8x128xf32, #tpu.memory_space<vmem>>, %arg10: memref<3x4x4x8x128xf32, #tpu.memory_space<vmem>>, %arg11: memref<1032xf32, #tpu.memory_space<vmem>>, %arg12: memref<512xf32, #tpu.memory_space<vmem>>, %arg13: memref<!tpu.dma_semaphore, #tpu.memory_space<semaphore_mem>>) attributes {dimension_semantics = [#tpu.dimension_semantics<core_parallel>, #tpu.dimension_semantics<subcore_parallel>], iteration_bounds = array<i64: 2, 16>, scalar_prefetch = 0 : i64, scratch_operands = 7 : i64, tpu.core_type = #tpu.core_type<sc_vector_subcore>, window_params = [{transform_indices = #map}, {transform_indices = #map}, {transform_indices = #map1}, {transform_indices = #map1}, {transform_indices = #map}]} {
    %mul3A = arith.constant 2 : i32
    %mul3A_0 = arith.muli %arg1, %mul3A : i32
    %add3A = arith.addi %mul3A_0, %arg0 : i32
    %mul3A_1 = arith.constant 1024 : i32
    %mul3A_2 = arith.muli %add3A, %mul3A_1 : i32
    "tpu.region"() ({
      %run_scoped3A = tpu.sem_alloc : memref<!tpu.dma_semaphore, #tpu.memory_space<semaphore_mem>>
      %dma_start3A = arith.constant 0 : i32
      %dma_start3A_342 = tpu.memref_slice %arg7[%dma_start3A] : memref<1032xi32, #tpu.memory_space<vmem>> -> memref<1024xi32, #tpu.memory_space<vmem>>
      %dma_start3A_343 = tpu.memref_slice %arg2[%mul3A_2] : memref<32768xi32, #tpu.memory_space<hbm>> -> memref<1024xi32, #tpu.memory_space<hbm>>
      %dma_start3A_344 = arith.constant 0 : i32
      %dma_start3A_345 = tpu.memref_slice %arg7[%dma_start3A_344] : memref<1032xi32, #tpu.memory_space<vmem>> -> memref<1024xi32, #tpu.memory_space<vmem>>
      %dma_start3A_346 = tpu.memref_slice %arg2[%mul3A_2] : memref<32768xi32, #tpu.memory_space<hbm>> -> memref<1024xi32, #tpu.memory_space<hbm>>
      tpu.enqueue_dma source(%dma_start3A_346 : memref<1024xi32, #tpu.memory_space<hbm>>) target(%dma_start3A_345 : memref<1024xi32, #tpu.memory_space<vmem>>) target_semaphore(%run_scoped3A : memref<!tpu.dma_semaphore, #tpu.memory_space<semaphore_mem>>)
      %dma_wait3A = arith.constant 0 : i32
      %dma_wait3A_347 = tpu.memref_slice %arg7[%dma_wait3A] : memref<1032xi32, #tpu.memory_space<vmem>> -> memref<1024xi32, #tpu.memory_space<vmem>>
      %dma_wait3A_348 = tpu.memref_slice %arg2[%mul3A_2] : memref<32768xi32, #tpu.memory_space<hbm>> -> memref<1024xi32, #tpu.memory_space<hbm>>
      %dma_wait3A_349 = arith.constant 0 : i32
      %dma_wait3A_350 = tpu.memref_slice %arg7[%dma_wait3A_349] : memref<1032xi32, #tpu.memory_space<vmem>> -> memref<1024xi32, #tpu.memory_space<vmem>>
      %dma_wait3A_351 = tpu.memref_slice %arg2[%mul3A_2] : memref<32768xi32, #tpu.memory_space<hbm>> -> memref<1024xi32, #tpu.memory_space<hbm>>
      tpu.wait_dma2 semaphore(%run_scoped3A : memref<!tpu.dma_semaphore, #tpu.memory_space<semaphore_mem>>) src(%dma_wait3A_351 : memref<1024xi32, #tpu.memory_space<hbm>>) dst(%dma_wait3A_350 : memref<1024xi32, #tpu.memory_space<vmem>>)
      tpu.yield
    }) : () -> ()
    %mul3A_3 = arith.constant 1024 : i32
    %mul3A_4 = arith.muli %add3A, %mul3A_3 : i32
    "tpu.region"() ({
      %run_scoped3A = tpu.sem_alloc : memref<!tpu.dma_semaphore, #tpu.memory_space<semaphore_mem>>
      %dma_start3A = arith.constant 0 : i32
      %dma_start3A_342 = tpu.memref_slice %arg8[%dma_start3A] : memref<1032xi32, #tpu.memory_space<vmem>> -> memref<1024xi32, #tpu.memory_space<vmem>>
      %dma_start3A_343 = tpu.memref_slice %arg3[%mul3A_4] : memref<32768xi32, #tpu.memory_space<hbm>> -> memref<1024xi32, #tpu.memory_space<hbm>>
      %dma_start3A_344 = arith.constant 0 : i32
      %dma_start3A_345 = tpu.memref_slice %arg8[%dma_start3A_344] : memref<1032xi32, #tpu.memory_space<vmem>> -> memref<1024xi32, #tpu.memory_space<vmem>>
      %dma_start3A_346 = tpu.memref_slice %arg3[%mul3A_4] : memref<32768xi32, #tpu.memory_space<hbm>> -> memref<1024xi32, #tpu.memory_space<hbm>>
      tpu.enqueue_dma source(%dma_start3A_346 : memref<1024xi32, #tpu.memory_space<hbm>>) target(%dma_start3A_345 : memref<1024xi32, #tpu.memory_space<vmem>>) target_semaphore(%run_scoped3A : memref<!tpu.dma_semaphore, #tpu.memory_space<semaphore_mem>>)
      %dma_wait3A = arith.constant 0 : i32
      %dma_wait3A_347 = tpu.memref_slice %arg8[%dma_wait3A] : memref<1032xi32, #tpu.memory_space<vmem>> -> memref<1024xi32, #tpu.memory_space<vmem>>
      %dma_wait3A_348 = tpu.memref_slice %arg3[%mul3A_4] : memref<32768xi32, #tpu.memory_space<hbm>> -> memref<1024xi32, #tpu.memory_space<hbm>>
      %dma_wait3A_349 = arith.constant 0 : i32
      %dma_wait3A_350 = tpu.memref_slice %arg8[%dma_wait3A_349] : memref<1032xi32, #tpu.memory_space<vmem>> -> memref<1024xi32, #tpu.memory_space<vmem>>
      %dma_wait3A_351 = tpu.memref_slice %arg3[%mul3A_4] : memref<32768xi32, #tpu.memory_space<hbm>> -> memref<1024xi32, #tpu.memory_space<hbm>>
      tpu.wait_dma2 semaphore(%run_scoped3A : memref<!tpu.dma_semaphore, #tpu.memory_space<semaphore_mem>>) src(%dma_wait3A_351 : memref<1024xi32, #tpu.memory_space<hbm>>) dst(%dma_wait3A_350 : memref<1024xi32, #tpu.memory_space<vmem>>)
      tpu.yield
    }) : () -> ()
    %iota3A = tpu.iota {dimensions = array<i32: 0>} : vector<16xi32>
    %lt3A = arith.constant 4 : i32
    %lt3A_5 = vector.broadcast %lt3A : i32 to vector<16xi32>
    %lt3A_6 = arith.cmpi slt, %iota3A, %lt3A_5 : vector<16xi32>
    %multiple_of3A = arith.constant 0 : i32
    %multiple_of3A_7 = tpu.assume_multiple %multiple_of3A, 8 : i32
    %get3A = arith.index_cast %multiple_of3A_7 : i32 to index
    %get3A_8 = tpu.vector_load %arg7[%get3A] {strides = array<i32>} : memref<1032xi32, #tpu.memory_space<vmem>>, vector<16xi32>,
    %get3A_9 = arith.index_cast %multiple_of3A_7 : i32 to index
    %get3A_10 = tpu.vector_load %arg8[%get3A_9] {strides = array<i32>} : memref<1032xi32, #tpu.memory_space<vmem>>, vector<16xi32>,
    %slice3A = vector.extract_strided_slice %get3A_8 {offsets = [0], sizes = [1], strides = [1]} : vector<16xi32> to vector<1xi32>
    %squeeze3A = vector.extract %slice3A[0] : i32 from vector<1xi32>
    %and3A = arith.constant 127 : i32
    %and3A_11 = arith.andi %squeeze3A, %and3A : i32
    %sub3A = arith.subi %squeeze3A, %and3A_11 : i32
    %multiple_of3A_12 = tpu.assume_multiple %sub3A, 128 : i32
    %and3A_13 = arith.constant 127 : i32
    %and3A_14 = arith.andi %squeeze3A, %and3A_13 : i32
    %shift_right_logical3A = arith.constant 6 : i32
    %shift_right_logical3A_15 = arith.shrui %and3A_14, %shift_right_logical3A : i32
    %eq3A = arith.constant 0 : i32
    %eq3A_16 = arith.cmpi eq, %shift_right_logical3A_15, %eq3A : i32
    %convert_element_type3A = arith.extui %eq3A_16 : i1 to i32
    %cond3A = arith.constant 0 : i32
    %cond3A_17 = arith.cmpi ne, %convert_element_type3A, %cond3A : i32
    scf.if %cond3A_17 {
      %dma_start3A = arith.constant 0 : i32
      %dma_start3A_342 = arith.constant 0 : i32
      %dma_start3A_343 = arith.constant 0 : i32
      %dma_start3A_344 = arith.constant 0 : i32
      %dma_start3A_345 = arith.constant 0 : i32
      %dma_start3A_346 = tpu.memref_slice %arg9[%dma_start3A, %dma_start3A_342, %dma_start3A_343, %dma_start3A_344, %dma_start3A_345] : memref<3x4x4x8x128xf32, #tpu.memory_space<vmem>> -> memref<1x1x4x8x64xf32, #tpu.memory_space<vmem>>
      %dma_start3A_347 = tpu.memref_squeeze %dma_start3A_346 : memref<1x1x4x8x64xf32, #tpu.memory_space<vmem>> -> memref<4x8x64xf32, #tpu.memory_space<vmem>>
      %dma_start3A_348 = arith.constant 0 : i32
      %dma_start3A_349 = arith.constant 0 : i32
      %dma_start3A_350 = tpu.memref_slice %arg4[%dma_start3A_348, %dma_start3A_349, %multiple_of3A_12] : memref<4x8x1000000xf32, #tpu.memory_space<hbm>> -> memref<4x8x64xf32, #tpu.memory_space<hbm>>
      %dma_start3A_351 = arith.constant 0 : i32
      %dma_start3A_352 = arith.constant 0 : i32
      %dma_start3A_353 = arith.constant 0 : i32
      %dma_start3A_354 = tpu.memref_slice %arg9[%dma_start3A, %dma_start3A_342, %dma_start3A_351, %dma_start3A_352, %dma_start3A_353] : memref<3x4x4x8x128xf32, #tpu.memory_space<vmem>> -> memref<1x1x4x8x64xf32, #tpu.memory_space<vmem>>
      %dma_start3A_355 = tpu.memref_squeeze %dma_start3A_354 : memref<1x1x4x8x64xf32, #tpu.memory_space<vmem>> -> memref<4x8x64xf32, #tpu.memory_space<vmem>>
      %dma_start3A_356 = arith.constant 0 : i32
      %dma_start3A_357 = arith.constant 0 : i32
      %dma_start3A_358 = tpu.memref_slice %arg4[%dma_start3A_356, %dma_start3A_357, %multiple_of3A_12] : memref<4x8x1000000xf32, #tpu.memory_space<hbm>> -> memref<4x8x64xf32, #tpu.memory_space<hbm>>
      tpu.enqueue_dma source(%dma_start3A_358 : memref<4x8x64xf32, #tpu.memory_space<hbm>>) target(%dma_start3A_355 : memref<4x8x64xf32, #tpu.memory_space<vmem>>) target_semaphore(%arg13 : memref<!tpu.dma_semaphore, #tpu.memory_space<semaphore_mem>>)
    } else {
    }
    %eq3A_18 = arith.constant 1 : i32
    %eq3A_19 = arith.cmpi eq, %shift_right_logical3A_15, %eq3A_18 : i32
    %convert_element_type3A_20 = arith.extui %eq3A_19 : i1 to i32
    %cond3A_21 = arith.constant 0 : i32
    %cond3A_22 = arith.cmpi ne, %convert_element_type3A_20, %cond3A_21 : i32
    scf.if %cond3A_22 {
      %dma_start3A = arith.constant 0 : i32
      %dma_start3A_342 = arith.constant 0 : i32
      %dma_start3A_343 = arith.constant 0 : i32
      %dma_start3A_344 = arith.constant 0 : i32
      %dma_start3A_345 = arith.constant 0 : i32
      %dma_start3A_346 = tpu.memref_slice %arg9[%dma_start3A, %dma_start3A_342, %dma_start3A_343, %dma_start3A_344, %dma_start3A_345] : memref<3x4x4x8x128xf32, #tpu.memory_space<vmem>> -> memref<1x1x4x8x128xf32, #tpu.memory_space<vmem>>
      %dma_start3A_347 = tpu.memref_squeeze %dma_start3A_346 : memref<1x1x4x8x128xf32, #tpu.memory_space<vmem>> -> memref<4x8x128xf32, #tpu.memory_space<vmem>>
      %dma_start3A_348 = arith.constant 0 : i32
      %dma_start3A_349 = arith.constant 0 : i32
      %dma_start3A_350 = tpu.memref_slice %arg4[%dma_start3A_348, %dma_start3A_349, %multiple_of3A_12] : memref<4x8x1000000xf32, #tpu.memory_space<hbm>> -> memref<4x8x128xf32, #tpu.memory_space<hbm>>
      %dma_start3A_351 = arith.constant 0 : i32
      %dma_start3A_352 = arith.constant 0 : i32
      %dma_start3A_353 = arith.constant 0 : i32
      %dma_start3A_354 = tpu.memref_slice %arg9[%dma_start3A, %dma_start3A_342, %dma_start3A_351, %dma_start3A_352, %dma_start3A_353] : memref<3x4x4x8x128xf32, #tpu.memory_space<vmem>> -> memref<1x1x4x8x128xf32, #tpu.memory_space<vmem>>
      %dma_start3A_355 = tpu.memref_squeeze %dma_start3A_354 : memref<1x1x4x8x128xf32, #tpu.memory_space<vmem>> -> memref<4x8x128xf32, #tpu.memory_space<vmem>>
      %dma_start3A_356 = arith.constant 0 : i32
      %dma_start3A_357 = arith.constant 0 : i32
      %dma_start3A_358 = tpu.memref_slice %arg4[%dma_start3A_356, %dma_start3A_357, %multiple_of3A_12] : memref<4x8x1000000xf32, #tpu.memory_space<hbm>> -> memref<4x8x128xf32, #tpu.memory_space<hbm>>
      tpu.enqueue_dma source(%dma_start3A_358 : memref<4x8x128xf32, #tpu.memory_space<hbm>>) target(%dma_start3A_355 : memref<4x8x128xf32, #tpu.memory_space<vmem>>) target_semaphore(%arg13 : memref<!tpu.dma_semaphore, #tpu.memory_space<semaphore_mem>>)
    } else {
    }
    %slice3A_23 = vector.extract_strided_slice %get3A_10 {offsets = [0], sizes = [1], strides = [1]} : vector<16xi32> to vector<1xi32>
    %squeeze3A_24 = vector.extract %slice3A_23[0] : i32 from vector<1xi32>
    %and3A_25 = arith.constant 127 : i32
    %and3A_26 = arith.andi %squeeze3A_24, %and3A_25 : i32
    %sub3A_27 = arith.subi %squeeze3A_24, %and3A_26 : i32
    %multiple_of3A_28 = tpu.assume_multiple %sub3A_27, 128 : i32
    %and3A_29 = arith.constant 127 : i32
    %and3A_30 = arith.andi %squeeze3A_24, %and3A_29 : i32
    %shift_right_logical3A_31 = arith.constant 6 : i32
    %shift_right_logical3A_32 = arith.shrui %and3A_30, %shift_right_logical3A_31 : i32
    %eq3A_33 = arith.constant 0 : i32
    %eq3A_34 = arith.cmpi eq, %shift_right_logical3A_32, %eq3A_33 : i32
    %convert_element_type3A_35 = arith.extui %eq3A_34 : i1 to i32
    %cond3A_36 = arith.constant 0 : i32
    %cond3A_37 = arith.cmpi ne, %convert_element_type3A_35, %cond3A_36 : i32
    scf.if %cond3A_37 {
      %dma_start3A = arith.constant 0 : i32
      %dma_start3A_342 = arith.constant 0 : i32
      %dma_start3A_343 = arith.constant 0 : i32
      %dma_start3A_344 = arith.constant 0 : i32
      %dma_start3A_345 = arith.constant 0 : i32
      %dma_start3A_346 = tpu.memref_slice %arg10[%dma_start3A, %dma_start3A_342, %dma_start3A_343, %dma_start3A_344, %dma_start3A_345] : memref<3x4x4x8x128xf32, #tpu.memory_space<vmem>> -> memref<1x1x4x8x64xf32, #tpu.memory_space<vmem>>
      %dma_start3A_347 = tpu.memref_squeeze %dma_start3A_346 : memref<1x1x4x8x64xf32, #tpu.memory_space<vmem>> -> memref<4x8x64xf32, #tpu.memory_space<vmem>>
      %dma_start3A_348 = arith.constant 0 : i32
      %dma_start3A_349 = arith.constant 0 : i32
      %dma_start3A_350 = tpu.memref_slice %arg5[%dma_start3A_348, %dma_start3A_349, %multiple_of3A_28] : memref<4x8x1000000xf32, #tpu.memory_space<hbm>> -> memref<4x8x64xf32, #tpu.memory_space<hbm>>
      %dma_start3A_351 = arith.constant 0 : i32
      %dma_start3A_352 = arith.constant 0 : i32
      %dma_start3A_353 = arith.constant 0 : i32
      %dma_start3A_354 = tpu.memref_slice %arg10[%dma_start3A, %dma_start3A_342, %dma_start3A_351, %dma_start3A_352, %dma_start3A_353] : memref<3x4x4x8x128xf32, #tpu.memory_space<vmem>> -> memref<1x1x4x8x64xf32, #tpu.memory_space<vmem>>
      %dma_start3A_355 = tpu.memref_squeeze %dma_start3A_354 : memref<1x1x4x8x64xf32, #tpu.memory_space<vmem>> -> memref<4x8x64xf32, #tpu.memory_space<vmem>>
      %dma_start3A_356 = arith.constant 0 : i32
      %dma_start3A_357 = arith.constant 0 : i32
      %dma_start3A_358 = tpu.memref_slice %arg5[%dma_start3A_356, %dma_start3A_357, %multiple_of3A_28] : memref<4x8x1000000xf32, #tpu.memory_space<hbm>> -> memref<4x8x64xf32, #tpu.memory_space<hbm>>
      tpu.enqueue_dma source(%dma_start3A_358 : memref<4x8x64xf32, #tpu.memory_space<hbm>>) target(%dma_start3A_355 : memref<4x8x64xf32, #tpu.memory_space<vmem>>) target_semaphore(%arg13 : memref<!tpu.dma_semaphore, #tpu.memory_space<semaphore_mem>>)
    } else {
    }
    %eq3A_38 = arith.constant 1 : i32
    %eq3A_39 = arith.cmpi eq, %shift_right_logical3A_32, %eq3A_38 : i32
    %convert_element_type3A_40 = arith.extui %eq3A_39 : i1 to i32
    %cond3A_41 = arith.constant 0 : i32
    %cond3A_42 = arith.cmpi ne, %convert_element_type3A_40, %cond3A_41 : i32
    scf.if %cond3A_42 {
      %dma_start3A = arith.constant 0 : i32
      %dma_start3A_342 = arith.constant 0 : i32
      %dma_start3A_343 = arith.constant 0 : i32
      %dma_start3A_344 = arith.constant 0 : i32
      %dma_start3A_345 = arith.constant 0 : i32
      %dma_start3A_346 = tpu.memref_slice %arg10[%dma_start3A, %dma_start3A_342, %dma_start3A_343, %dma_start3A_344, %dma_start3A_345] : memref<3x4x4x8x128xf32, #tpu.memory_space<vmem>> -> memref<1x1x4x8x128xf32, #tpu.memory_space<vmem>>
      %dma_start3A_347 = tpu.memref_squeeze %dma_start3A_346 : memref<1x1x4x8x128xf32, #tpu.memory_space<vmem>> -> memref<4x8x128xf32, #tpu.memory_space<vmem>>
      %dma_start3A_348 = arith.constant 0 : i32
      %dma_start3A_349 = arith.constant 0 : i32
      %dma_start3A_350 = tpu.memref_slice %arg5[%dma_start3A_348, %dma_start3A_349, %multiple_of3A_28] : memref<4x8x1000000xf32, #tpu.memory_space<hbm>> -> memref<4x8x128xf32, #tpu.memory_space<hbm>>
      %dma_start3A_351 = arith.constant 0 : i32
      %dma_start3A_352 = arith.constant 0 : i32
      %dma_start3A_353 = arith.constant 0 : i32
      %dma_start3A_354 = tpu.memref_slice %arg10[%dma_start3A, %dma_start3A_342, %dma_start3A_351, %dma_start3A_352, %dma_start3A_353] : memref<3x4x4x8x128xf32, #tpu.memory_space<vmem>> -> memref<1x1x4x8x128xf32, #tpu.memory_space<vmem>>
      %dma_start3A_355 = tpu.memref_squeeze %dma_start3A_354 : memref<1x1x4x8x128xf32, #tpu.memory_space<vmem>> -> memref<4x8x128xf32, #tpu.memory_space<vmem>>
      %dma_start3A_356 = arith.constant 0 : i32
      %dma_start3A_357 = arith.constant 0 : i32
      %dma_start3A_358 = tpu.memref_slice %arg5[%dma_start3A_356, %dma_start3A_357, %multiple_of3A_28] : memref<4x8x1000000xf32, #tpu.memory_space<hbm>> -> memref<4x8x128xf32, #tpu.memory_space<hbm>>
      tpu.enqueue_dma source(%dma_start3A_358 : memref<4x8x128xf32, #tpu.memory_space<hbm>>) target(%dma_start3A_355 : memref<4x8x128xf32, #tpu.memory_space<vmem>>) target_semaphore(%arg13 : memref<!tpu.dma_semaphore, #tpu.memory_space<semaphore_mem>>)
    } else {
    }
    %slice3A_43 = vector.extract_strided_slice %get3A_8 {offsets = [1], sizes = [1], strides = [1]} : vector<16xi32> to vector<1xi32>
    %squeeze3A_44 = vector.extract %slice3A_43[0] : i32 from vector<1xi32>
    %and3A_45 = arith.constant 127 : i32
    %and3A_46 = arith.andi %squeeze3A_44, %and3A_45 : i32
    %sub3A_47 = arith.subi %squeeze3A_44, %and3A_46 : i32
    %multiple_of3A_48 = tpu.assume_multiple %sub3A_47, 128 : i32
    %and3A_49 = arith.constant 127 : i32
    %and3A_50 = arith.andi %squeeze3A_44, %and3A_49 : i32
    %shift_right_logical3A_51 = arith.constant 6 : i32
    %shift_right_logical3A_52 = arith.shrui %and3A_50, %shift_right_logical3A_51 : i32
    %eq3A_53 = arith.constant 0 : i32
    %eq3A_54 = arith.cmpi eq, %shift_right_logical3A_52, %eq3A_53 : i32
    %convert_element_type3A_55 = arith.extui %eq3A_54 : i1 to i32
    %cond3A_56 = arith.constant 0 : i32
    %cond3A_57 = arith.cmpi ne, %convert_element_type3A_55, %cond3A_56 : i32
    scf.if %cond3A_57 {
      %dma_start3A = arith.constant 0 : i32
      %dma_start3A_342 = arith.constant 1 : i32
      %dma_start3A_343 = arith.constant 0 : i32
      %dma_start3A_344 = arith.constant 0 : i32
      %dma_start3A_345 = arith.constant 0 : i32
      %dma_start3A_346 = tpu.memref_slice %arg9[%dma_start3A, %dma_start3A_342, %dma_start3A_343, %dma_start3A_344, %dma_start3A_345] : memref<3x4x4x8x128xf32, #tpu.memory_space<vmem>> -> memref<1x1x4x8x64xf32, #tpu.memory_space<vmem>>
      %dma_start3A_347 = tpu.memref_squeeze %dma_start3A_346 : memref<1x1x4x8x64xf32, #tpu.memory_space<vmem>> -> memref<4x8x64xf32, #tpu.memory_space<vmem>>
      %dma_start3A_348 = arith.constant 0 : i32
      %dma_start3A_349 = arith.constant 0 : i32
      %dma_start3A_350 = tpu.memref_slice %arg4[%dma_start3A_348, %dma_start3A_349, %multiple_of3A_48] : memref<4x8x1000000xf32, #tpu.memory_space<hbm>> -> memref<4x8x64xf32, #tpu.memory_space<hbm>>
      %dma_start3A_351 = arith.constant 0 : i32
      %dma_start3A_352 = arith.constant 0 : i32
      %dma_start3A_353 = arith.constant 0 : i32
      %dma_start3A_354 = tpu.memref_slice %arg9[%dma_start3A, %dma_start3A_342, %dma_start3A_351, %dma_start3A_352, %dma_start3A_353] : memref<3x4x4x8x128xf32, #tpu.memory_space<vmem>> -> memref<1x1x4x8x64xf32, #tpu.memory_space<vmem>>
      %dma_start3A_355 = tpu.memref_squeeze %dma_start3A_354 : memref<1x1x4x8x64xf32, #tpu.memory_space<vmem>> -> memref<4x8x64xf32, #tpu.memory_space<vmem>>
      %dma_start3A_356 = arith.constant 0 : i32
      %dma_start3A_357 = arith.constant 0 : i32
      %dma_start3A_358 = tpu.memref_slice %arg4[%dma_start3A_356, %dma_start3A_357, %multiple_of3A_48] : memref<4x8x1000000xf32, #tpu.memory_space<hbm>> -> memref<4x8x64xf32, #tpu.memory_space<hbm>>
      tpu.enqueue_dma source(%dma_start3A_358 : memref<4x8x64xf32, #tpu.memory_space<hbm>>) target(%dma_start3A_355 : memref<4x8x64xf32, #tpu.memory_space<vmem>>) target_semaphore(%arg13 : memref<!tpu.dma_semaphore, #tpu.memory_space<semaphore_mem>>)
    } else {
    }
    %eq3A_58 = arith.constant 1 : i32
    %eq3A_59 = arith.cmpi eq, %shift_right_logical3A_52, %eq3A_58 : i32
    %convert_element_type3A_60 = arith.extui %eq3A_59 : i1 to i32
    %cond3A_61 = arith.constant 0 : i32
    %cond3A_62 = arith.cmpi ne, %convert_element_type3A_60, %cond3A_61 : i32
    scf.if %cond3A_62 {
      %dma_start3A = arith.constant 0 : i32
      %dma_start3A_342 = arith.constant 1 : i32
      %dma_start3A_343 = arith.constant 0 : i32
      %dma_start3A_344 = arith.constant 0 : i32
      %dma_start3A_345 = arith.constant 0 : i32
      %dma_start3A_346 = tpu.memref_slice %arg9[%dma_start3A, %dma_start3A_342, %dma_start3A_343, %dma_start3A_344, %dma_start3A_345] : memref<3x4x4x8x128xf32, #tpu.memory_space<vmem>> -> memref<1x1x4x8x128xf32, #tpu.memory_space<vmem>>
      %dma_start3A_347 = tpu.memref_squeeze %dma_start3A_346 : memref<1x1x4x8x128xf32, #tpu.memory_space<vmem>> -> memref<4x8x128xf32, #tpu.memory_space<vmem>>
      %dma_start3A_348 = arith.constant 0 : i32
      %dma_start3A_349 = arith.constant 0 : i32
      %dma_start3A_350 = tpu.memref_slice %arg4[%dma_start3A_348, %dma_start3A_349, %multiple_of3A_48] : memref<4x8x1000000xf32, #tpu.memory_space<hbm>> -> memref<4x8x128xf32, #tpu.memory_space<hbm>>
      %dma_start3A_351 = arith.constant 0 : i32
      %dma_start3A_352 = arith.constant 0 : i32
      %dma_start3A_353 = arith.constant 0 : i32
      %dma_start3A_354 = tpu.memref_slice %arg9[%dma_start3A, %dma_start3A_342, %dma_start3A_351, %dma_start3A_352, %dma_start3A_353] : memref<3x4x4x8x128xf32, #tpu.memory_space<vmem>> -> memref<1x1x4x8x128xf32, #tpu.memory_space<vmem>>
      %dma_start3A_355 = tpu.memref_squeeze %dma_start3A_354 : memref<1x1x4x8x128xf32, #tpu.memory_space<vmem>> -> memref<4x8x128xf32, #tpu.memory_space<vmem>>
      %dma_start3A_356 = arith.constant 0 : i32
      %dma_start3A_357 = arith.constant 0 : i32
      %dma_start3A_358 = tpu.memref_slice %arg4[%dma_start3A_356, %dma_start3A_357, %multiple_of3A_48] : memref<4x8x1000000xf32, #tpu.memory_space<hbm>> -> memref<4x8x128xf32, #tpu.memory_space<hbm>>
      tpu.enqueue_dma source(%dma_start3A_358 : memref<4x8x128xf32, #tpu.memory_space<hbm>>) target(%dma_start3A_355 : memref<4x8x128xf32, #tpu.memory_space<vmem>>) target_semaphore(%arg13 : memref<!tpu.dma_semaphore, #tpu.memory_space<semaphore_mem>>)
    } else {
    }
    %slice3A_63 = vector.extract_strided_slice %get3A_10 {offsets = [1], sizes = [1], strides = [1]} : vector<16xi32> to vector<1xi32>
    %squeeze3A_64 = vector.extract %slice3A_63[0] : i32 from vector<1xi32>
    %and3A_65 = arith.constant 127 : i32
    %and3A_66 = arith.andi %squeeze3A_64, %and3A_65 : i32
    %sub3A_67 = arith.subi %squeeze3A_64, %and3A_66 : i32
    %multiple_of3A_68 = tpu.assume_multiple %sub3A_67, 128 : i32
    %and3A_69 = arith.constant 127 : i32
    %and3A_70 = arith.andi %squeeze3A_64, %and3A_69 : i32
    %shift_right_logical3A_71 = arith.constant 6 : i32
    %shift_right_logical3A_72 = arith.shrui %and3A_70, %shift_right_logical3A_71 : i32
    %eq3A_73 = arith.constant 0 : i32
    %eq3A_74 = arith.cmpi eq, %shift_right_logical3A_72, %eq3A_73 : i32
    %convert_element_type3A_75 = arith.extui %eq3A_74 : i1 to i32
    %cond3A_76 = arith.constant 0 : i32
    %cond3A_77 = arith.cmpi ne, %convert_element_type3A_75, %cond3A_76 : i32
    scf.if %cond3A_77 {
      %dma_start3A = arith.constant 0 : i32
      %dma_start3A_342 = arith.constant 1 : i32
      %dma_start3A_343 = arith.constant 0 : i32
      %dma_start3A_344 = arith.constant 0 : i32
      %dma_start3A_345 = arith.constant 0 : i32
      %dma_start3A_346 = tpu.memref_slice %arg10[%dma_start3A, %dma_start3A_342, %dma_start3A_343, %dma_start3A_344, %dma_start3A_345] : memref<3x4x4x8x128xf32, #tpu.memory_space<vmem>> -> memref<1x1x4x8x64xf32, #tpu.memory_space<vmem>>
      %dma_start3A_347 = tpu.memref_squeeze %dma_start3A_346 : memref<1x1x4x8x64xf32, #tpu.memory_space<vmem>> -> memref<4x8x64xf32, #tpu.memory_space<vmem>>
      %dma_start3A_348 = arith.constant 0 : i32
      %dma_start3A_349 = arith.constant 0 : i32
      %dma_start3A_350 = tpu.memref_slice %arg5[%dma_start3A_348, %dma_start3A_349, %multiple_of3A_68] : memref<4x8x1000000xf32, #tpu.memory_space<hbm>> -> memref<4x8x64xf32, #tpu.memory_space<hbm>>
      %dma_start3A_351 = arith.constant 0 : i32
      %dma_start3A_352 = arith.constant 0 : i32
      %dma_start3A_353 = arith.constant 0 : i32
      %dma_start3A_354 = tpu.memref_slice %arg10[%dma_start3A, %dma_start3A_342, %dma_start3A_351, %dma_start3A_352, %dma_start3A_353] : memref<3x4x4x8x128xf32, #tpu.memory_space<vmem>> -> memref<1x1x4x8x64xf32, #tpu.memory_space<vmem>>
      %dma_start3A_355 = tpu.memref_squeeze %dma_start3A_354 : memref<1x1x4x8x64xf32, #tpu.memory_space<vmem>> -> memref<4x8x64xf32, #tpu.memory_space<vmem>>
      %dma_start3A_356 = arith.constant 0 : i32
      %dma_start3A_357 = arith.constant 0 : i32
      %dma_start3A_358 = tpu.memref_slice %arg5[%dma_start3A_356, %dma_start3A_357, %multiple_of3A_68] : memref<4x8x1000000xf32, #tpu.memory_space<hbm>> -> memref<4x8x64xf32, #tpu.memory_space<hbm>>
      tpu.enqueue_dma source(%dma_start3A_358 : memref<4x8x64xf32, #tpu.memory_space<hbm>>) target(%dma_start3A_355 : memref<4x8x64xf32, #tpu.memory_space<vmem>>) target_semaphore(%arg13 : memref<!tpu.dma_semaphore, #tpu.memory_space<semaphore_mem>>)
    } else {
    }
    %eq3A_78 = arith.constant 1 : i32
    %eq3A_79 = arith.cmpi eq, %shift_right_logical3A_72, %eq3A_78 : i32
    %convert_element_type3A_80 = arith.extui %eq3A_79 : i1 to i32
    %cond3A_81 = arith.constant 0 : i32
    %cond3A_82 = arith.cmpi ne, %convert_element_type3A_80, %cond3A_81 : i32
    scf.if %cond3A_82 {
      %dma_start3A = arith.constant 0 : i32
      %dma_start3A_342 = arith.constant 1 : i32
      %dma_start3A_343 = arith.constant 0 : i32
      %dma_start3A_344 = arith.constant 0 : i32
      %dma_start3A_345 = arith.constant 0 : i32
      %dma_start3A_346 = tpu.memref_slice %arg10[%dma_start3A, %dma_start3A_342, %dma_start3A_343, %dma_start3A_344, %dma_start3A_345] : memref<3x4x4x8x128xf32, #tpu.memory_space<vmem>> -> memref<1x1x4x8x128xf32, #tpu.memory_space<vmem>>
      %dma_start3A_347 = tpu.memref_squeeze %dma_start3A_346 : memref<1x1x4x8x128xf32, #tpu.memory_space<vmem>> -> memref<4x8x128xf32, #tpu.memory_space<vmem>>
      %dma_start3A_348 = arith.constant 0 : i32
      %dma_start3A_349 = arith.constant 0 : i32
      %dma_start3A_350 = tpu.memref_slice %arg5[%dma_start3A_348, %dma_start3A_349, %multiple_of3A_68] : memref<4x8x1000000xf32, #tpu.memory_space<hbm>> -> memref<4x8x128xf32, #tpu.memory_space<hbm>>
      %dma_start3A_351 = arith.constant 0 : i32
      %dma_start3A_352 = arith.constant 0 : i32
      %dma_start3A_353 = arith.constant 0 : i32
      %dma_start3A_354 = tpu.memref_slice %arg10[%dma_start3A, %dma_start3A_342, %dma_start3A_351, %dma_start3A_352, %dma_start3A_353] : memref<3x4x4x8x128xf32, #tpu.memory_space<vmem>> -> memref<1x1x4x8x128xf32, #tpu.memory_space<vmem>>
      %dma_start3A_355 = tpu.memref_squeeze %dma_start3A_354 : memref<1x1x4x8x128xf32, #tpu.memory_space<vmem>> -> memref<4x8x128xf32, #tpu.memory_space<vmem>>
      %dma_start3A_356 = arith.constant 0 : i32
      %dma_start3A_357 = arith.constant 0 : i32
      %dma_start3A_358 = tpu.memref_slice %arg5[%dma_start3A_356, %dma_start3A_357, %multiple_of3A_68] : memref<4x8x1000000xf32, #tpu.memory_space<hbm>> -> memref<4x8x128xf32, #tpu.memory_space<hbm>>
      tpu.enqueue_dma source(%dma_start3A_358 : memref<4x8x128xf32, #tpu.memory_space<hbm>>) target(%dma_start3A_355 : memref<4x8x128xf32, #tpu.memory_space<vmem>>) target_semaphore(%arg13 : memref<!tpu.dma_semaphore, #tpu.memory_space<semaphore_mem>>)
    } else {
    }
    %slice3A_83 = vector.extract_strided_slice %get3A_8 {offsets = [2], sizes = [1], strides = [1]} : vector<16xi32> to vector<1xi32>
    %squeeze3A_84 = vector.extract %slice3A_83[0] : i32 from vector<1xi32>
    %and3A_85 = arith.constant 127 : i32
    %and3A_86 = arith.andi %squeeze3A_84, %and3A_85 : i32
    %sub3A_87 = arith.subi %squeeze3A_84, %and3A_86 : i32
    %multiple_of3A_88 = tpu.assume_multiple %sub3A_87, 128 : i32
    %and3A_89 = arith.constant 127 : i32
    %and3A_90 = arith.andi %squeeze3A_84, %and3A_89 : i32
    %shift_right_logical3A_91 = arith.constant 6 : i32
    %shift_right_logical3A_92 = arith.shrui %and3A_90, %shift_right_logical3A_91 : i32
    %eq3A_93 = arith.constant 0 : i32
    %eq3A_94 = arith.cmpi eq, %shift_right_logical3A_92, %eq3A_93 : i32
    %convert_element_type3A_95 = arith.extui %eq3A_94 : i1 to i32
    %cond3A_96 = arith.constant 0 : i32
    %cond3A_97 = arith.cmpi ne, %convert_element_type3A_95, %cond3A_96 : i32
    scf.if %cond3A_97 {
      %dma_start3A = arith.constant 0 : i32
      %dma_start3A_342 = arith.constant 2 : i32
      %dma_start3A_343 = arith.constant 0 : i32
      %dma_start3A_344 = arith.constant 0 : i32
      %dma_start3A_345 = arith.constant 0 : i32
      %dma_start3A_346 = tpu.memref_slice %arg9[%dma_start3A, %dma_start3A_342, %dma_start3A_343, %dma_start3A_344, %dma_start3A_345] : memref<3x4x4x8x128xf32, #tpu.memory_space<vmem>> -> memref<1x1x4x8x64xf32, #tpu.memory_space<vmem>>
      %dma_start3A_347 = tpu.memref_squeeze %dma_start3A_346 : memref<1x1x4x8x64xf32, #tpu.memory_space<vmem>> -> memref<4x8x64xf32, #tpu.memory_space<vmem>>
      %dma_start3A_348 = arith.constant 0 : i32
      %dma_start3A_349 = arith.constant 0 : i32
      %dma_start3A_350 = tpu.memref_slice %arg4[%dma_start3A_348, %dma_start3A_349, %multiple_of3A_88] : memref<4x8x1000000xf32, #tpu.memory_space<hbm>> -> memref<4x8x64xf32, #tpu.memory_space<hbm>>
      %dma_start3A_351 = arith.constant 0 : i32
      %dma_start3A_352 = arith.constant 0 : i32
      %dma_start3A_353 = arith.constant 0 : i32
      %dma_start3A_354 = tpu.memref_slice %arg9[%dma_start3A, %dma_start3A_342, %dma_start3A_351, %dma_start3A_352, %dma_start3A_353] : memref<3x4x4x8x128xf32, #tpu.memory_space<vmem>> -> memref<1x1x4x8x64xf32, #tpu.memory_space<vmem>>
      %dma_start3A_355 = tpu.memref_squeeze %dma_start3A_354 : memref<1x1x4x8x64xf32, #tpu.memory_space<vmem>> -> memref<4x8x64xf32, #tpu.memory_space<vmem>>
      %dma_start3A_356 = arith.constant 0 : i32
      %dma_start3A_357 = arith.constant 0 : i32
      %dma_start3A_358 = tpu.memref_slice %arg4[%dma_start3A_356, %dma_start3A_357, %multiple_of3A_88] : memref<4x8x1000000xf32, #tpu.memory_space<hbm>> -> memref<4x8x64xf32, #tpu.memory_space<hbm>>
      tpu.enqueue_dma source(%dma_start3A_358 : memref<4x8x64xf32, #tpu.memory_space<hbm>>) target(%dma_start3A_355 : memref<4x8x64xf32, #tpu.memory_space<vmem>>) target_semaphore(%arg13 : memref<!tpu.dma_semaphore, #tpu.memory_space<semaphore_mem>>)
    } else {
    }
    %eq3A_98 = arith.constant 1 : i32
    %eq3A_99 = arith.cmpi eq, %shift_right_logical3A_92, %eq3A_98 : i32
    %convert_element_type3A_100 = arith.extui %eq3A_99 : i1 to i32
    %cond3A_101 = arith.constant 0 : i32
    %cond3A_102 = arith.cmpi ne, %convert_element_type3A_100, %cond3A_101 : i32
    scf.if %cond3A_102 {
      %dma_start3A = arith.constant 0 : i32
      %dma_start3A_342 = arith.constant 2 : i32
      %dma_start3A_343 = arith.constant 0 : i32
      %dma_start3A_344 = arith.constant 0 : i32
      %dma_start3A_345 = arith.constant 0 : i32
      %dma_start3A_346 = tpu.memref_slice %arg9[%dma_start3A, %dma_start3A_342, %dma_start3A_343, %dma_start3A_344, %dma_start3A_345] : memref<3x4x4x8x128xf32, #tpu.memory_space<vmem>> -> memref<1x1x4x8x128xf32, #tpu.memory_space<vmem>>
      %dma_start3A_347 = tpu.memref_squeeze %dma_start3A_346 : memref<1x1x4x8x128xf32, #tpu.memory_space<vmem>> -> memref<4x8x128xf32, #tpu.memory_space<vmem>>
      %dma_start3A_348 = arith.constant 0 : i32
      %dma_start3A_349 = arith.constant 0 : i32
      %dma_start3A_350 = tpu.memref_slice %arg4[%dma_start3A_348, %dma_start3A_349, %multiple_of3A_88] : memref<4x8x1000000xf32, #tpu.memory_space<hbm>> -> memref<4x8x128xf32, #tpu.memory_space<hbm>>
      %dma_start3A_351 = arith.constant 0 : i32
      %dma_start3A_352 = arith.constant 0 : i32
      %dma_start3A_353 = arith.constant 0 : i32
      %dma_start3A_354 = tpu.memref_slice %arg9[%dma_start3A, %dma_start3A_342, %dma_start3A_351, %dma_start3A_352, %dma_start3A_353] : memref<3x4x4x8x128xf32, #tpu.memory_space<vmem>> -> memref<1x1x4x8x128xf32, #tpu.memory_space<vmem>>
      %dma_start3A_355 = tpu.memref_squeeze %dma_start3A_354 : memref<1x1x4x8x128xf32, #tpu.memory_space<vmem>> -> memref<4x8x128xf32, #tpu.memory_space<vmem>>
      %dma_start3A_356 = arith.constant 0 : i32
      %dma_start3A_357 = arith.constant 0 : i32
      %dma_start3A_358 = tpu.memref_slice %arg4[%dma_start3A_356, %dma_start3A_357, %multiple_of3A_88] : memref<4x8x1000000xf32, #tpu.memory_space<hbm>> -> memref<4x8x128xf32, #tpu.memory_space<hbm>>
      tpu.enqueue_dma source(%dma_start3A_358 : memref<4x8x128xf32, #tpu.memory_space<hbm>>) target(%dma_start3A_355 : memref<4x8x128xf32, #tpu.memory_space<vmem>>) target_semaphore(%arg13 : memref<!tpu.dma_semaphore, #tpu.memory_space<semaphore_mem>>)
    } else {
    }
    %slice3A_103 = vector.extract_strided_slice %get3A_10 {offsets = [2], sizes = [1], strides = [1]} : vector<16xi32> to vector<1xi32>
    %squeeze3A_104 = vector.extract %slice3A_103[0] : i32 from vector<1xi32>
    %and3A_105 = arith.constant 127 : i32
    %and3A_106 = arith.andi %squeeze3A_104, %and3A_105 : i32
    %sub3A_107 = arith.subi %squeeze3A_104, %and3A_106 : i32
    %multiple_of3A_108 = tpu.assume_multiple %sub3A_107, 128 : i32
    %and3A_109 = arith.constant 127 : i32
    %and3A_110 = arith.andi %squeeze3A_104, %and3A_109 : i32
    %shift_right_logical3A_111 = arith.constant 6 : i32
    %shift_right_logical3A_112 = arith.shrui %and3A_110, %shift_right_logical3A_111 : i32
    %eq3A_113 = arith.constant 0 : i32
    %eq3A_114 = arith.cmpi eq, %shift_right_logical3A_112, %eq3A_113 : i32
    %convert_element_type3A_115 = arith.extui %eq3A_114 : i1 to i32
    %cond3A_116 = arith.constant 0 : i32
    %cond3A_117 = arith.cmpi ne, %convert_element_type3A_115, %cond3A_116 : i32
    scf.if %cond3A_117 {
      %dma_start3A = arith.constant 0 : i32
      %dma_start3A_342 = arith.constant 2 : i32
      %dma_start3A_343 = arith.constant 0 : i32
      %dma_start3A_344 = arith.constant 0 : i32
      %dma_start3A_345 = arith.constant 0 : i32
      %dma_start3A_346 = tpu.memref_slice %arg10[%dma_start3A, %dma_start3A_342, %dma_start3A_343, %dma_start3A_344, %dma_start3A_345] : memref<3x4x4x8x128xf32, #tpu.memory_space<vmem>> -> memref<1x1x4x8x64xf32, #tpu.memory_space<vmem>>
      %dma_start3A_347 = tpu.memref_squeeze %dma_start3A_346 : memref<1x1x4x8x64xf32, #tpu.memory_space<vmem>> -> memref<4x8x64xf32, #tpu.memory_space<vmem>>
      %dma_start3A_348 = arith.constant 0 : i32
      %dma_start3A_349 = arith.constant 0 : i32
      %dma_start3A_350 = tpu.memref_slice %arg5[%dma_start3A_348, %dma_start3A_349, %multiple_of3A_108] : memref<4x8x1000000xf32, #tpu.memory_space<hbm>> -> memref<4x8x64xf32, #tpu.memory_space<hbm>>
      %dma_start3A_351 = arith.constant 0 : i32
      %dma_start3A_352 = arith.constant 0 : i32
      %dma_start3A_353 = arith.constant 0 : i32
      %dma_start3A_354 = tpu.memref_slice %arg10[%dma_start3A, %dma_start3A_342, %dma_start3A_351, %dma_start3A_352, %dma_start3A_353] : memref<3x4x4x8x128xf32, #tpu.memory_space<vmem>> -> memref<1x1x4x8x64xf32, #tpu.memory_space<vmem>>
      %dma_start3A_355 = tpu.memref_squeeze %dma_start3A_354 : memref<1x1x4x8x64xf32, #tpu.memory_space<vmem>> -> memref<4x8x64xf32, #tpu.memory_space<vmem>>
      %dma_start3A_356 = arith.constant 0 : i32
      %dma_start3A_357 = arith.constant 0 : i32
      %dma_start3A_358 = tpu.memref_slice %arg5[%dma_start3A_356, %dma_start3A_357, %multiple_of3A_108] : memref<4x8x1000000xf32, #tpu.memory_space<hbm>> -> memref<4x8x64xf32, #tpu.memory_space<hbm>>
      tpu.enqueue_dma source(%dma_start3A_358 : memref<4x8x64xf32, #tpu.memory_space<hbm>>) target(%dma_start3A_355 : memref<4x8x64xf32, #tpu.memory_space<vmem>>) target_semaphore(%arg13 : memref<!tpu.dma_semaphore, #tpu.memory_space<semaphore_mem>>)
    } else {
    }
    %eq3A_118 = arith.constant 1 : i32
    %eq3A_119 = arith.cmpi eq, %shift_right_logical3A_112, %eq3A_118 : i32
    %convert_element_type3A_120 = arith.extui %eq3A_119 : i1 to i32
    %cond3A_121 = arith.constant 0 : i32
    %cond3A_122 = arith.cmpi ne, %convert_element_type3A_120, %cond3A_121 : i32
    scf.if %cond3A_122 {
      %dma_start3A = arith.constant 0 : i32
      %dma_start3A_342 = arith.constant 2 : i32
      %dma_start3A_343 = arith.constant 0 : i32
      %dma_start3A_344 = arith.constant 0 : i32
      %dma_start3A_345 = arith.constant 0 : i32
      %dma_start3A_346 = tpu.memref_slice %arg10[%dma_start3A, %dma_start3A_342, %dma_start3A_343, %dma_start3A_344, %dma_start3A_345] : memref<3x4x4x8x128xf32, #tpu.memory_space<vmem>> -> memref<1x1x4x8x128xf32, #tpu.memory_space<vmem>>
      %dma_start3A_347 = tpu.memref_squeeze %dma_start3A_346 : memref<1x1x4x8x128xf32, #tpu.memory_space<vmem>> -> memref<4x8x128xf32, #tpu.memory_space<vmem>>
      %dma_start3A_348 = arith.constant 0 : i32
      %dma_start3A_349 = arith.constant 0 : i32
      %dma_start3A_350 = tpu.memref_slice %arg5[%dma_start3A_348, %dma_start3A_349, %multiple_of3A_108] : memref<4x8x1000000xf32, #tpu.memory_space<hbm>> -> memref<4x8x128xf32, #tpu.memory_space<hbm>>
      %dma_start3A_351 = arith.constant 0 : i32
      %dma_start3A_352 = arith.constant 0 : i32
      %dma_start3A_353 = arith.constant 0 : i32
      %dma_start3A_354 = tpu.memref_slice %arg10[%dma_start3A, %dma_start3A_342, %dma_start3A_351, %dma_start3A_352, %dma_start3A_353] : memref<3x4x4x8x128xf32, #tpu.memory_space<vmem>> -> memref<1x1x4x8x128xf32, #tpu.memory_space<vmem>>
      %dma_start3A_355 = tpu.memref_squeeze %dma_start3A_354 : memref<1x1x4x8x128xf32, #tpu.memory_space<vmem>> -> memref<4x8x128xf32, #tpu.memory_space<vmem>>
      %dma_start3A_356 = arith.constant 0 : i32
      %dma_start3A_357 = arith.constant 0 : i32
      %dma_start3A_358 = tpu.memref_slice %arg5[%dma_start3A_356, %dma_start3A_357, %multiple_of3A_108] : memref<4x8x1000000xf32, #tpu.memory_space<hbm>> -> memref<4x8x128xf32, #tpu.memory_space<hbm>>
      tpu.enqueue_dma source(%dma_start3A_358 : memref<4x8x128xf32, #tpu.memory_space<hbm>>) target(%dma_start3A_355 : memref<4x8x128xf32, #tpu.memory_space<vmem>>) target_semaphore(%arg13 : memref<!tpu.dma_semaphore, #tpu.memory_space<semaphore_mem>>)
    } else {
    }
    %slice3A_123 = vector.extract_strided_slice %get3A_8 {offsets = [3], sizes = [1], strides = [1]} : vector<16xi32> to vector<1xi32>
    %squeeze3A_124 = vector.extract %slice3A_123[0] : i32 from vector<1xi32>
    %and3A_125 = arith.constant 127 : i32
    %and3A_126 = arith.andi %squeeze3A_124, %and3A_125 : i32
    %sub3A_127 = arith.subi %squeeze3A_124, %and3A_126 : i32
    %multiple_of3A_128 = tpu.assume_multiple %sub3A_127, 128 : i32
    %and3A_129 = arith.constant 127 : i32
    %and3A_130 = arith.andi %squeeze3A_124, %and3A_129 : i32
    %shift_right_logical3A_131 = arith.constant 6 : i32
    %shift_right_logical3A_132 = arith.shrui %and3A_130, %shift_right_logical3A_131 : i32
    %eq3A_133 = arith.constant 0 : i32
    %eq3A_134 = arith.cmpi eq, %shift_right_logical3A_132, %eq3A_133 : i32
    %convert_element_type3A_135 = arith.extui %eq3A_134 : i1 to i32
    %cond3A_136 = arith.constant 0 : i32
    %cond3A_137 = arith.cmpi ne, %convert_element_type3A_135, %cond3A_136 : i32
    scf.if %cond3A_137 {
      %dma_start3A = arith.constant 0 : i32
      %dma_start3A_342 = arith.constant 3 : i32
      %dma_start3A_343 = arith.constant 0 : i32
      %dma_start3A_344 = arith.constant 0 : i32
      %dma_start3A_345 = arith.constant 0 : i32
      %dma_start3A_346 = tpu.memref_slice %arg9[%dma_start3A, %dma_start3A_342, %dma_start3A_343, %dma_start3A_344, %dma_start3A_345] : memref<3x4x4x8x128xf32, #tpu.memory_space<vmem>> -> memref<1x1x4x8x64xf32, #tpu.memory_space<vmem>>
      %dma_start3A_347 = tpu.memref_squeeze %dma_start3A_346 : memref<1x1x4x8x64xf32, #tpu.memory_space<vmem>> -> memref<4x8x64xf32, #tpu.memory_space<vmem>>
      %dma_start3A_348 = arith.constant 0 : i32
      %dma_start3A_349 = arith.constant 0 : i32
      %dma_start3A_350 = tpu.memref_slice %arg4[%dma_start3A_348, %dma_start3A_349, %multiple_of3A_128] : memref<4x8x1000000xf32, #tpu.memory_space<hbm>> -> memref<4x8x64xf32, #tpu.memory_space<hbm>>
      %dma_start3A_351 = arith.constant 0 : i32
      %dma_start3A_352 = arith.constant 0 : i32
      %dma_start3A_353 = arith.constant 0 : i32
      %dma_start3A_354 = tpu.memref_slice %arg9[%dma_start3A, %dma_start3A_342, %dma_start3A_351, %dma_start3A_352, %dma_start3A_353] : memref<3x4x4x8x128xf32, #tpu.memory_space<vmem>> -> memref<1x1x4x8x64xf32, #tpu.memory_space<vmem>>
      %dma_start3A_355 = tpu.memref_squeeze %dma_start3A_354 : memref<1x1x4x8x64xf32, #tpu.memory_space<vmem>> -> memref<4x8x64xf32, #tpu.memory_space<vmem>>
      %dma_start3A_356 = arith.constant 0 : i32
      %dma_start3A_357 = arith.constant 0 : i32
      %dma_start3A_358 = tpu.memref_slice %arg4[%dma_start3A_356, %dma_start3A_357, %multiple_of3A_128] : memref<4x8x1000000xf32, #tpu.memory_space<hbm>> -> memref<4x8x64xf32, #tpu.memory_space<hbm>>
      tpu.enqueue_dma source(%dma_start3A_358 : memref<4x8x64xf32, #tpu.memory_space<hbm>>) target(%dma_start3A_355 : memref<4x8x64xf32, #tpu.memory_space<vmem>>) target_semaphore(%arg13 : memref<!tpu.dma_semaphore, #tpu.memory_space<semaphore_mem>>)
    } else {
    }
    %eq3A_138 = arith.constant 1 : i32
    %eq3A_139 = arith.cmpi eq, %shift_right_logical3A_132, %eq3A_138 : i32
    %convert_element_type3A_140 = arith.extui %eq3A_139 : i1 to i32
    %cond3A_141 = arith.constant 0 : i32
    %cond3A_142 = arith.cmpi ne, %convert_element_type3A_140, %cond3A_141 : i32
    scf.if %cond3A_142 {
      %dma_start3A = arith.constant 0 : i32
      %dma_start3A_342 = arith.constant 3 : i32
      %dma_start3A_343 = arith.constant 0 : i32
      %dma_start3A_344 = arith.constant 0 : i32
      %dma_start3A_345 = arith.constant 0 : i32
      %dma_start3A_346 = tpu.memref_slice %arg9[%dma_start3A, %dma_start3A_342, %dma_start3A_343, %dma_start3A_344, %dma_start3A_345] : memref<3x4x4x8x128xf32, #tpu.memory_space<vmem>> -> memref<1x1x4x8x128xf32, #tpu.memory_space<vmem>>
      %dma_start3A_347 = tpu.memref_squeeze %dma_start3A_346 : memref<1x1x4x8x128xf32, #tpu.memory_space<vmem>> -> memref<4x8x128xf32, #tpu.memory_space<vmem>>
      %dma_start3A_348 = arith.constant 0 : i32
      %dma_start3A_349 = arith.constant 0 : i32
      %dma_start3A_350 = tpu.memref_slice %arg4[%dma_start3A_348, %dma_start3A_349, %multiple_of3A_128] : memref<4x8x1000000xf32, #tpu.memory_space<hbm>> -> memref<4x8x128xf32, #tpu.memory_space<hbm>>
      %dma_start3A_351 = arith.constant 0 : i32
      %dma_start3A_352 = arith.constant 0 : i32
      %dma_start3A_353 = arith.constant 0 : i32
      %dma_start3A_354 = tpu.memref_slice %arg9[%dma_start3A, %dma_start3A_342, %dma_start3A_351, %dma_start3A_352, %dma_start3A_353] : memref<3x4x4x8x128xf32, #tpu.memory_space<vmem>> -> memref<1x1x4x8x128xf32, #tpu.memory_space<vmem>>
      %dma_start3A_355 = tpu.memref_squeeze %dma_start3A_354 : memref<1x1x4x8x128xf32, #tpu.memory_space<vmem>> -> memref<4x8x128xf32, #tpu.memory_space<vmem>>
      %dma_start3A_356 = arith.constant 0 : i32
      %dma_start3A_357 = arith.constant 0 : i32
      %dma_start3A_358 = tpu.memref_slice %arg4[%dma_start3A_356, %dma_start3A_357, %multiple_of3A_128] : memref<4x8x1000000xf32, #tpu.memory_space<hbm>> -> memref<4x8x128xf32, #tpu.memory_space<hbm>>
      tpu.enqueue_dma source(%dma_start3A_358 : memref<4x8x128xf32, #tpu.memory_space<hbm>>) target(%dma_start3A_355 : memref<4x8x128xf32, #tpu.memory_space<vmem>>) target_semaphore(%arg13 : memref<!tpu.dma_semaphore, #tpu.memory_space<semaphore_mem>>)
    } else {
    }
    %slice3A_143 = vector.extract_strided_slice %get3A_10 {offsets = [3], sizes = [1], strides = [1]} : vector<16xi32> to vector<1xi32>
    %squeeze3A_144 = vector.extract %slice3A_143[0] : i32 from vector<1xi32>
    %and3A_145 = arith.constant 127 : i32
    %and3A_146 = arith.andi %squeeze3A_144, %and3A_145 : i32
    %sub3A_147 = arith.subi %squeeze3A_144, %and3A_146 : i32
    %multiple_of3A_148 = tpu.assume_multiple %sub3A_147, 128 : i32
    %and3A_149 = arith.constant 127 : i32
    %and3A_150 = arith.andi %squeeze3A_144, %and3A_149 : i32
    %shift_right_logical3A_151 = arith.constant 6 : i32
    %shift_right_logical3A_152 = arith.shrui %and3A_150, %shift_right_logical3A_151 : i32
    %eq3A_153 = arith.constant 0 : i32
    %eq3A_154 = arith.cmpi eq, %shift_right_logical3A_152, %eq3A_153 : i32
    %convert_element_type3A_155 = arith.extui %eq3A_154 : i1 to i32
    %cond3A_156 = arith.constant 0 : i32
    %cond3A_157 = arith.cmpi ne, %convert_element_type3A_155, %cond3A_156 : i32
    scf.if %cond3A_157 {
      %dma_start3A = arith.constant 0 : i32
      %dma_start3A_342 = arith.constant 3 : i32
      %dma_start3A_343 = arith.constant 0 : i32
      %dma_start3A_344 = arith.constant 0 : i32
      %dma_start3A_345 = arith.constant 0 : i32
      %dma_start3A_346 = tpu.memref_slice %arg10[%dma_start3A, %dma_start3A_342, %dma_start3A_343, %dma_start3A_344, %dma_start3A_345] : memref<3x4x4x8x128xf32, #tpu.memory_space<vmem>> -> memref<1x1x4x8x64xf32, #tpu.memory_space<vmem>>
      %dma_start3A_347 = tpu.memref_squeeze %dma_start3A_346 : memref<1x1x4x8x64xf32, #tpu.memory_space<vmem>> -> memref<4x8x64xf32, #tpu.memory_space<vmem>>
      %dma_start3A_348 = arith.constant 0 : i32
      %dma_start3A_349 = arith.constant 0 : i32
      %dma_start3A_350 = tpu.memref_slice %arg5[%dma_start3A_348, %dma_start3A_349, %multiple_of3A_148] : memref<4x8x1000000xf32, #tpu.memory_space<hbm>> -> memref<4x8x64xf32, #tpu.memory_space<hbm>>
      %dma_start3A_351 = arith.constant 0 : i32
      %dma_start3A_352 = arith.constant 0 : i32
      %dma_start3A_353 = arith.constant 0 : i32
      %dma_start3A_354 = tpu.memref_slice %arg10[%dma_start3A, %dma_start3A_342, %dma_start3A_351, %dma_start3A_352, %dma_start3A_353] : memref<3x4x4x8x128xf32, #tpu.memory_space<vmem>> -> memref<1x1x4x8x64xf32, #tpu.memory_space<vmem>>
      %dma_start3A_355 = tpu.memref_squeeze %dma_start3A_354 : memref<1x1x4x8x64xf32, #tpu.memory_space<vmem>> -> memref<4x8x64xf32, #tpu.memory_space<vmem>>
      %dma_start3A_356 = arith.constant 0 : i32
      %dma_start3A_357 = arith.constant 0 : i32
      %dma_start3A_358 = tpu.memref_slice %arg5[%dma_start3A_356, %dma_start3A_357, %multiple_of3A_148] : memref<4x8x1000000xf32, #tpu.memory_space<hbm>> -> memref<4x8x64xf32, #tpu.memory_space<hbm>>
      tpu.enqueue_dma source(%dma_start3A_358 : memref<4x8x64xf32, #tpu.memory_space<hbm>>) target(%dma_start3A_355 : memref<4x8x64xf32, #tpu.memory_space<vmem>>) target_semaphore(%arg13 : memref<!tpu.dma_semaphore, #tpu.memory_space<semaphore_mem>>)
    } else {
    }
    %eq3A_158 = arith.constant 1 : i32
    %eq3A_159 = arith.cmpi eq, %shift_right_logical3A_152, %eq3A_158 : i32
    %convert_element_type3A_160 = arith.extui %eq3A_159 : i1 to i32
    %cond3A_161 = arith.constant 0 : i32
    %cond3A_162 = arith.cmpi ne, %convert_element_type3A_160, %cond3A_161 : i32
    scf.if %cond3A_162 {
      %dma_start3A = arith.constant 0 : i32
      %dma_start3A_342 = arith.constant 3 : i32
      %dma_start3A_343 = arith.constant 0 : i32
      %dma_start3A_344 = arith.constant 0 : i32
      %dma_start3A_345 = arith.constant 0 : i32
      %dma_start3A_346 = tpu.memref_slice %arg10[%dma_start3A, %dma_start3A_342, %dma_start3A_343, %dma_start3A_344, %dma_start3A_345] : memref<3x4x4x8x128xf32, #tpu.memory_space<vmem>> -> memref<1x1x4x8x128xf32, #tpu.memory_space<vmem>>
      %dma_start3A_347 = tpu.memref_squeeze %dma_start3A_346 : memref<1x1x4x8x128xf32, #tpu.memory_space<vmem>> -> memref<4x8x128xf32, #tpu.memory_space<vmem>>
      %dma_start3A_348 = arith.constant 0 : i32
      %dma_start3A_349 = arith.constant 0 : i32
      %dma_start3A_350 = tpu.memref_slice %arg5[%dma_start3A_348, %dma_start3A_349, %multiple_of3A_148] : memref<4x8x1000000xf32, #tpu.memory_space<hbm>> -> memref<4x8x128xf32, #tpu.memory_space<hbm>>
      %dma_start3A_351 = arith.constant 0 : i32
      %dma_start3A_352 = arith.constant 0 : i32
      %dma_start3A_353 = arith.constant 0 : i32
      %dma_start3A_354 = tpu.memref_slice %arg10[%dma_start3A, %dma_start3A_342, %dma_start3A_351, %dma_start3A_352, %dma_start3A_353] : memref<3x4x4x8x128xf32, #tpu.memory_space<vmem>> -> memref<1x1x4x8x128xf32, #tpu.memory_space<vmem>>
      %dma_start3A_355 = tpu.memref_squeeze %dma_start3A_354 : memref<1x1x4x8x128xf32, #tpu.memory_space<vmem>> -> memref<4x8x128xf32, #tpu.memory_space<vmem>>
      %dma_start3A_356 = arith.constant 0 : i32
      %dma_start3A_357 = arith.constant 0 : i32
      %dma_start3A_358 = tpu.memref_slice %arg5[%dma_start3A_356, %dma_start3A_357, %multiple_of3A_148] : memref<4x8x1000000xf32, #tpu.memory_space<hbm>> -> memref<4x8x128xf32, #tpu.memory_space<hbm>>
      tpu.enqueue_dma source(%dma_start3A_358 : memref<4x8x128xf32, #tpu.memory_space<hbm>>) target(%dma_start3A_355 : memref<4x8x128xf32, #tpu.memory_space<vmem>>) target_semaphore(%arg13 : memref<!tpu.dma_semaphore, #tpu.memory_space<semaphore_mem>>)
    } else {
    }
    %multiple_of3A_163 = arith.constant 8 : i32
    %multiple_of3A_164 = tpu.assume_multiple %multiple_of3A_163, 8 : i32
    %get3A_165 = arith.index_cast %multiple_of3A_164 : i32 to index
    %get3A_166 = tpu.vector_load %arg7[%get3A_165] {strides = array<i32>} : memref<1032xi32, #tpu.memory_space<vmem>>, vector<16xi32>,
    %get3A_167 = arith.index_cast %multiple_of3A_164 : i32 to index
    %get3A_168 = tpu.vector_load %arg8[%get3A_167] {strides = array<i32>} : memref<1032xi32, #tpu.memory_space<vmem>>, vector<16xi32>,
    %slice3A_169 = vector.extract_strided_slice %get3A_166 {offsets = [0], sizes = [1], strides = [1]} : vector<16xi32> to vector<1xi32>
    %squeeze3A_170 = vector.extract %slice3A_169[0] : i32 from vector<1xi32>
    %and3A_171 = arith.constant 127 : i32
    %and3A_172 = arith.andi %squeeze3A_170, %and3A_171 : i32
    %sub3A_173 = arith.subi %squeeze3A_170, %and3A_172 : i32
    %multiple_of3A_174 = tpu.assume_multiple %sub3A_173, 128 : i32
    %and3A_175 = arith.constant 127 : i32
    %and3A_176 = arith.andi %squeeze3A_170, %and3A_175 : i32
    %shift_right_logical3A_177 = arith.constant 6 : i32
    %shift_right_logical3A_178 = arith.shrui %and3A_176, %shift_right_logical3A_177 : i32
    %eq3A_179 = arith.constant 0 : i32
    %eq3A_180 = arith.cmpi eq, %shift_right_logical3A_178, %eq3A_179 : i32
    %convert_element_type3A_181 = arith.extui %eq3A_180 : i1 to i32
    %cond3A_182 = arith.constant 0 : i32
    %cond3A_183 = arith.cmpi ne, %convert_element_type3A_181, %cond3A_182 : i32
    scf.if %cond3A_183 {
      %dma_start3A = arith.constant 1 : i32
      %dma_start3A_342 = arith.constant 0 : i32
      %dma_start3A_343 = arith.constant 0 : i32
      %dma_start3A_344 = arith.constant 0 : i32
      %dma_start3A_345 = arith.constant 0 : i32
      %dma_start3A_346 = tpu.memref_slice %arg9[%dma_start3A, %dma_start3A_342, %dma_start3A_343, %dma_start3A_344, %dma_start3A_345] : memref<3x4x4x8x128xf32, #tpu.memory_space<vmem>> -> memref<1x1x4x8x64xf32, #tpu.memory_space<vmem>>
      %dma_start3A_347 = tpu.memref_squeeze %dma_start3A_346 : memref<1x1x4x8x64xf32, #tpu.memory_space<vmem>> -> memref<4x8x64xf32, #tpu.memory_space<vmem>>
      %dma_start3A_348 = arith.constant 0 : i32
      %dma_start3A_349 = arith.constant 0 : i32
      %dma_start3A_350 = tpu.memref_slice %arg4[%dma_start3A_348, %dma_start3A_349, %multiple_of3A_174] : memref<4x8x1000000xf32, #tpu.memory_space<hbm>> -> memref<4x8x64xf32, #tpu.memory_space<hbm>>
      %dma_start3A_351 = arith.constant 0 : i32
      %dma_start3A_352 = arith.constant 0 : i32
      %dma_start3A_353 = arith.constant 0 : i32
      %dma_start3A_354 = tpu.memref_slice %arg9[%dma_start3A, %dma_start3A_342, %dma_start3A_351, %dma_start3A_352, %dma_start3A_353] : memref<3x4x4x8x128xf32, #tpu.memory_space<vmem>> -> memref<1x1x4x8x64xf32, #tpu.memory_space<vmem>>
      %dma_start3A_355 = tpu.memref_squeeze %dma_start3A_354 : memref<1x1x4x8x64xf32, #tpu.memory_space<vmem>> -> memref<4x8x64xf32, #tpu.memory_space<vmem>>
      %dma_start3A_356 = arith.constant 0 : i32
      %dma_start3A_357 = arith.constant 0 : i32
      %dma_start3A_358 = tpu.memref_slice %arg4[%dma_start3A_356, %dma_start3A_357, %multiple_of3A_174] : memref<4x8x1000000xf32, #tpu.memory_space<hbm>> -> memref<4x8x64xf32, #tpu.memory_space<hbm>>
      tpu.enqueue_dma source(%dma_start3A_358 : memref<4x8x64xf32, #tpu.memory_space<hbm>>) target(%dma_start3A_355 : memref<4x8x64xf32, #tpu.memory_space<vmem>>) target_semaphore(%arg13 : memref<!tpu.dma_semaphore, #tpu.memory_space<semaphore_mem>>)
    } else {
    }
    %eq3A_184 = arith.constant 1 : i32
    %eq3A_185 = arith.cmpi eq, %shift_right_logical3A_178, %eq3A_184 : i32
    %convert_element_type3A_186 = arith.extui %eq3A_185 : i1 to i32
    %cond3A_187 = arith.constant 0 : i32
    %cond3A_188 = arith.cmpi ne, %convert_element_type3A_186, %cond3A_187 : i32
    scf.if %cond3A_188 {
      %dma_start3A = arith.constant 1 : i32
      %dma_start3A_342 = arith.constant 0 : i32
      %dma_start3A_343 = arith.constant 0 : i32
      %dma_start3A_344 = arith.constant 0 : i32
      %dma_start3A_345 = arith.constant 0 : i32
      %dma_start3A_346 = tpu.memref_slice %arg9[%dma_start3A, %dma_start3A_342, %dma_start3A_343, %dma_start3A_344, %dma_start3A_345] : memref<3x4x4x8x128xf32, #tpu.memory_space<vmem>> -> memref<1x1x4x8x128xf32, #tpu.memory_space<vmem>>
      %dma_start3A_347 = tpu.memref_squeeze %dma_start3A_346 : memref<1x1x4x8x128xf32, #tpu.memory_space<vmem>> -> memref<4x8x128xf32, #tpu.memory_space<vmem>>
      %dma_start3A_348 = arith.constant 0 : i32
      %dma_start3A_349 = arith.constant 0 : i32
      %dma_start3A_350 = tpu.memref_slice %arg4[%dma_start3A_348, %dma_start3A_349, %multiple_of3A_174] : memref<4x8x1000000xf32, #tpu.memory_space<hbm>> -> memref<4x8x128xf32, #tpu.memory_space<hbm>>
      %dma_start3A_351 = arith.constant 0 : i32
      %dma_start3A_352 = arith.constant 0 : i32
      %dma_start3A_353 = arith.constant 0 : i32
      %dma_start3A_354 = tpu.memref_slice %arg9[%dma_start3A, %dma_start3A_342, %dma_start3A_351, %dma_start3A_352, %dma_start3A_353] : memref<3x4x4x8x128xf32, #tpu.memory_space<vmem>> -> memref<1x1x4x8x128xf32, #tpu.memory_space<vmem>>
      %dma_start3A_355 = tpu.memref_squeeze %dma_start3A_354 : memref<1x1x4x8x128xf32, #tpu.memory_space<vmem>> -> memref<4x8x128xf32, #tpu.memory_space<vmem>>
      %dma_start3A_356 = arith.constant 0 : i32
      %dma_start3A_357 = arith.constant 0 : i32
      %dma_start3A_358 = tpu.memref_slice %arg4[%dma_start3A_356, %dma_start3A_357, %multiple_of3A_174] : memref<4x8x1000000xf32, #tpu.memory_space<hbm>> -> memref<4x8x128xf32, #tpu.memory_space<hbm>>
      tpu.enqueue_dma source(%dma_start3A_358 : memref<4x8x128xf32, #tpu.memory_space<hbm>>) target(%dma_start3A_355 : memref<4x8x128xf32, #tpu.memory_space<vmem>>) target_semaphore(%arg13 : memref<!tpu.dma_semaphore, #tpu.memory_space<semaphore_mem>>)
    } else {
    }
    %slice3A_189 = vector.extract_strided_slice %get3A_168 {offsets = [0], sizes = [1], strides = [1]} : vector<16xi32> to vector<1xi32>
    %squeeze3A_190 = vector.extract %slice3A_189[0] : i32 from vector<1xi32>
    %and3A_191 = arith.constant 127 : i32
    %and3A_192 = arith.andi %squeeze3A_190, %and3A_191 : i32
    %sub3A_193 = arith.subi %squeeze3A_190, %and3A_192 : i32
    %multiple_of3A_194 = tpu.assume_multiple %sub3A_193, 128 : i32
    %and3A_195 = arith.constant 127 : i32
    %and3A_196 = arith.andi %squeeze3A_190, %and3A_195 : i32
    %shift_right_logical3A_197 = arith.constant 6 : i32
    %shift_right_logical3A_198 = arith.shrui %and3A_196, %shift_right_logical3A_197 : i32
    %eq3A_199 = arith.constant 0 : i32
    %eq3A_200 = arith.cmpi eq, %shift_right_logical3A_198, %eq3A_199 : i32
    %convert_element_type3A_201 = arith.extui %eq3A_200 : i1 to i32
    %cond3A_202 = arith.constant 0 : i32
    %cond3A_203 = arith.cmpi ne, %convert_element_type3A_201, %cond3A_202 : i32
    scf.if %cond3A_203 {
      %dma_start3A = arith.constant 1 : i32
      %dma_start3A_342 = arith.constant 0 : i32
      %dma_start3A_343 = arith.constant 0 : i32
      %dma_start3A_344 = arith.constant 0 : i32
      %dma_start3A_345 = arith.constant 0 : i32
      %dma_start3A_346 = tpu.memref_slice %arg10[%dma_start3A, %dma_start3A_342, %dma_start3A_343, %dma_start3A_344, %dma_start3A_345] : memref<3x4x4x8x128xf32, #tpu.memory_space<vmem>> -> memref<1x1x4x8x64xf32, #tpu.memory_space<vmem>>
      %dma_start3A_347 = tpu.memref_squeeze %dma_start3A_346 : memref<1x1x4x8x64xf32, #tpu.memory_space<vmem>> -> memref<4x8x64xf32, #tpu.memory_space<vmem>>
      %dma_start3A_348 = arith.constant 0 : i32
      %dma_start3A_349 = arith.constant 0 : i32
      %dma_start3A_350 = tpu.memref_slice %arg5[%dma_start3A_348, %dma_start3A_349, %multiple_of3A_194] : memref<4x8x1000000xf32, #tpu.memory_space<hbm>> -> memref<4x8x64xf32, #tpu.memory_space<hbm>>
      %dma_start3A_351 = arith.constant 0 : i32
      %dma_start3A_352 = arith.constant 0 : i32
      %dma_start3A_353 = arith.constant 0 : i32
      %dma_start3A_354 = tpu.memref_slice %arg10[%dma_start3A, %dma_start3A_342, %dma_start3A_351, %dma_start3A_352, %dma_start3A_353] : memref<3x4x4x8x128xf32, #tpu.memory_space<vmem>> -> memref<1x1x4x8x64xf32, #tpu.memory_space<vmem>>
      %dma_start3A_355 = tpu.memref_squeeze %dma_start3A_354 : memref<1x1x4x8x64xf32, #tpu.memory_space<vmem>> -> memref<4x8x64xf32, #tpu.memory_space<vmem>>
      %dma_start3A_356 = arith.constant 0 : i32
      %dma_start3A_357 = arith.constant 0 : i32
      %dma_start3A_358 = tpu.memref_slice %arg5[%dma_start3A_356, %dma_start3A_357, %multiple_of3A_194] : memref<4x8x1000000xf32, #tpu.memory_space<hbm>> -> memref<4x8x64xf32, #tpu.memory_space<hbm>>
      tpu.enqueue_dma source(%dma_start3A_358 : memref<4x8x64xf32, #tpu.memory_space<hbm>>) target(%dma_start3A_355 : memref<4x8x64xf32, #tpu.memory_space<vmem>>) target_semaphore(%arg13 : memref<!tpu.dma_semaphore, #tpu.memory_space<semaphore_mem>>)
    } else {
    }
    %eq3A_204 = arith.constant 1 : i32
    %eq3A_205 = arith.cmpi eq, %shift_right_logical3A_198, %eq3A_204 : i32
    %convert_element_type3A_206 = arith.extui %eq3A_205 : i1 to i32
    %cond3A_207 = arith.constant 0 : i32
    %cond3A_208 = arith.cmpi ne, %convert_element_type3A_206, %cond3A_207 : i32
    scf.if %cond3A_208 {
      %dma_start3A = arith.constant 1 : i32
      %dma_start3A_342 = arith.constant 0 : i32
      %dma_start3A_343 = arith.constant 0 : i32
      %dma_start3A_344 = arith.constant 0 : i32
      %dma_start3A_345 = arith.constant 0 : i32
      %dma_start3A_346 = tpu.memref_slice %arg10[%dma_start3A, %dma_start3A_342, %dma_start3A_343, %dma_start3A_344, %dma_start3A_345] : memref<3x4x4x8x128xf32, #tpu.memory_space<vmem>> -> memref<1x1x4x8x128xf32, #tpu.memory_space<vmem>>
      %dma_start3A_347 = tpu.memref_squeeze %dma_start3A_346 : memref<1x1x4x8x128xf32, #tpu.memory_space<vmem>> -> memref<4x8x128xf32, #tpu.memory_space<vmem>>
      %dma_start3A_348 = arith.constant 0 : i32
      %dma_start3A_349 = arith.constant 0 : i32
      %dma_start3A_350 = tpu.memref_slice %arg5[%dma_start3A_348, %dma_start3A_349, %multiple_of3A_194] : memref<4x8x1000000xf32, #tpu.memory_space<hbm>> -> memref<4x8x128xf32, #tpu.memory_space<hbm>>
      %dma_start3A_351 = arith.constant 0 : i32
      %dma_start3A_352 = arith.constant 0 : i32
      %dma_start3A_353 = arith.constant 0 : i32
      %dma_start3A_354 = tpu.memref_slice %arg10[%dma_start3A, %dma_start3A_342, %dma_start3A_351, %dma_start3A_352, %dma_start3A_353] : memref<3x4x4x8x128xf32, #tpu.memory_space<vmem>> -> memref<1x1x4x8x128xf32, #tpu.memory_space<vmem>>
      %dma_start3A_355 = tpu.memref_squeeze %dma_start3A_354 : memref<1x1x4x8x128xf32, #tpu.memory_space<vmem>> -> memref<4x8x128xf32, #tpu.memory_space<vmem>>
      %dma_start3A_356 = arith.constant 0 : i32
      %dma_start3A_357 = arith.constant 0 : i32
      %dma_start3A_358 = tpu.memref_slice %arg5[%dma_start3A_356, %dma_start3A_357, %multiple_of3A_194] : memref<4x8x1000000xf32, #tpu.memory_space<hbm>> -> memref<4x8x128xf32, #tpu.memory_space<hbm>>
      tpu.enqueue_dma source(%dma_start3A_358 : memref<4x8x128xf32, #tpu.memory_space<hbm>>) target(%dma_start3A_355 : memref<4x8x128xf32, #tpu.memory_space<vmem>>) target_semaphore(%arg13 : memref<!tpu.dma_semaphore, #tpu.memory_space<semaphore_mem>>)
    } else {
    }
    %slice3A_209 = vector.extract_strided_slice %get3A_166 {offsets = [1], sizes = [1], strides = [1]} : vector<16xi32> to vector<1xi32>
    %squeeze3A_210 = vector.extract %slice3A_209[0] : i32 from vector<1xi32>
    %and3A_211 = arith.constant 127 : i32
    %and3A_212 = arith.andi %squeeze3A_210, %and3A_211 : i32
    %sub3A_213 = arith.subi %squeeze3A_210, %and3A_212 : i32
    %multiple_of3A_214 = tpu.assume_multiple %sub3A_213, 128 : i32
    %and3A_215 = arith.constant 127 : i32
    %and3A_216 = arith.andi %squeeze3A_210, %and3A_215 : i32
    %shift_right_logical3A_217 = arith.constant 6 : i32
    %shift_right_logical3A_218 = arith.shrui %and3A_216, %shift_right_logical3A_217 : i32
    %eq3A_219 = arith.constant 0 : i32
    %eq3A_220 = arith.cmpi eq, %shift_right_logical3A_218, %eq3A_219 : i32
    %convert_element_type3A_221 = arith.extui %eq3A_220 : i1 to i32
    %cond3A_222 = arith.constant 0 : i32
    %cond3A_223 = arith.cmpi ne, %convert_element_type3A_221, %cond3A_222 : i32
    scf.if %cond3A_223 {
      %dma_start3A = arith.constant 1 : i32
      %dma_start3A_342 = arith.constant 1 : i32
      %dma_start3A_343 = arith.constant 0 : i32
      %dma_start3A_344 = arith.constant 0 : i32
      %dma_start3A_345 = arith.constant 0 : i32
      %dma_start3A_346 = tpu.memref_slice %arg9[%dma_start3A, %dma_start3A_342, %dma_start3A_343, %dma_start3A_344, %dma_start3A_345] : memref<3x4x4x8x128xf32, #tpu.memory_space<vmem>> -> memref<1x1x4x8x64xf32, #tpu.memory_space<vmem>>
      %dma_start3A_347 = tpu.memref_squeeze %dma_start3A_346 : memref<1x1x4x8x64xf32, #tpu.memory_space<vmem>> -> memref<4x8x64xf32, #tpu.memory_space<vmem>>
      %dma_start3A_348 = arith.constant 0 : i32
      %dma_start3A_349 = arith.constant 0 : i32
      %dma_start3A_350 = tpu.memref_slice %arg4[%dma_start3A_348, %dma_start3A_349, %multiple_of3A_214] : memref<4x8x1000000xf32, #tpu.memory_space<hbm>> -> memref<4x8x64xf32, #tpu.memory_space<hbm>>
      %dma_start3A_351 = arith.constant 0 : i32
      %dma_start3A_352 = arith.constant 0 : i32
      %dma_start3A_353 = arith.constant 0 : i32
      %dma_start3A_354 = tpu.memref_slice %arg9[%dma_start3A, %dma_start3A_342, %dma_start3A_351, %dma_start3A_352, %dma_start3A_353] : memref<3x4x4x8x128xf32, #tpu.memory_space<vmem>> -> memref<1x1x4x8x64xf32, #tpu.memory_space<vmem>>
      %dma_start3A_355 = tpu.memref_squeeze %dma_start3A_354 : memref<1x1x4x8x64xf32, #tpu.memory_space<vmem>> -> memref<4x8x64xf32, #tpu.memory_space<vmem>>
      %dma_start3A_356 = arith.constant 0 : i32
      %dma_start3A_357 = arith.constant 0 : i32
      %dma_start3A_358 = tpu.memref_slice %arg4[%dma_start3A_356, %dma_start3A_357, %multiple_of3A_214] : memref<4x8x1000000xf32, #tpu.memory_space<hbm>> -> memref<4x8x64xf32, #tpu.memory_space<hbm>>
      tpu.enqueue_dma source(%dma_start3A_358 : memref<4x8x64xf32, #tpu.memory_space<hbm>>) target(%dma_start3A_355 : memref<4x8x64xf32, #tpu.memory_space<vmem>>) target_semaphore(%arg13 : memref<!tpu.dma_semaphore, #tpu.memory_space<semaphore_mem>>)
    } else {
    }
    %eq3A_224 = arith.constant 1 : i32
    %eq3A_225 = arith.cmpi eq, %shift_right_logical3A_218, %eq3A_224 : i32
    %convert_element_type3A_226 = arith.extui %eq3A_225 : i1 to i32
    %cond3A_227 = arith.constant 0 : i32
    %cond3A_228 = arith.cmpi ne, %convert_element_type3A_226, %cond3A_227 : i32
    scf.if %cond3A_228 {
      %dma_start3A = arith.constant 1 : i32
      %dma_start3A_342 = arith.constant 1 : i32
      %dma_start3A_343 = arith.constant 0 : i32
      %dma_start3A_344 = arith.constant 0 : i32
      %dma_start3A_345 = arith.constant 0 : i32
      %dma_start3A_346 = tpu.memref_slice %arg9[%dma_start3A, %dma_start3A_342, %dma_start3A_343, %dma_start3A_344, %dma_start3A_345] : memref<3x4x4x8x128xf32, #tpu.memory_space<vmem>> -> memref<1x1x4x8x128xf32, #tpu.memory_space<vmem>>
      %dma_start3A_347 = tpu.memref_squeeze %dma_start3A_346 : memref<1x1x4x8x128xf32, #tpu.memory_space<vmem>> -> memref<4x8x128xf32, #tpu.memory_space<vmem>>
      %dma_start3A_348 = arith.constant 0 : i32
      %dma_start3A_349 = arith.constant 0 : i32
      %dma_start3A_350 = tpu.memref_slice %arg4[%dma_start3A_348, %dma_start3A_349, %multiple_of3A_214] : memref<4x8x1000000xf32, #tpu.memory_space<hbm>> -> memref<4x8x128xf32, #tpu.memory_space<hbm>>
      %dma_start3A_351 = arith.constant 0 : i32
      %dma_start3A_352 = arith.constant 0 : i32
      %dma_start3A_353 = arith.constant 0 : i32
      %dma_start3A_354 = tpu.memref_slice %arg9[%dma_start3A, %dma_start3A_342, %dma_start3A_351, %dma_start3A_352, %dma_start3A_353] : memref<3x4x4x8x128xf32, #tpu.memory_space<vmem>> -> memref<1x1x4x8x128xf32, #tpu.memory_space<vmem>>
      %dma_start3A_355 = tpu.memref_squeeze %dma_start3A_354 : memref<1x1x4x8x128xf32, #tpu.memory_space<vmem>> -> memref<4x8x128xf32, #tpu.memory_space<vmem>>
      %dma_start3A_356 = arith.constant 0 : i32
      %dma_start3A_357 = arith.constant 0 : i32
      %dma_start3A_358 = tpu.memref_slice %arg4[%dma_start3A_356, %dma_start3A_357, %multiple_of3A_214] : memref<4x8x1000000xf32, #tpu.memory_space<hbm>> -> memref<4x8x128xf32, #tpu.memory_space<hbm>>
      tpu.enqueue_dma source(%dma_start3A_358 : memref<4x8x128xf32, #tpu.memory_space<hbm>>) target(%dma_start3A_355 : memref<4x8x128xf32, #tpu.memory_space<vmem>>) target_semaphore(%arg13 : memref<!tpu.dma_semaphore, #tpu.memory_space<semaphore_mem>>)
    } else {
    }
    %slice3A_229 = vector.extract_strided_slice %get3A_168 {offsets = [1], sizes = [1], strides = [1]} : vector<16xi32> to vector<1xi32>
    %squeeze3A_230 = vector.extract %slice3A_229[0] : i32 from vector<1xi32>
    %and3A_231 = arith.constant 127 : i32
    %and3A_232 = arith.andi %squeeze3A_230, %and3A_231 : i32
    %sub3A_233 = arith.subi %squeeze3A_230, %and3A_232 : i32
    %multiple_of3A_234 = tpu.assume_multiple %sub3A_233, 128 : i32
    %and3A_235 = arith.constant 127 : i32
    %and3A_236 = arith.andi %squeeze3A_230, %and3A_235 : i32
    %shift_right_logical3A_237 = arith.constant 6 : i32
    %shift_right_logical3A_238 = arith.shrui %and3A_236, %shift_right_logical3A_237 : i32
    %eq3A_239 = arith.constant 0 : i32
    %eq3A_240 = arith.cmpi eq, %shift_right_logical3A_238, %eq3A_239 : i32
    %convert_element_type3A_241 = arith.extui %eq3A_240 : i1 to i32
    %cond3A_242 = arith.constant 0 : i32
    %cond3A_243 = arith.cmpi ne, %convert_element_type3A_241, %cond3A_242 : i32
    scf.if %cond3A_243 {
      %dma_start3A = arith.constant 1 : i32
      %dma_start3A_342 = arith.constant 1 : i32
      %dma_start3A_343 = arith.constant 0 : i32
      %dma_start3A_344 = arith.constant 0 : i32
      %dma_start3A_345 = arith.constant 0 : i32
      %dma_start3A_346 = tpu.memref_slice %arg10[%dma_start3A, %dma_start3A_342, %dma_start3A_343, %dma_start3A_344, %dma_start3A_345] : memref<3x4x4x8x128xf32, #tpu.memory_space<vmem>> -> memref<1x1x4x8x64xf32, #tpu.memory_space<vmem>>
      %dma_start3A_347 = tpu.memref_squeeze %dma_start3A_346 : memref<1x1x4x8x64xf32, #tpu.memory_space<vmem>> -> memref<4x8x64xf32, #tpu.memory_space<vmem>>
      %dma_start3A_348 = arith.constant 0 : i32
      %dma_start3A_349 = arith.constant 0 : i32
      %dma_start3A_350 = tpu.memref_slice %arg5[%dma_start3A_348, %dma_start3A_349, %multiple_of3A_234] : memref<4x8x1000000xf32, #tpu.memory_space<hbm>> -> memref<4x8x64xf32, #tpu.memory_space<hbm>>
      %dma_start3A_351 = arith.constant 0 : i32
      %dma_start3A_352 = arith.constant 0 : i32
      %dma_start3A_353 = arith.constant 0 : i32
      %dma_start3A_354 = tpu.memref_slice %arg10[%dma_start3A, %dma_start3A_342, %dma_start3A_351, %dma_start3A_352, %dma_start3A_353] : memref<3x4x4x8x128xf32, #tpu.memory_space<vmem>> -> memref<1x1x4x8x64xf32, #tpu.memory_space<vmem>>
      %dma_start3A_355 = tpu.memref_squeeze %dma_start3A_354 : memref<1x1x4x8x64xf32, #tpu.memory_space<vmem>> -> memref<4x8x64xf32, #tpu.memory_space<vmem>>
      %dma_start3A_356 = arith.constant 0 : i32
      %dma_start3A_357 = arith.constant 0 : i32
      %dma_start3A_358 = tpu.memref_slice %arg5[%dma_start3A_356, %dma_start3A_357, %multiple_of3A_234] : memref<4x8x1000000xf32, #tpu.memory_space<hbm>> -> memref<4x8x64xf32, #tpu.memory_space<hbm>>
      tpu.enqueue_dma source(%dma_start3A_358 : memref<4x8x64xf32, #tpu.memory_space<hbm>>) target(%dma_start3A_355 : memref<4x8x64xf32, #tpu.memory_space<vmem>>) target_semaphore(%arg13 : memref<!tpu.dma_semaphore, #tpu.memory_space<semaphore_mem>>)
    } else {
    }
    %eq3A_244 = arith.constant 1 : i32
    %eq3A_245 = arith.cmpi eq, %shift_right_logical3A_238, %eq3A_244 : i32
    %convert_element_type3A_246 = arith.extui %eq3A_245 : i1 to i32
    %cond3A_247 = arith.constant 0 : i32
    %cond3A_248 = arith.cmpi ne, %convert_element_type3A_246, %cond3A_247 : i32
    scf.if %cond3A_248 {
      %dma_start3A = arith.constant 1 : i32
      %dma_start3A_342 = arith.constant 1 : i32
      %dma_start3A_343 = arith.constant 0 : i32
      %dma_start3A_344 = arith.constant 0 : i32
      %dma_start3A_345 = arith.constant 0 : i32
      %dma_start3A_346 = tpu.memref_slice %arg10[%dma_start3A, %dma_start3A_342, %dma_start3A_343, %dma_start3A_344, %dma_start3A_345] : memref<3x4x4x8x128xf32, #tpu.memory_space<vmem>> -> memref<1x1x4x8x128xf32, #tpu.memory_space<vmem>>
      %dma_start3A_347 = tpu.memref_squeeze %dma_start3A_346 : memref<1x1x4x8x128xf32, #tpu.memory_space<vmem>> -> memref<4x8x128xf32, #tpu.memory_space<vmem>>
      %dma_start3A_348 = arith.constant 0 : i32
      %dma_start3A_349 = arith.constant 0 : i32
      %dma_start3A_350 = tpu.memref_slice %arg5[%dma_start3A_348, %dma_start3A_349, %multiple_of3A_234] : memref<4x8x1000000xf32, #tpu.memory_space<hbm>> -> memref<4x8x128xf32, #tpu.memory_space<hbm>>
      %dma_start3A_351 = arith.constant 0 : i32
      %dma_start3A_352 = arith.constant 0 : i32
      %dma_start3A_353 = arith.constant 0 : i32
      %dma_start3A_354 = tpu.memref_slice %arg10[%dma_start3A, %dma_start3A_342, %dma_start3A_351, %dma_start3A_352, %dma_start3A_353] : memref<3x4x4x8x128xf32, #tpu.memory_space<vmem>> -> memref<1x1x4x8x128xf32, #tpu.memory_space<vmem>>
      %dma_start3A_355 = tpu.memref_squeeze %dma_start3A_354 : memref<1x1x4x8x128xf32, #tpu.memory_space<vmem>> -> memref<4x8x128xf32, #tpu.memory_space<vmem>>
      %dma_start3A_356 = arith.constant 0 : i32
      %dma_start3A_357 = arith.constant 0 : i32
      %dma_start3A_358 = tpu.memref_slice %arg5[%dma_start3A_356, %dma_start3A_357, %multiple_of3A_234] : memref<4x8x1000000xf32, #tpu.memory_space<hbm>> -> memref<4x8x128xf32, #tpu.memory_space<hbm>>
      tpu.enqueue_dma source(%dma_start3A_358 : memref<4x8x128xf32, #tpu.memory_space<hbm>>) target(%dma_start3A_355 : memref<4x8x128xf32, #tpu.memory_space<vmem>>) target_semaphore(%arg13 : memref<!tpu.dma_semaphore, #tpu.memory_space<semaphore_mem>>)
    } else {
    }
    %slice3A_249 = vector.extract_strided_slice %get3A_166 {offsets = [2], sizes = [1], strides = [1]} : vector<16xi32> to vector<1xi32>
    %squeeze3A_250 = vector.extract %slice3A_249[0] : i32 from vector<1xi32>
    %and3A_251 = arith.constant 127 : i32
    %and3A_252 = arith.andi %squeeze3A_250, %and3A_251 : i32
    %sub3A_253 = arith.subi %squeeze3A_250, %and3A_252 : i32
    %multiple_of3A_254 = tpu.assume_multiple %sub3A_253, 128 : i32
    %and3A_255 = arith.constant 127 : i32
    %and3A_256 = arith.andi %squeeze3A_250, %and3A_255 : i32
    %shift_right_logical3A_257 = arith.constant 6 : i32
    %shift_right_logical3A_258 = arith.shrui %and3A_256, %shift_right_logical3A_257 : i32
    %eq3A_259 = arith.constant 0 : i32
    %eq3A_260 = arith.cmpi eq, %shift_right_logical3A_258, %eq3A_259 : i32
    %convert_element_type3A_261 = arith.extui %eq3A_260 : i1 to i32
    %cond3A_262 = arith.constant 0 : i32
    %cond3A_263 = arith.cmpi ne, %convert_element_type3A_261, %cond3A_262 : i32
    scf.if %cond3A_263 {
      %dma_start3A = arith.constant 1 : i32
      %dma_start3A_342 = arith.constant 2 : i32
      %dma_start3A_343 = arith.constant 0 : i32
      %dma_start3A_344 = arith.constant 0 : i32
      %dma_start3A_345 = arith.constant 0 : i32
      %dma_start3A_346 = tpu.memref_slice %arg9[%dma_start3A, %dma_start3A_342, %dma_start3A_343, %dma_start3A_344, %dma_start3A_345] : memref<3x4x4x8x128xf32, #tpu.memory_space<vmem>> -> memref<1x1x4x8x64xf32, #tpu.memory_space<vmem>>
      %dma_start3A_347 = tpu.memref_squeeze %dma_start3A_346 : memref<1x1x4x8x64xf32, #tpu.memory_space<vmem>> -> memref<4x8x64xf32, #tpu.memory_space<vmem>>
      %dma_start3A_348 = arith.constant 0 : i32
      %dma_start3A_349 = arith.constant 0 : i32
      %dma_start3A_350 = tpu.memref_slice %arg4[%dma_start3A_348, %dma_start3A_349, %multiple_of3A_254] : memref<4x8x1000000xf32, #tpu.memory_space<hbm>> -> memref<4x8x64xf32, #tpu.memory_space<hbm>>
      %dma_start3A_351 = arith.constant 0 : i32
      %dma_start3A_352 = arith.constant 0 : i32
      %dma_start3A_353 = arith.constant 0 : i32
      %dma_start3A_354 = tpu.memref_slice %arg9[%dma_start3A, %dma_start3A_342, %dma_start3A_351, %dma_start3A_352, %dma_start3A_353] : memref<3x4x4x8x128xf32, #tpu.memory_space<vmem>> -> memref<1x1x4x8x64xf32, #tpu.memory_space<vmem>>
      %dma_start3A_355 = tpu.memref_squeeze %dma_start3A_354 : memref<1x1x4x8x64xf32, #tpu.memory_space<vmem>> -> memref<4x8x64xf32, #tpu.memory_space<vmem>>
      %dma_start3A_356 = arith.constant 0 : i32
      %dma_start3A_357 = arith.constant 0 : i32
      %dma_start3A_358 = tpu.memref_slice %arg4[%dma_start3A_356, %dma_start3A_357, %multiple_of3A_254] : memref<4x8x1000000xf32, #tpu.memory_space<hbm>> -> memref<4x8x64xf32, #tpu.memory_space<hbm>>
      tpu.enqueue_dma source(%dma_start3A_358 : memref<4x8x64xf32, #tpu.memory_space<hbm>>) target(%dma_start3A_355 : memref<4x8x64xf32, #tpu.memory_space<vmem>>) target_semaphore(%arg13 : memref<!tpu.dma_semaphore, #tpu.memory_space<semaphore_mem>>)
    } else {
    }
    %eq3A_264 = arith.constant 1 : i32
    %eq3A_265 = arith.cmpi eq, %shift_right_logical3A_258, %eq3A_264 : i32
    %convert_element_type3A_266 = arith.extui %eq3A_265 : i1 to i32
    %cond3A_267 = arith.constant 0 : i32
    %cond3A_268 = arith.cmpi ne, %convert_element_type3A_266, %cond3A_267 : i32
    scf.if %cond3A_268 {
      %dma_start3A = arith.constant 1 : i32
      %dma_start3A_342 = arith.constant 2 : i32
      %dma_start3A_343 = arith.constant 0 : i32
      %dma_start3A_344 = arith.constant 0 : i32
      %dma_start3A_345 = arith.constant 0 : i32
      %dma_start3A_346 = tpu.memref_slice %arg9[%dma_start3A, %dma_start3A_342, %dma_start3A_343, %dma_start3A_344, %dma_start3A_345] : memref<3x4x4x8x128xf32, #tpu.memory_space<vmem>> -> memref<1x1x4x8x128xf32, #tpu.memory_space<vmem>>
      %dma_start3A_347 = tpu.memref_squeeze %dma_start3A_346 : memref<1x1x4x8x128xf32, #tpu.memory_space<vmem>> -> memref<4x8x128xf32, #tpu.memory_space<vmem>>
      %dma_start3A_348 = arith.constant 0 : i32
      %dma_start3A_349 = arith.constant 0 : i32
      %dma_start3A_350 = tpu.memref_slice %arg4[%dma_start3A_348, %dma_start3A_349, %multiple_of3A_254] : memref<4x8x1000000xf32, #tpu.memory_space<hbm>> -> memref<4x8x128xf32, #tpu.memory_space<hbm>>
      %dma_start3A_351 = arith.constant 0 : i32
      %dma_start3A_352 = arith.constant 0 : i32
      %dma_start3A_353 = arith.constant 0 : i32
      %dma_start3A_354 = tpu.memref_slice %arg9[%dma_start3A, %dma_start3A_342, %dma_start3A_351, %dma_start3A_352, %dma_start3A_353] : memref<3x4x4x8x128xf32, #tpu.memory_space<vmem>> -> memref<1x1x4x8x128xf32, #tpu.memory_space<vmem>>
      %dma_start3A_355 = tpu.memref_squeeze %dma_start3A_354 : memref<1x1x4x8x128xf32, #tpu.memory_space<vmem>> -> memref<4x8x128xf32, #tpu.memory_space<vmem>>
      %dma_start3A_356 = arith.constant 0 : i32
      %dma_start3A_357 = arith.constant 0 : i32
      %dma_start3A_358 = tpu.memref_slice %arg4[%dma_start3A_356, %dma_start3A_357, %multiple_of3A_254] : memref<4x8x1000000xf32, #tpu.memory_space<hbm>> -> memref<4x8x128xf32, #tpu.memory_space<hbm>>
      tpu.enqueue_dma source(%dma_start3A_358 : memref<4x8x128xf32, #tpu.memory_space<hbm>>) target(%dma_start3A_355 : memref<4x8x128xf32, #tpu.memory_space<vmem>>) target_semaphore(%arg13 : memref<!tpu.dma_semaphore, #tpu.memory_space<semaphore_mem>>)
    } else {
    }
    %slice3A_269 = vector.extract_strided_slice %get3A_168 {offsets = [2], sizes = [1], strides = [1]} : vector<16xi32> to vector<1xi32>
    %squeeze3A_270 = vector.extract %slice3A_269[0] : i32 from vector<1xi32>
    %and3A_271 = arith.constant 127 : i32
    %and3A_272 = arith.andi %squeeze3A_270, %and3A_271 : i32
    %sub3A_273 = arith.subi %squeeze3A_270, %and3A_272 : i32
    %multiple_of3A_274 = tpu.assume_multiple %sub3A_273, 128 : i32
    %and3A_275 = arith.constant 127 : i32
    %and3A_276 = arith.andi %squeeze3A_270, %and3A_275 : i32
    %shift_right_logical3A_277 = arith.constant 6 : i32
    %shift_right_logical3A_278 = arith.shrui %and3A_276, %shift_right_logical3A_277 : i32
    %eq3A_279 = arith.constant 0 : i32
    %eq3A_280 = arith.cmpi eq, %shift_right_logical3A_278, %eq3A_279 : i32
    %convert_element_type3A_281 = arith.extui %eq3A_280 : i1 to i32
    %cond3A_282 = arith.constant 0 : i32
    %cond3A_283 = arith.cmpi ne, %convert_element_type3A_281, %cond3A_282 : i32
    scf.if %cond3A_283 {
      %dma_start3A = arith.constant 1 : i32
      %dma_start3A_342 = arith.constant 2 : i32
      %dma_start3A_343 = arith.constant 0 : i32
      %dma_start3A_344 = arith.constant 0 : i32
      %dma_start3A_345 = arith.constant 0 : i32
      %dma_start3A_346 = tpu.memref_slice %arg10[%dma_start3A, %dma_start3A_342, %dma_start3A_343, %dma_start3A_344, %dma_start3A_345] : memref<3x4x4x8x128xf32, #tpu.memory_space<vmem>> -> memref<1x1x4x8x64xf32, #tpu.memory_space<vmem>>
      %dma_start3A_347 = tpu.memref_squeeze %dma_start3A_346 : memref<1x1x4x8x64xf32, #tpu.memory_space<vmem>> -> memref<4x8x64xf32, #tpu.memory_space<vmem>>
      %dma_start3A_348 = arith.constant 0 : i32
      %dma_start3A_349 = arith.constant 0 : i32
      %dma_start3A_350 = tpu.memref_slice %arg5[%dma_start3A_348, %dma_start3A_349, %multiple_of3A_274] : memref<4x8x1000000xf32, #tpu.memory_space<hbm>> -> memref<4x8x64xf32, #tpu.memory_space<hbm>>
      %dma_start3A_351 = arith.constant 0 : i32
      %dma_start3A_352 = arith.constant 0 : i32
      %dma_start3A_353 = arith.constant 0 : i32
      %dma_start3A_354 = tpu.memref_slice %arg10[%dma_start3A, %dma_start3A_342, %dma_start3A_351, %dma_start3A_352, %dma_start3A_353] : memref<3x4x4x8x128xf32, #tpu.memory_space<vmem>> -> memref<1x1x4x8x64xf32, #tpu.memory_space<vmem>>
      %dma_start3A_355 = tpu.memref_squeeze %dma_start3A_354 : memref<1x1x4x8x64xf32, #tpu.memory_space<vmem>> -> memref<4x8x64xf32, #tpu.memory_space<vmem>>
      %dma_start3A_356 = arith.constant 0 : i32
      %dma_start3A_357 = arith.constant 0 : i32
      %dma_start3A_358 = tpu.memref_slice %arg5[%dma_start3A_356, %dma_start3A_357, %multiple_of3A_274] : memref<4x8x1000000xf32, #tpu.memory_space<hbm>> -> memref<4x8x64xf32, #tpu.memory_space<hbm>>
      tpu.enqueue_dma source(%dma_start3A_358 : memref<4x8x64xf32, #tpu.memory_space<hbm>>) target(%dma_start3A_355 : memref<4x8x64xf32, #tpu.memory_space<vmem>>) target_semaphore(%arg13 : memref<!tpu.dma_semaphore, #tpu.memory_space<semaphore_mem>>)
    } else {
    }
    %eq3A_284 = arith.constant 1 : i32
    %eq3A_285 = arith.cmpi eq, %shift_right_logical3A_278, %eq3A_284 : i32
    %convert_element_type3A_286 = arith.extui %eq3A_285 : i1 to i32
    %cond3A_287 = arith.constant 0 : i32
    %cond3A_288 = arith.cmpi ne, %convert_element_type3A_286, %cond3A_287 : i32
    scf.if %cond3A_288 {
      %dma_start3A = arith.constant 1 : i32
      %dma_start3A_342 = arith.constant 2 : i32
      %dma_start3A_343 = arith.constant 0 : i32
      %dma_start3A_344 = arith.constant 0 : i32
      %dma_start3A_345 = arith.constant 0 : i32
      %dma_start3A_346 = tpu.memref_slice %arg10[%dma_start3A, %dma_start3A_342, %dma_start3A_343, %dma_start3A_344, %dma_start3A_345] : memref<3x4x4x8x128xf32, #tpu.memory_space<vmem>> -> memref<1x1x4x8x128xf32, #tpu.memory_space<vmem>>
      %dma_start3A_347 = tpu.memref_squeeze %dma_start3A_346 : memref<1x1x4x8x128xf32, #tpu.memory_space<vmem>> -> memref<4x8x128xf32, #tpu.memory_space<vmem>>
      %dma_start3A_348 = arith.constant 0 : i32
      %dma_start3A_349 = arith.constant 0 : i32
      %dma_start3A_350 = tpu.memref_slice %arg5[%dma_start3A_348, %dma_start3A_349, %multiple_of3A_274] : memref<4x8x1000000xf32, #tpu.memory_space<hbm>> -> memref<4x8x128xf32, #tpu.memory_space<hbm>>
      %dma_start3A_351 = arith.constant 0 : i32
      %dma_start3A_352 = arith.constant 0 : i32
      %dma_start3A_353 = arith.constant 0 : i32
      %dma_start3A_354 = tpu.memref_slice %arg10[%dma_start3A, %dma_start3A_342, %dma_start3A_351, %dma_start3A_352, %dma_start3A_353] : memref<3x4x4x8x128xf32, #tpu.memory_space<vmem>> -> memref<1x1x4x8x128xf32, #tpu.memory_space<vmem>>
      %dma_start3A_355 = tpu.memref_squeeze %dma_start3A_354 : memref<1x1x4x8x128xf32, #tpu.memory_space<vmem>> -> memref<4x8x128xf32, #tpu.memory_space<vmem>>
      %dma_start3A_356 = arith.constant 0 : i32
      %dma_start3A_357 = arith.constant 0 : i32
      %dma_start3A_358 = tpu.memref_slice %arg5[%dma_start3A_356, %dma_start3A_357, %multiple_of3A_274] : memref<4x8x1000000xf32, #tpu.memory_space<hbm>> -> memref<4x8x128xf32, #tpu.memory_space<hbm>>
      tpu.enqueue_dma source(%dma_start3A_358 : memref<4x8x128xf32, #tpu.memory_space<hbm>>) target(%dma_start3A_355 : memref<4x8x128xf32, #tpu.memory_space<vmem>>) target_semaphore(%arg13 : memref<!tpu.dma_semaphore, #tpu.memory_space<semaphore_mem>>)
    } else {
    }
    %slice3A_289 = vector.extract_strided_slice %get3A_166 {offsets = [3], sizes = [1], strides = [1]} : vector<16xi32> to vector<1xi32>
    %squeeze3A_290 = vector.extract %slice3A_289[0] : i32 from vector<1xi32>
    %and3A_291 = arith.constant 127 : i32
    %and3A_292 = arith.andi %squeeze3A_290, %and3A_291 : i32
    %sub3A_293 = arith.subi %squeeze3A_290, %and3A_292 : i32
    %multiple_of3A_294 = tpu.assume_multiple %sub3A_293, 128 : i32
    %and3A_295 = arith.constant 127 : i32
    %and3A_296 = arith.andi %squeeze3A_290, %and3A_295 : i32
    %shift_right_logical3A_297 = arith.constant 6 : i32
    %shift_right_logical3A_298 = arith.shrui %and3A_296, %shift_right_logical3A_297 : i32
    %eq3A_299 = arith.constant 0 : i32
    %eq3A_300 = arith.cmpi eq, %shift_right_logical3A_298, %eq3A_299 : i32
    %convert_element_type3A_301 = arith.extui %eq3A_300 : i1 to i32
    %cond3A_302 = arith.constant 0 : i32
    %cond3A_303 = arith.cmpi ne, %convert_element_type3A_301, %cond3A_302 : i32
    scf.if %cond3A_303 {
      %dma_start3A = arith.constant 1 : i32
      %dma_start3A_342 = arith.constant 3 : i32
      %dma_start3A_343 = arith.constant 0 : i32
      %dma_start3A_344 = arith.constant 0 : i32
      %dma_start3A_345 = arith.constant 0 : i32
      %dma_start3A_346 = tpu.memref_slice %arg9[%dma_start3A, %dma_start3A_342, %dma_start3A_343, %dma_start3A_344, %dma_start3A_345] : memref<3x4x4x8x128xf32, #tpu.memory_space<vmem>> -> memref<1x1x4x8x64xf32, #tpu.memory_space<vmem>>
      %dma_start3A_347 = tpu.memref_squeeze %dma_start3A_346 : memref<1x1x4x8x64xf32, #tpu.memory_space<vmem>> -> memref<4x8x64xf32, #tpu.memory_space<vmem>>
      %dma_start3A_348 = arith.constant 0 : i32
      %dma_start3A_349 = arith.constant 0 : i32
      %dma_start3A_350 = tpu.memref_slice %arg4[%dma_start3A_348, %dma_start3A_349, %multiple_of3A_294] : memref<4x8x1000000xf32, #tpu.memory_space<hbm>> -> memref<4x8x64xf32, #tpu.memory_space<hbm>>
      %dma_start3A_351 = arith.constant 0 : i32
      %dma_start3A_352 = arith.constant 0 : i32
      %dma_start3A_353 = arith.constant 0 : i32
      %dma_start3A_354 = tpu.memref_slice %arg9[%dma_start3A, %dma_start3A_342, %dma_start3A_351, %dma_start3A_352, %dma_start3A_353] : memref<3x4x4x8x128xf32, #tpu.memory_space<vmem>> -> memref<1x1x4x8x64xf32, #tpu.memory_space<vmem>>
      %dma_start3A_355 = tpu.memref_squeeze %dma_start3A_354 : memref<1x1x4x8x64xf32, #tpu.memory_space<vmem>> -> memref<4x8x64xf32, #tpu.memory_space<vmem>>
      %dma_start3A_356 = arith.constant 0 : i32
      %dma_start3A_357 = arith.constant 0 : i32
      %dma_start3A_358 = tpu.memref_slice %arg4[%dma_start3A_356, %dma_start3A_357, %multiple_of3A_294] : memref<4x8x1000000xf32, #tpu.memory_space<hbm>> -> memref<4x8x64xf32, #tpu.memory_space<hbm>>
      tpu.enqueue_dma source(%dma_start3A_358 : memref<4x8x64xf32, #tpu.memory_space<hbm>>) target(%dma_start3A_355 : memref<4x8x64xf32, #tpu.memory_space<vmem>>) target_semaphore(%arg13 : memref<!tpu.dma_semaphore, #tpu.memory_space<semaphore_mem>>)
    } else {
    }
    %eq3A_304 = arith.constant 1 : i32
    %eq3A_305 = arith.cmpi eq, %shift_right_logical3A_298, %eq3A_304 : i32
    %convert_element_type3A_306 = arith.extui %eq3A_305 : i1 to i32
    %cond3A_307 = arith.constant 0 : i32
    %cond3A_308 = arith.cmpi ne, %convert_element_type3A_306, %cond3A_307 : i32
    scf.if %cond3A_308 {
      %dma_start3A = arith.constant 1 : i32
      %dma_start3A_342 = arith.constant 3 : i32
      %dma_start3A_343 = arith.constant 0 : i32
      %dma_start3A_344 = arith.constant 0 : i32
      %dma_start3A_345 = arith.constant 0 : i32
      %dma_start3A_346 = tpu.memref_slice %arg9[%dma_start3A, %dma_start3A_342, %dma_start3A_343, %dma_start3A_344, %dma_start3A_345] : memref<3x4x4x8x128xf32, #tpu.memory_space<vmem>> -> memref<1x1x4x8x128xf32, #tpu.memory_space<vmem>>
      %dma_start3A_347 = tpu.memref_squeeze %dma_start3A_346 : memref<1x1x4x8x128xf32, #tpu.memory_space<vmem>> -> memref<4x8x128xf32, #tpu.memory_space<vmem>>
      %dma_start3A_348 = arith.constant 0 : i32
      %dma_start3A_349 = arith.constant 0 : i32
      %dma_start3A_350 = tpu.memref_slice %arg4[%dma_start3A_348, %dma_start3A_349, %multiple_of3A_294] : memref<4x8x1000000xf32, #tpu.memory_space<hbm>> -> memref<4x8x128xf32, #tpu.memory_space<hbm>>
      %dma_start3A_351 = arith.constant 0 : i32
      %dma_start3A_352 = arith.constant 0 : i32
      %dma_start3A_353 = arith.constant 0 : i32
      %dma_start3A_354 = tpu.memref_slice %arg9[%dma_start3A, %dma_start3A_342, %dma_start3A_351, %dma_start3A_352, %dma_start3A_353] : memref<3x4x4x8x128xf32, #tpu.memory_space<vmem>> -> memref<1x1x4x8x128xf32, #tpu.memory_space<vmem>>
      %dma_start3A_355 = tpu.memref_squeeze %dma_start3A_354 : memref<1x1x4x8x128xf32, #tpu.memory_space<vmem>> -> memref<4x8x128xf32, #tpu.memory_space<vmem>>
      %dma_start3A_356 = arith.constant 0 : i32
      %dma_start3A_357 = arith.constant 0 : i32
      %dma_start3A_358 = tpu.memref_slice %arg4[%dma_start3A_356, %dma_start3A_357, %multiple_of3A_294] : memref<4x8x1000000xf32, #tpu.memory_space<hbm>> -> memref<4x8x128xf32, #tpu.memory_space<hbm>>
      tpu.enqueue_dma source(%dma_start3A_358 : memref<4x8x128xf32, #tpu.memory_space<hbm>>) target(%dma_start3A_355 : memref<4x8x128xf32, #tpu.memory_space<vmem>>) target_semaphore(%arg13 : memref<!tpu.dma_semaphore, #tpu.memory_space<semaphore_mem>>)
    } else {
    }
    %slice3A_309 = vector.extract_strided_slice %get3A_168 {offsets = [3], sizes = [1], strides = [1]} : vector<16xi32> to vector<1xi32>
    %squeeze3A_310 = vector.extract %slice3A_309[0] : i32 from vector<1xi32>
    %and3A_311 = arith.constant 127 : i32
    %and3A_312 = arith.andi %squeeze3A_310, %and3A_311 : i32
    %sub3A_313 = arith.subi %squeeze3A_310, %and3A_312 : i32
    %multiple_of3A_314 = tpu.assume_multiple %sub3A_313, 128 : i32
    %and3A_315 = arith.constant 127 : i32
    %and3A_316 = arith.andi %squeeze3A_310, %and3A_315 : i32
    %shift_right_logical3A_317 = arith.constant 6 : i32
    %shift_right_logical3A_318 = arith.shrui %and3A_316, %shift_right_logical3A_317 : i32
    %eq3A_319 = arith.constant 0 : i32
    %eq3A_320 = arith.cmpi eq, %shift_right_logical3A_318, %eq3A_319 : i32
    %convert_element_type3A_321 = arith.extui %eq3A_320 : i1 to i32
    %cond3A_322 = arith.constant 0 : i32
    %cond3A_323 = arith.cmpi ne, %convert_element_type3A_321, %cond3A_322 : i32
    scf.if %cond3A_323 {
      %dma_start3A = arith.constant 1 : i32
      %dma_start3A_342 = arith.constant 3 : i32
      %dma_start3A_343 = arith.constant 0 : i32
      %dma_start3A_344 = arith.constant 0 : i32
      %dma_start3A_345 = arith.constant 0 : i32
      %dma_start3A_346 = tpu.memref_slice %arg10[%dma_start3A, %dma_start3A_342, %dma_start3A_343, %dma_start3A_344, %dma_start3A_345] : memref<3x4x4x8x128xf32, #tpu.memory_space<vmem>> -> memref<1x1x4x8x64xf32, #tpu.memory_space<vmem>>
      %dma_start3A_347 = tpu.memref_squeeze %dma_start3A_346 : memref<1x1x4x8x64xf32, #tpu.memory_space<vmem>> -> memref<4x8x64xf32, #tpu.memory_space<vmem>>
      %dma_start3A_348 = arith.constant 0 : i32
      %dma_start3A_349 = arith.constant 0 : i32
      %dma_start3A_350 = tpu.memref_slice %arg5[%dma_start3A_348, %dma_start3A_349, %multiple_of3A_314] : memref<4x8x1000000xf32, #tpu.memory_space<hbm>> -> memref<4x8x64xf32, #tpu.memory_space<hbm>>
      %dma_start3A_351 = arith.constant 0 : i32
      %dma_start3A_352 = arith.constant 0 : i32
      %dma_start3A_353 = arith.constant 0 : i32
      %dma_start3A_354 = tpu.memref_slice %arg10[%dma_start3A, %dma_start3A_342, %dma_start3A_351, %dma_start3A_352, %dma_start3A_353] : memref<3x4x4x8x128xf32, #tpu.memory_space<vmem>> -> memref<1x1x4x8x64xf32, #tpu.memory_space<vmem>>
      %dma_start3A_355 = tpu.memref_squeeze %dma_start3A_354 : memref<1x1x4x8x64xf32, #tpu.memory_space<vmem>> -> memref<4x8x64xf32, #tpu.memory_space<vmem>>
      %dma_start3A_356 = arith.constant 0 : i32
      %dma_start3A_357 = arith.constant 0 : i32
      %dma_start3A_358 = tpu.memref_slice %arg5[%dma_start3A_356, %dma_start3A_357, %multiple_of3A_314] : memref<4x8x1000000xf32, #tpu.memory_space<hbm>> -> memref<4x8x64xf32, #tpu.memory_space<hbm>>
      tpu.enqueue_dma source(%dma_start3A_358 : memref<4x8x64xf32, #tpu.memory_space<hbm>>) target(%dma_start3A_355 : memref<4x8x64xf32, #tpu.memory_space<vmem>>) target_semaphore(%arg13 : memref<!tpu.dma_semaphore, #tpu.memory_space<semaphore_mem>>)
    } else {
    }
    %eq3A_324 = arith.constant 1 : i32
    %eq3A_325 = arith.cmpi eq, %shift_right_logical3A_318, %eq3A_324 : i32
    %convert_element_type3A_326 = arith.extui %eq3A_325 : i1 to i32
    %cond3A_327 = arith.constant 0 : i32
    %cond3A_328 = arith.cmpi ne, %convert_element_type3A_326, %cond3A_327 : i32
    scf.if %cond3A_328 {
      %dma_start3A = arith.constant 1 : i32
      %dma_start3A_342 = arith.constant 3 : i32
      %dma_start3A_343 = arith.constant 0 : i32
      %dma_start3A_344 = arith.constant 0 : i32
      %dma_start3A_345 = arith.constant 0 : i32
      %dma_start3A_346 = tpu.memref_slice %arg10[%dma_start3A, %dma_start3A_342, %dma_start3A_343, %dma_start3A_344, %dma_start3A_345] : memref<3x4x4x8x128xf32, #tpu.memory_space<vmem>> -> memref<1x1x4x8x128xf32, #tpu.memory_space<vmem>>
      %dma_start3A_347 = tpu.memref_squeeze %dma_start3A_346 : memref<1x1x4x8x128xf32, #tpu.memory_space<vmem>> -> memref<4x8x128xf32, #tpu.memory_space<vmem>>
      %dma_start3A_348 = arith.constant 0 : i32
      %dma_start3A_349 = arith.constant 0 : i32
      %dma_start3A_350 = tpu.memref_slice %arg5[%dma_start3A_348, %dma_start3A_349, %multiple_of3A_314] : memref<4x8x1000000xf32, #tpu.memory_space<hbm>> -> memref<4x8x128xf32, #tpu.memory_space<hbm>>
      %dma_start3A_351 = arith.constant 0 : i32
      %dma_start3A_352 = arith.constant 0 : i32
      %dma_start3A_353 = arith.constant 0 : i32
      %dma_start3A_354 = tpu.memref_slice %arg10[%dma_start3A, %dma_start3A_342, %dma_start3A_351, %dma_start3A_352, %dma_start3A_353] : memref<3x4x4x8x128xf32, #tpu.memory_space<vmem>> -> memref<1x1x4x8x128xf32, #tpu.memory_space<vmem>>
      %dma_start3A_355 = tpu.memref_squeeze %dma_start3A_354 : memref<1x1x4x8x128xf32, #tpu.memory_space<vmem>> -> memref<4x8x128xf32, #tpu.memory_space<vmem>>
      %dma_start3A_356 = arith.constant 0 : i32
      %dma_start3A_357 = arith.constant 0 : i32
      %dma_start3A_358 = tpu.memref_slice %arg5[%dma_start3A_356, %dma_start3A_357, %multiple_of3A_314] : memref<4x8x1000000xf32, #tpu.memory_space<hbm>> -> memref<4x8x128xf32, #tpu.memory_space<hbm>>
      tpu.enqueue_dma source(%dma_start3A_358 : memref<4x8x128xf32, #tpu.memory_space<hbm>>) target(%dma_start3A_355 : memref<4x8x128xf32, #tpu.memory_space<vmem>>) target_semaphore(%arg13 : memref<!tpu.dma_semaphore, #tpu.memory_space<semaphore_mem>>)
    } else {
    }
    %scan3A = arith.constant 0 : i32
    %scan3A_329 = arith.constant 0 : i32
    %scan3A_330 = arith.constant 128 : i32
    %scan3A_331 = arith.addi %scan3A_329, %scan3A_330 : i32
    %scan3A_332 = arith.constant 1 : i32
    scf.for %scan3A_342 = %scan3A_329 to %scan3A_331 step %scan3A_332  : i32 {
      %add3A_343 = arith.constant 2 : i32
      %add3A_344 = arith.addi %scan3A_342, %add3A_343 : i32
      %lt3A_345 = arith.constant 128 : i32
      %lt3A_346 = arith.cmpi slt, %add3A_344, %lt3A_345 : i32
      %convert_element_type3A_347 = arith.extui %lt3A_346 : i1 to i32
      %cond3A_348 = arith.constant 0 : i32
      %cond3A_349 = arith.cmpi ne, %convert_element_type3A_347, %cond3A_348 : i32
      scf.if %cond3A_349 {
        %add3A_731 = arith.constant 2 : i32
        %add3A_732 = arith.addi %scan3A_342, %add3A_731 : i32
        %jit3A_733 = arith.constant 3 : i32
        %div3A_734 = arith.divsi %add3A_732, %jit3A_733 : i32
        %sign3A_735 = arith.constant 0 : i32
        %sign3A_736 = arith.cmpi sgt, %add3A_732, %sign3A_735 : i32
        %sign3A_737 = arith.extui %sign3A_736 : i1 to i32
        %sign3A_738 = arith.constant 0 : i32
        %sign3A_739 = arith.cmpi slt, %add3A_732, %sign3A_738 : i32
        %sign3A_740 = arith.extui %sign3A_739 : i1 to i32
        %sign3A_741 = arith.subi %sign3A_737, %sign3A_740 : i32
        %sign3A_742 = arith.constant 0 : i32
        %sign3A_743 = arith.cmpi sgt, %jit3A_733, %sign3A_742 : i32
        %sign3A_744 = arith.extui %sign3A_743 : i1 to i32
        %sign3A_745 = arith.constant 0 : i32
        %sign3A_746 = arith.cmpi slt, %jit3A_733, %sign3A_745 : i32
        %sign3A_747 = arith.extui %sign3A_746 : i1 to i32
        %sign3A_748 = arith.subi %sign3A_744, %sign3A_747 : i32
        %ne3A_749 = arith.cmpi ne, %sign3A_741, %sign3A_748 : i32
        %rem3A_750 = arith.remsi %add3A_732, %jit3A_733 : i32
        %ne3A_751 = arith.constant 0 : i32
        %ne3A_752 = arith.cmpi ne, %rem3A_750, %ne3A_751 : i32
        %and3A_753 = arith.andi %ne3A_749, %ne3A_752 : i1
        %sub3A_754 = arith.constant 1 : i32
        %sub3A_755 = arith.subi %div3A_734, %sub3A_754 : i32
        %select_n3A_756 = arith.select %and3A_753, %sub3A_755, %div3A_734 : i32
        %mul3A_757 = arith.constant 3 : i32
        %mul3A_758 = arith.muli %select_n3A_756, %mul3A_757 : i32
        %sub3A_759 = arith.subi %add3A_732, %mul3A_758 : i32
        %mul3A_760 = arith.constant 2 : i32
        %mul3A_761 = arith.muli %add3A_732, %mul3A_760 : i32
        %mul3A_762 = arith.constant 4 : i32
        %mul3A_763 = arith.muli %mul3A_761, %mul3A_762 : i32
        %multiple_of3A_764 = tpu.assume_multiple %mul3A_763, 8 : i32
        %get3A_765 = arith.index_cast %multiple_of3A_764 : i32 to index
        %get3A_766 = tpu.vector_load %arg7[%get3A_765] {strides = array<i32>} : memref<1032xi32, #tpu.memory_space<vmem>>, vector<16xi32>,
        %get3A_767 = arith.index_cast %multiple_of3A_764 : i32 to index
        %get3A_768 = tpu.vector_load %arg8[%get3A_767] {strides = array<i32>} : memref<1032xi32, #tpu.memory_space<vmem>>, vector<16xi32>,
        %slice3A_769 = vector.extract_strided_slice %get3A_766 {offsets = [0], sizes = [1], strides = [1]} : vector<16xi32> to vector<1xi32>
        %squeeze3A_770 = vector.extract %slice3A_769[0] : i32 from vector<1xi32>
        %and3A_771 = arith.constant 127 : i32
        %and3A_772 = arith.andi %squeeze3A_770, %and3A_771 : i32
        %sub3A_773 = arith.subi %squeeze3A_770, %and3A_772 : i32
        %multiple_of3A_774 = tpu.assume_multiple %sub3A_773, 128 : i32
        %and3A_775 = arith.constant 127 : i32
        %and3A_776 = arith.andi %squeeze3A_770, %and3A_775 : i32
        %shift_right_logical3A_777 = arith.constant 6 : i32
        %shift_right_logical3A_778 = arith.shrui %and3A_776, %shift_right_logical3A_777 : i32
        %eq3A_779 = arith.constant 0 : i32
        %eq3A_780 = arith.cmpi eq, %shift_right_logical3A_778, %eq3A_779 : i32
        %convert_element_type3A_781 = arith.extui %eq3A_780 : i1 to i32
        %cond3A_782 = arith.constant 0 : i32
        %cond3A_783 = arith.cmpi ne, %convert_element_type3A_781, %cond3A_782 : i32
        scf.if %cond3A_783 {
          %dma_start3A = arith.constant 0 : i32
          %dma_start3A_929 = arith.constant 0 : i32
          %dma_start3A_930 = arith.constant 0 : i32
          %dma_start3A_931 = arith.constant 0 : i32
          %dma_start3A_932 = tpu.memref_slice %arg9[%sub3A_759, %dma_start3A, %dma_start3A_929, %dma_start3A_930, %dma_start3A_931] : memref<3x4x4x8x128xf32, #tpu.memory_space<vmem>> -> memref<1x1x4x8x64xf32, #tpu.memory_space<vmem>>
          %dma_start3A_933 = tpu.memref_squeeze %dma_start3A_932 : memref<1x1x4x8x64xf32, #tpu.memory_space<vmem>> -> memref<4x8x64xf32, #tpu.memory_space<vmem>>
          %dma_start3A_934 = arith.constant 0 : i32
          %dma_start3A_935 = arith.constant 0 : i32
          %dma_start3A_936 = tpu.memref_slice %arg4[%dma_start3A_934, %dma_start3A_935, %multiple_of3A_774] : memref<4x8x1000000xf32, #tpu.memory_space<hbm>> -> memref<4x8x64xf32, #tpu.memory_space<hbm>>
          %dma_start3A_937 = arith.constant 0 : i32
          %dma_start3A_938 = arith.constant 0 : i32
          %dma_start3A_939 = arith.constant 0 : i32
          %dma_start3A_940 = tpu.memref_slice %arg9[%sub3A_759, %dma_start3A, %dma_start3A_937, %dma_start3A_938, %dma_start3A_939] : memref<3x4x4x8x128xf32, #tpu.memory_space<vmem>> -> memref<1x1x4x8x64xf32, #tpu.memory_space<vmem>>
          %dma_start3A_941 = tpu.memref_squeeze %dma_start3A_940 : memref<1x1x4x8x64xf32, #tpu.memory_space<vmem>> -> memref<4x8x64xf32, #tpu.memory_space<vmem>>
          %dma_start3A_942 = arith.constant 0 : i32
          %dma_start3A_943 = arith.constant 0 : i32
          %dma_start3A_944 = tpu.memref_slice %arg4[%dma_start3A_942, %dma_start3A_943, %multiple_of3A_774] : memref<4x8x1000000xf32, #tpu.memory_space<hbm>> -> memref<4x8x64xf32, #tpu.memory_space<hbm>>
          tpu.enqueue_dma source(%dma_start3A_944 : memref<4x8x64xf32, #tpu.memory_space<hbm>>) target(%dma_start3A_941 : memref<4x8x64xf32, #tpu.memory_space<vmem>>) target_semaphore(%arg13 : memref<!tpu.dma_semaphore, #tpu.memory_space<semaphore_mem>>)
        } else {
        }
        %eq3A_784 = arith.constant 1 : i32
        %eq3A_785 = arith.cmpi eq, %shift_right_logical3A_778, %eq3A_784 : i32
        %convert_element_type3A_786 = arith.extui %eq3A_785 : i1 to i32
        %cond3A_787 = arith.constant 0 : i32
        %cond3A_788 = arith.cmpi ne, %convert_element_type3A_786, %cond3A_787 : i32
        scf.if %cond3A_788 {
          %dma_start3A = arith.constant 0 : i32
          %dma_start3A_929 = arith.constant 0 : i32
          %dma_start3A_930 = arith.constant 0 : i32
          %dma_start3A_931 = arith.constant 0 : i32
          %dma_start3A_932 = tpu.memref_slice %arg9[%sub3A_759, %dma_start3A, %dma_start3A_929, %dma_start3A_930, %dma_start3A_931] : memref<3x4x4x8x128xf32, #tpu.memory_space<vmem>> -> memref<1x1x4x8x128xf32, #tpu.memory_space<vmem>>
          %dma_start3A_933 = tpu.memref_squeeze %dma_start3A_932 : memref<1x1x4x8x128xf32, #tpu.memory_space<vmem>> -> memref<4x8x128xf32, #tpu.memory_space<vmem>>
          %dma_start3A_934 = arith.constant 0 : i32
          %dma_start3A_935 = arith.constant 0 : i32
          %dma_start3A_936 = tpu.memref_slice %arg4[%dma_start3A_934, %dma_start3A_935, %multiple_of3A_774] : memref<4x8x1000000xf32, #tpu.memory_space<hbm>> -> memref<4x8x128xf32, #tpu.memory_space<hbm>>
          %dma_start3A_937 = arith.constant 0 : i32
          %dma_start3A_938 = arith.constant 0 : i32
          %dma_start3A_939 = arith.constant 0 : i32
          %dma_start3A_940 = tpu.memref_slice %arg9[%sub3A_759, %dma_start3A, %dma_start3A_937, %dma_start3A_938, %dma_start3A_939] : memref<3x4x4x8x128xf32, #tpu.memory_space<vmem>> -> memref<1x1x4x8x128xf32, #tpu.memory_space<vmem>>
          %dma_start3A_941 = tpu.memref_squeeze %dma_start3A_940 : memref<1x1x4x8x128xf32, #tpu.memory_space<vmem>> -> memref<4x8x128xf32, #tpu.memory_space<vmem>>
          %dma_start3A_942 = arith.constant 0 : i32
          %dma_start3A_943 = arith.constant 0 : i32
          %dma_start3A_944 = tpu.memref_slice %arg4[%dma_start3A_942, %dma_start3A_943, %multiple_of3A_774] : memref<4x8x1000000xf32, #tpu.memory_space<hbm>> -> memref<4x8x128xf32, #tpu.memory_space<hbm>>
          tpu.enqueue_dma source(%dma_start3A_944 : memref<4x8x128xf32, #tpu.memory_space<hbm>>) target(%dma_start3A_941 : memref<4x8x128xf32, #tpu.memory_space<vmem>>) target_semaphore(%arg13 : memref<!tpu.dma_semaphore, #tpu.memory_space<semaphore_mem>>)
        } else {
        }
        %slice3A_789 = vector.extract_strided_slice %get3A_768 {offsets = [0], sizes = [1], strides = [1]} : vector<16xi32> to vector<1xi32>
        %squeeze3A_790 = vector.extract %slice3A_789[0] : i32 from vector<1xi32>
        %and3A_791 = arith.constant 127 : i32
        %and3A_792 = arith.andi %squeeze3A_790, %and3A_791 : i32
        %sub3A_793 = arith.subi %squeeze3A_790, %and3A_792 : i32
        %multiple_of3A_794 = tpu.assume_multiple %sub3A_793, 128 : i32
        %and3A_795 = arith.constant 127 : i32
        %and3A_796 = arith.andi %squeeze3A_790, %and3A_795 : i32
        %shift_right_logical3A_797 = arith.constant 6 : i32
        %shift_right_logical3A_798 = arith.shrui %and3A_796, %shift_right_logical3A_797 : i32
        %eq3A_799 = arith.constant 0 : i32
        %eq3A_800 = arith.cmpi eq, %shift_right_logical3A_798, %eq3A_799 : i32
        %convert_element_type3A_801 = arith.extui %eq3A_800 : i1 to i32
        %cond3A_802 = arith.constant 0 : i32
        %cond3A_803 = arith.cmpi ne, %convert_element_type3A_801, %cond3A_802 : i32
        scf.if %cond3A_803 {
          %dma_start3A = arith.constant 0 : i32
          %dma_start3A_929 = arith.constant 0 : i32
          %dma_start3A_930 = arith.constant 0 : i32
          %dma_start3A_931 = arith.constant 0 : i32
          %dma_start3A_932 = tpu.memref_slice %arg10[%sub3A_759, %dma_start3A, %dma_start3A_929, %dma_start3A_930, %dma_start3A_931] : memref<3x4x4x8x128xf32, #tpu.memory_space<vmem>> -> memref<1x1x4x8x64xf32, #tpu.memory_space<vmem>>
          %dma_start3A_933 = tpu.memref_squeeze %dma_start3A_932 : memref<1x1x4x8x64xf32, #tpu.memory_space<vmem>> -> memref<4x8x64xf32, #tpu.memory_space<vmem>>
          %dma_start3A_934 = arith.constant 0 : i32
          %dma_start3A_935 = arith.constant 0 : i32
          %dma_start3A_936 = tpu.memref_slice %arg5[%dma_start3A_934, %dma_start3A_935, %multiple_of3A_794] : memref<4x8x1000000xf32, #tpu.memory_space<hbm>> -> memref<4x8x64xf32, #tpu.memory_space<hbm>>
          %dma_start3A_937 = arith.constant 0 : i32
          %dma_start3A_938 = arith.constant 0 : i32
          %dma_start3A_939 = arith.constant 0 : i32
          %dma_start3A_940 = tpu.memref_slice %arg10[%sub3A_759, %dma_start3A, %dma_start3A_937, %dma_start3A_938, %dma_start3A_939] : memref<3x4x4x8x128xf32, #tpu.memory_space<vmem>> -> memref<1x1x4x8x64xf32, #tpu.memory_space<vmem>>
          %dma_start3A_941 = tpu.memref_squeeze %dma_start3A_940 : memref<1x1x4x8x64xf32, #tpu.memory_space<vmem>> -> memref<4x8x64xf32, #tpu.memory_space<vmem>>
          %dma_start3A_942 = arith.constant 0 : i32
          %dma_start3A_943 = arith.constant 0 : i32
          %dma_start3A_944 = tpu.memref_slice %arg5[%dma_start3A_942, %dma_start3A_943, %multiple_of3A_794] : memref<4x8x1000000xf32, #tpu.memory_space<hbm>> -> memref<4x8x64xf32, #tpu.memory_space<hbm>>
          tpu.enqueue_dma source(%dma_start3A_944 : memref<4x8x64xf32, #tpu.memory_space<hbm>>) target(%dma_start3A_941 : memref<4x8x64xf32, #tpu.memory_space<vmem>>) target_semaphore(%arg13 : memref<!tpu.dma_semaphore, #tpu.memory_space<semaphore_mem>>)
        } else {
        }
        %eq3A_804 = arith.constant 1 : i32
        %eq3A_805 = arith.cmpi eq, %shift_right_logical3A_798, %eq3A_804 : i32
        %convert_element_type3A_806 = arith.extui %eq3A_805 : i1 to i32
        %cond3A_807 = arith.constant 0 : i32
        %cond3A_808 = arith.cmpi ne, %convert_element_type3A_806, %cond3A_807 : i32
        scf.if %cond3A_808 {
          %dma_start3A = arith.constant 0 : i32
          %dma_start3A_929 = arith.constant 0 : i32
          %dma_start3A_930 = arith.constant 0 : i32
          %dma_start3A_931 = arith.constant 0 : i32
          %dma_start3A_932 = tpu.memref_slice %arg10[%sub3A_759, %dma_start3A, %dma_start3A_929, %dma_start3A_930, %dma_start3A_931] : memref<3x4x4x8x128xf32, #tpu.memory_space<vmem>> -> memref<1x1x4x8x128xf32, #tpu.memory_space<vmem>>
          %dma_start3A_933 = tpu.memref_squeeze %dma_start3A_932 : memref<1x1x4x8x128xf32, #tpu.memory_space<vmem>> -> memref<4x8x128xf32, #tpu.memory_space<vmem>>
          %dma_start3A_934 = arith.constant 0 : i32
          %dma_start3A_935 = arith.constant 0 : i32
          %dma_start3A_936 = tpu.memref_slice %arg5[%dma_start3A_934, %dma_start3A_935, %multiple_of3A_794] : memref<4x8x1000000xf32, #tpu.memory_space<hbm>> -> memref<4x8x128xf32, #tpu.memory_space<hbm>>
          %dma_start3A_937 = arith.constant 0 : i32
          %dma_start3A_938 = arith.constant 0 : i32
          %dma_start3A_939 = arith.constant 0 : i32
          %dma_start3A_940 = tpu.memref_slice %arg10[%sub3A_759, %dma_start3A, %dma_start3A_937, %dma_start3A_938, %dma_start3A_939] : memref<3x4x4x8x128xf32, #tpu.memory_space<vmem>> -> memref<1x1x4x8x128xf32, #tpu.memory_space<vmem>>
          %dma_start3A_941 = tpu.memref_squeeze %dma_start3A_940 : memref<1x1x4x8x128xf32, #tpu.memory_space<vmem>> -> memref<4x8x128xf32, #tpu.memory_space<vmem>>
          %dma_start3A_942 = arith.constant 0 : i32
          %dma_start3A_943 = arith.constant 0 : i32
          %dma_start3A_944 = tpu.memref_slice %arg5[%dma_start3A_942, %dma_start3A_943, %multiple_of3A_794] : memref<4x8x1000000xf32, #tpu.memory_space<hbm>> -> memref<4x8x128xf32, #tpu.memory_space<hbm>>
          tpu.enqueue_dma source(%dma_start3A_944 : memref<4x8x128xf32, #tpu.memory_space<hbm>>) target(%dma_start3A_941 : memref<4x8x128xf32, #tpu.memory_space<vmem>>) target_semaphore(%arg13 : memref<!tpu.dma_semaphore, #tpu.memory_space<semaphore_mem>>)
        } else {
        }
        %slice3A_809 = vector.extract_strided_slice %get3A_766 {offsets = [1], sizes = [1], strides = [1]} : vector<16xi32> to vector<1xi32>
        %squeeze3A_810 = vector.extract %slice3A_809[0] : i32 from vector<1xi32>
        %and3A_811 = arith.constant 127 : i32
        %and3A_812 = arith.andi %squeeze3A_810, %and3A_811 : i32
        %sub3A_813 = arith.subi %squeeze3A_810, %and3A_812 : i32
        %multiple_of3A_814 = tpu.assume_multiple %sub3A_813, 128 : i32
        %and3A_815 = arith.constant 127 : i32
        %and3A_816 = arith.andi %squeeze3A_810, %and3A_815 : i32
        %shift_right_logical3A_817 = arith.constant 6 : i32
        %shift_right_logical3A_818 = arith.shrui %and3A_816, %shift_right_logical3A_817 : i32
        %eq3A_819 = arith.constant 0 : i32
        %eq3A_820 = arith.cmpi eq, %shift_right_logical3A_818, %eq3A_819 : i32
        %convert_element_type3A_821 = arith.extui %eq3A_820 : i1 to i32
        %cond3A_822 = arith.constant 0 : i32
        %cond3A_823 = arith.cmpi ne, %convert_element_type3A_821, %cond3A_822 : i32
        scf.if %cond3A_823 {
          %dma_start3A = arith.constant 1 : i32
          %dma_start3A_929 = arith.constant 0 : i32
          %dma_start3A_930 = arith.constant 0 : i32
          %dma_start3A_931 = arith.constant 0 : i32
          %dma_start3A_932 = tpu.memref_slice %arg9[%sub3A_759, %dma_start3A, %dma_start3A_929, %dma_start3A_930, %dma_start3A_931] : memref<3x4x4x8x128xf32, #tpu.memory_space<vmem>> -> memref<1x1x4x8x64xf32, #tpu.memory_space<vmem>>
          %dma_start3A_933 = tpu.memref_squeeze %dma_start3A_932 : memref<1x1x4x8x64xf32, #tpu.memory_space<vmem>> -> memref<4x8x64xf32, #tpu.memory_space<vmem>>
          %dma_start3A_934 = arith.constant 0 : i32
          %dma_start3A_935 = arith.constant 0 : i32
          %dma_start3A_936 = tpu.memref_slice %arg4[%dma_start3A_934, %dma_start3A_935, %multiple_of3A_814] : memref<4x8x1000000xf32, #tpu.memory_space<hbm>> -> memref<4x8x64xf32, #tpu.memory_space<hbm>>
          %dma_start3A_937 = arith.constant 0 : i32
          %dma_start3A_938 = arith.constant 0 : i32
          %dma_start3A_939 = arith.constant 0 : i32
          %dma_start3A_940 = tpu.memref_slice %arg9[%sub3A_759, %dma_start3A, %dma_start3A_937, %dma_start3A_938, %dma_start3A_939] : memref<3x4x4x8x128xf32, #tpu.memory_space<vmem>> -> memref<1x1x4x8x64xf32, #tpu.memory_space<vmem>>
          %dma_start3A_941 = tpu.memref_squeeze %dma_start3A_940 : memref<1x1x4x8x64xf32, #tpu.memory_space<vmem>> -> memref<4x8x64xf32, #tpu.memory_space<vmem>>
          %dma_start3A_942 = arith.constant 0 : i32
          %dma_start3A_943 = arith.constant 0 : i32
          %dma_start3A_944 = tpu.memref_slice %arg4[%dma_start3A_942, %dma_start3A_943, %multiple_of3A_814] : memref<4x8x1000000xf32, #tpu.memory_space<hbm>> -> memref<4x8x64xf32, #tpu.memory_space<hbm>>
          tpu.enqueue_dma source(%dma_start3A_944 : memref<4x8x64xf32, #tpu.memory_space<hbm>>) target(%dma_start3A_941 : memref<4x8x64xf32, #tpu.memory_space<vmem>>) target_semaphore(%arg13 : memref<!tpu.dma_semaphore, #tpu.memory_space<semaphore_mem>>)
        } else {
        }
        %eq3A_824 = arith.constant 1 : i32
        %eq3A_825 = arith.cmpi eq, %shift_right_logical3A_818, %eq3A_824 : i32
        %convert_element_type3A_826 = arith.extui %eq3A_825 : i1 to i32
        %cond3A_827 = arith.constant 0 : i32
        %cond3A_828 = arith.cmpi ne, %convert_element_type3A_826, %cond3A_827 : i32
        scf.if %cond3A_828 {
          %dma_start3A = arith.constant 1 : i32
          %dma_start3A_929 = arith.constant 0 : i32
          %dma_start3A_930 = arith.constant 0 : i32
          %dma_start3A_931 = arith.constant 0 : i32
          %dma_start3A_932 = tpu.memref_slice %arg9[%sub3A_759, %dma_start3A, %dma_start3A_929, %dma_start3A_930, %dma_start3A_931] : memref<3x4x4x8x128xf32, #tpu.memory_space<vmem>> -> memref<1x1x4x8x128xf32, #tpu.memory_space<vmem>>
          %dma_start3A_933 = tpu.memref_squeeze %dma_start3A_932 : memref<1x1x4x8x128xf32, #tpu.memory_space<vmem>> -> memref<4x8x128xf32, #tpu.memory_space<vmem>>
          %dma_start3A_934 = arith.constant 0 : i32
          %dma_start3A_935 = arith.constant 0 : i32
          %dma_start3A_936 = tpu.memref_slice %arg4[%dma_start3A_934, %dma_start3A_935, %multiple_of3A_814] : memref<4x8x1000000xf32, #tpu.memory_space<hbm>> -> memref<4x8x128xf32, #tpu.memory_space<hbm>>
          %dma_start3A_937 = arith.constant 0 : i32
          %dma_start3A_938 = arith.constant 0 : i32
          %dma_start3A_939 = arith.constant 0 : i32
          %dma_start3A_940 = tpu.memref_slice %arg9[%sub3A_759, %dma_start3A, %dma_start3A_937, %dma_start3A_938, %dma_start3A_939] : memref<3x4x4x8x128xf32, #tpu.memory_space<vmem>> -> memref<1x1x4x8x128xf32, #tpu.memory_space<vmem>>
          %dma_start3A_941 = tpu.memref_squeeze %dma_start3A_940 : memref<1x1x4x8x128xf32, #tpu.memory_space<vmem>> -> memref<4x8x128xf32, #tpu.memory_space<vmem>>
          %dma_start3A_942 = arith.constant 0 : i32
          %dma_start3A_943 = arith.constant 0 : i32
          %dma_start3A_944 = tpu.memref_slice %arg4[%dma_start3A_942, %dma_start3A_943, %multiple_of3A_814] : memref<4x8x1000000xf32, #tpu.memory_space<hbm>> -> memref<4x8x128xf32, #tpu.memory_space<hbm>>
          tpu.enqueue_dma source(%dma_start3A_944 : memref<4x8x128xf32, #tpu.memory_space<hbm>>) target(%dma_start3A_941 : memref<4x8x128xf32, #tpu.memory_space<vmem>>) target_semaphore(%arg13 : memref<!tpu.dma_semaphore, #tpu.memory_space<semaphore_mem>>)
        } else {
        }
        %slice3A_829 = vector.extract_strided_slice %get3A_768 {offsets = [1], sizes = [1], strides = [1]} : vector<16xi32> to vector<1xi32>
        %squeeze3A_830 = vector.extract %slice3A_829[0] : i32 from vector<1xi32>
        %and3A_831 = arith.constant 127 : i32
        %and3A_832 = arith.andi %squeeze3A_830, %and3A_831 : i32
        %sub3A_833 = arith.subi %squeeze3A_830, %and3A_832 : i32
        %multiple_of3A_834 = tpu.assume_multiple %sub3A_833, 128 : i32
        %and3A_835 = arith.constant 127 : i32
        %and3A_836 = arith.andi %squeeze3A_830, %and3A_835 : i32
        %shift_right_logical3A_837 = arith.constant 6 : i32
        %shift_right_logical3A_838 = arith.shrui %and3A_836, %shift_right_logical3A_837 : i32
        %eq3A_839 = arith.constant 0 : i32
        %eq3A_840 = arith.cmpi eq, %shift_right_logical3A_838, %eq3A_839 : i32
        %convert_element_type3A_841 = arith.extui %eq3A_840 : i1 to i32
        %cond3A_842 = arith.constant 0 : i32
        %cond3A_843 = arith.cmpi ne, %convert_element_type3A_841, %cond3A_842 : i32
        scf.if %cond3A_843 {
          %dma_start3A = arith.constant 1 : i32
          %dma_start3A_929 = arith.constant 0 : i32
          %dma_start3A_930 = arith.constant 0 : i32
          %dma_start3A_931 = arith.constant 0 : i32
          %dma_start3A_932 = tpu.memref_slice %arg10[%sub3A_759, %dma_start3A, %dma_start3A_929, %dma_start3A_930, %dma_start3A_931] : memref<3x4x4x8x128xf32, #tpu.memory_space<vmem>> -> memref<1x1x4x8x64xf32, #tpu.memory_space<vmem>>
          %dma_start3A_933 = tpu.memref_squeeze %dma_start3A_932 : memref<1x1x4x8x64xf32, #tpu.memory_space<vmem>> -> memref<4x8x64xf32, #tpu.memory_space<vmem>>
          %dma_start3A_934 = arith.constant 0 : i32
          %dma_start3A_935 = arith.constant 0 : i32
          %dma_start3A_936 = tpu.memref_slice %arg5[%dma_start3A_934, %dma_start3A_935, %multiple_of3A_834] : memref<4x8x1000000xf32, #tpu.memory_space<hbm>> -> memref<4x8x64xf32, #tpu.memory_space<hbm>>
          %dma_start3A_937 = arith.constant 0 : i32
          %dma_start3A_938 = arith.constant 0 : i32
          %dma_start3A_939 = arith.constant 0 : i32
          %dma_start3A_940 = tpu.memref_slice %arg10[%sub3A_759, %dma_start3A, %dma_start3A_937, %dma_start3A_938, %dma_start3A_939] : memref<3x4x4x8x128xf32, #tpu.memory_space<vmem>> -> memref<1x1x4x8x64xf32, #tpu.memory_space<vmem>>
          %dma_start3A_941 = tpu.memref_squeeze %dma_start3A_940 : memref<1x1x4x8x64xf32, #tpu.memory_space<vmem>> -> memref<4x8x64xf32, #tpu.memory_space<vmem>>
          %dma_start3A_942 = arith.constant 0 : i32
          %dma_start3A_943 = arith.constant 0 : i32
          %dma_start3A_944 = tpu.memref_slice %arg5[%dma_start3A_942, %dma_start3A_943, %multiple_of3A_834] : memref<4x8x1000000xf32, #tpu.memory_space<hbm>> -> memref<4x8x64xf32, #tpu.memory_space<hbm>>
          tpu.enqueue_dma source(%dma_start3A_944 : memref<4x8x64xf32, #tpu.memory_space<hbm>>) target(%dma_start3A_941 : memref<4x8x64xf32, #tpu.memory_space<vmem>>) target_semaphore(%arg13 : memref<!tpu.dma_semaphore, #tpu.memory_space<semaphore_mem>>)
        } else {
        }
        %eq3A_844 = arith.constant 1 : i32
        %eq3A_845 = arith.cmpi eq, %shift_right_logical3A_838, %eq3A_844 : i32
        %convert_element_type3A_846 = arith.extui %eq3A_845 : i1 to i32
        %cond3A_847 = arith.constant 0 : i32
        %cond3A_848 = arith.cmpi ne, %convert_element_type3A_846, %cond3A_847 : i32
        scf.if %cond3A_848 {
          %dma_start3A = arith.constant 1 : i32
          %dma_start3A_929 = arith.constant 0 : i32
          %dma_start3A_930 = arith.constant 0 : i32
          %dma_start3A_931 = arith.constant 0 : i32
          %dma_start3A_932 = tpu.memref_slice %arg10[%sub3A_759, %dma_start3A, %dma_start3A_929, %dma_start3A_930, %dma_start3A_931] : memref<3x4x4x8x128xf32, #tpu.memory_space<vmem>> -> memref<1x1x4x8x128xf32, #tpu.memory_space<vmem>>
          %dma_start3A_933 = tpu.memref_squeeze %dma_start3A_932 : memref<1x1x4x8x128xf32, #tpu.memory_space<vmem>> -> memref<4x8x128xf32, #tpu.memory_space<vmem>>
          %dma_start3A_934 = arith.constant 0 : i32
          %dma_start3A_935 = arith.constant 0 : i32
          %dma_start3A_936 = tpu.memref_slice %arg5[%dma_start3A_934, %dma_start3A_935, %multiple_of3A_834] : memref<4x8x1000000xf32, #tpu.memory_space<hbm>> -> memref<4x8x128xf32, #tpu.memory_space<hbm>>
          %dma_start3A_937 = arith.constant 0 : i32
          %dma_start3A_938 = arith.constant 0 : i32
          %dma_start3A_939 = arith.constant 0 : i32
          %dma_start3A_940 = tpu.memref_slice %arg10[%sub3A_759, %dma_start3A, %dma_start3A_937, %dma_start3A_938, %dma_start3A_939] : memref<3x4x4x8x128xf32, #tpu.memory_space<vmem>> -> memref<1x1x4x8x128xf32, #tpu.memory_space<vmem>>
          %dma_start3A_941 = tpu.memref_squeeze %dma_start3A_940 : memref<1x1x4x8x128xf32, #tpu.memory_space<vmem>> -> memref<4x8x128xf32, #tpu.memory_space<vmem>>
          %dma_start3A_942 = arith.constant 0 : i32
          %dma_start3A_943 = arith.constant 0 : i32
          %dma_start3A_944 = tpu.memref_slice %arg5[%dma_start3A_942, %dma_start3A_943, %multiple_of3A_834] : memref<4x8x1000000xf32, #tpu.memory_space<hbm>> -> memref<4x8x128xf32, #tpu.memory_space<hbm>>
          tpu.enqueue_dma source(%dma_start3A_944 : memref<4x8x128xf32, #tpu.memory_space<hbm>>) target(%dma_start3A_941 : memref<4x8x128xf32, #tpu.memory_space<vmem>>) target_semaphore(%arg13 : memref<!tpu.dma_semaphore, #tpu.memory_space<semaphore_mem>>)
        } else {
        }
        %slice3A_849 = vector.extract_strided_slice %get3A_766 {offsets = [2], sizes = [1], strides = [1]} : vector<16xi32> to vector<1xi32>
        %squeeze3A_850 = vector.extract %slice3A_849[0] : i32 from vector<1xi32>
        %and3A_851 = arith.constant 127 : i32
        %and3A_852 = arith.andi %squeeze3A_850, %and3A_851 : i32
        %sub3A_853 = arith.subi %squeeze3A_850, %and3A_852 : i32
        %multiple_of3A_854 = tpu.assume_multiple %sub3A_853, 128 : i32
        %and3A_855 = arith.constant 127 : i32
        %and3A_856 = arith.andi %squeeze3A_850, %and3A_855 : i32
        %shift_right_logical3A_857 = arith.constant 6 : i32
        %shift_right_logical3A_858 = arith.shrui %and3A_856, %shift_right_logical3A_857 : i32
        %eq3A_859 = arith.constant 0 : i32
        %eq3A_860 = arith.cmpi eq, %shift_right_logical3A_858, %eq3A_859 : i32
        %convert_element_type3A_861 = arith.extui %eq3A_860 : i1 to i32
        %cond3A_862 = arith.constant 0 : i32
        %cond3A_863 = arith.cmpi ne, %convert_element_type3A_861, %cond3A_862 : i32
        scf.if %cond3A_863 {
          %dma_start3A = arith.constant 2 : i32
          %dma_start3A_929 = arith.constant 0 : i32
          %dma_start3A_930 = arith.constant 0 : i32
          %dma_start3A_931 = arith.constant 0 : i32
          %dma_start3A_932 = tpu.memref_slice %arg9[%sub3A_759, %dma_start3A, %dma_start3A_929, %dma_start3A_930, %dma_start3A_931] : memref<3x4x4x8x128xf32, #tpu.memory_space<vmem>> -> memref<1x1x4x8x64xf32, #tpu.memory_space<vmem>>
          %dma_start3A_933 = tpu.memref_squeeze %dma_start3A_932 : memref<1x1x4x8x64xf32, #tpu.memory_space<vmem>> -> memref<4x8x64xf32, #tpu.memory_space<vmem>>
          %dma_start3A_934 = arith.constant 0 : i32
          %dma_start3A_935 = arith.constant 0 : i32
          %dma_start3A_936 = tpu.memref_slice %arg4[%dma_start3A_934, %dma_start3A_935, %multiple_of3A_854] : memref<4x8x1000000xf32, #tpu.memory_space<hbm>> -> memref<4x8x64xf32, #tpu.memory_space<hbm>>
          %dma_start3A_937 = arith.constant 0 : i32
          %dma_start3A_938 = arith.constant 0 : i32
          %dma_start3A_939 = arith.constant 0 : i32
          %dma_start3A_940 = tpu.memref_slice %arg9[%sub3A_759, %dma_start3A, %dma_start3A_937, %dma_start3A_938, %dma_start3A_939] : memref<3x4x4x8x128xf32, #tpu.memory_space<vmem>> -> memref<1x1x4x8x64xf32, #tpu.memory_space<vmem>>
          %dma_start3A_941 = tpu.memref_squeeze %dma_start3A_940 : memref<1x1x4x8x64xf32, #tpu.memory_space<vmem>> -> memref<4x8x64xf32, #tpu.memory_space<vmem>>
          %dma_start3A_942 = arith.constant 0 : i32
          %dma_start3A_943 = arith.constant 0 : i32
          %dma_start3A_944 = tpu.memref_slice %arg4[%dma_start3A_942, %dma_start3A_943, %multiple_of3A_854] : memref<4x8x1000000xf32, #tpu.memory_space<hbm>> -> memref<4x8x64xf32, #tpu.memory_space<hbm>>
          tpu.enqueue_dma source(%dma_start3A_944 : memref<4x8x64xf32, #tpu.memory_space<hbm>>) target(%dma_start3A_941 : memref<4x8x64xf32, #tpu.memory_space<vmem>>) target_semaphore(%arg13 : memref<!tpu.dma_semaphore, #tpu.memory_space<semaphore_mem>>)
        } else {
        }
        %eq3A_864 = arith.constant 1 : i32
        %eq3A_865 = arith.cmpi eq, %shift_right_logical3A_858, %eq3A_864 : i32
        %convert_element_type3A_866 = arith.extui %eq3A_865 : i1 to i32
        %cond3A_867 = arith.constant 0 : i32
        %cond3A_868 = arith.cmpi ne, %convert_element_type3A_866, %cond3A_867 : i32
        scf.if %cond3A_868 {
          %dma_start3A = arith.constant 2 : i32
          %dma_start3A_929 = arith.constant 0 : i32
          %dma_start3A_930 = arith.constant 0 : i32
          %dma_start3A_931 = arith.constant 0 : i32
          %dma_start3A_932 = tpu.memref_slice %arg9[%sub3A_759, %dma_start3A, %dma_start3A_929, %dma_start3A_930, %dma_start3A_931] : memref<3x4x4x8x128xf32, #tpu.memory_space<vmem>> -> memref<1x1x4x8x128xf32, #tpu.memory_space<vmem>>
          %dma_start3A_933 = tpu.memref_squeeze %dma_start3A_932 : memref<1x1x4x8x128xf32, #tpu.memory_space<vmem>> -> memref<4x8x128xf32, #tpu.memory_space<vmem>>
          %dma_start3A_934 = arith.constant 0 : i32
          %dma_start3A_935 = arith.constant 0 : i32
          %dma_start3A_936 = tpu.memref_slice %arg4[%dma_start3A_934, %dma_start3A_935, %multiple_of3A_854] : memref<4x8x1000000xf32, #tpu.memory_space<hbm>> -> memref<4x8x128xf32, #tpu.memory_space<hbm>>
          %dma_start3A_937 = arith.constant 0 : i32
          %dma_start3A_938 = arith.constant 0 : i32
          %dma_start3A_939 = arith.constant 0 : i32
          %dma_start3A_940 = tpu.memref_slice %arg9[%sub3A_759, %dma_start3A, %dma_start3A_937, %dma_start3A_938, %dma_start3A_939] : memref<3x4x4x8x128xf32, #tpu.memory_space<vmem>> -> memref<1x1x4x8x128xf32, #tpu.memory_space<vmem>>
          %dma_start3A_941 = tpu.memref_squeeze %dma_start3A_940 : memref<1x1x4x8x128xf32, #tpu.memory_space<vmem>> -> memref<4x8x128xf32, #tpu.memory_space<vmem>>
          %dma_start3A_942 = arith.constant 0 : i32
          %dma_start3A_943 = arith.constant 0 : i32
          %dma_start3A_944 = tpu.memref_slice %arg4[%dma_start3A_942, %dma_start3A_943, %multiple_of3A_854] : memref<4x8x1000000xf32, #tpu.memory_space<hbm>> -> memref<4x8x128xf32, #tpu.memory_space<hbm>>
          tpu.enqueue_dma source(%dma_start3A_944 : memref<4x8x128xf32, #tpu.memory_space<hbm>>) target(%dma_start3A_941 : memref<4x8x128xf32, #tpu.memory_space<vmem>>) target_semaphore(%arg13 : memref<!tpu.dma_semaphore, #tpu.memory_space<semaphore_mem>>)
        } else {
        }
        %slice3A_869 = vector.extract_strided_slice %get3A_768 {offsets = [2], sizes = [1], strides = [1]} : vector<16xi32> to vector<1xi32>
        %squeeze3A_870 = vector.extract %slice3A_869[0] : i32 from vector<1xi32>
        %and3A_871 = arith.constant 127 : i32
        %and3A_872 = arith.andi %squeeze3A_870, %and3A_871 : i32
        %sub3A_873 = arith.subi %squeeze3A_870, %and3A_872 : i32
        %multiple_of3A_874 = tpu.assume_multiple %sub3A_873, 128 : i32
        %and3A_875 = arith.constant 127 : i32
        %and3A_876 = arith.andi %squeeze3A_870, %and3A_875 : i32
        %shift_right_logical3A_877 = arith.constant 6 : i32
        %shift_right_logical3A_878 = arith.shrui %and3A_876, %shift_right_logical3A_877 : i32
        %eq3A_879 = arith.constant 0 : i32
        %eq3A_880 = arith.cmpi eq, %shift_right_logical3A_878, %eq3A_879 : i32
        %convert_element_type3A_881 = arith.extui %eq3A_880 : i1 to i32
        %cond3A_882 = arith.constant 0 : i32
        %cond3A_883 = arith.cmpi ne, %convert_element_type3A_881, %cond3A_882 : i32
        scf.if %cond3A_883 {
          %dma_start3A = arith.constant 2 : i32
          %dma_start3A_929 = arith.constant 0 : i32
          %dma_start3A_930 = arith.constant 0 : i32
          %dma_start3A_931 = arith.constant 0 : i32
          %dma_start3A_932 = tpu.memref_slice %arg10[%sub3A_759, %dma_start3A, %dma_start3A_929, %dma_start3A_930, %dma_start3A_931] : memref<3x4x4x8x128xf32, #tpu.memory_space<vmem>> -> memref<1x1x4x8x64xf32, #tpu.memory_space<vmem>>
          %dma_start3A_933 = tpu.memref_squeeze %dma_start3A_932 : memref<1x1x4x8x64xf32, #tpu.memory_space<vmem>> -> memref<4x8x64xf32, #tpu.memory_space<vmem>>
          %dma_start3A_934 = arith.constant 0 : i32
          %dma_start3A_935 = arith.constant 0 : i32
          %dma_start3A_936 = tpu.memref_slice %arg5[%dma_start3A_934, %dma_start3A_935, %multiple_of3A_874] : memref<4x8x1000000xf32, #tpu.memory_space<hbm>> -> memref<4x8x64xf32, #tpu.memory_space<hbm>>
          %dma_start3A_937 = arith.constant 0 : i32
          %dma_start3A_938 = arith.constant 0 : i32
          %dma_start3A_939 = arith.constant 0 : i32
          %dma_start3A_940 = tpu.memref_slice %arg10[%sub3A_759, %dma_start3A, %dma_start3A_937, %dma_start3A_938, %dma_start3A_939] : memref<3x4x4x8x128xf32, #tpu.memory_space<vmem>> -> memref<1x1x4x8x64xf32, #tpu.memory_space<vmem>>
          %dma_start3A_941 = tpu.memref_squeeze %dma_start3A_940 : memref<1x1x4x8x64xf32, #tpu.memory_space<vmem>> -> memref<4x8x64xf32, #tpu.memory_space<vmem>>
          %dma_start3A_942 = arith.constant 0 : i32
          %dma_start3A_943 = arith.constant 0 : i32
          %dma_start3A_944 = tpu.memref_slice %arg5[%dma_start3A_942, %dma_start3A_943, %multiple_of3A_874] : memref<4x8x1000000xf32, #tpu.memory_space<hbm>> -> memref<4x8x64xf32, #tpu.memory_space<hbm>>
          tpu.enqueue_dma source(%dma_start3A_944 : memref<4x8x64xf32, #tpu.memory_space<hbm>>) target(%dma_start3A_941 : memref<4x8x64xf32, #tpu.memory_space<vmem>>) target_semaphore(%arg13 : memref<!tpu.dma_semaphore, #tpu.memory_space<semaphore_mem>>)
        } else {
        }
        %eq3A_884 = arith.constant 1 : i32
        %eq3A_885 = arith.cmpi eq, %shift_right_logical3A_878, %eq3A_884 : i32
        %convert_element_type3A_886 = arith.extui %eq3A_885 : i1 to i32
        %cond3A_887 = arith.constant 0 : i32
        %cond3A_888 = arith.cmpi ne, %convert_element_type3A_886, %cond3A_887 : i32
        scf.if %cond3A_888 {
          %dma_start3A = arith.constant 2 : i32
          %dma_start3A_929 = arith.constant 0 : i32
          %dma_start3A_930 = arith.constant 0 : i32
          %dma_start3A_931 = arith.constant 0 : i32
          %dma_start3A_932 = tpu.memref_slice %arg10[%sub3A_759, %dma_start3A, %dma_start3A_929, %dma_start3A_930, %dma_start3A_931] : memref<3x4x4x8x128xf32, #tpu.memory_space<vmem>> -> memref<1x1x4x8x128xf32, #tpu.memory_space<vmem>>
          %dma_start3A_933 = tpu.memref_squeeze %dma_start3A_932 : memref<1x1x4x8x128xf32, #tpu.memory_space<vmem>> -> memref<4x8x128xf32, #tpu.memory_space<vmem>>
          %dma_start3A_934 = arith.constant 0 : i32
          %dma_start3A_935 = arith.constant 0 : i32
          %dma_start3A_936 = tpu.memref_slice %arg5[%dma_start3A_934, %dma_start3A_935, %multiple_of3A_874] : memref<4x8x1000000xf32, #tpu.memory_space<hbm>> -> memref<4x8x128xf32, #tpu.memory_space<hbm>>
          %dma_start3A_937 = arith.constant 0 : i32
          %dma_start3A_938 = arith.constant 0 : i32
          %dma_start3A_939 = arith.constant 0 : i32
          %dma_start3A_940 = tpu.memref_slice %arg10[%sub3A_759, %dma_start3A, %dma_start3A_937, %dma_start3A_938, %dma_start3A_939] : memref<3x4x4x8x128xf32, #tpu.memory_space<vmem>> -> memref<1x1x4x8x128xf32, #tpu.memory_space<vmem>>
          %dma_start3A_941 = tpu.memref_squeeze %dma_start3A_940 : memref<1x1x4x8x128xf32, #tpu.memory_space<vmem>> -> memref<4x8x128xf32, #tpu.memory_space<vmem>>
          %dma_start3A_942 = arith.constant 0 : i32
          %dma_start3A_943 = arith.constant 0 : i32
          %dma_start3A_944 = tpu.memref_slice %arg5[%dma_start3A_942, %dma_start3A_943, %multiple_of3A_874] : memref<4x8x1000000xf32, #tpu.memory_space<hbm>> -> memref<4x8x128xf32, #tpu.memory_space<hbm>>
          tpu.enqueue_dma source(%dma_start3A_944 : memref<4x8x128xf32, #tpu.memory_space<hbm>>) target(%dma_start3A_941 : memref<4x8x128xf32, #tpu.memory_space<vmem>>) target_semaphore(%arg13 : memref<!tpu.dma_semaphore, #tpu.memory_space<semaphore_mem>>)
        } else {
        }
        %slice3A_889 = vector.extract_strided_slice %get3A_766 {offsets = [3], sizes = [1], strides = [1]} : vector<16xi32> to vector<1xi32>
        %squeeze3A_890 = vector.extract %slice3A_889[0] : i32 from vector<1xi32>
        %and3A_891 = arith.constant 127 : i32
        %and3A_892 = arith.andi %squeeze3A_890, %and3A_891 : i32
        %sub3A_893 = arith.subi %squeeze3A_890, %and3A_892 : i32
        %multiple_of3A_894 = tpu.assume_multiple %sub3A_893, 128 : i32
        %and3A_895 = arith.constant 127 : i32
        %and3A_896 = arith.andi %squeeze3A_890, %and3A_895 : i32
        %shift_right_logical3A_897 = arith.constant 6 : i32
        %shift_right_logical3A_898 = arith.shrui %and3A_896, %shift_right_logical3A_897 : i32
        %eq3A_899 = arith.constant 0 : i32
        %eq3A_900 = arith.cmpi eq, %shift_right_logical3A_898, %eq3A_899 : i32
        %convert_element_type3A_901 = arith.extui %eq3A_900 : i1 to i32
        %cond3A_902 = arith.constant 0 : i32
        %cond3A_903 = arith.cmpi ne, %convert_element_type3A_901, %cond3A_902 : i32
        scf.if %cond3A_903 {
          %dma_start3A = arith.constant 3 : i32
          %dma_start3A_929 = arith.constant 0 : i32
          %dma_start3A_930 = arith.constant 0 : i32
          %dma_start3A_931 = arith.constant 0 : i32
          %dma_start3A_932 = tpu.memref_slice %arg9[%sub3A_759, %dma_start3A, %dma_start3A_929, %dma_start3A_930, %dma_start3A_931] : memref<3x4x4x8x128xf32, #tpu.memory_space<vmem>> -> memref<1x1x4x8x64xf32, #tpu.memory_space<vmem>>
          %dma_start3A_933 = tpu.memref_squeeze %dma_start3A_932 : memref<1x1x4x8x64xf32, #tpu.memory_space<vmem>> -> memref<4x8x64xf32, #tpu.memory_space<vmem>>
          %dma_start3A_934 = arith.constant 0 : i32
          %dma_start3A_935 = arith.constant 0 : i32
          %dma_start3A_936 = tpu.memref_slice %arg4[%dma_start3A_934, %dma_start3A_935, %multiple_of3A_894] : memref<4x8x1000000xf32, #tpu.memory_space<hbm>> -> memref<4x8x64xf32, #tpu.memory_space<hbm>>
          %dma_start3A_937 = arith.constant 0 : i32
          %dma_start3A_938 = arith.constant 0 : i32
          %dma_start3A_939 = arith.constant 0 : i32
          %dma_start3A_940 = tpu.memref_slice %arg9[%sub3A_759, %dma_start3A, %dma_start3A_937, %dma_start3A_938, %dma_start3A_939] : memref<3x4x4x8x128xf32, #tpu.memory_space<vmem>> -> memref<1x1x4x8x64xf32, #tpu.memory_space<vmem>>
          %dma_start3A_941 = tpu.memref_squeeze %dma_start3A_940 : memref<1x1x4x8x64xf32, #tpu.memory_space<vmem>> -> memref<4x8x64xf32, #tpu.memory_space<vmem>>
          %dma_start3A_942 = arith.constant 0 : i32
          %dma_start3A_943 = arith.constant 0 : i32
          %dma_start3A_944 = tpu.memref_slice %arg4[%dma_start3A_942, %dma_start3A_943, %multiple_of3A_894] : memref<4x8x1000000xf32, #tpu.memory_space<hbm>> -> memref<4x8x64xf32, #tpu.memory_space<hbm>>
          tpu.enqueue_dma source(%dma_start3A_944 : memref<4x8x64xf32, #tpu.memory_space<hbm>>) target(%dma_start3A_941 : memref<4x8x64xf32, #tpu.memory_space<vmem>>) target_semaphore(%arg13 : memref<!tpu.dma_semaphore, #tpu.memory_space<semaphore_mem>>)
        } else {
        }
        %eq3A_904 = arith.constant 1 : i32
        %eq3A_905 = arith.cmpi eq, %shift_right_logical3A_898, %eq3A_904 : i32
        %convert_element_type3A_906 = arith.extui %eq3A_905 : i1 to i32
        %cond3A_907 = arith.constant 0 : i32
        %cond3A_908 = arith.cmpi ne, %convert_element_type3A_906, %cond3A_907 : i32
        scf.if %cond3A_908 {
          %dma_start3A = arith.constant 3 : i32
          %dma_start3A_929 = arith.constant 0 : i32
          %dma_start3A_930 = arith.constant 0 : i32
          %dma_start3A_931 = arith.constant 0 : i32
          %dma_start3A_932 = tpu.memref_slice %arg9[%sub3A_759, %dma_start3A, %dma_start3A_929, %dma_start3A_930, %dma_start3A_931] : memref<3x4x4x8x128xf32, #tpu.memory_space<vmem>> -> memref<1x1x4x8x128xf32, #tpu.memory_space<vmem>>
          %dma_start3A_933 = tpu.memref_squeeze %dma_start3A_932 : memref<1x1x4x8x128xf32, #tpu.memory_space<vmem>> -> memref<4x8x128xf32, #tpu.memory_space<vmem>>
          %dma_start3A_934 = arith.constant 0 : i32
          %dma_start3A_935 = arith.constant 0 : i32
          %dma_start3A_936 = tpu.memref_slice %arg4[%dma_start3A_934, %dma_start3A_935, %multiple_of3A_894] : memref<4x8x1000000xf32, #tpu.memory_space<hbm>> -> memref<4x8x128xf32, #tpu.memory_space<hbm>>
          %dma_start3A_937 = arith.constant 0 : i32
          %dma_start3A_938 = arith.constant 0 : i32
          %dma_start3A_939 = arith.constant 0 : i32
          %dma_start3A_940 = tpu.memref_slice %arg9[%sub3A_759, %dma_start3A, %dma_start3A_937, %dma_start3A_938, %dma_start3A_939] : memref<3x4x4x8x128xf32, #tpu.memory_space<vmem>> -> memref<1x1x4x8x128xf32, #tpu.memory_space<vmem>>
          %dma_start3A_941 = tpu.memref_squeeze %dma_start3A_940 : memref<1x1x4x8x128xf32, #tpu.memory_space<vmem>> -> memref<4x8x128xf32, #tpu.memory_space<vmem>>
          %dma_start3A_942 = arith.constant 0 : i32
          %dma_start3A_943 = arith.constant 0 : i32
          %dma_start3A_944 = tpu.memref_slice %arg4[%dma_start3A_942, %dma_start3A_943, %multiple_of3A_894] : memref<4x8x1000000xf32, #tpu.memory_space<hbm>> -> memref<4x8x128xf32, #tpu.memory_space<hbm>>
          tpu.enqueue_dma source(%dma_start3A_944 : memref<4x8x128xf32, #tpu.memory_space<hbm>>) target(%dma_start3A_941 : memref<4x8x128xf32, #tpu.memory_space<vmem>>) target_semaphore(%arg13 : memref<!tpu.dma_semaphore, #tpu.memory_space<semaphore_mem>>)
        } else {
        }
        %slice3A_909 = vector.extract_strided_slice %get3A_768 {offsets = [3], sizes = [1], strides = [1]} : vector<16xi32> to vector<1xi32>
        %squeeze3A_910 = vector.extract %slice3A_909[0] : i32 from vector<1xi32>
        %and3A_911 = arith.constant 127 : i32
        %and3A_912 = arith.andi %squeeze3A_910, %and3A_911 : i32
        %sub3A_913 = arith.subi %squeeze3A_910, %and3A_912 : i32
        %multiple_of3A_914 = tpu.assume_multiple %sub3A_913, 128 : i32
        %and3A_915 = arith.constant 127 : i32
        %and3A_916 = arith.andi %squeeze3A_910, %and3A_915 : i32
        %shift_right_logical3A_917 = arith.constant 6 : i32
        %shift_right_logical3A_918 = arith.shrui %and3A_916, %shift_right_logical3A_917 : i32
        %eq3A_919 = arith.constant 0 : i32
        %eq3A_920 = arith.cmpi eq, %shift_right_logical3A_918, %eq3A_919 : i32
        %convert_element_type3A_921 = arith.extui %eq3A_920 : i1 to i32
        %cond3A_922 = arith.constant 0 : i32
        %cond3A_923 = arith.cmpi ne, %convert_element_type3A_921, %cond3A_922 : i32
        scf.if %cond3A_923 {
          %dma_start3A = arith.constant 3 : i32
          %dma_start3A_929 = arith.constant 0 : i32
          %dma_start3A_930 = arith.constant 0 : i32
          %dma_start3A_931 = arith.constant 0 : i32
          %dma_start3A_932 = tpu.memref_slice %arg10[%sub3A_759, %dma_start3A, %dma_start3A_929, %dma_start3A_930, %dma_start3A_931] : memref<3x4x4x8x128xf32, #tpu.memory_space<vmem>> -> memref<1x1x4x8x64xf32, #tpu.memory_space<vmem>>
          %dma_start3A_933 = tpu.memref_squeeze %dma_start3A_932 : memref<1x1x4x8x64xf32, #tpu.memory_space<vmem>> -> memref<4x8x64xf32, #tpu.memory_space<vmem>>
          %dma_start3A_934 = arith.constant 0 : i32
          %dma_start3A_935 = arith.constant 0 : i32
          %dma_start3A_936 = tpu.memref_slice %arg5[%dma_start3A_934, %dma_start3A_935, %multiple_of3A_914] : memref<4x8x1000000xf32, #tpu.memory_space<hbm>> -> memref<4x8x64xf32, #tpu.memory_space<hbm>>
          %dma_start3A_937 = arith.constant 0 : i32
          %dma_start3A_938 = arith.constant 0 : i32
          %dma_start3A_939 = arith.constant 0 : i32
          %dma_start3A_940 = tpu.memref_slice %arg10[%sub3A_759, %dma_start3A, %dma_start3A_937, %dma_start3A_938, %dma_start3A_939] : memref<3x4x4x8x128xf32, #tpu.memory_space<vmem>> -> memref<1x1x4x8x64xf32, #tpu.memory_space<vmem>>
          %dma_start3A_941 = tpu.memref_squeeze %dma_start3A_940 : memref<1x1x4x8x64xf32, #tpu.memory_space<vmem>> -> memref<4x8x64xf32, #tpu.memory_space<vmem>>
          %dma_start3A_942 = arith.constant 0 : i32
          %dma_start3A_943 = arith.constant 0 : i32
          %dma_start3A_944 = tpu.memref_slice %arg5[%dma_start3A_942, %dma_start3A_943, %multiple_of3A_914] : memref<4x8x1000000xf32, #tpu.memory_space<hbm>> -> memref<4x8x64xf32, #tpu.memory_space<hbm>>
          tpu.enqueue_dma source(%dma_start3A_944 : memref<4x8x64xf32, #tpu.memory_space<hbm>>) target(%dma_start3A_941 : memref<4x8x64xf32, #tpu.memory_space<vmem>>) target_semaphore(%arg13 : memref<!tpu.dma_semaphore, #tpu.memory_space<semaphore_mem>>)
        } else {
        }
        %eq3A_924 = arith.constant 1 : i32
        %eq3A_925 = arith.cmpi eq, %shift_right_logical3A_918, %eq3A_924 : i32
        %convert_element_type3A_926 = arith.extui %eq3A_925 : i1 to i32
        %cond3A_927 = arith.constant 0 : i32
        %cond3A_928 = arith.cmpi ne, %convert_element_type3A_926, %cond3A_927 : i32
        scf.if %cond3A_928 {
          %dma_start3A = arith.constant 3 : i32
          %dma_start3A_929 = arith.constant 0 : i32
          %dma_start3A_930 = arith.constant 0 : i32
          %dma_start3A_931 = arith.constant 0 : i32
          %dma_start3A_932 = tpu.memref_slice %arg10[%sub3A_759, %dma_start3A, %dma_start3A_929, %dma_start3A_930, %dma_start3A_931] : memref<3x4x4x8x128xf32, #tpu.memory_space<vmem>> -> memref<1x1x4x8x128xf32, #tpu.memory_space<vmem>>
          %dma_start3A_933 = tpu.memref_squeeze %dma_start3A_932 : memref<1x1x4x8x128xf32, #tpu.memory_space<vmem>> -> memref<4x8x128xf32, #tpu.memory_space<vmem>>
          %dma_start3A_934 = arith.constant 0 : i32
          %dma_start3A_935 = arith.constant 0 : i32
          %dma_start3A_936 = tpu.memref_slice %arg5[%dma_start3A_934, %dma_start3A_935, %multiple_of3A_914] : memref<4x8x1000000xf32, #tpu.memory_space<hbm>> -> memref<4x8x128xf32, #tpu.memory_space<hbm>>
          %dma_start3A_937 = arith.constant 0 : i32
          %dma_start3A_938 = arith.constant 0 : i32
          %dma_start3A_939 = arith.constant 0 : i32
          %dma_start3A_940 = tpu.memref_slice %arg10[%sub3A_759, %dma_start3A, %dma_start3A_937, %dma_start3A_938, %dma_start3A_939] : memref<3x4x4x8x128xf32, #tpu.memory_space<vmem>> -> memref<1x1x4x8x128xf32, #tpu.memory_space<vmem>>
          %dma_start3A_941 = tpu.memref_squeeze %dma_start3A_940 : memref<1x1x4x8x128xf32, #tpu.memory_space<vmem>> -> memref<4x8x128xf32, #tpu.memory_space<vmem>>
          %dma_start3A_942 = arith.constant 0 : i32
          %dma_start3A_943 = arith.constant 0 : i32
          %dma_start3A_944 = tpu.memref_slice %arg5[%dma_start3A_942, %dma_start3A_943, %multiple_of3A_914] : memref<4x8x1000000xf32, #tpu.memory_space<hbm>> -> memref<4x8x128xf32, #tpu.memory_space<hbm>>
          tpu.enqueue_dma source(%dma_start3A_944 : memref<4x8x128xf32, #tpu.memory_space<hbm>>) target(%dma_start3A_941 : memref<4x8x128xf32, #tpu.memory_space<vmem>>) target_semaphore(%arg13 : memref<!tpu.dma_semaphore, #tpu.memory_space<semaphore_mem>>)
        } else {
        }
      } else {
      }
      %mul3A_350 = arith.constant 2 : i32
      %mul3A_351 = arith.muli %scan3A_342, %mul3A_350 : i32
      %mul3A_352 = arith.constant 4 : i32
      %mul3A_353 = arith.muli %mul3A_351, %mul3A_352 : i32
      %multiple_of3A_354 = tpu.assume_multiple %mul3A_353, 8 : i32
      %get3A_355 = arith.index_cast %multiple_of3A_354 : i32 to index
      %get3A_356 = tpu.vector_load %arg7[%get3A_355] {strides = array<i32>} : memref<1032xi32, #tpu.memory_space<vmem>>, vector<16xi32>,
      %get3A_357 = arith.index_cast %multiple_of3A_354 : i32 to index
      %get3A_358 = tpu.vector_load %arg8[%get3A_357] {strides = array<i32>} : memref<1032xi32, #tpu.memory_space<vmem>>, vector<16xi32>,
      %slice3A_359 = vector.extract_strided_slice %get3A_356 {offsets = [0], sizes = [1], strides = [1]} : vector<16xi32> to vector<1xi32>
      %squeeze3A_360 = vector.extract %slice3A_359[0] : i32 from vector<1xi32>
      %and3A_361 = arith.constant 127 : i32
      %and3A_362 = arith.andi %squeeze3A_360, %and3A_361 : i32
      %shift_right_logical3A_363 = arith.constant 6 : i32
      %shift_right_logical3A_364 = arith.shrui %and3A_362, %shift_right_logical3A_363 : i32
      %eq3A_365 = arith.constant 0 : i32
      %eq3A_366 = arith.cmpi eq, %shift_right_logical3A_364, %eq3A_365 : i32
      %convert_element_type3A_367 = arith.extui %eq3A_366 : i1 to i32
      %cond3A_368 = arith.constant 0 : i32
      %cond3A_369 = arith.cmpi ne, %convert_element_type3A_367, %cond3A_368 : i32
      scf.if %cond3A_369 {
        %dma_wait3A = arith.constant 0 : i32
        %dma_wait3A_731 = arith.constant 0 : i32
        %dma_wait3A_732 = arith.constant 0 : i32
        %dma_wait3A_733 = arith.constant 0 : i32
        %dma_wait3A_734 = arith.constant 0 : i32
        %dma_wait3A_735 = tpu.memref_slice %arg9[%dma_wait3A, %dma_wait3A_731, %dma_wait3A_732, %dma_wait3A_733, %dma_wait3A_734] : memref<3x4x4x8x128xf32, #tpu.memory_space<vmem>> -> memref<1x1x4x8x64xf32, #tpu.memory_space<vmem>>
        %dma_wait3A_736 = tpu.memref_squeeze %dma_wait3A_735 : memref<1x1x4x8x64xf32, #tpu.memory_space<vmem>> -> memref<4x8x64xf32, #tpu.memory_space<vmem>>
        %dma_wait3A_737 = arith.constant 0 : i32
        %dma_wait3A_738 = arith.constant 0 : i32
        %dma_wait3A_739 = arith.constant 0 : i32
        %dma_wait3A_740 = tpu.memref_slice %arg4[%dma_wait3A_737, %dma_wait3A_738, %dma_wait3A_739] : memref<4x8x1000000xf32, #tpu.memory_space<hbm>> -> memref<4x8x64xf32, #tpu.memory_space<hbm>>
        %dma_wait3A_741 = arith.constant 0 : i32
        %dma_wait3A_742 = arith.constant 0 : i32
        %dma_wait3A_743 = arith.constant 0 : i32
        %dma_wait3A_744 = tpu.memref_slice %arg9[%dma_wait3A, %dma_wait3A_731, %dma_wait3A_741, %dma_wait3A_742, %dma_wait3A_743] : memref<3x4x4x8x128xf32, #tpu.memory_space<vmem>> -> memref<1x1x4x8x64xf32, #tpu.memory_space<vmem>>
        %dma_wait3A_745 = tpu.memref_squeeze %dma_wait3A_744 : memref<1x1x4x8x64xf32, #tpu.memory_space<vmem>> -> memref<4x8x64xf32, #tpu.memory_space<vmem>>
        %dma_wait3A_746 = arith.constant 0 : i32
        %dma_wait3A_747 = arith.constant 0 : i32
        %dma_wait3A_748 = arith.constant 0 : i32
        %dma_wait3A_749 = tpu.memref_slice %arg4[%dma_wait3A_746, %dma_wait3A_747, %dma_wait3A_748] : memref<4x8x1000000xf32, #tpu.memory_space<hbm>> -> memref<4x8x64xf32, #tpu.memory_space<hbm>>
        tpu.wait_dma2 semaphore(%arg13 : memref<!tpu.dma_semaphore, #tpu.memory_space<semaphore_mem>>) src(%dma_wait3A_749 : memref<4x8x64xf32, #tpu.memory_space<hbm>>) dst(%dma_wait3A_745 : memref<4x8x64xf32, #tpu.memory_space<vmem>>)
      } else {
      }
      %eq3A_370 = arith.constant 1 : i32
      %eq3A_371 = arith.cmpi eq, %shift_right_logical3A_364, %eq3A_370 : i32
      %convert_element_type3A_372 = arith.extui %eq3A_371 : i1 to i32
      %cond3A_373 = arith.constant 0 : i32
      %cond3A_374 = arith.cmpi ne, %convert_element_type3A_372, %cond3A_373 : i32
      scf.if %cond3A_374 {
        %dma_wait3A = arith.constant 0 : i32
        %dma_wait3A_731 = arith.constant 0 : i32
        %dma_wait3A_732 = arith.constant 0 : i32
        %dma_wait3A_733 = arith.constant 0 : i32
        %dma_wait3A_734 = arith.constant 0 : i32
        %dma_wait3A_735 = tpu.memref_slice %arg9[%dma_wait3A, %dma_wait3A_731, %dma_wait3A_732, %dma_wait3A_733, %dma_wait3A_734] : memref<3x4x4x8x128xf32, #tpu.memory_space<vmem>> -> memref<1x1x4x8x128xf32, #tpu.memory_space<vmem>>
        %dma_wait3A_736 = tpu.memref_squeeze %dma_wait3A_735 : memref<1x1x4x8x128xf32, #tpu.memory_space<vmem>> -> memref<4x8x128xf32, #tpu.memory_space<vmem>>
        %dma_wait3A_737 = arith.constant 0 : i32
        %dma_wait3A_738 = arith.constant 0 : i32
        %dma_wait3A_739 = arith.constant 0 : i32
        %dma_wait3A_740 = tpu.memref_slice %arg4[%dma_wait3A_737, %dma_wait3A_738, %dma_wait3A_739] : memref<4x8x1000000xf32, #tpu.memory_space<hbm>> -> memref<4x8x128xf32, #tpu.memory_space<hbm>>
        %dma_wait3A_741 = arith.constant 0 : i32
        %dma_wait3A_742 = arith.constant 0 : i32
        %dma_wait3A_743 = arith.constant 0 : i32
        %dma_wait3A_744 = tpu.memref_slice %arg9[%dma_wait3A, %dma_wait3A_731, %dma_wait3A_741, %dma_wait3A_742, %dma_wait3A_743] : memref<3x4x4x8x128xf32, #tpu.memory_space<vmem>> -> memref<1x1x4x8x128xf32, #tpu.memory_space<vmem>>
        %dma_wait3A_745 = tpu.memref_squeeze %dma_wait3A_744 : memref<1x1x4x8x128xf32, #tpu.memory_space<vmem>> -> memref<4x8x128xf32, #tpu.memory_space<vmem>>
        %dma_wait3A_746 = arith.constant 0 : i32
        %dma_wait3A_747 = arith.constant 0 : i32
        %dma_wait3A_748 = arith.constant 0 : i32
        %dma_wait3A_749 = tpu.memref_slice %arg4[%dma_wait3A_746, %dma_wait3A_747, %dma_wait3A_748] : memref<4x8x1000000xf32, #tpu.memory_space<hbm>> -> memref<4x8x128xf32, #tpu.memory_space<hbm>>
        tpu.wait_dma2 semaphore(%arg13 : memref<!tpu.dma_semaphore, #tpu.memory_space<semaphore_mem>>) src(%dma_wait3A_749 : memref<4x8x128xf32, #tpu.memory_space<hbm>>) dst(%dma_wait3A_745 : memref<4x8x128xf32, #tpu.memory_space<vmem>>)
      } else {
      }
      %slice3A_375 = vector.extract_strided_slice %get3A_358 {offsets = [0], sizes = [1], strides = [1]} : vector<16xi32> to vector<1xi32>
      %squeeze3A_376 = vector.extract %slice3A_375[0] : i32 from vector<1xi32>
      %and3A_377 = arith.constant 127 : i32
      %and3A_378 = arith.andi %squeeze3A_376, %and3A_377 : i32
      %shift_right_logical3A_379 = arith.constant 6 : i32
      %shift_right_logical3A_380 = arith.shrui %and3A_378, %shift_right_logical3A_379 : i32
      %eq3A_381 = arith.constant 0 : i32
      %eq3A_382 = arith.cmpi eq, %shift_right_logical3A_380, %eq3A_381 : i32
      %convert_element_type3A_383 = arith.extui %eq3A_382 : i1 to i32
      %cond3A_384 = arith.constant 0 : i32
      %cond3A_385 = arith.cmpi ne, %convert_element_type3A_383, %cond3A_384 : i32
      scf.if %cond3A_385 {
        %dma_wait3A = arith.constant 0 : i32
        %dma_wait3A_731 = arith.constant 0 : i32
        %dma_wait3A_732 = arith.constant 0 : i32
        %dma_wait3A_733 = arith.constant 0 : i32
        %dma_wait3A_734 = arith.constant 0 : i32
        %dma_wait3A_735 = tpu.memref_slice %arg9[%dma_wait3A, %dma_wait3A_731, %dma_wait3A_732, %dma_wait3A_733, %dma_wait3A_734] : memref<3x4x4x8x128xf32, #tpu.memory_space<vmem>> -> memref<1x1x4x8x64xf32, #tpu.memory_space<vmem>>
        %dma_wait3A_736 = tpu.memref_squeeze %dma_wait3A_735 : memref<1x1x4x8x64xf32, #tpu.memory_space<vmem>> -> memref<4x8x64xf32, #tpu.memory_space<vmem>>
        %dma_wait3A_737 = arith.constant 0 : i32
        %dma_wait3A_738 = arith.constant 0 : i32
        %dma_wait3A_739 = arith.constant 0 : i32
        %dma_wait3A_740 = tpu.memref_slice %arg4[%dma_wait3A_737, %dma_wait3A_738, %dma_wait3A_739] : memref<4x8x1000000xf32, #tpu.memory_space<hbm>> -> memref<4x8x64xf32, #tpu.memory_space<hbm>>
        %dma_wait3A_741 = arith.constant 0 : i32
        %dma_wait3A_742 = arith.constant 0 : i32
        %dma_wait3A_743 = arith.constant 0 : i32
        %dma_wait3A_744 = tpu.memref_slice %arg9[%dma_wait3A, %dma_wait3A_731, %dma_wait3A_741, %dma_wait3A_742, %dma_wait3A_743] : memref<3x4x4x8x128xf32, #tpu.memory_space<vmem>> -> memref<1x1x4x8x64xf32, #tpu.memory_space<vmem>>
        %dma_wait3A_745 = tpu.memref_squeeze %dma_wait3A_744 : memref<1x1x4x8x64xf32, #tpu.memory_space<vmem>> -> memref<4x8x64xf32, #tpu.memory_space<vmem>>
        %dma_wait3A_746 = arith.constant 0 : i32
        %dma_wait3A_747 = arith.constant 0 : i32
        %dma_wait3A_748 = arith.constant 0 : i32
        %dma_wait3A_749 = tpu.memref_slice %arg4[%dma_wait3A_746, %dma_wait3A_747, %dma_wait3A_748] : memref<4x8x1000000xf32, #tpu.memory_space<hbm>> -> memref<4x8x64xf32, #tpu.memory_space<hbm>>
        tpu.wait_dma2 semaphore(%arg13 : memref<!tpu.dma_semaphore, #tpu.memory_space<semaphore_mem>>) src(%dma_wait3A_749 : memref<4x8x64xf32, #tpu.memory_space<hbm>>) dst(%dma_wait3A_745 : memref<4x8x64xf32, #tpu.memory_space<vmem>>)
      } else {
      }
      %eq3A_386 = arith.constant 1 : i32
      %eq3A_387 = arith.cmpi eq, %shift_right_logical3A_380, %eq3A_386 : i32
      %convert_element_type3A_388 = arith.extui %eq3A_387 : i1 to i32
      %cond3A_389 = arith.constant 0 : i32
      %cond3A_390 = arith.cmpi ne, %convert_element_type3A_388, %cond3A_389 : i32
      scf.if %cond3A_390 {
        %dma_wait3A = arith.constant 0 : i32
        %dma_wait3A_731 = arith.constant 0 : i32
        %dma_wait3A_732 = arith.constant 0 : i32
        %dma_wait3A_733 = arith.constant 0 : i32
        %dma_wait3A_734 = arith.constant 0 : i32
        %dma_wait3A_735 = tpu.memref_slice %arg9[%dma_wait3A, %dma_wait3A_731, %dma_wait3A_732, %dma_wait3A_733, %dma_wait3A_734] : memref<3x4x4x8x128xf32, #tpu.memory_space<vmem>> -> memref<1x1x4x8x128xf32, #tpu.memory_space<vmem>>
        %dma_wait3A_736 = tpu.memref_squeeze %dma_wait3A_735 : memref<1x1x4x8x128xf32, #tpu.memory_space<vmem>> -> memref<4x8x128xf32, #tpu.memory_space<vmem>>
        %dma_wait3A_737 = arith.constant 0 : i32
        %dma_wait3A_738 = arith.constant 0 : i32
        %dma_wait3A_739 = arith.constant 0 : i32
        %dma_wait3A_740 = tpu.memref_slice %arg4[%dma_wait3A_737, %dma_wait3A_738, %dma_wait3A_739] : memref<4x8x1000000xf32, #tpu.memory_space<hbm>> -> memref<4x8x128xf32, #tpu.memory_space<hbm>>
        %dma_wait3A_741 = arith.constant 0 : i32
        %dma_wait3A_742 = arith.constant 0 : i32
        %dma_wait3A_743 = arith.constant 0 : i32
        %dma_wait3A_744 = tpu.memref_slice %arg9[%dma_wait3A, %dma_wait3A_731, %dma_wait3A_741, %dma_wait3A_742, %dma_wait3A_743] : memref<3x4x4x8x128xf32, #tpu.memory_space<vmem>> -> memref<1x1x4x8x128xf32, #tpu.memory_space<vmem>>
        %dma_wait3A_745 = tpu.memref_squeeze %dma_wait3A_744 : memref<1x1x4x8x128xf32, #tpu.memory_space<vmem>> -> memref<4x8x128xf32, #tpu.memory_space<vmem>>
        %dma_wait3A_746 = arith.constant 0 : i32
        %dma_wait3A_747 = arith.constant 0 : i32
        %dma_wait3A_748 = arith.constant 0 : i32
        %dma_wait3A_749 = tpu.memref_slice %arg4[%dma_wait3A_746, %dma_wait3A_747, %dma_wait3A_748] : memref<4x8x1000000xf32, #tpu.memory_space<hbm>> -> memref<4x8x128xf32, #tpu.memory_space<hbm>>
        tpu.wait_dma2 semaphore(%arg13 : memref<!tpu.dma_semaphore, #tpu.memory_space<semaphore_mem>>) src(%dma_wait3A_749 : memref<4x8x128xf32, #tpu.memory_space<hbm>>) dst(%dma_wait3A_745 : memref<4x8x128xf32, #tpu.memory_space<vmem>>)
      } else {
      }
      %slice3A_391 = vector.extract_strided_slice %get3A_356 {offsets = [1], sizes = [1], strides = [1]} : vector<16xi32> to vector<1xi32>
      %squeeze3A_392 = vector.extract %slice3A_391[0] : i32 from vector<1xi32>
      %and3A_393 = arith.constant 127 : i32
      %and3A_394 = arith.andi %squeeze3A_392, %and3A_393 : i32
      %shift_right_logical3A_395 = arith.constant 6 : i32
      %shift_right_logical3A_396 = arith.shrui %and3A_394, %shift_right_logical3A_395 : i32
      %eq3A_397 = arith.constant 0 : i32
      %eq3A_398 = arith.cmpi eq, %shift_right_logical3A_396, %eq3A_397 : i32
      %convert_element_type3A_399 = arith.extui %eq3A_398 : i1 to i32
      %cond3A_400 = arith.constant 0 : i32
      %cond3A_401 = arith.cmpi ne, %convert_element_type3A_399, %cond3A_400 : i32
      scf.if %cond3A_401 {
        %dma_wait3A = arith.constant 0 : i32
        %dma_wait3A_731 = arith.constant 0 : i32
        %dma_wait3A_732 = arith.constant 0 : i32
        %dma_wait3A_733 = arith.constant 0 : i32
        %dma_wait3A_734 = arith.constant 0 : i32
        %dma_wait3A_735 = tpu.memref_slice %arg9[%dma_wait3A, %dma_wait3A_731, %dma_wait3A_732, %dma_wait3A_733, %dma_wait3A_734] : memref<3x4x4x8x128xf32, #tpu.memory_space<vmem>> -> memref<1x1x4x8x64xf32, #tpu.memory_space<vmem>>
        %dma_wait3A_736 = tpu.memref_squeeze %dma_wait3A_735 : memref<1x1x4x8x64xf32, #tpu.memory_space<vmem>> -> memref<4x8x64xf32, #tpu.memory_space<vmem>>
        %dma_wait3A_737 = arith.constant 0 : i32
        %dma_wait3A_738 = arith.constant 0 : i32
        %dma_wait3A_739 = arith.constant 0 : i32
        %dma_wait3A_740 = tpu.memref_slice %arg4[%dma_wait3A_737, %dma_wait3A_738, %dma_wait3A_739] : memref<4x8x1000000xf32, #tpu.memory_space<hbm>> -> memref<4x8x64xf32, #tpu.memory_space<hbm>>
        %dma_wait3A_741 = arith.constant 0 : i32
        %dma_wait3A_742 = arith.constant 0 : i32
        %dma_wait3A_743 = arith.constant 0 : i32
        %dma_wait3A_744 = tpu.memref_slice %arg9[%dma_wait3A, %dma_wait3A_731, %dma_wait3A_741, %dma_wait3A_742, %dma_wait3A_743] : memref<3x4x4x8x128xf32, #tpu.memory_space<vmem>> -> memref<1x1x4x8x64xf32, #tpu.memory_space<vmem>>
        %dma_wait3A_745 = tpu.memref_squeeze %dma_wait3A_744 : memref<1x1x4x8x64xf32, #tpu.memory_space<vmem>> -> memref<4x8x64xf32, #tpu.memory_space<vmem>>
        %dma_wait3A_746 = arith.constant 0 : i32
        %dma_wait3A_747 = arith.constant 0 : i32
        %dma_wait3A_748 = arith.constant 0 : i32
        %dma_wait3A_749 = tpu.memref_slice %arg4[%dma_wait3A_746, %dma_wait3A_747, %dma_wait3A_748] : memref<4x8x1000000xf32, #tpu.memory_space<hbm>> -> memref<4x8x64xf32, #tpu.memory_space<hbm>>
        tpu.wait_dma2 semaphore(%arg13 : memref<!tpu.dma_semaphore, #tpu.memory_space<semaphore_mem>>) src(%dma_wait3A_749 : memref<4x8x64xf32, #tpu.memory_space<hbm>>) dst(%dma_wait3A_745 : memref<4x8x64xf32, #tpu.memory_space<vmem>>)
      } else {
      }
      %eq3A_402 = arith.constant 1 : i32
      %eq3A_403 = arith.cmpi eq, %shift_right_logical3A_396, %eq3A_402 : i32
      %convert_element_type3A_404 = arith.extui %eq3A_403 : i1 to i32
      %cond3A_405 = arith.constant 0 : i32
      %cond3A_406 = arith.cmpi ne, %convert_element_type3A_404, %cond3A_405 : i32
      scf.if %cond3A_406 {
        %dma_wait3A = arith.constant 0 : i32
        %dma_wait3A_731 = arith.constant 0 : i32
        %dma_wait3A_732 = arith.constant 0 : i32
        %dma_wait3A_733 = arith.constant 0 : i32
        %dma_wait3A_734 = arith.constant 0 : i32
        %dma_wait3A_735 = tpu.memref_slice %arg9[%dma_wait3A, %dma_wait3A_731, %dma_wait3A_732, %dma_wait3A_733, %dma_wait3A_734] : memref<3x4x4x8x128xf32, #tpu.memory_space<vmem>> -> memref<1x1x4x8x128xf32, #tpu.memory_space<vmem>>
        %dma_wait3A_736 = tpu.memref_squeeze %dma_wait3A_735 : memref<1x1x4x8x128xf32, #tpu.memory_space<vmem>> -> memref<4x8x128xf32, #tpu.memory_space<vmem>>
        %dma_wait3A_737 = arith.constant 0 : i32
        %dma_wait3A_738 = arith.constant 0 : i32
        %dma_wait3A_739 = arith.constant 0 : i32
        %dma_wait3A_740 = tpu.memref_slice %arg4[%dma_wait3A_737, %dma_wait3A_738, %dma_wait3A_739] : memref<4x8x1000000xf32, #tpu.memory_space<hbm>> -> memref<4x8x128xf32, #tpu.memory_space<hbm>>
        %dma_wait3A_741 = arith.constant 0 : i32
        %dma_wait3A_742 = arith.constant 0 : i32
        %dma_wait3A_743 = arith.constant 0 : i32
        %dma_wait3A_744 = tpu.memref_slice %arg9[%dma_wait3A, %dma_wait3A_731, %dma_wait3A_741, %dma_wait3A_742, %dma_wait3A_743] : memref<3x4x4x8x128xf32, #tpu.memory_space<vmem>> -> memref<1x1x4x8x128xf32, #tpu.memory_space<vmem>>
        %dma_wait3A_745 = tpu.memref_squeeze %dma_wait3A_744 : memref<1x1x4x8x128xf32, #tpu.memory_space<vmem>> -> memref<4x8x128xf32, #tpu.memory_space<vmem>>
        %dma_wait3A_746 = arith.constant 0 : i32
        %dma_wait3A_747 = arith.constant 0 : i32
        %dma_wait3A_748 = arith.constant 0 : i32
        %dma_wait3A_749 = tpu.memref_slice %arg4[%dma_wait3A_746, %dma_wait3A_747, %dma_wait3A_748] : memref<4x8x1000000xf32, #tpu.memory_space<hbm>> -> memref<4x8x128xf32, #tpu.memory_space<hbm>>
        tpu.wait_dma2 semaphore(%arg13 : memref<!tpu.dma_semaphore, #tpu.memory_space<semaphore_mem>>) src(%dma_wait3A_749 : memref<4x8x128xf32, #tpu.memory_space<hbm>>) dst(%dma_wait3A_745 : memref<4x8x128xf32, #tpu.memory_space<vmem>>)
      } else {
      }
      %slice3A_407 = vector.extract_strided_slice %get3A_358 {offsets = [1], sizes = [1], strides = [1]} : vector<16xi32> to vector<1xi32>
      %squeeze3A_408 = vector.extract %slice3A_407[0] : i32 from vector<1xi32>
      %and3A_409 = arith.constant 127 : i32
      %and3A_410 = arith.andi %squeeze3A_408, %and3A_409 : i32
      %shift_right_logical3A_411 = arith.constant 6 : i32
      %shift_right_logical3A_412 = arith.shrui %and3A_410, %shift_right_logical3A_411 : i32
      %eq3A_413 = arith.constant 0 : i32
      %eq3A_414 = arith.cmpi eq, %shift_right_logical3A_412, %eq3A_413 : i32
      %convert_element_type3A_415 = arith.extui %eq3A_414 : i1 to i32
      %cond3A_416 = arith.constant 0 : i32
      %cond3A_417 = arith.cmpi ne, %convert_element_type3A_415, %cond3A_416 : i32
      scf.if %cond3A_417 {
        %dma_wait3A = arith.constant 0 : i32
        %dma_wait3A_731 = arith.constant 0 : i32
        %dma_wait3A_732 = arith.constant 0 : i32
        %dma_wait3A_733 = arith.constant 0 : i32
        %dma_wait3A_734 = arith.constant 0 : i32
        %dma_wait3A_735 = tpu.memref_slice %arg9[%dma_wait3A, %dma_wait3A_731, %dma_wait3A_732, %dma_wait3A_733, %dma_wait3A_734] : memref<3x4x4x8x128xf32, #tpu.memory_space<vmem>> -> memref<1x1x4x8x64xf32, #tpu.memory_space<vmem>>
        %dma_wait3A_736 = tpu.memref_squeeze %dma_wait3A_735 : memref<1x1x4x8x64xf32, #tpu.memory_space<vmem>> -> memref<4x8x64xf32, #tpu.memory_space<vmem>>
        %dma_wait3A_737 = arith.constant 0 : i32
        %dma_wait3A_738 = arith.constant 0 : i32
        %dma_wait3A_739 = arith.constant 0 : i32
        %dma_wait3A_740 = tpu.memref_slice %arg4[%dma_wait3A_737, %dma_wait3A_738, %dma_wait3A_739] : memref<4x8x1000000xf32, #tpu.memory_space<hbm>> -> memref<4x8x64xf32, #tpu.memory_space<hbm>>
        %dma_wait3A_741 = arith.constant 0 : i32
        %dma_wait3A_742 = arith.constant 0 : i32
        %dma_wait3A_743 = arith.constant 0 : i32
        %dma_wait3A_744 = tpu.memref_slice %arg9[%dma_wait3A, %dma_wait3A_731, %dma_wait3A_741, %dma_wait3A_742, %dma_wait3A_743] : memref<3x4x4x8x128xf32, #tpu.memory_space<vmem>> -> memref<1x1x4x8x64xf32, #tpu.memory_space<vmem>>
        %dma_wait3A_745 = tpu.memref_squeeze %dma_wait3A_744 : memref<1x1x4x8x64xf32, #tpu.memory_space<vmem>> -> memref<4x8x64xf32, #tpu.memory_space<vmem>>
        %dma_wait3A_746 = arith.constant 0 : i32
        %dma_wait3A_747 = arith.constant 0 : i32
        %dma_wait3A_748 = arith.constant 0 : i32
        %dma_wait3A_749 = tpu.memref_slice %arg4[%dma_wait3A_746, %dma_wait3A_747, %dma_wait3A_748] : memref<4x8x1000000xf32, #tpu.memory_space<hbm>> -> memref<4x8x64xf32, #tpu.memory_space<hbm>>
        tpu.wait_dma2 semaphore(%arg13 : memref<!tpu.dma_semaphore, #tpu.memory_space<semaphore_mem>>) src(%dma_wait3A_749 : memref<4x8x64xf32, #tpu.memory_space<hbm>>) dst(%dma_wait3A_745 : memref<4x8x64xf32, #tpu.memory_space<vmem>>)
      } else {
      }
      %eq3A_418 = arith.constant 1 : i32
      %eq3A_419 = arith.cmpi eq, %shift_right_logical3A_412, %eq3A_418 : i32
      %convert_element_type3A_420 = arith.extui %eq3A_419 : i1 to i32
      %cond3A_421 = arith.constant 0 : i32
      %cond3A_422 = arith.cmpi ne, %convert_element_type3A_420, %cond3A_421 : i32
      scf.if %cond3A_422 {
        %dma_wait3A = arith.constant 0 : i32
        %dma_wait3A_731 = arith.constant 0 : i32
        %dma_wait3A_732 = arith.constant 0 : i32
        %dma_wait3A_733 = arith.constant 0 : i32
        %dma_wait3A_734 = arith.constant 0 : i32
        %dma_wait3A_735 = tpu.memref_slice %arg9[%dma_wait3A, %dma_wait3A_731, %dma_wait3A_732, %dma_wait3A_733, %dma_wait3A_734] : memref<3x4x4x8x128xf32, #tpu.memory_space<vmem>> -> memref<1x1x4x8x128xf32, #tpu.memory_space<vmem>>
        %dma_wait3A_736 = tpu.memref_squeeze %dma_wait3A_735 : memref<1x1x4x8x128xf32, #tpu.memory_space<vmem>> -> memref<4x8x128xf32, #tpu.memory_space<vmem>>
        %dma_wait3A_737 = arith.constant 0 : i32
        %dma_wait3A_738 = arith.constant 0 : i32
        %dma_wait3A_739 = arith.constant 0 : i32
        %dma_wait3A_740 = tpu.memref_slice %arg4[%dma_wait3A_737, %dma_wait3A_738, %dma_wait3A_739] : memref<4x8x1000000xf32, #tpu.memory_space<hbm>> -> memref<4x8x128xf32, #tpu.memory_space<hbm>>
        %dma_wait3A_741 = arith.constant 0 : i32
        %dma_wait3A_742 = arith.constant 0 : i32
        %dma_wait3A_743 = arith.constant 0 : i32
        %dma_wait3A_744 = tpu.memref_slice %arg9[%dma_wait3A, %dma_wait3A_731, %dma_wait3A_741, %dma_wait3A_742, %dma_wait3A_743] : memref<3x4x4x8x128xf32, #tpu.memory_space<vmem>> -> memref<1x1x4x8x128xf32, #tpu.memory_space<vmem>>
        %dma_wait3A_745 = tpu.memref_squeeze %dma_wait3A_744 : memref<1x1x4x8x128xf32, #tpu.memory_space<vmem>> -> memref<4x8x128xf32, #tpu.memory_space<vmem>>
        %dma_wait3A_746 = arith.constant 0 : i32
        %dma_wait3A_747 = arith.constant 0 : i32
        %dma_wait3A_748 = arith.constant 0 : i32
        %dma_wait3A_749 = tpu.memref_slice %arg4[%dma_wait3A_746, %dma_wait3A_747, %dma_wait3A_748] : memref<4x8x1000000xf32, #tpu.memory_space<hbm>> -> memref<4x8x128xf32, #tpu.memory_space<hbm>>
        tpu.wait_dma2 semaphore(%arg13 : memref<!tpu.dma_semaphore, #tpu.memory_space<semaphore_mem>>) src(%dma_wait3A_749 : memref<4x8x128xf32, #tpu.memory_space<hbm>>) dst(%dma_wait3A_745 : memref<4x8x128xf32, #tpu.memory_space<vmem>>)
      } else {
      }
      %slice3A_423 = vector.extract_strided_slice %get3A_356 {offsets = [2], sizes = [1], strides = [1]} : vector<16xi32> to vector<1xi32>
      %squeeze3A_424 = vector.extract %slice3A_423[0] : i32 from vector<1xi32>
      %and3A_425 = arith.constant 127 : i32
      %and3A_426 = arith.andi %squeeze3A_424, %and3A_425 : i32
      %shift_right_logical3A_427 = arith.constant 6 : i32
      %shift_right_logical3A_428 = arith.shrui %and3A_426, %shift_right_logical3A_427 : i32
      %eq3A_429 = arith.constant 0 : i32
      %eq3A_430 = arith.cmpi eq, %shift_right_logical3A_428, %eq3A_429 : i32
      %convert_element_type3A_431 = arith.extui %eq3A_430 : i1 to i32
      %cond3A_432 = arith.constant 0 : i32
      %cond3A_433 = arith.cmpi ne, %convert_element_type3A_431, %cond3A_432 : i32
      scf.if %cond3A_433 {
        %dma_wait3A = arith.constant 0 : i32
        %dma_wait3A_731 = arith.constant 0 : i32
        %dma_wait3A_732 = arith.constant 0 : i32
        %dma_wait3A_733 = arith.constant 0 : i32
        %dma_wait3A_734 = arith.constant 0 : i32
        %dma_wait3A_735 = tpu.memref_slice %arg9[%dma_wait3A, %dma_wait3A_731, %dma_wait3A_732, %dma_wait3A_733, %dma_wait3A_734] : memref<3x4x4x8x128xf32, #tpu.memory_space<vmem>> -> memref<1x1x4x8x64xf32, #tpu.memory_space<vmem>>
        %dma_wait3A_736 = tpu.memref_squeeze %dma_wait3A_735 : memref<1x1x4x8x64xf32, #tpu.memory_space<vmem>> -> memref<4x8x64xf32, #tpu.memory_space<vmem>>
        %dma_wait3A_737 = arith.constant 0 : i32
        %dma_wait3A_738 = arith.constant 0 : i32
        %dma_wait3A_739 = arith.constant 0 : i32
        %dma_wait3A_740 = tpu.memref_slice %arg4[%dma_wait3A_737, %dma_wait3A_738, %dma_wait3A_739] : memref<4x8x1000000xf32, #tpu.memory_space<hbm>> -> memref<4x8x64xf32, #tpu.memory_space<hbm>>
        %dma_wait3A_741 = arith.constant 0 : i32
        %dma_wait3A_742 = arith.constant 0 : i32
        %dma_wait3A_743 = arith.constant 0 : i32
        %dma_wait3A_744 = tpu.memref_slice %arg9[%dma_wait3A, %dma_wait3A_731, %dma_wait3A_741, %dma_wait3A_742, %dma_wait3A_743] : memref<3x4x4x8x128xf32, #tpu.memory_space<vmem>> -> memref<1x1x4x8x64xf32, #tpu.memory_space<vmem>>
        %dma_wait3A_745 = tpu.memref_squeeze %dma_wait3A_744 : memref<1x1x4x8x64xf32, #tpu.memory_space<vmem>> -> memref<4x8x64xf32, #tpu.memory_space<vmem>>
        %dma_wait3A_746 = arith.constant 0 : i32
        %dma_wait3A_747 = arith.constant 0 : i32
        %dma_wait3A_748 = arith.constant 0 : i32
        %dma_wait3A_749 = tpu.memref_slice %arg4[%dma_wait3A_746, %dma_wait3A_747, %dma_wait3A_748] : memref<4x8x1000000xf32, #tpu.memory_space<hbm>> -> memref<4x8x64xf32, #tpu.memory_space<hbm>>
        tpu.wait_dma2 semaphore(%arg13 : memref<!tpu.dma_semaphore, #tpu.memory_space<semaphore_mem>>) src(%dma_wait3A_749 : memref<4x8x64xf32, #tpu.memory_space<hbm>>) dst(%dma_wait3A_745 : memref<4x8x64xf32, #tpu.memory_space<vmem>>)
      } else {
      }
      %eq3A_434 = arith.constant 1 : i32
      %eq3A_435 = arith.cmpi eq, %shift_right_logical3A_428, %eq3A_434 : i32
      %convert_element_type3A_436 = arith.extui %eq3A_435 : i1 to i32
      %cond3A_437 = arith.constant 0 : i32
      %cond3A_438 = arith.cmpi ne, %convert_element_type3A_436, %cond3A_437 : i32
      scf.if %cond3A_438 {
        %dma_wait3A = arith.constant 0 : i32
        %dma_wait3A_731 = arith.constant 0 : i32
        %dma_wait3A_732 = arith.constant 0 : i32
        %dma_wait3A_733 = arith.constant 0 : i32
        %dma_wait3A_734 = arith.constant 0 : i32
        %dma_wait3A_735 = tpu.memref_slice %arg9[%dma_wait3A, %dma_wait3A_731, %dma_wait3A_732, %dma_wait3A_733, %dma_wait3A_734] : memref<3x4x4x8x128xf32, #tpu.memory_space<vmem>> -> memref<1x1x4x8x128xf32, #tpu.memory_space<vmem>>
        %dma_wait3A_736 = tpu.memref_squeeze %dma_wait3A_735 : memref<1x1x4x8x128xf32, #tpu.memory_space<vmem>> -> memref<4x8x128xf32, #tpu.memory_space<vmem>>
        %dma_wait3A_737 = arith.constant 0 : i32
        %dma_wait3A_738 = arith.constant 0 : i32
        %dma_wait3A_739 = arith.constant 0 : i32
        %dma_wait3A_740 = tpu.memref_slice %arg4[%dma_wait3A_737, %dma_wait3A_738, %dma_wait3A_739] : memref<4x8x1000000xf32, #tpu.memory_space<hbm>> -> memref<4x8x128xf32, #tpu.memory_space<hbm>>
        %dma_wait3A_741 = arith.constant 0 : i32
        %dma_wait3A_742 = arith.constant 0 : i32
        %dma_wait3A_743 = arith.constant 0 : i32
        %dma_wait3A_744 = tpu.memref_slice %arg9[%dma_wait3A, %dma_wait3A_731, %dma_wait3A_741, %dma_wait3A_742, %dma_wait3A_743] : memref<3x4x4x8x128xf32, #tpu.memory_space<vmem>> -> memref<1x1x4x8x128xf32, #tpu.memory_space<vmem>>
        %dma_wait3A_745 = tpu.memref_squeeze %dma_wait3A_744 : memref<1x1x4x8x128xf32, #tpu.memory_space<vmem>> -> memref<4x8x128xf32, #tpu.memory_space<vmem>>
        %dma_wait3A_746 = arith.constant 0 : i32
        %dma_wait3A_747 = arith.constant 0 : i32
        %dma_wait3A_748 = arith.constant 0 : i32
        %dma_wait3A_749 = tpu.memref_slice %arg4[%dma_wait3A_746, %dma_wait3A_747, %dma_wait3A_748] : memref<4x8x1000000xf32, #tpu.memory_space<hbm>> -> memref<4x8x128xf32, #tpu.memory_space<hbm>>
        tpu.wait_dma2 semaphore(%arg13 : memref<!tpu.dma_semaphore, #tpu.memory_space<semaphore_mem>>) src(%dma_wait3A_749 : memref<4x8x128xf32, #tpu.memory_space<hbm>>) dst(%dma_wait3A_745 : memref<4x8x128xf32, #tpu.memory_space<vmem>>)
      } else {
      }
      %slice3A_439 = vector.extract_strided_slice %get3A_358 {offsets = [2], sizes = [1], strides = [1]} : vector<16xi32> to vector<1xi32>
      %squeeze3A_440 = vector.extract %slice3A_439[0] : i32 from vector<1xi32>
      %and3A_441 = arith.constant 127 : i32
      %and3A_442 = arith.andi %squeeze3A_440, %and3A_441 : i32
      %shift_right_logical3A_443 = arith.constant 6 : i32
      %shift_right_logical3A_444 = arith.shrui %and3A_442, %shift_right_logical3A_443 : i32
      %eq3A_445 = arith.constant 0 : i32
      %eq3A_446 = arith.cmpi eq, %shift_right_logical3A_444, %eq3A_445 : i32
      %convert_element_type3A_447 = arith.extui %eq3A_446 : i1 to i32
      %cond3A_448 = arith.constant 0 : i32
      %cond3A_449 = arith.cmpi ne, %convert_element_type3A_447, %cond3A_448 : i32
      scf.if %cond3A_449 {
        %dma_wait3A = arith.constant 0 : i32
        %dma_wait3A_731 = arith.constant 0 : i32
        %dma_wait3A_732 = arith.constant 0 : i32
        %dma_wait3A_733 = arith.constant 0 : i32
        %dma_wait3A_734 = arith.constant 0 : i32
        %dma_wait3A_735 = tpu.memref_slice %arg9[%dma_wait3A, %dma_wait3A_731, %dma_wait3A_732, %dma_wait3A_733, %dma_wait3A_734] : memref<3x4x4x8x128xf32, #tpu.memory_space<vmem>> -> memref<1x1x4x8x64xf32, #tpu.memory_space<vmem>>
        %dma_wait3A_736 = tpu.memref_squeeze %dma_wait3A_735 : memref<1x1x4x8x64xf32, #tpu.memory_space<vmem>> -> memref<4x8x64xf32, #tpu.memory_space<vmem>>
        %dma_wait3A_737 = arith.constant 0 : i32
        %dma_wait3A_738 = arith.constant 0 : i32
        %dma_wait3A_739 = arith.constant 0 : i32
        %dma_wait3A_740 = tpu.memref_slice %arg4[%dma_wait3A_737, %dma_wait3A_738, %dma_wait3A_739] : memref<4x8x1000000xf32, #tpu.memory_space<hbm>> -> memref<4x8x64xf32, #tpu.memory_space<hbm>>
        %dma_wait3A_741 = arith.constant 0 : i32
        %dma_wait3A_742 = arith.constant 0 : i32
        %dma_wait3A_743 = arith.constant 0 : i32
        %dma_wait3A_744 = tpu.memref_slice %arg9[%dma_wait3A, %dma_wait3A_731, %dma_wait3A_741, %dma_wait3A_742, %dma_wait3A_743] : memref<3x4x4x8x128xf32, #tpu.memory_space<vmem>> -> memref<1x1x4x8x64xf32, #tpu.memory_space<vmem>>
        %dma_wait3A_745 = tpu.memref_squeeze %dma_wait3A_744 : memref<1x1x4x8x64xf32, #tpu.memory_space<vmem>> -> memref<4x8x64xf32, #tpu.memory_space<vmem>>
        %dma_wait3A_746 = arith.constant 0 : i32
        %dma_wait3A_747 = arith.constant 0 : i32
        %dma_wait3A_748 = arith.constant 0 : i32
        %dma_wait3A_749 = tpu.memref_slice %arg4[%dma_wait3A_746, %dma_wait3A_747, %dma_wait3A_748] : memref<4x8x1000000xf32, #tpu.memory_space<hbm>> -> memref<4x8x64xf32, #tpu.memory_space<hbm>>
        tpu.wait_dma2 semaphore(%arg13 : memref<!tpu.dma_semaphore, #tpu.memory_space<semaphore_mem>>) src(%dma_wait3A_749 : memref<4x8x64xf32, #tpu.memory_space<hbm>>) dst(%dma_wait3A_745 : memref<4x8x64xf32, #tpu.memory_space<vmem>>)
      } else {
      }
      %eq3A_450 = arith.constant 1 : i32
      %eq3A_451 = arith.cmpi eq, %shift_right_logical3A_444, %eq3A_450 : i32
      %convert_element_type3A_452 = arith.extui %eq3A_451 : i1 to i32
      %cond3A_453 = arith.constant 0 : i32
      %cond3A_454 = arith.cmpi ne, %convert_element_type3A_452, %cond3A_453 : i32
      scf.if %cond3A_454 {
        %dma_wait3A = arith.constant 0 : i32
        %dma_wait3A_731 = arith.constant 0 : i32
        %dma_wait3A_732 = arith.constant 0 : i32
        %dma_wait3A_733 = arith.constant 0 : i32
        %dma_wait3A_734 = arith.constant 0 : i32
        %dma_wait3A_735 = tpu.memref_slice %arg9[%dma_wait3A, %dma_wait3A_731, %dma_wait3A_732, %dma_wait3A_733, %dma_wait3A_734] : memref<3x4x4x8x128xf32, #tpu.memory_space<vmem>> -> memref<1x1x4x8x128xf32, #tpu.memory_space<vmem>>
        %dma_wait3A_736 = tpu.memref_squeeze %dma_wait3A_735 : memref<1x1x4x8x128xf32, #tpu.memory_space<vmem>> -> memref<4x8x128xf32, #tpu.memory_space<vmem>>
        %dma_wait3A_737 = arith.constant 0 : i32
        %dma_wait3A_738 = arith.constant 0 : i32
        %dma_wait3A_739 = arith.constant 0 : i32
        %dma_wait3A_740 = tpu.memref_slice %arg4[%dma_wait3A_737, %dma_wait3A_738, %dma_wait3A_739] : memref<4x8x1000000xf32, #tpu.memory_space<hbm>> -> memref<4x8x128xf32, #tpu.memory_space<hbm>>
        %dma_wait3A_741 = arith.constant 0 : i32
        %dma_wait3A_742 = arith.constant 0 : i32
        %dma_wait3A_743 = arith.constant 0 : i32
        %dma_wait3A_744 = tpu.memref_slice %arg9[%dma_wait3A, %dma_wait3A_731, %dma_wait3A_741, %dma_wait3A_742, %dma_wait3A_743] : memref<3x4x4x8x128xf32, #tpu.memory_space<vmem>> -> memref<1x1x4x8x128xf32, #tpu.memory_space<vmem>>
        %dma_wait3A_745 = tpu.memref_squeeze %dma_wait3A_744 : memref<1x1x4x8x128xf32, #tpu.memory_space<vmem>> -> memref<4x8x128xf32, #tpu.memory_space<vmem>>
        %dma_wait3A_746 = arith.constant 0 : i32
        %dma_wait3A_747 = arith.constant 0 : i32
        %dma_wait3A_748 = arith.constant 0 : i32
        %dma_wait3A_749 = tpu.memref_slice %arg4[%dma_wait3A_746, %dma_wait3A_747, %dma_wait3A_748] : memref<4x8x1000000xf32, #tpu.memory_space<hbm>> -> memref<4x8x128xf32, #tpu.memory_space<hbm>>
        tpu.wait_dma2 semaphore(%arg13 : memref<!tpu.dma_semaphore, #tpu.memory_space<semaphore_mem>>) src(%dma_wait3A_749 : memref<4x8x128xf32, #tpu.memory_space<hbm>>) dst(%dma_wait3A_745 : memref<4x8x128xf32, #tpu.memory_space<vmem>>)
      } else {
      }
      %slice3A_455 = vector.extract_strided_slice %get3A_356 {offsets = [3], sizes = [1], strides = [1]} : vector<16xi32> to vector<1xi32>
      %squeeze3A_456 = vector.extract %slice3A_455[0] : i32 from vector<1xi32>
      %and3A_457 = arith.constant 127 : i32
      %and3A_458 = arith.andi %squeeze3A_456, %and3A_457 : i32
      %shift_right_logical3A_459 = arith.constant 6 : i32
      %shift_right_logical3A_460 = arith.shrui %and3A_458, %shift_right_logical3A_459 : i32
      %eq3A_461 = arith.constant 0 : i32
      %eq3A_462 = arith.cmpi eq, %shift_right_logical3A_460, %eq3A_461 : i32
      %convert_element_type3A_463 = arith.extui %eq3A_462 : i1 to i32
      %cond3A_464 = arith.constant 0 : i32
      %cond3A_465 = arith.cmpi ne, %convert_element_type3A_463, %cond3A_464 : i32
      scf.if %cond3A_465 {
        %dma_wait3A = arith.constant 0 : i32
        %dma_wait3A_731 = arith.constant 0 : i32
        %dma_wait3A_732 = arith.constant 0 : i32
        %dma_wait3A_733 = arith.constant 0 : i32
        %dma_wait3A_734 = arith.constant 0 : i32
        %dma_wait3A_735 = tpu.memref_slice %arg9[%dma_wait3A, %dma_wait3A_731, %dma_wait3A_732, %dma_wait3A_733, %dma_wait3A_734] : memref<3x4x4x8x128xf32, #tpu.memory_space<vmem>> -> memref<1x1x4x8x64xf32, #tpu.memory_space<vmem>>
        %dma_wait3A_736 = tpu.memref_squeeze %dma_wait3A_735 : memref<1x1x4x8x64xf32, #tpu.memory_space<vmem>> -> memref<4x8x64xf32, #tpu.memory_space<vmem>>
        %dma_wait3A_737 = arith.constant 0 : i32
        %dma_wait3A_738 = arith.constant 0 : i32
        %dma_wait3A_739 = arith.constant 0 : i32
        %dma_wait3A_740 = tpu.memref_slice %arg4[%dma_wait3A_737, %dma_wait3A_738, %dma_wait3A_739] : memref<4x8x1000000xf32, #tpu.memory_space<hbm>> -> memref<4x8x64xf32, #tpu.memory_space<hbm>>
        %dma_wait3A_741 = arith.constant 0 : i32
        %dma_wait3A_742 = arith.constant 0 : i32
        %dma_wait3A_743 = arith.constant 0 : i32
        %dma_wait3A_744 = tpu.memref_slice %arg9[%dma_wait3A, %dma_wait3A_731, %dma_wait3A_741, %dma_wait3A_742, %dma_wait3A_743] : memref<3x4x4x8x128xf32, #tpu.memory_space<vmem>> -> memref<1x1x4x8x64xf32, #tpu.memory_space<vmem>>
        %dma_wait3A_745 = tpu.memref_squeeze %dma_wait3A_744 : memref<1x1x4x8x64xf32, #tpu.memory_space<vmem>> -> memref<4x8x64xf32, #tpu.memory_space<vmem>>
        %dma_wait3A_746 = arith.constant 0 : i32
        %dma_wait3A_747 = arith.constant 0 : i32
        %dma_wait3A_748 = arith.constant 0 : i32
        %dma_wait3A_749 = tpu.memref_slice %arg4[%dma_wait3A_746, %dma_wait3A_747, %dma_wait3A_748] : memref<4x8x1000000xf32, #tpu.memory_space<hbm>> -> memref<4x8x64xf32, #tpu.memory_space<hbm>>
        tpu.wait_dma2 semaphore(%arg13 : memref<!tpu.dma_semaphore, #tpu.memory_space<semaphore_mem>>) src(%dma_wait3A_749 : memref<4x8x64xf32, #tpu.memory_space<hbm>>) dst(%dma_wait3A_745 : memref<4x8x64xf32, #tpu.memory_space<vmem>>)
      } else {
      }
      %eq3A_466 = arith.constant 1 : i32
      %eq3A_467 = arith.cmpi eq, %shift_right_logical3A_460, %eq3A_466 : i32
      %convert_element_type3A_468 = arith.extui %eq3A_467 : i1 to i32
      %cond3A_469 = arith.constant 0 : i32
      %cond3A_470 = arith.cmpi ne, %convert_element_type3A_468, %cond3A_469 : i32
      scf.if %cond3A_470 {
        %dma_wait3A = arith.constant 0 : i32
        %dma_wait3A_731 = arith.constant 0 : i32
        %dma_wait3A_732 = arith.constant 0 : i32
        %dma_wait3A_733 = arith.constant 0 : i32
        %dma_wait3A_734 = arith.constant 0 : i32
        %dma_wait3A_735 = tpu.memref_slice %arg9[%dma_wait3A, %dma_wait3A_731, %dma_wait3A_732, %dma_wait3A_733, %dma_wait3A_734] : memref<3x4x4x8x128xf32, #tpu.memory_space<vmem>> -> memref<1x1x4x8x128xf32, #tpu.memory_space<vmem>>
        %dma_wait3A_736 = tpu.memref_squeeze %dma_wait3A_735 : memref<1x1x4x8x128xf32, #tpu.memory_space<vmem>> -> memref<4x8x128xf32, #tpu.memory_space<vmem>>
        %dma_wait3A_737 = arith.constant 0 : i32
        %dma_wait3A_738 = arith.constant 0 : i32
        %dma_wait3A_739 = arith.constant 0 : i32
        %dma_wait3A_740 = tpu.memref_slice %arg4[%dma_wait3A_737, %dma_wait3A_738, %dma_wait3A_739] : memref<4x8x1000000xf32, #tpu.memory_space<hbm>> -> memref<4x8x128xf32, #tpu.memory_space<hbm>>
        %dma_wait3A_741 = arith.constant 0 : i32
        %dma_wait3A_742 = arith.constant 0 : i32
        %dma_wait3A_743 = arith.constant 0 : i32
        %dma_wait3A_744 = tpu.memref_slice %arg9[%dma_wait3A, %dma_wait3A_731, %dma_wait3A_741, %dma_wait3A_742, %dma_wait3A_743] : memref<3x4x4x8x128xf32, #tpu.memory_space<vmem>> -> memref<1x1x4x8x128xf32, #tpu.memory_space<vmem>>
        %dma_wait3A_745 = tpu.memref_squeeze %dma_wait3A_744 : memref<1x1x4x8x128xf32, #tpu.memory_space<vmem>> -> memref<4x8x128xf32, #tpu.memory_space<vmem>>
        %dma_wait3A_746 = arith.constant 0 : i32
        %dma_wait3A_747 = arith.constant 0 : i32
        %dma_wait3A_748 = arith.constant 0 : i32
        %dma_wait3A_749 = tpu.memref_slice %arg4[%dma_wait3A_746, %dma_wait3A_747, %dma_wait3A_748] : memref<4x8x1000000xf32, #tpu.memory_space<hbm>> -> memref<4x8x128xf32, #tpu.memory_space<hbm>>
        tpu.wait_dma2 semaphore(%arg13 : memref<!tpu.dma_semaphore, #tpu.memory_space<semaphore_mem>>) src(%dma_wait3A_749 : memref<4x8x128xf32, #tpu.memory_space<hbm>>) dst(%dma_wait3A_745 : memref<4x8x128xf32, #tpu.memory_space<vmem>>)
      } else {
      }
      %slice3A_471 = vector.extract_strided_slice %get3A_358 {offsets = [3], sizes = [1], strides = [1]} : vector<16xi32> to vector<1xi32>
      %squeeze3A_472 = vector.extract %slice3A_471[0] : i32 from vector<1xi32>
      %and3A_473 = arith.constant 127 : i32
      %and3A_474 = arith.andi %squeeze3A_472, %and3A_473 : i32
      %shift_right_logical3A_475 = arith.constant 6 : i32
      %shift_right_logical3A_476 = arith.shrui %and3A_474, %shift_right_logical3A_475 : i32
      %eq3A_477 = arith.constant 0 : i32
      %eq3A_478 = arith.cmpi eq, %shift_right_logical3A_476, %eq3A_477 : i32
      %convert_element_type3A_479 = arith.extui %eq3A_478 : i1 to i32
      %cond3A_480 = arith.constant 0 : i32
      %cond3A_481 = arith.cmpi ne, %convert_element_type3A_479, %cond3A_480 : i32
      scf.if %cond3A_481 {
        %dma_wait3A = arith.constant 0 : i32
        %dma_wait3A_731 = arith.constant 0 : i32
        %dma_wait3A_732 = arith.constant 0 : i32
        %dma_wait3A_733 = arith.constant 0 : i32
        %dma_wait3A_734 = arith.constant 0 : i32
        %dma_wait3A_735 = tpu.memref_slice %arg9[%dma_wait3A, %dma_wait3A_731, %dma_wait3A_732, %dma_wait3A_733, %dma_wait3A_734] : memref<3x4x4x8x128xf32, #tpu.memory_space<vmem>> -> memref<1x1x4x8x64xf32, #tpu.memory_space<vmem>>
        %dma_wait3A_736 = tpu.memref_squeeze %dma_wait3A_735 : memref<1x1x4x8x64xf32, #tpu.memory_space<vmem>> -> memref<4x8x64xf32, #tpu.memory_space<vmem>>
        %dma_wait3A_737 = arith.constant 0 : i32
        %dma_wait3A_738 = arith.constant 0 : i32
        %dma_wait3A_739 = arith.constant 0 : i32
        %dma_wait3A_740 = tpu.memref_slice %arg4[%dma_wait3A_737, %dma_wait3A_738, %dma_wait3A_739] : memref<4x8x1000000xf32, #tpu.memory_space<hbm>> -> memref<4x8x64xf32, #tpu.memory_space<hbm>>
        %dma_wait3A_741 = arith.constant 0 : i32
        %dma_wait3A_742 = arith.constant 0 : i32
        %dma_wait3A_743 = arith.constant 0 : i32
        %dma_wait3A_744 = tpu.memref_slice %arg9[%dma_wait3A, %dma_wait3A_731, %dma_wait3A_741, %dma_wait3A_742, %dma_wait3A_743] : memref<3x4x4x8x128xf32, #tpu.memory_space<vmem>> -> memref<1x1x4x8x64xf32, #tpu.memory_space<vmem>>
        %dma_wait3A_745 = tpu.memref_squeeze %dma_wait3A_744 : memref<1x1x4x8x64xf32, #tpu.memory_space<vmem>> -> memref<4x8x64xf32, #tpu.memory_space<vmem>>
        %dma_wait3A_746 = arith.constant 0 : i32
        %dma_wait3A_747 = arith.constant 0 : i32
        %dma_wait3A_748 = arith.constant 0 : i32
        %dma_wait3A_749 = tpu.memref_slice %arg4[%dma_wait3A_746, %dma_wait3A_747, %dma_wait3A_748] : memref<4x8x1000000xf32, #tpu.memory_space<hbm>> -> memref<4x8x64xf32, #tpu.memory_space<hbm>>
        tpu.wait_dma2 semaphore(%arg13 : memref<!tpu.dma_semaphore, #tpu.memory_space<semaphore_mem>>) src(%dma_wait3A_749 : memref<4x8x64xf32, #tpu.memory_space<hbm>>) dst(%dma_wait3A_745 : memref<4x8x64xf32, #tpu.memory_space<vmem>>)
      } else {
      }
      %eq3A_482 = arith.constant 1 : i32
      %eq3A_483 = arith.cmpi eq, %shift_right_logical3A_476, %eq3A_482 : i32
      %convert_element_type3A_484 = arith.extui %eq3A_483 : i1 to i32
      %cond3A_485 = arith.constant 0 : i32
      %cond3A_486 = arith.cmpi ne, %convert_element_type3A_484, %cond3A_485 : i32
      scf.if %cond3A_486 {
        %dma_wait3A = arith.constant 0 : i32
        %dma_wait3A_731 = arith.constant 0 : i32
        %dma_wait3A_732 = arith.constant 0 : i32
        %dma_wait3A_733 = arith.constant 0 : i32
        %dma_wait3A_734 = arith.constant 0 : i32
        %dma_wait3A_735 = tpu.memref_slice %arg9[%dma_wait3A, %dma_wait3A_731, %dma_wait3A_732, %dma_wait3A_733, %dma_wait3A_734] : memref<3x4x4x8x128xf32, #tpu.memory_space<vmem>> -> memref<1x1x4x8x128xf32, #tpu.memory_space<vmem>>
        %dma_wait3A_736 = tpu.memref_squeeze %dma_wait3A_735 : memref<1x1x4x8x128xf32, #tpu.memory_space<vmem>> -> memref<4x8x128xf32, #tpu.memory_space<vmem>>
        %dma_wait3A_737 = arith.constant 0 : i32
        %dma_wait3A_738 = arith.constant 0 : i32
        %dma_wait3A_739 = arith.constant 0 : i32
        %dma_wait3A_740 = tpu.memref_slice %arg4[%dma_wait3A_737, %dma_wait3A_738, %dma_wait3A_739] : memref<4x8x1000000xf32, #tpu.memory_space<hbm>> -> memref<4x8x128xf32, #tpu.memory_space<hbm>>
        %dma_wait3A_741 = arith.constant 0 : i32
        %dma_wait3A_742 = arith.constant 0 : i32
        %dma_wait3A_743 = arith.constant 0 : i32
        %dma_wait3A_744 = tpu.memref_slice %arg9[%dma_wait3A, %dma_wait3A_731, %dma_wait3A_741, %dma_wait3A_742, %dma_wait3A_743] : memref<3x4x4x8x128xf32, #tpu.memory_space<vmem>> -> memref<1x1x4x8x128xf32, #tpu.memory_space<vmem>>
        %dma_wait3A_745 = tpu.memref_squeeze %dma_wait3A_744 : memref<1x1x4x8x128xf32, #tpu.memory_space<vmem>> -> memref<4x8x128xf32, #tpu.memory_space<vmem>>
        %dma_wait3A_746 = arith.constant 0 : i32
        %dma_wait3A_747 = arith.constant 0 : i32
        %dma_wait3A_748 = arith.constant 0 : i32
        %dma_wait3A_749 = tpu.memref_slice %arg4[%dma_wait3A_746, %dma_wait3A_747, %dma_wait3A_748] : memref<4x8x1000000xf32, #tpu.memory_space<hbm>> -> memref<4x8x128xf32, #tpu.memory_space<hbm>>
        tpu.wait_dma2 semaphore(%arg13 : memref<!tpu.dma_semaphore, #tpu.memory_space<semaphore_mem>>) src(%dma_wait3A_749 : memref<4x8x128xf32, #tpu.memory_space<hbm>>) dst(%dma_wait3A_745 : memref<4x8x128xf32, #tpu.memory_space<vmem>>)
      } else {
      }
      %mul3A_487 = arith.constant 2 : i32
      %mul3A_488 = arith.muli %scan3A_342, %mul3A_487 : i32
      %mul3A_489 = arith.constant 4 : i32
      %mul3A_490 = arith.muli %mul3A_488, %mul3A_489 : i32
      %multiple_of3A_491 = tpu.assume_multiple %mul3A_490, 8 : i32
      %get3A_492 = arith.index_cast %multiple_of3A_491 : i32 to index
      %get3A_493 = tpu.vector_load %arg7[%get3A_492] {strides = array<i32>} : memref<1032xi32, #tpu.memory_space<vmem>>, vector<16xi32>,
      %get3A_494 = arith.index_cast %multiple_of3A_491 : i32 to index
      %get3A_495 = tpu.vector_load %arg8[%get3A_494] {strides = array<i32>} : memref<1032xi32, #tpu.memory_space<vmem>>, vector<16xi32>,
      %jit3A = arith.constant 3 : i32
      %div3A = arith.divsi %scan3A_342, %jit3A : i32
      %sign3A = arith.constant 0 : i32
      %sign3A_496 = arith.cmpi sgt, %scan3A_342, %sign3A : i32
      %sign3A_497 = arith.extui %sign3A_496 : i1 to i32
      %sign3A_498 = arith.constant 0 : i32
      %sign3A_499 = arith.cmpi slt, %scan3A_342, %sign3A_498 : i32
      %sign3A_500 = arith.extui %sign3A_499 : i1 to i32
      %sign3A_501 = arith.subi %sign3A_497, %sign3A_500 : i32
      %sign3A_502 = arith.constant 0 : i32
      %sign3A_503 = arith.cmpi sgt, %jit3A, %sign3A_502 : i32
      %sign3A_504 = arith.extui %sign3A_503 : i1 to i32
      %sign3A_505 = arith.constant 0 : i32
      %sign3A_506 = arith.cmpi slt, %jit3A, %sign3A_505 : i32
      %sign3A_507 = arith.extui %sign3A_506 : i1 to i32
      %sign3A_508 = arith.subi %sign3A_504, %sign3A_507 : i32
      %ne3A = arith.cmpi ne, %sign3A_501, %sign3A_508 : i32
      %rem3A = arith.remsi %scan3A_342, %jit3A : i32
      %ne3A_509 = arith.constant 0 : i32
      %ne3A_510 = arith.cmpi ne, %rem3A, %ne3A_509 : i32
      %and3A_511 = arith.andi %ne3A, %ne3A_510 : i1
      %sub3A_512 = arith.constant 1 : i32
      %sub3A_513 = arith.subi %div3A, %sub3A_512 : i32
      %select_n3A = arith.select %and3A_511, %sub3A_513, %div3A : i32
      %mul3A_514 = arith.constant 3 : i32
      %mul3A_515 = arith.muli %select_n3A, %mul3A_514 : i32
      %sub3A_516 = arith.subi %scan3A_342, %mul3A_515 : i32
      %broadcast_in_dim3A = arith.constant 0 : i32
      %broadcast_in_dim3A_517 = vector.broadcast %broadcast_in_dim3A : i32 to vector<16xi32>
      %add3A_518 = vector.broadcast %sub3A_516 : i32 to vector<16xi32>
      %add3A_519 = arith.addi %broadcast_in_dim3A_517, %add3A_518 : vector<16xi32>
      %and3A_520 = arith.constant 3 : i32
      %and3A_521 = vector.broadcast %and3A_520 : i32 to vector<16xi32>
      %and3A_522 = arith.andi %iota3A, %and3A_521 : vector<16xi32>
      %and3A_523 = arith.constant 127 : i32
      %and3A_524 = vector.broadcast %and3A_523 : i32 to vector<16xi32>
      %and3A_525 = arith.andi %get3A_493, %and3A_524 : vector<16xi32>
      %and3A_526 = arith.constant 127 : i32
      %and3A_527 = vector.broadcast %and3A_526 : i32 to vector<16xi32>
      %and3A_528 = arith.andi %get3A_495, %and3A_527 : vector<16xi32>
      %broadcast_in_dim3A_529 = arith.constant 0.000000e+00 : f32
      %broadcast_in_dim3A_530 = vector.broadcast %broadcast_in_dim3A_529 : f32 to vector<16xf32>
      %broadcast_in_dim3A_531 = arith.constant 0 : i32
      %broadcast_in_dim3A_532 = vector.broadcast %broadcast_in_dim3A_531 : i32 to vector<16xi32>
      %broadcast_in_dim3A_533 = arith.constant 0 : i32
      %broadcast_in_dim3A_534 = vector.broadcast %broadcast_in_dim3A_533 : i32 to vector<16xi32>
      %gather3A = tpu.vector_load_idx %arg9[%add3A_519, %and3A_522, %broadcast_in_dim3A_532, %broadcast_in_dim3A_534, %and3A_525] : memref<3x4x4x8x128xf32, #tpu.memory_space<vmem>>[vector<16xi32>, vector<16xi32>, vector<16xi32>, vector<16xi32>, vector<16xi32>], vector<16xf32>,
      %gather3A_535 = tpu.vector_load_idx %arg10[%add3A_519, %and3A_522, %broadcast_in_dim3A_532, %broadcast_in_dim3A_534, %and3A_528] : memref<3x4x4x8x128xf32, #tpu.memory_space<vmem>>[vector<16xi32>, vector<16xi32>, vector<16xi32>, vector<16xi32>, vector<16xi32>], vector<16xf32>,
      %mul3A_536 = arith.mulf %gather3A, %gather3A_535 : vector<16xf32>
      %add3A_537 = arith.addf %broadcast_in_dim3A_530, %mul3A_536 : vector<16xf32>
      %broadcast_in_dim3A_538 = arith.constant 1 : i32
      %broadcast_in_dim3A_539 = vector.broadcast %broadcast_in_dim3A_538 : i32 to vector<16xi32>
      %gather3A_540 = tpu.vector_load_idx %arg9[%add3A_519, %and3A_522, %broadcast_in_dim3A_532, %broadcast_in_dim3A_539, %and3A_525] : memref<3x4x4x8x128xf32, #tpu.memory_space<vmem>>[vector<16xi32>, vector<16xi32>, vector<16xi32>, vector<16xi32>, vector<16xi32>], vector<16xf32>,
      %gather3A_541 = tpu.vector_load_idx %arg10[%add3A_519, %and3A_522, %broadcast_in_dim3A_532, %broadcast_in_dim3A_539, %and3A_528] : memref<3x4x4x8x128xf32, #tpu.memory_space<vmem>>[vector<16xi32>, vector<16xi32>, vector<16xi32>, vector<16xi32>, vector<16xi32>], vector<16xf32>,
      %mul3A_542 = arith.mulf %gather3A_540, %gather3A_541 : vector<16xf32>
      %add3A_543 = arith.addf %add3A_537, %mul3A_542 : vector<16xf32>
      %broadcast_in_dim3A_544 = arith.constant 2 : i32
      %broadcast_in_dim3A_545 = vector.broadcast %broadcast_in_dim3A_544 : i32 to vector<16xi32>
      %gather3A_546 = tpu.vector_load_idx %arg9[%add3A_519, %and3A_522, %broadcast_in_dim3A_532, %broadcast_in_dim3A_545, %and3A_525] : memref<3x4x4x8x128xf32, #tpu.memory_space<vmem>>[vector<16xi32>, vector<16xi32>, vector<16xi32>, vector<16xi32>, vector<16xi32>], vector<16xf32>,
      %gather3A_547 = tpu.vector_load_idx %arg10[%add3A_519, %and3A_522, %broadcast_in_dim3A_532, %broadcast_in_dim3A_545, %and3A_528] : memref<3x4x4x8x128xf32, #tpu.memory_space<vmem>>[vector<16xi32>, vector<16xi32>, vector<16xi32>, vector<16xi32>, vector<16xi32>], vector<16xf32>,
      %mul3A_548 = arith.mulf %gather3A_546, %gather3A_547 : vector<16xf32>
      %add3A_549 = arith.addf %add3A_543, %mul3A_548 : vector<16xf32>
      %broadcast_in_dim3A_550 = arith.constant 3 : i32
      %broadcast_in_dim3A_551 = vector.broadcast %broadcast_in_dim3A_550 : i32 to vector<16xi32>
      %gather3A_552 = tpu.vector_load_idx %arg9[%add3A_519, %and3A_522, %broadcast_in_dim3A_532, %broadcast_in_dim3A_551, %and3A_525] : memref<3x4x4x8x128xf32, #tpu.memory_space<vmem>>[vector<16xi32>, vector<16xi32>, vector<16xi32>, vector<16xi32>, vector<16xi32>], vector<16xf32>,
      %gather3A_553 = tpu.vector_load_idx %arg10[%add3A_519, %and3A_522, %broadcast_in_dim3A_532, %broadcast_in_dim3A_551, %and3A_528] : memref<3x4x4x8x128xf32, #tpu.memory_space<vmem>>[vector<16xi32>, vector<16xi32>, vector<16xi32>, vector<16xi32>, vector<16xi32>], vector<16xf32>,
      %mul3A_554 = arith.mulf %gather3A_552, %gather3A_553 : vector<16xf32>
      %add3A_555 = arith.addf %add3A_549, %mul3A_554 : vector<16xf32>
      %broadcast_in_dim3A_556 = arith.constant 4 : i32
      %broadcast_in_dim3A_557 = vector.broadcast %broadcast_in_dim3A_556 : i32 to vector<16xi32>
      %gather3A_558 = tpu.vector_load_idx %arg9[%add3A_519, %and3A_522, %broadcast_in_dim3A_532, %broadcast_in_dim3A_557, %and3A_525] : memref<3x4x4x8x128xf32, #tpu.memory_space<vmem>>[vector<16xi32>, vector<16xi32>, vector<16xi32>, vector<16xi32>, vector<16xi32>], vector<16xf32>,
      %gather3A_559 = tpu.vector_load_idx %arg10[%add3A_519, %and3A_522, %broadcast_in_dim3A_532, %broadcast_in_dim3A_557, %and3A_528] : memref<3x4x4x8x128xf32, #tpu.memory_space<vmem>>[vector<16xi32>, vector<16xi32>, vector<16xi32>, vector<16xi32>, vector<16xi32>], vector<16xf32>,
      %mul3A_560 = arith.mulf %gather3A_558, %gather3A_559 : vector<16xf32>
      %add3A_561 = arith.addf %add3A_555, %mul3A_560 : vector<16xf32>
      %broadcast_in_dim3A_562 = arith.constant 5 : i32
      %broadcast_in_dim3A_563 = vector.broadcast %broadcast_in_dim3A_562 : i32 to vector<16xi32>
      %gather3A_564 = tpu.vector_load_idx %arg9[%add3A_519, %and3A_522, %broadcast_in_dim3A_532, %broadcast_in_dim3A_563, %and3A_525] : memref<3x4x4x8x128xf32, #tpu.memory_space<vmem>>[vector<16xi32>, vector<16xi32>, vector<16xi32>, vector<16xi32>, vector<16xi32>], vector<16xf32>,
      %gather3A_565 = tpu.vector_load_idx %arg10[%add3A_519, %and3A_522, %broadcast_in_dim3A_532, %broadcast_in_dim3A_563, %and3A_528] : memref<3x4x4x8x128xf32, #tpu.memory_space<vmem>>[vector<16xi32>, vector<16xi32>, vector<16xi32>, vector<16xi32>, vector<16xi32>], vector<16xf32>,
      %mul3A_566 = arith.mulf %gather3A_564, %gather3A_565 : vector<16xf32>
      %add3A_567 = arith.addf %add3A_561, %mul3A_566 : vector<16xf32>
      %broadcast_in_dim3A_568 = arith.constant 6 : i32
      %broadcast_in_dim3A_569 = vector.broadcast %broadcast_in_dim3A_568 : i32 to vector<16xi32>
      %gather3A_570 = tpu.vector_load_idx %arg9[%add3A_519, %and3A_522, %broadcast_in_dim3A_532, %broadcast_in_dim3A_569, %and3A_525] : memref<3x4x4x8x128xf32, #tpu.memory_space<vmem>>[vector<16xi32>, vector<16xi32>, vector<16xi32>, vector<16xi32>, vector<16xi32>], vector<16xf32>,
      %gather3A_571 = tpu.vector_load_idx %arg10[%add3A_519, %and3A_522, %broadcast_in_dim3A_532, %broadcast_in_dim3A_569, %and3A_528] : memref<3x4x4x8x128xf32, #tpu.memory_space<vmem>>[vector<16xi32>, vector<16xi32>, vector<16xi32>, vector<16xi32>, vector<16xi32>], vector<16xf32>,
      %mul3A_572 = arith.mulf %gather3A_570, %gather3A_571 : vector<16xf32>
      %add3A_573 = arith.addf %add3A_567, %mul3A_572 : vector<16xf32>
      %broadcast_in_dim3A_574 = arith.constant 7 : i32
      %broadcast_in_dim3A_575 = vector.broadcast %broadcast_in_dim3A_574 : i32 to vector<16xi32>
      %gather3A_576 = tpu.vector_load_idx %arg9[%add3A_519, %and3A_522, %broadcast_in_dim3A_532, %broadcast_in_dim3A_575, %and3A_525] : memref<3x4x4x8x128xf32, #tpu.memory_space<vmem>>[vector<16xi32>, vector<16xi32>, vector<16xi32>, vector<16xi32>, vector<16xi32>], vector<16xf32>,
      %gather3A_577 = tpu.vector_load_idx %arg10[%add3A_519, %and3A_522, %broadcast_in_dim3A_532, %broadcast_in_dim3A_575, %and3A_528] : memref<3x4x4x8x128xf32, #tpu.memory_space<vmem>>[vector<16xi32>, vector<16xi32>, vector<16xi32>, vector<16xi32>, vector<16xi32>], vector<16xf32>,
      %mul3A_578 = arith.mulf %gather3A_576, %gather3A_577 : vector<16xf32>
      %add3A_579 = arith.addf %add3A_573, %mul3A_578 : vector<16xf32>
      %broadcast_in_dim3A_580 = arith.constant 1 : i32
      %broadcast_in_dim3A_581 = vector.broadcast %broadcast_in_dim3A_580 : i32 to vector<16xi32>
      %broadcast_in_dim3A_582 = arith.constant 0 : i32
      %broadcast_in_dim3A_583 = vector.broadcast %broadcast_in_dim3A_582 : i32 to vector<16xi32>
      %gather3A_584 = tpu.vector_load_idx %arg9[%add3A_519, %and3A_522, %broadcast_in_dim3A_581, %broadcast_in_dim3A_583, %and3A_525] : memref<3x4x4x8x128xf32, #tpu.memory_space<vmem>>[vector<16xi32>, vector<16xi32>, vector<16xi32>, vector<16xi32>, vector<16xi32>], vector<16xf32>,
      %gather3A_585 = tpu.vector_load_idx %arg10[%add3A_519, %and3A_522, %broadcast_in_dim3A_581, %broadcast_in_dim3A_583, %and3A_528] : memref<3x4x4x8x128xf32, #tpu.memory_space<vmem>>[vector<16xi32>, vector<16xi32>, vector<16xi32>, vector<16xi32>, vector<16xi32>], vector<16xf32>,
      %mul3A_586 = arith.mulf %gather3A_584, %gather3A_585 : vector<16xf32>
      %add3A_587 = arith.addf %add3A_579, %mul3A_586 : vector<16xf32>
      %broadcast_in_dim3A_588 = arith.constant 1 : i32
      %broadcast_in_dim3A_589 = vector.broadcast %broadcast_in_dim3A_588 : i32 to vector<16xi32>
      %gather3A_590 = tpu.vector_load_idx %arg9[%add3A_519, %and3A_522, %broadcast_in_dim3A_581, %broadcast_in_dim3A_589, %and3A_525] : memref<3x4x4x8x128xf32, #tpu.memory_space<vmem>>[vector<16xi32>, vector<16xi32>, vector<16xi32>, vector<16xi32>, vector<16xi32>], vector<16xf32>,
      %gather3A_591 = tpu.vector_load_idx %arg10[%add3A_519, %and3A_522, %broadcast_in_dim3A_581, %broadcast_in_dim3A_589, %and3A_528] : memref<3x4x4x8x128xf32, #tpu.memory_space<vmem>>[vector<16xi32>, vector<16xi32>, vector<16xi32>, vector<16xi32>, vector<16xi32>], vector<16xf32>,
      %mul3A_592 = arith.mulf %gather3A_590, %gather3A_591 : vector<16xf32>
      %add3A_593 = arith.addf %add3A_587, %mul3A_592 : vector<16xf32>
      %broadcast_in_dim3A_594 = arith.constant 2 : i32
      %broadcast_in_dim3A_595 = vector.broadcast %broadcast_in_dim3A_594 : i32 to vector<16xi32>
      %gather3A_596 = tpu.vector_load_idx %arg9[%add3A_519, %and3A_522, %broadcast_in_dim3A_581, %broadcast_in_dim3A_595, %and3A_525] : memref<3x4x4x8x128xf32, #tpu.memory_space<vmem>>[vector<16xi32>, vector<16xi32>, vector<16xi32>, vector<16xi32>, vector<16xi32>], vector<16xf32>,
      %gather3A_597 = tpu.vector_load_idx %arg10[%add3A_519, %and3A_522, %broadcast_in_dim3A_581, %broadcast_in_dim3A_595, %and3A_528] : memref<3x4x4x8x128xf32, #tpu.memory_space<vmem>>[vector<16xi32>, vector<16xi32>, vector<16xi32>, vector<16xi32>, vector<16xi32>], vector<16xf32>,
      %mul3A_598 = arith.mulf %gather3A_596, %gather3A_597 : vector<16xf32>
      %add3A_599 = arith.addf %add3A_593, %mul3A_598 : vector<16xf32>
      %broadcast_in_dim3A_600 = arith.constant 3 : i32
      %broadcast_in_dim3A_601 = vector.broadcast %broadcast_in_dim3A_600 : i32 to vector<16xi32>
      %gather3A_602 = tpu.vector_load_idx %arg9[%add3A_519, %and3A_522, %broadcast_in_dim3A_581, %broadcast_in_dim3A_601, %and3A_525] : memref<3x4x4x8x128xf32, #tpu.memory_space<vmem>>[vector<16xi32>, vector<16xi32>, vector<16xi32>, vector<16xi32>, vector<16xi32>], vector<16xf32>,
      %gather3A_603 = tpu.vector_load_idx %arg10[%add3A_519, %and3A_522, %broadcast_in_dim3A_581, %broadcast_in_dim3A_601, %and3A_528] : memref<3x4x4x8x128xf32, #tpu.memory_space<vmem>>[vector<16xi32>, vector<16xi32>, vector<16xi32>, vector<16xi32>, vector<16xi32>], vector<16xf32>,
      %mul3A_604 = arith.mulf %gather3A_602, %gather3A_603 : vector<16xf32>
      %add3A_605 = arith.addf %add3A_599, %mul3A_604 : vector<16xf32>
      %broadcast_in_dim3A_606 = arith.constant 4 : i32
      %broadcast_in_dim3A_607 = vector.broadcast %broadcast_in_dim3A_606 : i32 to vector<16xi32>
      %gather3A_608 = tpu.vector_load_idx %arg9[%add3A_519, %and3A_522, %broadcast_in_dim3A_581, %broadcast_in_dim3A_607, %and3A_525] : memref<3x4x4x8x128xf32, #tpu.memory_space<vmem>>[vector<16xi32>, vector<16xi32>, vector<16xi32>, vector<16xi32>, vector<16xi32>], vector<16xf32>,
      %gather3A_609 = tpu.vector_load_idx %arg10[%add3A_519, %and3A_522, %broadcast_in_dim3A_581, %broadcast_in_dim3A_607, %and3A_528] : memref<3x4x4x8x128xf32, #tpu.memory_space<vmem>>[vector<16xi32>, vector<16xi32>, vector<16xi32>, vector<16xi32>, vector<16xi32>], vector<16xf32>,
      %mul3A_610 = arith.mulf %gather3A_608, %gather3A_609 : vector<16xf32>
      %add3A_611 = arith.addf %add3A_605, %mul3A_610 : vector<16xf32>
      %broadcast_in_dim3A_612 = arith.constant 5 : i32
      %broadcast_in_dim3A_613 = vector.broadcast %broadcast_in_dim3A_612 : i32 to vector<16xi32>
      %gather3A_614 = tpu.vector_load_idx %arg9[%add3A_519, %and3A_522, %broadcast_in_dim3A_581, %broadcast_in_dim3A_613, %and3A_525] : memref<3x4x4x8x128xf32, #tpu.memory_space<vmem>>[vector<16xi32>, vector<16xi32>, vector<16xi32>, vector<16xi32>, vector<16xi32>], vector<16xf32>,
      %gather3A_615 = tpu.vector_load_idx %arg10[%add3A_519, %and3A_522, %broadcast_in_dim3A_581, %broadcast_in_dim3A_613, %and3A_528] : memref<3x4x4x8x128xf32, #tpu.memory_space<vmem>>[vector<16xi32>, vector<16xi32>, vector<16xi32>, vector<16xi32>, vector<16xi32>], vector<16xf32>,
      %mul3A_616 = arith.mulf %gather3A_614, %gather3A_615 : vector<16xf32>
      %add3A_617 = arith.addf %add3A_611, %mul3A_616 : vector<16xf32>
      %broadcast_in_dim3A_618 = arith.constant 6 : i32
      %broadcast_in_dim3A_619 = vector.broadcast %broadcast_in_dim3A_618 : i32 to vector<16xi32>
      %gather3A_620 = tpu.vector_load_idx %arg9[%add3A_519, %and3A_522, %broadcast_in_dim3A_581, %broadcast_in_dim3A_619, %and3A_525] : memref<3x4x4x8x128xf32, #tpu.memory_space<vmem>>[vector<16xi32>, vector<16xi32>, vector<16xi32>, vector<16xi32>, vector<16xi32>], vector<16xf32>,
      %gather3A_621 = tpu.vector_load_idx %arg10[%add3A_519, %and3A_522, %broadcast_in_dim3A_581, %broadcast_in_dim3A_619, %and3A_528] : memref<3x4x4x8x128xf32, #tpu.memory_space<vmem>>[vector<16xi32>, vector<16xi32>, vector<16xi32>, vector<16xi32>, vector<16xi32>], vector<16xf32>,
      %mul3A_622 = arith.mulf %gather3A_620, %gather3A_621 : vector<16xf32>
      %add3A_623 = arith.addf %add3A_617, %mul3A_622 : vector<16xf32>
      %broadcast_in_dim3A_624 = arith.constant 7 : i32
      %broadcast_in_dim3A_625 = vector.broadcast %broadcast_in_dim3A_624 : i32 to vector<16xi32>
      %gather3A_626 = tpu.vector_load_idx %arg9[%add3A_519, %and3A_522, %broadcast_in_dim3A_581, %broadcast_in_dim3A_625, %and3A_525] : memref<3x4x4x8x128xf32, #tpu.memory_space<vmem>>[vector<16xi32>, vector<16xi32>, vector<16xi32>, vector<16xi32>, vector<16xi32>], vector<16xf32>,
      %gather3A_627 = tpu.vector_load_idx %arg10[%add3A_519, %and3A_522, %broadcast_in_dim3A_581, %broadcast_in_dim3A_625, %and3A_528] : memref<3x4x4x8x128xf32, #tpu.memory_space<vmem>>[vector<16xi32>, vector<16xi32>, vector<16xi32>, vector<16xi32>, vector<16xi32>], vector<16xf32>,
      %mul3A_628 = arith.mulf %gather3A_626, %gather3A_627 : vector<16xf32>
      %add3A_629 = arith.addf %add3A_623, %mul3A_628 : vector<16xf32>
      %broadcast_in_dim3A_630 = arith.constant 2 : i32
      %broadcast_in_dim3A_631 = vector.broadcast %broadcast_in_dim3A_630 : i32 to vector<16xi32>
      %broadcast_in_dim3A_632 = arith.constant 0 : i32
      %broadcast_in_dim3A_633 = vector.broadcast %broadcast_in_dim3A_632 : i32 to vector<16xi32>
      %gather3A_634 = tpu.vector_load_idx %arg9[%add3A_519, %and3A_522, %broadcast_in_dim3A_631, %broadcast_in_dim3A_633, %and3A_525] : memref<3x4x4x8x128xf32, #tpu.memory_space<vmem>>[vector<16xi32>, vector<16xi32>, vector<16xi32>, vector<16xi32>, vector<16xi32>], vector<16xf32>,
      %gather3A_635 = tpu.vector_load_idx %arg10[%add3A_519, %and3A_522, %broadcast_in_dim3A_631, %broadcast_in_dim3A_633, %and3A_528] : memref<3x4x4x8x128xf32, #tpu.memory_space<vmem>>[vector<16xi32>, vector<16xi32>, vector<16xi32>, vector<16xi32>, vector<16xi32>], vector<16xf32>,
      %mul3A_636 = arith.mulf %gather3A_634, %gather3A_635 : vector<16xf32>
      %add3A_637 = arith.addf %add3A_629, %mul3A_636 : vector<16xf32>
      %broadcast_in_dim3A_638 = arith.constant 1 : i32
      %broadcast_in_dim3A_639 = vector.broadcast %broadcast_in_dim3A_638 : i32 to vector<16xi32>
      %gather3A_640 = tpu.vector_load_idx %arg9[%add3A_519, %and3A_522, %broadcast_in_dim3A_631, %broadcast_in_dim3A_639, %and3A_525] : memref<3x4x4x8x128xf32, #tpu.memory_space<vmem>>[vector<16xi32>, vector<16xi32>, vector<16xi32>, vector<16xi32>, vector<16xi32>], vector<16xf32>,
      %gather3A_641 = tpu.vector_load_idx %arg10[%add3A_519, %and3A_522, %broadcast_in_dim3A_631, %broadcast_in_dim3A_639, %and3A_528] : memref<3x4x4x8x128xf32, #tpu.memory_space<vmem>>[vector<16xi32>, vector<16xi32>, vector<16xi32>, vector<16xi32>, vector<16xi32>], vector<16xf32>,
      %mul3A_642 = arith.mulf %gather3A_640, %gather3A_641 : vector<16xf32>
      %add3A_643 = arith.addf %add3A_637, %mul3A_642 : vector<16xf32>
      %broadcast_in_dim3A_644 = arith.constant 2 : i32
      %broadcast_in_dim3A_645 = vector.broadcast %broadcast_in_dim3A_644 : i32 to vector<16xi32>
      %gather3A_646 = tpu.vector_load_idx %arg9[%add3A_519, %and3A_522, %broadcast_in_dim3A_631, %broadcast_in_dim3A_645, %and3A_525] : memref<3x4x4x8x128xf32, #tpu.memory_space<vmem>>[vector<16xi32>, vector<16xi32>, vector<16xi32>, vector<16xi32>, vector<16xi32>], vector<16xf32>,
      %gather3A_647 = tpu.vector_load_idx %arg10[%add3A_519, %and3A_522, %broadcast_in_dim3A_631, %broadcast_in_dim3A_645, %and3A_528] : memref<3x4x4x8x128xf32, #tpu.memory_space<vmem>>[vector<16xi32>, vector<16xi32>, vector<16xi32>, vector<16xi32>, vector<16xi32>], vector<16xf32>,
      %mul3A_648 = arith.mulf %gather3A_646, %gather3A_647 : vector<16xf32>
      %add3A_649 = arith.addf %add3A_643, %mul3A_648 : vector<16xf32>
      %broadcast_in_dim3A_650 = arith.constant 3 : i32
      %broadcast_in_dim3A_651 = vector.broadcast %broadcast_in_dim3A_650 : i32 to vector<16xi32>
      %gather3A_652 = tpu.vector_load_idx %arg9[%add3A_519, %and3A_522, %broadcast_in_dim3A_631, %broadcast_in_dim3A_651, %and3A_525] : memref<3x4x4x8x128xf32, #tpu.memory_space<vmem>>[vector<16xi32>, vector<16xi32>, vector<16xi32>, vector<16xi32>, vector<16xi32>], vector<16xf32>,
      %gather3A_653 = tpu.vector_load_idx %arg10[%add3A_519, %and3A_522, %broadcast_in_dim3A_631, %broadcast_in_dim3A_651, %and3A_528] : memref<3x4x4x8x128xf32, #tpu.memory_space<vmem>>[vector<16xi32>, vector<16xi32>, vector<16xi32>, vector<16xi32>, vector<16xi32>], vector<16xf32>,
      %mul3A_654 = arith.mulf %gather3A_652, %gather3A_653 : vector<16xf32>
      %add3A_655 = arith.addf %add3A_649, %mul3A_654 : vector<16xf32>
      %broadcast_in_dim3A_656 = arith.constant 4 : i32
      %broadcast_in_dim3A_657 = vector.broadcast %broadcast_in_dim3A_656 : i32 to vector<16xi32>
      %gather3A_658 = tpu.vector_load_idx %arg9[%add3A_519, %and3A_522, %broadcast_in_dim3A_631, %broadcast_in_dim3A_657, %and3A_525] : memref<3x4x4x8x128xf32, #tpu.memory_space<vmem>>[vector<16xi32>, vector<16xi32>, vector<16xi32>, vector<16xi32>, vector<16xi32>], vector<16xf32>,
      %gather3A_659 = tpu.vector_load_idx %arg10[%add3A_519, %and3A_522, %broadcast_in_dim3A_631, %broadcast_in_dim3A_657, %and3A_528] : memref<3x4x4x8x128xf32, #tpu.memory_space<vmem>>[vector<16xi32>, vector<16xi32>, vector<16xi32>, vector<16xi32>, vector<16xi32>], vector<16xf32>,
      %mul3A_660 = arith.mulf %gather3A_658, %gather3A_659 : vector<16xf32>
      %add3A_661 = arith.addf %add3A_655, %mul3A_660 : vector<16xf32>
      %broadcast_in_dim3A_662 = arith.constant 5 : i32
      %broadcast_in_dim3A_663 = vector.broadcast %broadcast_in_dim3A_662 : i32 to vector<16xi32>
      %gather3A_664 = tpu.vector_load_idx %arg9[%add3A_519, %and3A_522, %broadcast_in_dim3A_631, %broadcast_in_dim3A_663, %and3A_525] : memref<3x4x4x8x128xf32, #tpu.memory_space<vmem>>[vector<16xi32>, vector<16xi32>, vector<16xi32>, vector<16xi32>, vector<16xi32>], vector<16xf32>,
      %gather3A_665 = tpu.vector_load_idx %arg10[%add3A_519, %and3A_522, %broadcast_in_dim3A_631, %broadcast_in_dim3A_663, %and3A_528] : memref<3x4x4x8x128xf32, #tpu.memory_space<vmem>>[vector<16xi32>, vector<16xi32>, vector<16xi32>, vector<16xi32>, vector<16xi32>], vector<16xf32>,
      %mul3A_666 = arith.mulf %gather3A_664, %gather3A_665 : vector<16xf32>
      %add3A_667 = arith.addf %add3A_661, %mul3A_666 : vector<16xf32>
      %broadcast_in_dim3A_668 = arith.constant 6 : i32
      %broadcast_in_dim3A_669 = vector.broadcast %broadcast_in_dim3A_668 : i32 to vector<16xi32>
      %gather3A_670 = tpu.vector_load_idx %arg9[%add3A_519, %and3A_522, %broadcast_in_dim3A_631, %broadcast_in_dim3A_669, %and3A_525] : memref<3x4x4x8x128xf32, #tpu.memory_space<vmem>>[vector<16xi32>, vector<16xi32>, vector<16xi32>, vector<16xi32>, vector<16xi32>], vector<16xf32>,
      %gather3A_671 = tpu.vector_load_idx %arg10[%add3A_519, %and3A_522, %broadcast_in_dim3A_631, %broadcast_in_dim3A_669, %and3A_528] : memref<3x4x4x8x128xf32, #tpu.memory_space<vmem>>[vector<16xi32>, vector<16xi32>, vector<16xi32>, vector<16xi32>, vector<16xi32>], vector<16xf32>,
      %mul3A_672 = arith.mulf %gather3A_670, %gather3A_671 : vector<16xf32>
      %add3A_673 = arith.addf %add3A_667, %mul3A_672 : vector<16xf32>
      %broadcast_in_dim3A_674 = arith.constant 7 : i32
      %broadcast_in_dim3A_675 = vector.broadcast %broadcast_in_dim3A_674 : i32 to vector<16xi32>
      %gather3A_676 = tpu.vector_load_idx %arg9[%add3A_519, %and3A_522, %broadcast_in_dim3A_631, %broadcast_in_dim3A_675, %and3A_525] : memref<3x4x4x8x128xf32, #tpu.memory_space<vmem>>[vector<16xi32>, vector<16xi32>, vector<16xi32>, vector<16xi32>, vector<16xi32>], vector<16xf32>,
      %gather3A_677 = tpu.vector_load_idx %arg10[%add3A_519, %and3A_522, %broadcast_in_dim3A_631, %broadcast_in_dim3A_675, %and3A_528] : memref<3x4x4x8x128xf32, #tpu.memory_space<vmem>>[vector<16xi32>, vector<16xi32>, vector<16xi32>, vector<16xi32>, vector<16xi32>], vector<16xf32>,
      %mul3A_678 = arith.mulf %gather3A_676, %gather3A_677 : vector<16xf32>
      %add3A_679 = arith.addf %add3A_673, %mul3A_678 : vector<16xf32>
      %broadcast_in_dim3A_680 = arith.constant 3 : i32
      %broadcast_in_dim3A_681 = vector.broadcast %broadcast_in_dim3A_680 : i32 to vector<16xi32>
      %broadcast_in_dim3A_682 = arith.constant 0 : i32
      %broadcast_in_dim3A_683 = vector.broadcast %broadcast_in_dim3A_682 : i32 to vector<16xi32>
      %gather3A_684 = tpu.vector_load_idx %arg9[%add3A_519, %and3A_522, %broadcast_in_dim3A_681, %broadcast_in_dim3A_683, %and3A_525] : memref<3x4x4x8x128xf32, #tpu.memory_space<vmem>>[vector<16xi32>, vector<16xi32>, vector<16xi32>, vector<16xi32>, vector<16xi32>], vector<16xf32>,
      %gather3A_685 = tpu.vector_load_idx %arg10[%add3A_519, %and3A_522, %broadcast_in_dim3A_681, %broadcast_in_dim3A_683, %and3A_528] : memref<3x4x4x8x128xf32, #tpu.memory_space<vmem>>[vector<16xi32>, vector<16xi32>, vector<16xi32>, vector<16xi32>, vector<16xi32>], vector<16xf32>,
      %mul3A_686 = arith.mulf %gather3A_684, %gather3A_685 : vector<16xf32>
      %add3A_687 = arith.addf %add3A_679, %mul3A_686 : vector<16xf32>
      %broadcast_in_dim3A_688 = arith.constant 1 : i32
      %broadcast_in_dim3A_689 = vector.broadcast %broadcast_in_dim3A_688 : i32 to vector<16xi32>
      %gather3A_690 = tpu.vector_load_idx %arg9[%add3A_519, %and3A_522, %broadcast_in_dim3A_681, %broadcast_in_dim3A_689, %and3A_525] : memref<3x4x4x8x128xf32, #tpu.memory_space<vmem>>[vector<16xi32>, vector<16xi32>, vector<16xi32>, vector<16xi32>, vector<16xi32>], vector<16xf32>,
      %gather3A_691 = tpu.vector_load_idx %arg10[%add3A_519, %and3A_522, %broadcast_in_dim3A_681, %broadcast_in_dim3A_689, %and3A_528] : memref<3x4x4x8x128xf32, #tpu.memory_space<vmem>>[vector<16xi32>, vector<16xi32>, vector<16xi32>, vector<16xi32>, vector<16xi32>], vector<16xf32>,
      %mul3A_692 = arith.mulf %gather3A_690, %gather3A_691 : vector<16xf32>
      %add3A_693 = arith.addf %add3A_687, %mul3A_692 : vector<16xf32>
      %broadcast_in_dim3A_694 = arith.constant 2 : i32
      %broadcast_in_dim3A_695 = vector.broadcast %broadcast_in_dim3A_694 : i32 to vector<16xi32>
      %gather3A_696 = tpu.vector_load_idx %arg9[%add3A_519, %and3A_522, %broadcast_in_dim3A_681, %broadcast_in_dim3A_695, %and3A_525] : memref<3x4x4x8x128xf32, #tpu.memory_space<vmem>>[vector<16xi32>, vector<16xi32>, vector<16xi32>, vector<16xi32>, vector<16xi32>], vector<16xf32>,
      %gather3A_697 = tpu.vector_load_idx %arg10[%add3A_519, %and3A_522, %broadcast_in_dim3A_681, %broadcast_in_dim3A_695, %and3A_528] : memref<3x4x4x8x128xf32, #tpu.memory_space<vmem>>[vector<16xi32>, vector<16xi32>, vector<16xi32>, vector<16xi32>, vector<16xi32>], vector<16xf32>,
      %mul3A_698 = arith.mulf %gather3A_696, %gather3A_697 : vector<16xf32>
      %add3A_699 = arith.addf %add3A_693, %mul3A_698 : vector<16xf32>
      %broadcast_in_dim3A_700 = arith.constant 3 : i32
      %broadcast_in_dim3A_701 = vector.broadcast %broadcast_in_dim3A_700 : i32 to vector<16xi32>
      %gather3A_702 = tpu.vector_load_idx %arg9[%add3A_519, %and3A_522, %broadcast_in_dim3A_681, %broadcast_in_dim3A_701, %and3A_525] : memref<3x4x4x8x128xf32, #tpu.memory_space<vmem>>[vector<16xi32>, vector<16xi32>, vector<16xi32>, vector<16xi32>, vector<16xi32>], vector<16xf32>,
      %gather3A_703 = tpu.vector_load_idx %arg10[%add3A_519, %and3A_522, %broadcast_in_dim3A_681, %broadcast_in_dim3A_701, %and3A_528] : memref<3x4x4x8x128xf32, #tpu.memory_space<vmem>>[vector<16xi32>, vector<16xi32>, vector<16xi32>, vector<16xi32>, vector<16xi32>], vector<16xf32>,
      %mul3A_704 = arith.mulf %gather3A_702, %gather3A_703 : vector<16xf32>
      %add3A_705 = arith.addf %add3A_699, %mul3A_704 : vector<16xf32>
      %broadcast_in_dim3A_706 = arith.constant 4 : i32
      %broadcast_in_dim3A_707 = vector.broadcast %broadcast_in_dim3A_706 : i32 to vector<16xi32>
      %gather3A_708 = tpu.vector_load_idx %arg9[%add3A_519, %and3A_522, %broadcast_in_dim3A_681, %broadcast_in_dim3A_707, %and3A_525] : memref<3x4x4x8x128xf32, #tpu.memory_space<vmem>>[vector<16xi32>, vector<16xi32>, vector<16xi32>, vector<16xi32>, vector<16xi32>], vector<16xf32>,
      %gather3A_709 = tpu.vector_load_idx %arg10[%add3A_519, %and3A_522, %broadcast_in_dim3A_681, %broadcast_in_dim3A_707, %and3A_528] : memref<3x4x4x8x128xf32, #tpu.memory_space<vmem>>[vector<16xi32>, vector<16xi32>, vector<16xi32>, vector<16xi32>, vector<16xi32>], vector<16xf32>,
      %mul3A_710 = arith.mulf %gather3A_708, %gather3A_709 : vector<16xf32>
      %add3A_711 = arith.addf %add3A_705, %mul3A_710 : vector<16xf32>
      %broadcast_in_dim3A_712 = arith.constant 5 : i32
      %broadcast_in_dim3A_713 = vector.broadcast %broadcast_in_dim3A_712 : i32 to vector<16xi32>
      %gather3A_714 = tpu.vector_load_idx %arg9[%add3A_519, %and3A_522, %broadcast_in_dim3A_681, %broadcast_in_dim3A_713, %and3A_525] : memref<3x4x4x8x128xf32, #tpu.memory_space<vmem>>[vector<16xi32>, vector<16xi32>, vector<16xi32>, vector<16xi32>, vector<16xi32>], vector<16xf32>,
      %gather3A_715 = tpu.vector_load_idx %arg10[%add3A_519, %and3A_522, %broadcast_in_dim3A_681, %broadcast_in_dim3A_713, %and3A_528] : memref<3x4x4x8x128xf32, #tpu.memory_space<vmem>>[vector<16xi32>, vector<16xi32>, vector<16xi32>, vector<16xi32>, vector<16xi32>], vector<16xf32>,
      %mul3A_716 = arith.mulf %gather3A_714, %gather3A_715 : vector<16xf32>
      %add3A_717 = arith.addf %add3A_711, %mul3A_716 : vector<16xf32>
      %broadcast_in_dim3A_718 = arith.constant 6 : i32
      %broadcast_in_dim3A_719 = vector.broadcast %broadcast_in_dim3A_718 : i32 to vector<16xi32>
      %gather3A_720 = tpu.vector_load_idx %arg9[%add3A_519, %and3A_522, %broadcast_in_dim3A_681, %broadcast_in_dim3A_719, %and3A_525] : memref<3x4x4x8x128xf32, #tpu.memory_space<vmem>>[vector<16xi32>, vector<16xi32>, vector<16xi32>, vector<16xi32>, vector<16xi32>], vector<16xf32>,
      %gather3A_721 = tpu.vector_load_idx %arg10[%add3A_519, %and3A_522, %broadcast_in_dim3A_681, %broadcast_in_dim3A_719, %and3A_528] : memref<3x4x4x8x128xf32, #tpu.memory_space<vmem>>[vector<16xi32>, vector<16xi32>, vector<16xi32>, vector<16xi32>, vector<16xi32>], vector<16xf32>,
      %mul3A_722 = arith.mulf %gather3A_720, %gather3A_721 : vector<16xf32>
      %add3A_723 = arith.addf %add3A_717, %mul3A_722 : vector<16xf32>
      %broadcast_in_dim3A_724 = arith.constant 7 : i32
      %broadcast_in_dim3A_725 = vector.broadcast %broadcast_in_dim3A_724 : i32 to vector<16xi32>
      %gather3A_726 = tpu.vector_load_idx %arg9[%add3A_519, %and3A_522, %broadcast_in_dim3A_681, %broadcast_in_dim3A_725, %and3A_525] : memref<3x4x4x8x128xf32, #tpu.memory_space<vmem>>[vector<16xi32>, vector<16xi32>, vector<16xi32>, vector<16xi32>, vector<16xi32>], vector<16xf32>,
      %gather3A_727 = tpu.vector_load_idx %arg10[%add3A_519, %and3A_522, %broadcast_in_dim3A_681, %broadcast_in_dim3A_725, %and3A_528] : memref<3x4x4x8x128xf32, #tpu.memory_space<vmem>>[vector<16xi32>, vector<16xi32>, vector<16xi32>, vector<16xi32>, vector<16xi32>], vector<16xf32>,
      %mul3A_728 = arith.mulf %gather3A_726, %gather3A_727 : vector<16xf32>
      %add3A_729 = arith.addf %add3A_723, %mul3A_728 : vector<16xf32>
      %swap3A = arith.index_cast %multiple_of3A_491 : i32 to index
      %swap3A_730 = tpu.vector_load %arg11[%swap3A] masked %lt3A_6 {strides = array<i32>} : memref<1032xf32, #tpu.memory_space<vmem>>, vector<16xf32>, vector<16xi1>
      tpu.vector_store %arg11[%swap3A], %add3A_729 masked %lt3A_6 {strides = array<i32>} : memref<1032xf32, #tpu.memory_space<vmem>>, vector<16xf32>, vector<16xi1>
    }
    %scan3A_333 = arith.constant 128 : i32
    %scan3A_334 = arith.constant 0 : i32
    %scan3A_335 = arith.constant 0 : i32
    %scan3A_336 = arith.constant 32 : i32
    %scan3A_337 = arith.addi %scan3A_335, %scan3A_336 : i32
    %scan3A_338 = arith.constant 1 : i32
    scf.for %scan3A_342 = %scan3A_335 to %scan3A_337 step %scan3A_338  : i32 {
      %mul3A_343 = arith.constant 2 : i32
      %mul3A_344 = arith.muli %scan3A_342, %mul3A_343 : i32
      %mul3A_345 = arith.constant 16 : i32
      %mul3A_346 = arith.muli %mul3A_344, %mul3A_345 : i32
      %shift_right_logical3A_347 = arith.constant 2 : i32
      %shift_right_logical3A_348 = vector.broadcast %shift_right_logical3A_347 : i32 to vector<16xi32>
      %shift_right_logical3A_349 = arith.shrui %iota3A, %shift_right_logical3A_348 : vector<16xi32>
      %mul3A_350 = arith.constant 2 : i32
      %mul3A_351 = vector.broadcast %mul3A_350 : i32 to vector<16xi32>
      %mul3A_352 = arith.muli %shift_right_logical3A_349, %mul3A_351 : vector<16xi32>
      %mul3A_353 = arith.constant 4 : i32
      %mul3A_354 = vector.broadcast %mul3A_353 : i32 to vector<16xi32>
      %mul3A_355 = arith.muli %mul3A_352, %mul3A_354 : vector<16xi32>
      %add3A_356 = vector.broadcast %mul3A_346 : i32 to vector<16xi32>
      %add3A_357 = arith.addi %add3A_356, %mul3A_355 : vector<16xi32>
      %and3A_358 = arith.constant 3 : i32
      %and3A_359 = vector.broadcast %and3A_358 : i32 to vector<16xi32>
      %and3A_360 = arith.andi %iota3A, %and3A_359 : vector<16xi32>
      %add3A_361 = arith.addi %add3A_357, %and3A_360 : vector<16xi32>
      %gather3A = tpu.vector_load_idx %arg11[%add3A_361] : memref<1032xf32, #tpu.memory_space<vmem>>[vector<16xi32>], vector<16xf32>,
      %mul3A_362 = arith.constant 16 : i32
      %mul3A_363 = arith.muli %scan3A_342, %mul3A_362 : i32
      %multiple_of3A_364 = tpu.assume_multiple %mul3A_363, 16 : i32
      %swap3A = arith.index_cast %multiple_of3A_364 : i32 to index
      %swap3A_365 = tpu.vector_load %arg12[%swap3A] {strides = array<i32>} : memref<512xf32, #tpu.memory_space<vmem>>, vector<16xf32>,
      tpu.vector_store %arg12[%swap3A], %gather3A {strides = array<i32>} : memref<512xf32, #tpu.memory_space<vmem>>, vector<16xf32>,
    }
    %scan3A_339 = arith.constant 32 : i32
    %mul3A_340 = arith.constant 512 : i32
    %mul3A_341 = arith.muli %add3A, %mul3A_340 : i32
    "tpu.region"() ({
      %run_scoped3A = tpu.sem_alloc : memref<!tpu.dma_semaphore, #tpu.memory_space<semaphore_mem>>
      %dma_start3A = tpu.memref_slice %arg6[%mul3A_341] : memref<16384xf32, #tpu.memory_space<hbm>> -> memref<512xf32, #tpu.memory_space<hbm>>
      %dma_start3A_342 = tpu.memref_slice %arg6[%mul3A_341] : memref<16384xf32, #tpu.memory_space<hbm>> -> memref<512xf32, #tpu.memory_space<hbm>>
      tpu.enqueue_dma source(%arg12 : memref<512xf32, #tpu.memory_space<vmem>>) target(%dma_start3A_342 : memref<512xf32, #tpu.memory_space<hbm>>) target_semaphore(%run_scoped3A : memref<!tpu.dma_semaphore, #tpu.memory_space<semaphore_mem>>)
      %dma_wait3A = tpu.memref_slice %arg6[%mul3A_341] : memref<16384xf32, #tpu.memory_space<hbm>> -> memref<512xf32, #tpu.memory_space<hbm>>
      %dma_wait3A_343 = tpu.memref_slice %arg6[%mul3A_341] : memref<16384xf32, #tpu.memory_space<hbm>> -> memref<512xf32, #tpu.memory_space<hbm>>
      tpu.wait_dma2 semaphore(%run_scoped3A : memref<!tpu.dma_semaphore, #tpu.memory_space<semaphore_mem>>) src(%arg12 : memref<512xf32, #tpu.memory_space<vmem>>) dst(%dma_wait3A_343 : memref<512xf32, #tpu.memory_space<hbm>>)
      tpu.yield
    }) : () -> ()
    return
  }
}

</mosaic_0001>

<sc_bundles>
// kernel: kernel.3.cloned.1.call-start
scs
__scs_entry_jumppad:
0x0: {  	(pc) =	sbr.rel $0x88, $3  }
0x1: {  	(tag) =	ssettag $0x0;
	lr =	simm.s32 $0x1  }
0x2: {  	[smem:$0x3F9D] =	sst lr;
	_ =	strace $0xD0000000  }
0x3: {  	_ = 	snop  }
0x4: {  	_ = 	snop  }
0x5: {  	_ = 	snop  }
0x6: {  	_ = 	snop  }
0x7: {  	_ = 	snop  }
__scs_overlays_trampoline_lowered:
0x8: {  	[smem:$0x3FAC] =	sst s0  }
0x9: {  	[smem:$0x3FAD] =	sst s1  }
0xa: {  	[smem:$0x3FAE] =	sst s2  }
0xb: {  	[smem:$0x3FAF] =	sst s3  }
0xc: {  	[smem:$0x3FB0] =	sst s4  }
0xd: {  	[smem:$0x3FB1] =	sst s5  }
0xe: {  	[smem:$0x3FB2] =	sst s6  }
0xf: {  	[smem:$0x3FB3] =	sst s7  }
0x10: {  	[smem:$0x3FB4] =	sst s8  }
0x11: {  	[smem:$0x3FB5] =	sst s9;
	s0 =	simm.s32 @!p0 $0x0  }
0x12: {  	s1 =	sld [smem:$0x3F9B];
	s0 =	simm.s32 @p0 $0x1  }
0x13: {  	[smem:$0x3FB6] =	sst s0;
	s0 =	simm.s32 @!p1 $0x0  }
0x14: {  	s2 =	sld [smem:$0x3F9A];
	s0 =	simm.s32 @p1 $0x1  }
0x15: {  	[smem:$0x3FB7] =	sst s0;
	s0 =	simm.s32 @!p2 $0x0  }
0x16: {  	s3 =	sld [smem:$0x3FDB];
	s0 =	simm.s32 @p2 $0x1  }
0x17: {  	s4 =	simm.s32 $0x1BF5;
	[smem:$0x3FB9] =	sst s0  }
0x18: {  	s0 =	sld [smem:$0x3F9C];
	_ =	swait.ge [sflag:s4], $0x0  }
0x19: {  	s7 =	sld [smem:$0x3F9D]  }
0x1a: {  	s8 =	sadd.s32 $0xFFFFE003, lr  }
0x1b: {  	s9 =	sadd.s32 $0xFFFFFEF7, lr;
	s5 =	simm.s32 $0xFFFFFFFF;
	p2 =	slt.u32 s8, $0xFFFFF086  }
0x1c: {  	p1 =	slt.u32 s9, $0xF7A;
	s5 =	simm.s32 @!p2 $0x0  }
0x1d: {  	s5 =	simm.s32 @p1 $0x1;
	p0 =	seq.s32 s7, s2  }
0x1e: {  	s7 =	smul.u32 @!p0 $0xF7A, s2;
	p2 =	seq.s32 @!p0 s5, $0x0  }
0x1f: {  	s9 =	smul.u32 $0xF7A, s1;
	s8 =	simm.s32 @!p0 $0x1BF5;
	p2 =	por !p2, p0  }
0x20: {  	[sflag:s8] =	ssyncset.s32 @!p0 $0xFFFFF086;
	s6 =	sadd.s32 @!p0 s3, s7;
	s7 =	simm.s32 @!p0 $0x108  }
0x21: {  	s3 =	sadd.s32 s3, s9;
	s6 =	sadd.s32 @!p0 $0x88, s6;
	s7 =	simm.s32 @p2 $0x1082  }
0x22: {  	[simem:s7], [sflag:s8] =	dma.local @!p0 [hbm:s6], $0xF7A  }
0x23: {  	s9 =	sor.u32 $0xD0000000, s2;
	s6 =	simm.s32 $0x108;
	_ =	swait.ge @!p0 [sflag:s8], $0x0  }
0x24: {  	s3 =	sadd.s32 $0x88, s3;
	s6 =	simm.s32 @!p1 $0x1082;
	[sflag:s4] =	ssyncset.s32 $0xFFFFF086  }
0x25: {  	[simem:s6], [sflag:s4] =	dma.local [hbm:s3], $0xF7A  }
0x26: {  	[smem:$0x3F9D] =	sst s1;
	(tag) =	ssettag s2;
	_ =	strace s9  }
0x27: {  	s1 =	sld [smem:$0x3FAD]  }
0x28: {  	s2 =	sld [smem:$0x3FAE]  }
0x29: {  	s4 =	sld [smem:$0x3FB0]  }
0x2a: {  	p0 =	seq.s32 s5, $0x0;
	s5 =	sld [smem:$0x3FB1]  }
0x2b: {  	s6 =	sld [smem:$0x3FB2]  }
0x2c: {  	s7 =	sld [smem:$0x3FB3]  }
0x2d: {  	s3 =	simm.s32 $0x108;
	s8 =	sld [smem:$0x3FB4]  }
0x2e: {  	s3 =	simm.s32 @!p0 $0x1082;
	s9 =	sld [smem:$0x3FB5]  }
0x2f: {  	lr =	sadd.s32 s0, s3;
	s0 =	sld [smem:$0x3FAC]  }
0x30: {  	s3 =	sld [smem:$0x3FAF]  }
0x31: {  	[smem:$0x3FB8] =	sst s10  }
0x32: {  	s10 =	sld [smem:$0x3FB6];
	_ =	sdelay $0x3  }
0x33: {  	p0 =	seq.s32 s10, $0x1;
	s10 =	sld [smem:$0x3FB8];
	_ =	sdelay $0x3  }
0x34: {  	[smem:$0x3FB8] =	sst s10  }
0x35: {  	s10 =	sld [smem:$0x3FB7];
	_ =	sdelay $0x3  }
0x36: {  	p1 =	seq.s32 s10, $0x1;
	s10 =	sld [smem:$0x3FB8];
	_ =	sdelay $0x3  }
0x37: {  	[smem:$0x3FB8] =	sst s10  }
0x38: {  	s10 =	sld [smem:$0x3FB9]  }
0x39: {  	_ = 	snop;
	(pc) =	sbr.ind lr, $3  }
0x3a: {  	_ = 	snop  }
0x3b: {  	_ = 	snop  }
0x3c: {  	p2 =	seq.s32 s10, $0x1;
	s10 =	sld [smem:$0x3FB8]  }
0x3d: {  	_ =	shalt  }
0x3e: {  	_ =	shalt  }
0x3f: {  	_ =	shalt  }
0x40: {  	_ =	shalt  }
0x41: {  	_ =	shalt  }
0x42: {  	_ =	shalt  }
0x43: {  	_ =	shalt  }
0x44: {  	_ =	shalt  }
0x45: {  	_ =	shalt  }
0x46: {  	_ =	shalt  }
0x47: {  	_ =	shalt  }
0x48: {  	_ =	shalt  }
0x49: {  	_ =	shalt  }
0x4a: {  	_ =	shalt  }
0x4b: {  	_ =	shalt  }
0x4c: {  	_ =	shalt  }
0x4d: {  	_ =	shalt  }
0x4e: {  	_ =	shalt  }
0x4f: {  	_ =	shalt  }
0x50: {  	_ =	shalt  }
0x51: {  	_ =	shalt  }
0x52: {  	_ =	shalt  }
0x53: {  	_ =	shalt  }
0x54: {  	_ =	shalt  }
0x55: {  	_ =	shalt  }
0x56: {  	_ =	shalt  }
0x57: {  	_ =	shalt  }
0x58: {  	_ =	shalt  }
0x59: {  	_ =	shalt  }
0x5a: {  	_ =	shalt  }
0x5b: {  	_ =	shalt  }
0x5c: {  	_ =	shalt  }
0x5d: {  	_ =	shalt  }
0x5e: {  	_ =	shalt  }
0x5f: {  	_ =	shalt  }
0x60: {  	_ =	shalt  }
0x61: {  	_ =	shalt  }
0x62: {  	_ =	shalt  }
0x63: {  	_ =	shalt  }
0x64: {  	_ =	shalt  }
0x65: {  	_ =	shalt  }
0x66: {  	_ =	shalt  }
0x67: {  	_ =	shalt  }
0x68: {  	_ =	shalt  }
0x69: {  	_ =	shalt  }
0x6a: {  	_ =	shalt  }
0x6b: {  	_ =	shalt  }
0x6c: {  	_ =	shalt  }
0x6d: {  	_ =	shalt  }
0x6e: {  	_ =	shalt  }
0x6f: {  	_ =	shalt  }
0x70: {  	_ =	shalt  }
0x71: {  	_ =	shalt  }
0x72: {  	_ =	shalt  }
0x73: {  	_ =	shalt  }
0x74: {  	_ =	shalt  }
0x75: {  	_ =	shalt  }
0x76: {  	_ =	shalt  }
0x77: {  	_ =	shalt  }
0x78: {  	_ =	shalt  }
0x79: {  	_ =	shalt  }
0x7a: {  	_ =	shalt  }
0x7b: {  	_ =	shalt  }
0x7c: {  	_ =	shalt  }
0x7d: {  	_ =	shalt  }
0x7e: {  	_ =	shalt  }
0x7f: {  	_ =	shalt  }
0x80: {  	_ =	shalt  }
0x81: {  	_ =	shalt  }
0x82: {  	_ =	shalt  }
0x83: {  	_ =	shalt  }
0x84: {  	_ =	shalt  }
0x85: {  	_ =	shalt  }
0x86: {  	_ =	shalt  }
0x87: {  	_ =	shalt  }
.Lfunc_end0:
.L_simem_size_0:
called_computation_lowered:
.L_overlay_start_0:
0x88: {  	s2 =	sld [smem:$0x3FD9]  }
0x89: {  	s3 =	sld [smem:$0x3FFE];
	_ =	sdelay $0x1  }
0x8a: {  	s1 =	srdreg.scid  }
0x8b: {  	s0 =	sand.u32 $0x1, s1  }
0x8c: {  	s17 =	sshll.u32 s0, $0xA;
	s2 =	sadd.s32 s3, s2  }
0x8d: {  	s2 =	sadd.s32 s2, s17  }
0x8e: {  	[smem:$0x3FC4] =	sst s2  }
0x8f: {  	_ = 	snop  }
0x90: {  	s2 =	sld [smem:$0x3FC7]  }
0x91: {  	s18 =	sld [smem:$0x3FC6]  }
0x92: {  	s4 =	sld [smem:$0x3FD0];
	(tm) =	ssettm $0x1  }
0x93: {  	s5 =	sld [smem:$0x3FFB];
	_ =	sdelay $0x3  }
0x94: {  	_ =	strace s5  }
0x95: {  	s5 =	sld [smem:$0x3FFC];
	_ =	sdelay $0x3  }
0x96: {  	_ =	strace s5  }
0x97: {  	s5 =	sld [smem:$0x3FFD];
	_ =	sdelay $0x3  }
0x98: {  	_ =	strace s5  }
0x99: {  	_ =	strace $0x8FFFFFFF  }
0x9a: {  	s19 =	sld [smem:$0x3FDB];
	_ =	sdelay $0x1  }
0x9b: {  	s6 =	simm.s32 $_scs_section_size  }
0x9c: {  	s7 =	simm.s32 $_size__tile_overlayer_lowered;
	s8 =	simm.s32 $_tile_overlayer_lowered  }
0x9d: {  	s22 =	simm.s32 $0x1BFF;
	s21 =	sshll.u32 s8, $0x1;
	s5 =	sadd.s32 s6, s19  }
0x9e: {  	s9 =	simm.s32 $0x0;
	s20 =	sshll.u32 s7, $0x1;
	s7 =	sadd.s32 s21, s5  }
0x9f: {  	[timem:s9], [sflag:s22] =	dma.local [hbm:s7], s20  }
0xa0: {  	_ =	swait.ge [sflag:s22], s20  }
0xa1: {  	s6 =	ssub.s32 $0x0, s20;
	[sflag:s22] =	ssyncset.done $0x0  }
0xa2: {  	[sflag:s22] =	ssyncadd.s32 s6;
	_ =	sdelay $0x1  }
0xa3: {  	s23 =	simm.s32 $0x1B8B  }
0xa4: {  	_ =	swait.ge [sflag:s23], $0x1  }
0xa5: {  	[sflag:s23] =	ssyncset.done $0x0  }
0xa6: {  	s25 =	simm.s32 $0x1B8E;
	s24 =	sld [smem:$0x3FFE];
	[sflag:s23] =	ssyncadd.s32 $0xFFFFFFFF  }
0xa7: {  	s26 =	simm.s32 $execute0_lowered;
	[smem:$0x3FD2] =	sst s25  }
0xa8: {  	s7 =	sshll.u32 s26, $0x1;
	_ =	strace $0x80000046;
	[dreg:$0x1] =	wrdreg $0xFFFFFFFF  }
0xa9: {  	s28 =	simm.s32 $_size_execute0_lowered;
	s5 =	sadd.s32 s5, s7;
	[dreg:$0x0] =	wrdreg $0x0  }
0xaa: {  	s7 =	sshll.u32 s28, $0x1;
	[dreg:$0x2] =	wrdreg s5  }
0xab: {  	[dreg:$0x3] =	wrdreg s7  }
0xac: {  	[dreg:$0x4] =	wrdreg $0xC0  }
0xad: {  	_ =	task [dreg:s9], $0x5FFFF  }
0xae: {  	[dreg:$0x1] =	wrdreg $0xFFFFFFFF  }
0xaf: {  	[dreg:$0x0] =	wrdreg $0x60  }
0xb0: {  	[dreg:$0x2] =	wrdreg s24  }
0xb1: {  	[dreg:$0x3] =	wrdreg s2  }
0xb2: {  	[dreg:$0x4] =	wrdreg s18  }
0xb3: {  	[dreg:$0x5] =	wrdreg s4  }
0xb4: {  	[dreg:$0x6] =	wrdreg $0x9  }
0xb5: {  	_ =	task.clear_ibuf [dreg:s9], $0x7FFFF;
	_ =	strace $0x90000046  }
0xb6: {  	s29 =	simm.s32 $0x9;
	_ =	strace $0x80000048  }
0xb7: {  	_ =	swait.ge [sflag:s29], $0x1  }
0xb8: {  	[sflag:s29] =	ssyncadd.s32 $0xFFFFFFFF  }
0xb9: {  	_ =	strace $0x90000048  }
0xba: {  	_ =	sfence  }
0xbb: {  	s30 =	sld [smem:$0x0];
	_ =	sdelay $0x2  }
0xbc: {  	s31 =	sshll.u32 s1, $0xD;
	s1 =	sshrl.u32 s1, $0x2  }
0xbd: {  	s3 =	sand.u32 $0x4000, s31;
	s1 =	sadd.s32 s1, s30  }
0xbe: {  	s0 =	sor.u32 s3, s0;
	s1 =	sshll.u32 s1, $0x11  }
0xbf: {  	s0 =	sor.u32 s1, s0  }
0xc0: {  	s0 =	sadd.s32 $0x8F2B, s0  }
0xc1: {  	[sflag:s0] =	ssyncadd.remote.s32 $0x1  }
0xc2: {  	_ =	sfence.sel $0xFFFF  }
0xc3: {  	[dreg:$0x0] =	wrdreg $0xFFFFFFFF;
	(pc) =	sbr.abs _section_cstart, $3  }
0xc4: {  	[dreg:$0x1] =	wrdreg $0xFFFFFFFF  }
0xc5: {  	_ =	task.clear_ibuf [dreg:s9], $0x2FFFF;
	_ =	strace $0x9FFFFFFF  }
0xc6: {  	(tm) =	ssettm $0x7FFFFFFF  }
0xc7: {  	_ =	shalt  }
tec
execute0_lowered:
.L_overlay_start_1:
0x0: {  	(tag) =	ssettag $0x1  }
0x1: {  	v0 =	vlaneseq.u32;
	v26 =	vimm.s32 $0xBA983210  }
0x2: {  	v27 =	vimm.s32 $0x13121110;
	v29 =	vimm.s32 $0x1B1A1918;
	v0 =	vand.u32 $0x3, v0  }
0x3: {  	s0 =	rddreg [dreg:$0x0];
	v28 =	vunpack.c.l.s4.s8 v26;
	v30 =	vunpack.c.0.s8.s32 v27;
	v32 =	vunpack.c.0.s8.s32 v29  }
0x4: {  	s1 =	rddreg [dreg:$0x1];
	vm0 =	vcmask $0x1F10;
	v0 =	vmul.u32 $0x1000, v0  }
0x5: {  	s3 =	rddreg [dreg:$0x2];
	s2 =	srdreg.scid;
	v31 =	vunpack.c.0.s8.s32 v28;
	v32 =	vsel vm0, v32, v30  }
0x6: {  	s4 =	stileid.u32;
	s7 =	rddreg [dreg:$0x3];
	s11 =	simm.s32 $0x900;
	v1 =	vor.u32 $0x80, v0;
	v2 =	vor.u32 $0x100, v0;
	v3 =	vor.u32 $0x180, v0  }
0x7: {  	s22 =	simm.s32 $0xC900;
	s29 =	simm.s32 $0x4900;
	s30 =	simm.s32 $0x5900;
	v4 =	vor.u32 $0x200, v0;
	v5 =	vor.u32 $0x280, v0;
	v6 =	vor.u32 $0x300, v0  }
0x8: {  	s25 =	simm.s32 $0x11900;
	s31 =	simm.s32 $0x6900;
	s15 =	simm.s32 $0x12900;
	v7 =	vor.u32 $0x380, v0;
	v8 =	vor.u32 $0x400, v0;
	v9 =	vor.u32 $0x480, v0  }
0x9: {  	s9 =	simm.s32 $0x2;
	s14 =	simm.s32 $0x7900;
	s12 =	simm.s32 $0x7A1400;
	v10 =	vor.u32 $0x500, v0;
	v11 =	vor.u32 $0x580, v0;
	v12 =	vor.u32 $0x600, v0  }
0xa: {  	s26 =	simm.s32 $0x13900;
	s19 =	simm.s32 $0x18900;
	s23 =	simm.s32 $0x18D80;
	v13 =	vor.u32 $0x680, v0;
	v14 =	vor.u32 $0x700, v0;
	v15 =	vor.u32 $0x780, v0  }
0xb: {  	s2 =	sand.u32 $0x1, s2;
	s5 =	sshll.u32 s4, $0x1;
	s4 =	simm.s32 $0x0;
	v16 =	vor.u32 $0x800, v0;
	v17 =	vor.u32 $0x880, v0;
	v18 =	vor.u32 $0x900, v0  }
0xc: {  	s24 =	simm.s32 $0x0;
	s6 =	sor.u32 s2, s5;
	[smem:$0x7FF] =	sst s4;
	v19 =	vor.u32 $0x980, v0;
	v20 =	vor.u32 $0xA00, v0;
	v21 =	vor.u32 $0xA80, v0  }
0xd: {  	s2 =	ssub.s32 $0x2, s2;
	s5 =	sshll.u32 s6, $0x7;
	_ =	strace $0x80000047;
	v22 =	vor.u32 $0xB00, v0;
	v23 =	vor.u32 $0xB80, v0;
	v24 =	vor.u32 $0xC00, v0  }
0xe: {  	s28 =	sshrl.u32 s2, $0x1;
	s8 =	sshll.u32 s6, $0x6;
	s0 =	sadd.s32 s5, s0;
	v25 =	vor.u32 $0xC80, v0;
	v26 =	vor.u32 $0xD00, v0;
	v27 =	vor.u32 $0xD80, v0  }
0xf: {  	s2 =	ssub.s32 s2, s28;
	s7 =	sadd.s32 s7, s8;
	v28 =	vor.u32 $0xE00, v0;
	v29 =	vor.u32 $0xE80, v0;
	s5 =	sadd.s32 $0x600, s0;
	v33 =	vand.u32 $0xF, v31  }
0x10: {  	v30 =	vor.u32 $0xF00, v0;
	s6 =	sadd.s32 $0x1600, s0;
	s8 =	smax.u32 s2, $0x1;
	s0 =	simm.s32 $0x400;
	v31 =	vor.u32 $0xF80, v0;
	v32 =	vcombine.low v33, v32  }
.LBB2_1:
0x11: {  	[tilespmem:s4], [sflag:$0x2] =	stream.linear.gather [hbm4b:s5+s4], $0x400, $0x38;
	[tilespmem:$0x18F80] =	vst v63  }
0x12: {  	_ =	swait.ge [sflag:s9], $0x400  }
0x13: {  	[sflag:s9] =	ssyncset.done $0x0  }
0x14: {  	s2 =	simm.s32 $0x480;
	[sflag:s9] =	ssyncadd.s32 $0xFFFFFC00  }
0x15: {  	[tilespmem:s2], [sflag:$0x2] =	stream.linear.gather [hbm4b:s6+s4], $0x400, $0x38;
	[tilespmem:$0x18F80] =	vst v63  }
0x16: {  	_ =	swait.ge [sflag:s9], $0x400  }
0x17: {  	[sflag:s9] =	ssyncset.done $0x0  }
0x18: {  	[sflag:s9] =	ssyncadd.s32 $0xFFFFFC00  }
0x19: {  	v34 =	vld [tilespmem:$0x0];
	_ =	sdelay $0x4  }
0x1a: {  	(v2sf) =	vpush v34, $0x0;
	_ =	sdelay $0xe  }
0x1b: {  	s2 =	spop (v2sf)  }
0x1c: {  	s10 =	sand.u32 $0x40, s2  }
0x1d: {  	p0 =	sne.s32 s10, $0x0  }
.Ltmp0:
0x1e: {  	_ = 	snop;
	(pc) =	sbr.rel @p0 .LBB2_3-.Ltmp0, $2  }
0x1f: {  	_ =	sdelay $0x2  }
0x20: {  	v33 =	vld [tilespmem:$0x480]  }
0x21: {  	s2 =	sand.u32 $0x1FFFFF80, s2  }
0x22: {  	s2 =	sadd.s32 s1, s2  }
0x23: {  	[tilespmem:s11], [sflag:$0x1] =	stream.linear.gather [hbm4b:s2+s4], $0x40, $0x38;
	[tilespmem:$0x18F80] =	vst v63  }
0x24: {  	s13 =	simm.s32 $0x980;
	s10 =	sadd.s32 $0x10, s2  }
0x25: {  	[tilespmem:s13], [sflag:$0x1] =	stream.linear.gather [hbm4b:s10+s4], $0x40, $0x38;
	[tilespmem:$0x18F80] =	vst v63  }
0x26: {  	s20 =	simm.s32 $0xA00;
	s18 =	sadd.s32 $0x20, s2  }
0x27: {  	[tilespmem:s20], [sflag:$0x1] =	stream.linear.gather [hbm4b:s18+s4], $0x40, $0x38;
	[tilespmem:$0x18F80] =	vst v63  }
0x28: {  	s28 =	simm.s32 $0xA80;
	s21 =	sadd.s32 $0x30, s2  }
0x29: {  	[tilespmem:s28], [sflag:$0x1] =	stream.linear.gather [hbm4b:s21+s4], $0x40, $0x38;
	[tilespmem:$0x18F80] =	vst v63  }
0x2a: {  	s17 =	simm.s32 $0xB00;
	s16 =	sadd.s32 $0x40, s2  }
0x2b: {  	[tilespmem:s17], [sflag:$0x1] =	stream.linear.gather [hbm4b:s16+s4], $0x40, $0x38;
	[tilespmem:$0x18F80] =	vst v63  }
0x2c: {  	s18 =	sadd.s32 $0x50, s2;
	s20 =	simm.s32 $0xB80  }
0x2d: {  	[tilespmem:s20], [sflag:$0x1] =	stream.linear.gather [hbm4b:s18+s4], $0x40, $0x38;
	[tilespmem:$0x18F80] =	vst v63  }
0x2e: {  	s21 =	sadd.s32 $0x60, s2;
	s28 =	simm.s32 $0xC00  }
0x2f: {  	[tilespmem:s28], [sflag:$0x1] =	stream.linear.gather [hbm4b:s21+s4], $0x40, $0x38;
	[tilespmem:$0x18F80] =	vst v63  }
0x30: {  	s16 =	sadd.s32 $0x70, s2;
	s17 =	simm.s32 $0xC80  }
0x31: {  	[tilespmem:s17], [sflag:$0x1] =	stream.linear.gather [hbm4b:s16+s4], $0x40, $0x38;
	[tilespmem:$0x18F80] =	vst v63  }
0x32: {  	s10 =	sadd.s32 $0xF4280, s2;
	s18 =	simm.s32 $0xD00  }
0x33: {  	[tilespmem:s18], [sflag:$0x1] =	stream.linear.gather [hbm4b:s10+s4], $0x40, $0x38;
	[tilespmem:$0x18F80] =	vst v63  }
0x34: {  	s20 =	sadd.s32 $0x10, s10;
	s16 =	simm.s32 $0xD80  }
0x35: {  	[tilespmem:s16], [sflag:$0x1] =	stream.linear.gather [hbm4b:s20+s4], $0x40, $0x38;
	[tilespmem:$0x18F80] =	vst v63  }
0x36: {  	s21 =	sadd.s32 $0x20, s10;
	s28 =	simm.s32 $0xE00  }
0x37: {  	[tilespmem:s28], [sflag:$0x1] =	stream.linear.gather [hbm4b:s21+s4], $0x40, $0x38;
	[tilespmem:$0x18F80] =	vst v63  }
0x38: {  	s17 =	simm.s32 $0xE80;
	s16 =	sadd.s32 $0x30, s10  }
0x39: {  	[tilespmem:s17], [sflag:$0x1] =	stream.linear.gather [hbm4b:s16+s4], $0x40, $0x38;
	[tilespmem:$0x18F80] =	vst v63  }
0x3a: {  	s18 =	sadd.s32 $0x40, s10;
	s20 =	simm.s32 $0xF00  }
0x3b: {  	[tilespmem:s20], [sflag:$0x1] =	stream.linear.gather [hbm4b:s18+s4], $0x40, $0x38;
	[tilespmem:$0x18F80] =	vst v63  }
0x3c: {  	s21 =	sadd.s32 $0x50, s10;
	s28 =	simm.s32 $0xF80  }
0x3d: {  	[tilespmem:s28], [sflag:$0x1] =	stream.linear.gather [hbm4b:s21+s4], $0x40, $0x38;
	[tilespmem:$0x18F80] =	vst v63  }
0x3e: {  	s16 =	sadd.s32 $0x60, s10;
	s17 =	simm.s32 $0x1000  }
0x3f: {  	[tilespmem:s17], [sflag:$0x1] =	stream.linear.gather [hbm4b:s16+s4], $0x40, $0x38;
	[tilespmem:$0x18F80] =	vst v63  }
0x40: {  	s10 =	sadd.s32 $0x70, s10;
	s18 =	simm.s32 $0x1080  }
0x41: {  	[tilespmem:s18], [sflag:$0x1] =	stream.linear.gather [hbm4b:s10+s4], $0x40, $0x38;
	[tilespmem:$0x18F80] =	vst v63  }
0x42: {  	s20 =	simm.s32 $0x1100;
	s10 =	sadd.s32 $0x1E8500, s2  }
0x43: {  	[tilespmem:s20], [sflag:$0x1] =	stream.linear.gather [hbm4b:s10+s4], $0x40, $0x38;
	[tilespmem:$0x18F80] =	vst v63  }
0x44: {  	s28 =	simm.s32 $0x1180;
	s21 =	sadd.s32 $0x10, s10  }
0x45: {  	[tilespmem:s28], [sflag:$0x1] =	stream.linear.gather [hbm4b:s21+s4], $0x40, $0x38;
	[tilespmem:$0x18F80] =	vst v63  }
0x46: {  	s17 =	simm.s32 $0x1200;
	s16 =	sadd.s32 $0x20, s10  }
0x47: {  	[tilespmem:s17], [sflag:$0x1] =	stream.linear.gather [hbm4b:s16+s4], $0x40, $0x38;
	[tilespmem:$0x18F80] =	vst v63  }
0x48: {  	s18 =	sadd.s32 $0x30, s10;
	s20 =	simm.s32 $0x1280  }
0x49: {  	[tilespmem:s20], [sflag:$0x1] =	stream.linear.gather [hbm4b:s18+s4], $0x40, $0x38;
	[tilespmem:$0x18F80] =	vst v63  }
0x4a: {  	s21 =	sadd.s32 $0x40, s10;
	s28 =	simm.s32 $0x1300  }
0x4b: {  	[tilespmem:s28], [sflag:$0x1] =	stream.linear.gather [hbm4b:s21+s4], $0x40, $0x38;
	[tilespmem:$0x18F80] =	vst v63  }
0x4c: {  	s17 =	sadd.s32 $0x50, s10;
	s18 =	simm.s32 $0x1380  }
0x4d: {  	[tilespmem:s18], [sflag:$0x1] =	stream.linear.gather [hbm4b:s17+s4], $0x40, $0x38;
	[tilespmem:$0x18F80] =	vst v63  }
0x4e: {  	s20 =	sadd.s32 $0x60, s10;
	s21 =	simm.s32 $0x1400  }
0x4f: {  	[tilespmem:s21], [sflag:$0x1] =	stream.linear.gather [hbm4b:s20+s4], $0x40, $0x38;
	[tilespmem:$0x18F80] =	vst v63  }
0x50: {  	s10 =	sadd.s32 $0x70, s10;
	s28 =	simm.s32 $0x1480  }
0x51: {  	[tilespmem:s28], [sflag:$0x1] =	stream.linear.gather [hbm4b:s10+s4], $0x40, $0x38;
	[tilespmem:$0x18F80] =	vst v63  }
0x52: {  	s13 =	simm.s32 $0x1500;
	s2 =	sadd.s32 $0x2DC780, s2  }
0x53: {  	[tilespmem:s13], [sflag:$0x1] =	stream.linear.gather [hbm4b:s2+s4], $0x40, $0x38;
	[tilespmem:$0x18F80] =	vst v63  }
0x54: {  	s16 =	sadd.s32 $0x10, s2;
	s17 =	simm.s32 $0x1580  }
0x55: {  	[tilespmem:s17], [sflag:$0x1] =	stream.linear.gather [hbm4b:s16+s4], $0x40, $0x38;
	[tilespmem:$0x18F80] =	vst v63  }
0x56: {  	s18 =	sadd.s32 $0x20, s2;
	s20 =	simm.s32 $0x1600  }
0x57: {  	[tilespmem:s20], [sflag:$0x1] =	stream.linear.gather [hbm4b:s18+s4], $0x40, $0x38;
	[tilespmem:$0x18F80] =	vst v63  }
0x58: {  	s21 =	sadd.s32 $0x30, s2;
	s28 =	simm.s32 $0x1680  }
0x59: {  	[tilespmem:s28], [sflag:$0x1] =	stream.linear.gather [hbm4b:s21+s4], $0x40, $0x38;
	[tilespmem:$0x18F80] =	vst v63  }
0x5a: {  	s13 =	sadd.s32 $0x40, s2;
	s16 =	simm.s32 $0x1700  }
0x5b: {  	[tilespmem:s16], [sflag:$0x1] =	stream.linear.gather [hbm4b:s13+s4], $0x40, $0x38;
	[tilespmem:$0x18F80] =	vst v63  }
0x5c: {  	s17 =	sadd.s32 $0x50, s2;
	s18 =	simm.s32 $0x1780  }
0x5d: {  	[tilespmem:s18], [sflag:$0x1] =	stream.linear.gather [hbm4b:s17+s4], $0x40, $0x38;
	[tilespmem:$0x18F80] =	vst v63  }
.Ltmp1:
0x5e: {  	_ = 	snop;
	(pc) =	sbr.rel .LBB2_4-.Ltmp1, $4  }
0x5f: {  	s20 =	sadd.s32 $0x60, s2;
	s21 =	simm.s32 $0x1800  }
0x60: {  	[tilespmem:s21], [sflag:$0x1] =	stream.linear.gather [hbm4b:s20+s4], $0x40, $0x38;
	[tilespmem:$0x18F80] =	vst v63  }
0x61: {  	s2 =	sadd.s32 $0x70, s2;
	s28 =	simm.s32 $0x1880  }
0x62: {  	[tilespmem:s28], [sflag:$0x1] =	stream.linear.gather [hbm4b:s2+s4], $0x40, $0x38;
	[tilespmem:$0x18F80] =	vst v63  }
.LBB2_3:
0x63: {  	s2 =	sand.u32 $0xFFFFF80, s2  }
0x64: {  	s2 =	sadd.s32 s1, s2  }
0x65: {  	[tilespmem:s11], [sflag:$0x1] =	stream.strided.gather [hbm4b:s2+s0], $0x1000, s12, s0, $0x38;
	[tilespmem:$0x18F80] =	vst v63  }
.LBB2_4:
0x66: {  	_ = 	snop  }
0x67: {  	(v2sf) =	vpush v33, $0x0;
	_ =	sdelay $0xe  }
0x68: {  	s2 =	spop (v2sf)  }
0x69: {  	s10 =	sand.u32 $0x40, s2  }
0x6a: {  	p0 =	sne.s32 s10, $0x0  }
.Ltmp2:
0x6b: {  	_ = 	snop;
	(pc) =	sbr.rel @p0 .LBB2_6-.Ltmp2, $1  }
0x6c: {  	_ =	sdelay $0x3  }
0x6d: {  	s2 =	sand.u32 $0x1FFFFF80, s2  }
0x6e: {  	s2 =	sadd.s32 s3, s2  }
0x6f: {  	[tilespmem:s22], [sflag:$0x1] =	stream.linear.gather [hbm4b:s2+s4], $0x40, $0x38;
	[tilespmem:$0x18F80] =	vst v63  }
0x70: {  	s13 =	simm.s32 $0xC980;
	s10 =	sadd.s32 $0x10, s2  }
0x71: {  	[tilespmem:s13], [sflag:$0x1] =	stream.linear.gather [hbm4b:s10+s4], $0x40, $0x38;
	[tilespmem:$0x18F80] =	vst v63  }
0x72: {  	s20 =	simm.s32 $0xCA00;
	s18 =	sadd.s32 $0x20, s2  }
0x73: {  	[tilespmem:s20], [sflag:$0x1] =	stream.linear.gather [hbm4b:s18+s4], $0x40, $0x38;
	[tilespmem:$0x18F80] =	vst v63  }
0x74: {  	s28 =	simm.s32 $0xCA80;
	s21 =	sadd.s32 $0x30, s2  }
0x75: {  	[tilespmem:s28], [sflag:$0x1] =	stream.linear.gather [hbm4b:s21+s4], $0x40, $0x38;
	[tilespmem:$0x18F80] =	vst v63  }
0x76: {  	s17 =	simm.s32 $0xCB00;
	s16 =	sadd.s32 $0x40, s2  }
0x77: {  	[tilespmem:s17], [sflag:$0x1] =	stream.linear.gather [hbm4b:s16+s4], $0x40, $0x38;
	[tilespmem:$0x18F80] =	vst v63  }
0x78: {  	s18 =	sadd.s32 $0x50, s2;
	s20 =	simm.s32 $0xCB80  }
0x79: {  	[tilespmem:s20], [sflag:$0x1] =	stream.linear.gather [hbm4b:s18+s4], $0x40, $0x38;
	[tilespmem:$0x18F80] =	vst v63  }
0x7a: {  	s21 =	sadd.s32 $0x60, s2;
	s28 =	simm.s32 $0xCC00  }
0x7b: {  	[tilespmem:s28], [sflag:$0x1] =	stream.linear.gather [hbm4b:s21+s4], $0x40, $0x38;
	[tilespmem:$0x18F80] =	vst v63  }
0x7c: {  	s16 =	sadd.s32 $0x70, s2;
	s17 =	simm.s32 $0xCC80  }
0x7d: {  	[tilespmem:s17], [sflag:$0x1] =	stream.linear.gather [hbm4b:s16+s4], $0x40, $0x38;
	[tilespmem:$0x18F80] =	vst v63  }
0x7e: {  	s10 =	sadd.s32 $0xF4280, s2;
	s18 =	simm.s32 $0xCD00  }
0x7f: {  	[tilespmem:s18], [sflag:$0x1] =	stream.linear.gather [hbm4b:s10+s4], $0x40, $0x38;
	[tilespmem:$0x18F80] =	vst v63  }
0x80: {  	s20 =	sadd.s32 $0x10, s10;
	s16 =	simm.s32 $0xCD80  }
0x81: {  	[tilespmem:s16], [sflag:$0x1] =	stream.linear.gather [hbm4b:s20+s4], $0x40, $0x38;
	[tilespmem:$0x18F80] =	vst v63  }
0x82: {  	s21 =	sadd.s32 $0x20, s10;
	s28 =	simm.s32 $0xCE00  }
0x83: {  	[tilespmem:s28], [sflag:$0x1] =	stream.linear.gather [hbm4b:s21+s4], $0x40, $0x38;
	[tilespmem:$0x18F80] =	vst v63  }
0x84: {  	s17 =	simm.s32 $0xCE80;
	s16 =	sadd.s32 $0x30, s10  }
0x85: {  	[tilespmem:s17], [sflag:$0x1] =	stream.linear.gather [hbm4b:s16+s4], $0x40, $0x38;
	[tilespmem:$0x18F80] =	vst v63  }
0x86: {  	s18 =	sadd.s32 $0x40, s10;
	s20 =	simm.s32 $0xCF00  }
0x87: {  	[tilespmem:s20], [sflag:$0x1] =	stream.linear.gather [hbm4b:s18+s4], $0x40, $0x38;
	[tilespmem:$0x18F80] =	vst v63  }
0x88: {  	s21 =	sadd.s32 $0x50, s10;
	s28 =	simm.s32 $0xCF80  }
0x89: {  	[tilespmem:s28], [sflag:$0x1] =	stream.linear.gather [hbm4b:s21+s4], $0x40, $0x38;
	[tilespmem:$0x18F80] =	vst v63  }
0x8a: {  	s16 =	sadd.s32 $0x60, s10;
	s17 =	simm.s32 $0xD000  }
0x8b: {  	[tilespmem:s17], [sflag:$0x1] =	stream.linear.gather [hbm4b:s16+s4], $0x40, $0x38;
	[tilespmem:$0x18F80] =	vst v63  }
0x8c: {  	s10 =	sadd.s32 $0x70, s10;
	s18 =	simm.s32 $0xD080  }
0x8d: {  	[tilespmem:s18], [sflag:$0x1] =	stream.linear.gather [hbm4b:s10+s4], $0x40, $0x38;
	[tilespmem:$0x18F80] =	vst v63  }
0x8e: {  	s20 =	simm.s32 $0xD100;
	s10 =	sadd.s32 $0x1E8500, s2  }
0x8f: {  	[tilespmem:s20], [sflag:$0x1] =	stream.linear.gather [hbm4b:s10+s4], $0x40, $0x38;
	[tilespmem:$0x18F80] =	vst v63  }
0x90: {  	s28 =	simm.s32 $0xD180;
	s21 =	sadd.s32 $0x10, s10  }
0x91: {  	[tilespmem:s28], [sflag:$0x1] =	stream.linear.gather [hbm4b:s21+s4], $0x40, $0x38;
	[tilespmem:$0x18F80] =	vst v63  }
0x92: {  	s17 =	simm.s32 $0xD200;
	s16 =	sadd.s32 $0x20, s10  }
0x93: {  	[tilespmem:s17], [sflag:$0x1] =	stream.linear.gather [hbm4b:s16+s4], $0x40, $0x38;
	[tilespmem:$0x18F80] =	vst v63  }
0x94: {  	s18 =	sadd.s32 $0x30, s10;
	s20 =	simm.s32 $0xD280  }
0x95: {  	[tilespmem:s20], [sflag:$0x1] =	stream.linear.gather [hbm4b:s18+s4], $0x40, $0x38;
	[tilespmem:$0x18F80] =	vst v63  }
0x96: {  	s21 =	sadd.s32 $0x40, s10;
	s28 =	simm.s32 $0xD300  }
0x97: {  	[tilespmem:s28], [sflag:$0x1] =	stream.linear.gather [hbm4b:s21+s4], $0x40, $0x38;
	[tilespmem:$0x18F80] =	vst v63  }
0x98: {  	s17 =	sadd.s32 $0x50, s10;
	s18 =	simm.s32 $0xD380  }
0x99: {  	[tilespmem:s18], [sflag:$0x1] =	stream.linear.gather [hbm4b:s17+s4], $0x40, $0x38;
	[tilespmem:$0x18F80] =	vst v63  }
0x9a: {  	s20 =	sadd.s32 $0x60, s10;
	s21 =	simm.s32 $0xD400  }
0x9b: {  	[tilespmem:s21], [sflag:$0x1] =	stream.linear.gather [hbm4b:s20+s4], $0x40, $0x38;
	[tilespmem:$0x18F80] =	vst v63  }
0x9c: {  	s10 =	sadd.s32 $0x70, s10;
	s28 =	simm.s32 $0xD480  }
0x9d: {  	[tilespmem:s28], [sflag:$0x1] =	stream.linear.gather [hbm4b:s10+s4], $0x40, $0x38;
	[tilespmem:$0x18F80] =	vst v63  }
0x9e: {  	s13 =	simm.s32 $0xD500;
	s2 =	sadd.s32 $0x2DC780, s2  }
0x9f: {  	[tilespmem:s13], [sflag:$0x1] =	stream.linear.gather [hbm4b:s2+s4], $0x40, $0x38;
	[tilespmem:$0x18F80] =	vst v63  }
0xa0: {  	s16 =	sadd.s32 $0x10, s2;
	s17 =	simm.s32 $0xD580  }
0xa1: {  	[tilespmem:s17], [sflag:$0x1] =	stream.linear.gather [hbm4b:s16+s4], $0x40, $0x38;
	[tilespmem:$0x18F80] =	vst v63  }
0xa2: {  	s18 =	sadd.s32 $0x20, s2;
	s20 =	simm.s32 $0xD600  }
0xa3: {  	[tilespmem:s20], [sflag:$0x1] =	stream.linear.gather [hbm4b:s18+s4], $0x40, $0x38;
	[tilespmem:$0x18F80] =	vst v63  }
0xa4: {  	s21 =	sadd.s32 $0x30, s2;
	s28 =	simm.s32 $0xD680  }
0xa5: {  	[tilespmem:s28], [sflag:$0x1] =	stream.linear.gather [hbm4b:s21+s4], $0x40, $0x38;
	[tilespmem:$0x18F80] =	vst v63  }
0xa6: {  	s13 =	sadd.s32 $0x40, s2;
	s16 =	simm.s32 $0xD700  }
0xa7: {  	[tilespmem:s16], [sflag:$0x1] =	stream.linear.gather [hbm4b:s13+s4], $0x40, $0x38;
	[tilespmem:$0x18F80] =	vst v63  }
0xa8: {  	s17 =	sadd.s32 $0x50, s2;
	s18 =	simm.s32 $0xD780  }
0xa9: {  	[tilespmem:s18], [sflag:$0x1] =	stream.linear.gather [hbm4b:s17+s4], $0x40, $0x38;
	[tilespmem:$0x18F80] =	vst v63  }
.Ltmp3:
0xaa: {  	_ = 	snop;
	(pc) =	sbr.rel .LBB2_7-.Ltmp3, $4  }
0xab: {  	s20 =	sadd.s32 $0x60, s2;
	s21 =	simm.s32 $0xD800  }
0xac: {  	[tilespmem:s21], [sflag:$0x1] =	stream.linear.gather [hbm4b:s20+s4], $0x40, $0x38;
	[tilespmem:$0x18F80] =	vst v63  }
0xad: {  	s2 =	sadd.s32 $0x70, s2;
	s28 =	simm.s32 $0xD880  }
0xae: {  	[tilespmem:s28], [sflag:$0x1] =	stream.linear.gather [hbm4b:s2+s4], $0x40, $0x38;
	[tilespmem:$0x18F80] =	vst v63  }
.LBB2_6:
0xaf: {  	s2 =	sand.u32 $0xFFFFF80, s2  }
0xb0: {  	s2 =	sadd.s32 s3, s2  }
0xb1: {  	[tilespmem:s22], [sflag:$0x1] =	stream.strided.gather [hbm4b:s2+s0], $0x1000, s12, s0, $0x38;
	[tilespmem:$0x18F80] =	vst v63  }
.LBB2_7:
0xb2: {  	(v2sf) =	vpush v34, $0x1;
	_ =	sdelay $0xe  }
0xb3: {  	s2 =	spop (v2sf)  }
0xb4: {  	s10 =	sand.u32 $0x40, s2  }
0xb5: {  	p0 =	sne.s32 s10, $0x0  }
.Ltmp4:
0xb6: {  	_ = 	snop;
	(pc) =	sbr.rel @p0 .LBB2_9-.Ltmp4, $1  }
0xb7: {  	_ =	sdelay $0x3  }
0xb8: {  	s2 =	sand.u32 $0x1FFFFF80, s2  }
0xb9: {  	s10 =	simm.s32 $0x1900;
	s2 =	sadd.s32 s1, s2  }
0xba: {  	[tilespmem:s10], [sflag:$0x1] =	stream.linear.gather [hbm4b:s2+s4], $0x40, $0x38;
	[tilespmem:$0x18F80] =	vst v63  }
0xbb: {  	s13 =	simm.s32 $0x1980;
	s17 =	sadd.s32 $0x10, s2  }
0xbc: {  	[tilespmem:s13], [sflag:$0x1] =	stream.linear.gather [hbm4b:s17+s4], $0x40, $0x38;
	[tilespmem:$0x18F80] =	vst v63  }
0xbd: {  	s20 =	simm.s32 $0x1A00;
	s18 =	sadd.s32 $0x20, s2  }
0xbe: {  	[tilespmem:s20], [sflag:$0x1] =	stream.linear.gather [hbm4b:s18+s4], $0x40, $0x38;
	[tilespmem:$0x18F80] =	vst v63  }
0xbf: {  	s28 =	simm.s32 $0x1A80;
	s21 =	sadd.s32 $0x30, s2  }
0xc0: {  	[tilespmem:s28], [sflag:$0x1] =	stream.linear.gather [hbm4b:s21+s4], $0x40, $0x38;
	[tilespmem:$0x18F80] =	vst v63  }
0xc1: {  	s16 =	sadd.s32 $0x40, s2;
	s17 =	simm.s32 $0x1B00  }
0xc2: {  	[tilespmem:s17], [sflag:$0x1] =	stream.linear.gather [hbm4b:s16+s4], $0x40, $0x38;
	[tilespmem:$0x18F80] =	vst v63  }
0xc3: {  	s18 =	sadd.s32 $0x50, s2;
	s20 =	simm.s32 $0x1B80  }
0xc4: {  	[tilespmem:s20], [sflag:$0x1] =	stream.linear.gather [hbm4b:s18+s4], $0x40, $0x38;
	[tilespmem:$0x18F80] =	vst v63  }
0xc5: {  	s21 =	sadd.s32 $0x60, s2;
	s28 =	simm.s32 $0x1C00  }
0xc6: {  	[tilespmem:s28], [sflag:$0x1] =	stream.linear.gather [hbm4b:s21+s4], $0x40, $0x38;
	[tilespmem:$0x18F80] =	vst v63  }
0xc7: {  	s16 =	sadd.s32 $0x70, s2;
	s17 =	simm.s32 $0x1C80  }
0xc8: {  	[tilespmem:s17], [sflag:$0x1] =	stream.linear.gather [hbm4b:s16+s4], $0x40, $0x38;
	[tilespmem:$0x18F80] =	vst v63  }
0xc9: {  	s10 =	sadd.s32 $0xF4280, s2;
	s18 =	simm.s32 $0x1D00  }
0xca: {  	[tilespmem:s18], [sflag:$0x1] =	stream.linear.gather [hbm4b:s10+s4], $0x40, $0x38;
	[tilespmem:$0x18F80] =	vst v63  }
0xcb: {  	s20 =	sadd.s32 $0x10, s10;
	s16 =	simm.s32 $0x1D80  }
0xcc: {  	[tilespmem:s16], [sflag:$0x1] =	stream.linear.gather [hbm4b:s20+s4], $0x40, $0x38;
	[tilespmem:$0x18F80] =	vst v63  }
0xcd: {  	s21 =	sadd.s32 $0x20, s10;
	s28 =	simm.s32 $0x1E00  }
0xce: {  	[tilespmem:s28], [sflag:$0x1] =	stream.linear.gather [hbm4b:s21+s4], $0x40, $0x38;
	[tilespmem:$0x18F80] =	vst v63  }
0xcf: {  	s17 =	simm.s32 $0x1E80;
	s16 =	sadd.s32 $0x30, s10  }
0xd0: {  	[tilespmem:s17], [sflag:$0x1] =	stream.linear.gather [hbm4b:s16+s4], $0x40, $0x38;
	[tilespmem:$0x18F80] =	vst v63  }
0xd1: {  	s18 =	sadd.s32 $0x40, s10;
	s20 =	simm.s32 $0x1F00  }
0xd2: {  	[tilespmem:s20], [sflag:$0x1] =	stream.linear.gather [hbm4b:s18+s4], $0x40, $0x38;
	[tilespmem:$0x18F80] =	vst v63  }
0xd3: {  	s21 =	sadd.s32 $0x50, s10;
	s28 =	simm.s32 $0x1F80  }
0xd4: {  	[tilespmem:s28], [sflag:$0x1] =	stream.linear.gather [hbm4b:s21+s4], $0x40, $0x38;
	[tilespmem:$0x18F80] =	vst v63  }
0xd5: {  	s16 =	sadd.s32 $0x60, s10;
	s17 =	simm.s32 $0x2000  }
0xd6: {  	[tilespmem:s17], [sflag:$0x1] =	stream.linear.gather [hbm4b:s16+s4], $0x40, $0x38;
	[tilespmem:$0x18F80] =	vst v63  }
0xd7: {  	s10 =	sadd.s32 $0x70, s10;
	s18 =	simm.s32 $0x2080  }
0xd8: {  	[tilespmem:s18], [sflag:$0x1] =	stream.linear.gather [hbm4b:s10+s4], $0x40, $0x38;
	[tilespmem:$0x18F80] =	vst v63  }
0xd9: {  	s20 =	simm.s32 $0x2100;
	s10 =	sadd.s32 $0x1E8500, s2  }
0xda: {  	[tilespmem:s20], [sflag:$0x1] =	stream.linear.gather [hbm4b:s10+s4], $0x40, $0x38;
	[tilespmem:$0x18F80] =	vst v63  }
0xdb: {  	s28 =	simm.s32 $0x2180;
	s21 =	sadd.s32 $0x10, s10  }
0xdc: {  	[tilespmem:s28], [sflag:$0x1] =	stream.linear.gather [hbm4b:s21+s4], $0x40, $0x38;
	[tilespmem:$0x18F80] =	vst v63  }
0xdd: {  	s17 =	simm.s32 $0x2200;
	s16 =	sadd.s32 $0x20, s10  }
0xde: {  	[tilespmem:s17], [sflag:$0x1] =	stream.linear.gather [hbm4b:s16+s4], $0x40, $0x38;
	[tilespmem:$0x18F80] =	vst v63  }
0xdf: {  	s18 =	sadd.s32 $0x30, s10;
	s20 =	simm.s32 $0x2280  }
0xe0: {  	[tilespmem:s20], [sflag:$0x1] =	stream.linear.gather [hbm4b:s18+s4], $0x40, $0x38;
	[tilespmem:$0x18F80] =	vst v63  }
0xe1: {  	s21 =	sadd.s32 $0x40, s10;
	s28 =	simm.s32 $0x2300  }
0xe2: {  	[tilespmem:s28], [sflag:$0x1] =	stream.linear.gather [hbm4b:s21+s4], $0x40, $0x38;
	[tilespmem:$0x18F80] =	vst v63  }
0xe3: {  	s17 =	sadd.s32 $0x50, s10;
	s18 =	simm.s32 $0x2380  }
0xe4: {  	[tilespmem:s18], [sflag:$0x1] =	stream.linear.gather [hbm4b:s17+s4], $0x40, $0x38;
	[tilespmem:$0x18F80] =	vst v63  }
0xe5: {  	s20 =	sadd.s32 $0x60, s10;
	s21 =	simm.s32 $0x2400  }
0xe6: {  	[tilespmem:s21], [sflag:$0x1] =	stream.linear.gather [hbm4b:s20+s4], $0x40, $0x38;
	[tilespmem:$0x18F80] =	vst v63  }
0xe7: {  	s10 =	sadd.s32 $0x70, s10;
	s28 =	simm.s32 $0x2480  }
0xe8: {  	[tilespmem:s28], [sflag:$0x1] =	stream.linear.gather [hbm4b:s10+s4], $0x40, $0x38;
	[tilespmem:$0x18F80] =	vst v63  }
0xe9: {  	s13 =	simm.s32 $0x2500;
	s2 =	sadd.s32 $0x2DC780, s2  }
0xea: {  	[tilespmem:s13], [sflag:$0x1] =	stream.linear.gather [hbm4b:s2+s4], $0x40, $0x38;
	[tilespmem:$0x18F80] =	vst v63  }
0xeb: {  	s16 =	sadd.s32 $0x10, s2;
	s17 =	simm.s32 $0x2580  }
0xec: {  	[tilespmem:s17], [sflag:$0x1] =	stream.linear.gather [hbm4b:s16+s4], $0x40, $0x38;
	[tilespmem:$0x18F80] =	vst v63  }
0xed: {  	s18 =	sadd.s32 $0x20, s2;
	s20 =	simm.s32 $0x2600  }
0xee: {  	[tilespmem:s20], [sflag:$0x1] =	stream.linear.gather [hbm4b:s18+s4], $0x40, $0x38;
	[tilespmem:$0x18F80] =	vst v63  }
0xef: {  	s21 =	sadd.s32 $0x30, s2;
	s28 =	simm.s32 $0x2680  }
0xf0: {  	[tilespmem:s28], [sflag:$0x1] =	stream.linear.gather [hbm4b:s21+s4], $0x40, $0x38;
	[tilespmem:$0x18F80] =	vst v63  }
0xf1: {  	s13 =	sadd.s32 $0x40, s2;
	s16 =	simm.s32 $0x2700  }
0xf2: {  	[tilespmem:s16], [sflag:$0x1] =	stream.linear.gather [hbm4b:s13+s4], $0x40, $0x38;
	[tilespmem:$0x18F80] =	vst v63  }
0xf3: {  	s17 =	sadd.s32 $0x50, s2;
	s18 =	simm.s32 $0x2780  }
0xf4: {  	[tilespmem:s18], [sflag:$0x1] =	stream.linear.gather [hbm4b:s17+s4], $0x40, $0x38;
	[tilespmem:$0x18F80] =	vst v63  }
.Ltmp5:
0xf5: {  	_ = 	snop;
	(pc) =	sbr.rel .LBB2_10-.Ltmp5, $4  }
0xf6: {  	s20 =	sadd.s32 $0x60, s2;
	s21 =	simm.s32 $0x2800  }
0xf7: {  	[tilespmem:s21], [sflag:$0x1] =	stream.linear.gather [hbm4b:s20+s4], $0x40, $0x38;
	[tilespmem:$0x18F80] =	vst v63  }
0xf8: {  	s2 =	sadd.s32 $0x70, s2;
	s28 =	simm.s32 $0x2880  }
0xf9: {  	[tilespmem:s28], [sflag:$0x1] =	stream.linear.gather [hbm4b:s2+s4], $0x40, $0x38;
	[tilespmem:$0x18F80] =	vst v63  }
.LBB2_9:
0xfa: {  	s2 =	sand.u32 $0xFFFFF80, s2  }
0xfb: {  	s10 =	simm.s32 $0x1900;
	s2 =	sadd.s32 s1, s2  }
0xfc: {  	[tilespmem:s10], [sflag:$0x1] =	stream.strided.gather [hbm4b:s2+s0], $0x1000, s12, s0, $0x38;
	[tilespmem:$0x18F80] =	vst v63  }
.LBB2_10:
0xfd: {  	(v2sf) =	vpush v33, $0x1;
	_ =	sdelay $0xe  }
0xfe: {  	s2 =	spop (v2sf)  }
0xff: {  	s10 =	sand.u32 $0x40, s2  }
0x100: {  	p0 =	sne.s32 s10, $0x0  }
.Ltmp6:
0x101: {  	_ = 	snop;
	(pc) =	sbr.rel @p0 .LBB2_12-.Ltmp6, $1  }
0x102: {  	_ =	sdelay $0x3  }
0x103: {  	s2 =	sand.u32 $0x1FFFFF80, s2  }
0x104: {  	s10 =	simm.s32 $0xD900;
	s2 =	sadd.s32 s3, s2  }
0x105: {  	[tilespmem:s10], [sflag:$0x1] =	stream.linear.gather [hbm4b:s2+s4], $0x40, $0x38;
	[tilespmem:$0x18F80] =	vst v63  }
0x106: {  	s13 =	simm.s32 $0xD980;
	s17 =	sadd.s32 $0x10, s2  }
0x107: {  	[tilespmem:s13], [sflag:$0x1] =	stream.linear.gather [hbm4b:s17+s4], $0x40, $0x38;
	[tilespmem:$0x18F80] =	vst v63  }
0x108: {  	s20 =	simm.s32 $0xDA00;
	s18 =	sadd.s32 $0x20, s2  }
0x109: {  	[tilespmem:s20], [sflag:$0x1] =	stream.linear.gather [hbm4b:s18+s4], $0x40, $0x38;
	[tilespmem:$0x18F80] =	vst v63  }
0x10a: {  	s28 =	simm.s32 $0xDA80;
	s21 =	sadd.s32 $0x30, s2  }
0x10b: {  	[tilespmem:s28], [sflag:$0x1] =	stream.linear.gather [hbm4b:s21+s4], $0x40, $0x38;
	[tilespmem:$0x18F80] =	vst v63  }
0x10c: {  	s16 =	sadd.s32 $0x40, s2;
	s17 =	simm.s32 $0xDB00  }
0x10d: {  	[tilespmem:s17], [sflag:$0x1] =	stream.linear.gather [hbm4b:s16+s4], $0x40, $0x38;
	[tilespmem:$0x18F80] =	vst v63  }
0x10e: {  	s18 =	sadd.s32 $0x50, s2;
	s20 =	simm.s32 $0xDB80  }
0x10f: {  	[tilespmem:s20], [sflag:$0x1] =	stream.linear.gather [hbm4b:s18+s4], $0x40, $0x38;
	[tilespmem:$0x18F80] =	vst v63  }
0x110: {  	s21 =	sadd.s32 $0x60, s2;
	s28 =	simm.s32 $0xDC00  }
0x111: {  	[tilespmem:s28], [sflag:$0x1] =	stream.linear.gather [hbm4b:s21+s4], $0x40, $0x38;
	[tilespmem:$0x18F80] =	vst v63  }
0x112: {  	s16 =	sadd.s32 $0x70, s2;
	s17 =	simm.s32 $0xDC80  }
0x113: {  	[tilespmem:s17], [sflag:$0x1] =	stream.linear.gather [hbm4b:s16+s4], $0x40, $0x38;
	[tilespmem:$0x18F80] =	vst v63  }
0x114: {  	s10 =	sadd.s32 $0xF4280, s2;
	s18 =	simm.s32 $0xDD00  }
0x115: {  	[tilespmem:s18], [sflag:$0x1] =	stream.linear.gather [hbm4b:s10+s4], $0x40, $0x38;
	[tilespmem:$0x18F80] =	vst v63  }
0x116: {  	s20 =	sadd.s32 $0x10, s10;
	s16 =	simm.s32 $0xDD80  }
0x117: {  	[tilespmem:s16], [sflag:$0x1] =	stream.linear.gather [hbm4b:s20+s4], $0x40, $0x38;
	[tilespmem:$0x18F80] =	vst v63  }
0x118: {  	s21 =	sadd.s32 $0x20, s10;
	s28 =	simm.s32 $0xDE00  }
0x119: {  	[tilespmem:s28], [sflag:$0x1] =	stream.linear.gather [hbm4b:s21+s4], $0x40, $0x38;
	[tilespmem:$0x18F80] =	vst v63  }
0x11a: {  	s17 =	simm.s32 $0xDE80;
	s16 =	sadd.s32 $0x30, s10  }
0x11b: {  	[tilespmem:s17], [sflag:$0x1] =	stream.linear.gather [hbm4b:s16+s4], $0x40, $0x38;
	[tilespmem:$0x18F80] =	vst v63  }
0x11c: {  	s18 =	sadd.s32 $0x40, s10;
	s20 =	simm.s32 $0xDF00  }
0x11d: {  	[tilespmem:s20], [sflag:$0x1] =	stream.linear.gather [hbm4b:s18+s4], $0x40, $0x38;
	[tilespmem:$0x18F80] =	vst v63  }
0x11e: {  	s21 =	sadd.s32 $0x50, s10;
	s28 =	simm.s32 $0xDF80  }
0x11f: {  	[tilespmem:s28], [sflag:$0x1] =	stream.linear.gather [hbm4b:s21+s4], $0x40, $0x38;
	[tilespmem:$0x18F80] =	vst v63  }
0x120: {  	s16 =	sadd.s32 $0x60, s10;
	s17 =	simm.s32 $0xE000  }
0x121: {  	[tilespmem:s17], [sflag:$0x1] =	stream.linear.gather [hbm4b:s16+s4], $0x40, $0x38;
	[tilespmem:$0x18F80] =	vst v63  }
0x122: {  	s10 =	sadd.s32 $0x70, s10;
	s18 =	simm.s32 $0xE080  }
0x123: {  	[tilespmem:s18], [sflag:$0x1] =	stream.linear.gather [hbm4b:s10+s4], $0x40, $0x38;
	[tilespmem:$0x18F80] =	vst v63  }
0x124: {  	s20 =	simm.s32 $0xE100;
	s10 =	sadd.s32 $0x1E8500, s2  }
0x125: {  	[tilespmem:s20], [sflag:$0x1] =	stream.linear.gather [hbm4b:s10+s4], $0x40, $0x38;
	[tilespmem:$0x18F80] =	vst v63  }
0x126: {  	s28 =	simm.s32 $0xE180;
	s21 =	sadd.s32 $0x10, s10  }
0x127: {  	[tilespmem:s28], [sflag:$0x1] =	stream.linear.gather [hbm4b:s21+s4], $0x40, $0x38;
	[tilespmem:$0x18F80] =	vst v63  }
0x128: {  	s17 =	simm.s32 $0xE200;
	s16 =	sadd.s32 $0x20, s10  }
0x129: {  	[tilespmem:s17], [sflag:$0x1] =	stream.linear.gather [hbm4b:s16+s4], $0x40, $0x38;
	[tilespmem:$0x18F80] =	vst v63  }
0x12a: {  	s18 =	sadd.s32 $0x30, s10;
	s20 =	simm.s32 $0xE280  }
0x12b: {  	[tilespmem:s20], [sflag:$0x1] =	stream.linear.gather [hbm4b:s18+s4], $0x40, $0x38;
	[tilespmem:$0x18F80] =	vst v63  }
0x12c: {  	s21 =	sadd.s32 $0x40, s10;
	s28 =	simm.s32 $0xE300  }
0x12d: {  	[tilespmem:s28], [sflag:$0x1] =	stream.linear.gather [hbm4b:s21+s4], $0x40, $0x38;
	[tilespmem:$0x18F80] =	vst v63  }
0x12e: {  	s17 =	sadd.s32 $0x50, s10;
	s18 =	simm.s32 $0xE380  }
0x12f: {  	[tilespmem:s18], [sflag:$0x1] =	stream.linear.gather [hbm4b:s17+s4], $0x40, $0x38;
	[tilespmem:$0x18F80] =	vst v63  }
0x130: {  	s20 =	sadd.s32 $0x60, s10;
	s21 =	simm.s32 $0xE400  }
0x131: {  	[tilespmem:s21], [sflag:$0x1] =	stream.linear.gather [hbm4b:s20+s4], $0x40, $0x38;
	[tilespmem:$0x18F80] =	vst v63  }
0x132: {  	s10 =	sadd.s32 $0x70, s10;
	s28 =	simm.s32 $0xE480  }
0x133: {  	[tilespmem:s28], [sflag:$0x1] =	stream.linear.gather [hbm4b:s10+s4], $0x40, $0x38;
	[tilespmem:$0x18F80] =	vst v63  }
0x134: {  	s13 =	simm.s32 $0xE500;
	s2 =	sadd.s32 $0x2DC780, s2  }
0x135: {  	[tilespmem:s13], [sflag:$0x1] =	stream.linear.gather [hbm4b:s2+s4], $0x40, $0x38;
	[tilespmem:$0x18F80] =	vst v63  }
0x136: {  	s16 =	sadd.s32 $0x10, s2;
	s17 =	simm.s32 $0xE580  }
0x137: {  	[tilespmem:s17], [sflag:$0x1] =	stream.linear.gather [hbm4b:s16+s4], $0x40, $0x38;
	[tilespmem:$0x18F80] =	vst v63  }
0x138: {  	s18 =	sadd.s32 $0x20, s2;
	s20 =	simm.s32 $0xE600  }
0x139: {  	[tilespmem:s20], [sflag:$0x1] =	stream.linear.gather [hbm4b:s18+s4], $0x40, $0x38;
	[tilespmem:$0x18F80] =	vst v63  }
0x13a: {  	s21 =	sadd.s32 $0x30, s2;
	s28 =	simm.s32 $0xE680  }
0x13b: {  	[tilespmem:s28], [sflag:$0x1] =	stream.linear.gather [hbm4b:s21+s4], $0x40, $0x38;
	[tilespmem:$0x18F80] =	vst v63  }
0x13c: {  	s13 =	sadd.s32 $0x40, s2;
	s16 =	simm.s32 $0xE700  }
0x13d: {  	[tilespmem:s16], [sflag:$0x1] =	stream.linear.gather [hbm4b:s13+s4], $0x40, $0x38;
	[tilespmem:$0x18F80] =	vst v63  }
0x13e: {  	s17 =	sadd.s32 $0x50, s2;
	s18 =	simm.s32 $0xE780  }
0x13f: {  	[tilespmem:s18], [sflag:$0x1] =	stream.linear.gather [hbm4b:s17+s4], $0x40, $0x38;
	[tilespmem:$0x18F80] =	vst v63  }
.Ltmp7:
0x140: {  	_ = 	snop;
	(pc) =	sbr.rel .LBB2_13-.Ltmp7, $4  }
0x141: {  	s20 =	sadd.s32 $0x60, s2;
	s21 =	simm.s32 $0xE800  }
0x142: {  	[tilespmem:s21], [sflag:$0x1] =	stream.linear.gather [hbm4b:s20+s4], $0x40, $0x38;
	[tilespmem:$0x18F80] =	vst v63  }
0x143: {  	s2 =	sadd.s32 $0x70, s2;
	s28 =	simm.s32 $0xE880  }
0x144: {  	[tilespmem:s28], [sflag:$0x1] =	stream.linear.gather [hbm4b:s2+s4], $0x40, $0x38;
	[tilespmem:$0x18F80] =	vst v63  }
.LBB2_12:
0x145: {  	s2 =	sand.u32 $0xFFFFF80, s2  }
0x146: {  	s10 =	simm.s32 $0xD900;
	s2 =	sadd.s32 s3, s2  }
0x147: {  	[tilespmem:s10], [sflag:$0x1] =	stream.strided.gather [hbm4b:s2+s0], $0x1000, s12, s0, $0x38;
	[tilespmem:$0x18F80] =	vst v63  }
.LBB2_13:
0x148: {  	(v2sf) =	vpush v34, $0x2;
	_ =	sdelay $0xe  }
0x149: {  	s2 =	spop (v2sf)  }
0x14a: {  	s10 =	sand.u32 $0x40, s2  }
0x14b: {  	p0 =	sne.s32 s10, $0x0  }
.Ltmp8:
0x14c: {  	_ = 	snop;
	(pc) =	sbr.rel @p0 .LBB2_15-.Ltmp8, $1  }
0x14d: {  	_ =	sdelay $0x3  }
0x14e: {  	s2 =	sand.u32 $0x1FFFFF80, s2  }
0x14f: {  	s10 =	simm.s32 $0x2900;
	s2 =	sadd.s32 s1, s2  }
0x150: {  	[tilespmem:s10], [sflag:$0x1] =	stream.linear.gather [hbm4b:s2+s4], $0x40, $0x38;
	[tilespmem:$0x18F80] =	vst v63  }
0x151: {  	s13 =	simm.s32 $0x2980;
	s17 =	sadd.s32 $0x10, s2  }
0x152: {  	[tilespmem:s13], [sflag:$0x1] =	stream.linear.gather [hbm4b:s17+s4], $0x40, $0x38;
	[tilespmem:$0x18F80] =	vst v63  }
0x153: {  	s20 =	simm.s32 $0x2A00;
	s18 =	sadd.s32 $0x20, s2  }
0x154: {  	[tilespmem:s20], [sflag:$0x1] =	stream.linear.gather [hbm4b:s18+s4], $0x40, $0x38;
	[tilespmem:$0x18F80] =	vst v63  }
0x155: {  	s28 =	simm.s32 $0x2A80;
	s21 =	sadd.s32 $0x30, s2  }
0x156: {  	[tilespmem:s28], [sflag:$0x1] =	stream.linear.gather [hbm4b:s21+s4], $0x40, $0x38;
	[tilespmem:$0x18F80] =	vst v63  }
0x157: {  	s16 =	sadd.s32 $0x40, s2;
	s17 =	simm.s32 $0x2B00  }
0x158: {  	[tilespmem:s17], [sflag:$0x1] =	stream.linear.gather [hbm4b:s16+s4], $0x40, $0x38;
	[tilespmem:$0x18F80] =	vst v63  }
0x159: {  	s18 =	sadd.s32 $0x50, s2;
	s20 =	simm.s32 $0x2B80  }
0x15a: {  	[tilespmem:s20], [sflag:$0x1] =	stream.linear.gather [hbm4b:s18+s4], $0x40, $0x38;
	[tilespmem:$0x18F80] =	vst v63  }
0x15b: {  	s21 =	sadd.s32 $0x60, s2;
	s28 =	simm.s32 $0x2C00  }
0x15c: {  	[tilespmem:s28], [sflag:$0x1] =	stream.linear.gather [hbm4b:s21+s4], $0x40, $0x38;
	[tilespmem:$0x18F80] =	vst v63  }
0x15d: {  	s16 =	sadd.s32 $0x70, s2;
	s17 =	simm.s32 $0x2C80  }
0x15e: {  	[tilespmem:s17], [sflag:$0x1] =	stream.linear.gather [hbm4b:s16+s4], $0x40, $0x38;
	[tilespmem:$0x18F80] =	vst v63  }
0x15f: {  	s10 =	sadd.s32 $0xF4280, s2;
	s18 =	simm.s32 $0x2D00  }
0x160: {  	[tilespmem:s18], [sflag:$0x1] =	stream.linear.gather [hbm4b:s10+s4], $0x40, $0x38;
	[tilespmem:$0x18F80] =	vst v63  }
0x161: {  	s20 =	sadd.s32 $0x10, s10;
	s16 =	simm.s32 $0x2D80  }
0x162: {  	[tilespmem:s16], [sflag:$0x1] =	stream.linear.gather [hbm4b:s20+s4], $0x40, $0x38;
	[tilespmem:$0x18F80] =	vst v63  }
0x163: {  	s21 =	sadd.s32 $0x20, s10;
	s28 =	simm.s32 $0x2E00  }
0x164: {  	[tilespmem:s28], [sflag:$0x1] =	stream.linear.gather [hbm4b:s21+s4], $0x40, $0x38;
	[tilespmem:$0x18F80] =	vst v63  }
0x165: {  	s17 =	simm.s32 $0x2E80;
	s16 =	sadd.s32 $0x30, s10  }
0x166: {  	[tilespmem:s17], [sflag:$0x1] =	stream.linear.gather [hbm4b:s16+s4], $0x40, $0x38;
	[tilespmem:$0x18F80] =	vst v63  }
0x167: {  	s18 =	sadd.s32 $0x40, s10;
	s20 =	simm.s32 $0x2F00  }
0x168: {  	[tilespmem:s20], [sflag:$0x1] =	stream.linear.gather [hbm4b:s18+s4], $0x40, $0x38;
	[tilespmem:$0x18F80] =	vst v63  }
0x169: {  	s21 =	sadd.s32 $0x50, s10;
	s28 =	simm.s32 $0x2F80  }
0x16a: {  	[tilespmem:s28], [sflag:$0x1] =	stream.linear.gather [hbm4b:s21+s4], $0x40, $0x38;
	[tilespmem:$0x18F80] =	vst v63  }
0x16b: {  	s16 =	sadd.s32 $0x60, s10;
	s17 =	simm.s32 $0x3000  }
0x16c: {  	[tilespmem:s17], [sflag:$0x1] =	stream.linear.gather [hbm4b:s16+s4], $0x40, $0x38;
	[tilespmem:$0x18F80] =	vst v63  }
0x16d: {  	s10 =	sadd.s32 $0x70, s10;
	s18 =	simm.s32 $0x3080  }
0x16e: {  	[tilespmem:s18], [sflag:$0x1] =	stream.linear.gather [hbm4b:s10+s4], $0x40, $0x38;
	[tilespmem:$0x18F80] =	vst v63  }
0x16f: {  	s20 =	simm.s32 $0x3100;
	s10 =	sadd.s32 $0x1E8500, s2  }
0x170: {  	[tilespmem:s20], [sflag:$0x1] =	stream.linear.gather [hbm4b:s10+s4], $0x40, $0x38;
	[tilespmem:$0x18F80] =	vst v63  }
0x171: {  	s28 =	simm.s32 $0x3180;
	s21 =	sadd.s32 $0x10, s10  }
0x172: {  	[tilespmem:s28], [sflag:$0x1] =	stream.linear.gather [hbm4b:s21+s4], $0x40, $0x38;
	[tilespmem:$0x18F80] =	vst v63  }
0x173: {  	s17 =	simm.s32 $0x3200;
	s16 =	sadd.s32 $0x20, s10  }
0x174: {  	[tilespmem:s17], [sflag:$0x1] =	stream.linear.gather [hbm4b:s16+s4], $0x40, $0x38;
	[tilespmem:$0x18F80] =	vst v63  }
0x175: {  	s18 =	sadd.s32 $0x30, s10;
	s20 =	simm.s32 $0x3280  }
0x176: {  	[tilespmem:s20], [sflag:$0x1] =	stream.linear.gather [hbm4b:s18+s4], $0x40, $0x38;
	[tilespmem:$0x18F80] =	vst v63  }
0x177: {  	s21 =	sadd.s32 $0x40, s10;
	s28 =	simm.s32 $0x3300  }
0x178: {  	[tilespmem:s28], [sflag:$0x1] =	stream.linear.gather [hbm4b:s21+s4], $0x40, $0x38;
	[tilespmem:$0x18F80] =	vst v63  }
0x179: {  	s17 =	sadd.s32 $0x50, s10;
	s18 =	simm.s32 $0x3380  }
0x17a: {  	[tilespmem:s18], [sflag:$0x1] =	stream.linear.gather [hbm4b:s17+s4], $0x40, $0x38;
	[tilespmem:$0x18F80] =	vst v63  }
0x17b: {  	s20 =	sadd.s32 $0x60, s10;
	s21 =	simm.s32 $0x3400  }
0x17c: {  	[tilespmem:s21], [sflag:$0x1] =	stream.linear.gather [hbm4b:s20+s4], $0x40, $0x38;
	[tilespmem:$0x18F80] =	vst v63  }
0x17d: {  	s10 =	sadd.s32 $0x70, s10;
	s28 =	simm.s32 $0x3480  }
0x17e: {  	[tilespmem:s28], [sflag:$0x1] =	stream.linear.gather [hbm4b:s10+s4], $0x40, $0x38;
	[tilespmem:$0x18F80] =	vst v63  }
0x17f: {  	s13 =	simm.s32 $0x3500;
	s2 =	sadd.s32 $0x2DC780, s2  }
0x180: {  	[tilespmem:s13], [sflag:$0x1] =	stream.linear.gather [hbm4b:s2+s4], $0x40, $0x38;
	[tilespmem:$0x18F80] =	vst v63  }
0x181: {  	s16 =	sadd.s32 $0x10, s2;
	s17 =	simm.s32 $0x3580  }
0x182: {  	[tilespmem:s17], [sflag:$0x1] =	stream.linear.gather [hbm4b:s16+s4], $0x40, $0x38;
	[tilespmem:$0x18F80] =	vst v63  }
0x183: {  	s18 =	sadd.s32 $0x20, s2;
	s20 =	simm.s32 $0x3600  }
0x184: {  	[tilespmem:s20], [sflag:$0x1] =	stream.linear.gather [hbm4b:s18+s4], $0x40, $0x38;
	[tilespmem:$0x18F80] =	vst v63  }
0x185: {  	s21 =	sadd.s32 $0x30, s2;
	s28 =	simm.s32 $0x3680  }
0x186: {  	[tilespmem:s28], [sflag:$0x1] =	stream.linear.gather [hbm4b:s21+s4], $0x40, $0x38;
	[tilespmem:$0x18F80] =	vst v63  }
0x187: {  	s13 =	sadd.s32 $0x40, s2;
	s16 =	simm.s32 $0x3700  }
0x188: {  	[tilespmem:s16], [sflag:$0x1] =	stream.linear.gather [hbm4b:s13+s4], $0x40, $0x38;
	[tilespmem:$0x18F80] =	vst v63  }
0x189: {  	s17 =	sadd.s32 $0x50, s2;
	s18 =	simm.s32 $0x3780  }
0x18a: {  	[tilespmem:s18], [sflag:$0x1] =	stream.linear.gather [hbm4b:s17+s4], $0x40, $0x38;
	[tilespmem:$0x18F80] =	vst v63  }
.Ltmp9:
0x18b: {  	_ = 	snop;
	(pc) =	sbr.rel .LBB2_16-.Ltmp9, $4  }
0x18c: {  	s20 =	sadd.s32 $0x60, s2;
	s21 =	simm.s32 $0x3800  }
0x18d: {  	[tilespmem:s21], [sflag:$0x1] =	stream.linear.gather [hbm4b:s20+s4], $0x40, $0x38;
	[tilespmem:$0x18F80] =	vst v63  }
0x18e: {  	s2 =	sadd.s32 $0x70, s2;
	s28 =	simm.s32 $0x3880  }
0x18f: {  	[tilespmem:s28], [sflag:$0x1] =	stream.linear.gather [hbm4b:s2+s4], $0x40, $0x38;
	[tilespmem:$0x18F80] =	vst v63  }
.LBB2_15:
0x190: {  	s2 =	sand.u32 $0xFFFFF80, s2  }
0x191: {  	s10 =	simm.s32 $0x2900;
	s2 =	sadd.s32 s1, s2  }
0x192: {  	[tilespmem:s10], [sflag:$0x1] =	stream.strided.gather [hbm4b:s2+s0], $0x1000, s12, s0, $0x38;
	[tilespmem:$0x18F80] =	vst v63  }
.LBB2_16:
0x193: {  	(v2sf) =	vpush v33, $0x2;
	_ =	sdelay $0xe  }
0x194: {  	s2 =	spop (v2sf)  }
0x195: {  	s10 =	sand.u32 $0x40, s2  }
0x196: {  	p0 =	sne.s32 s10, $0x0  }
.Ltmp10:
0x197: {  	_ = 	snop;
	(pc) =	sbr.rel @p0 .LBB2_18-.Ltmp10, $1  }
0x198: {  	_ =	sdelay $0x3  }
0x199: {  	s2 =	sand.u32 $0x1FFFFF80, s2  }
0x19a: {  	s10 =	simm.s32 $0xE900;
	s2 =	sadd.s32 s3, s2  }
0x19b: {  	[tilespmem:s10], [sflag:$0x1] =	stream.linear.gather [hbm4b:s2+s4], $0x40, $0x38;
	[tilespmem:$0x18F80] =	vst v63  }
0x19c: {  	s13 =	simm.s32 $0xE980;
	s17 =	sadd.s32 $0x10, s2  }
0x19d: {  	[tilespmem:s13], [sflag:$0x1] =	stream.linear.gather [hbm4b:s17+s4], $0x40, $0x38;
	[tilespmem:$0x18F80] =	vst v63  }
0x19e: {  	s20 =	simm.s32 $0xEA00;
	s18 =	sadd.s32 $0x20, s2  }
0x19f: {  	[tilespmem:s20], [sflag:$0x1] =	stream.linear.gather [hbm4b:s18+s4], $0x40, $0x38;
	[tilespmem:$0x18F80] =	vst v63  }
0x1a0: {  	s28 =	simm.s32 $0xEA80;
	s21 =	sadd.s32 $0x30, s2  }
0x1a1: {  	[tilespmem:s28], [sflag:$0x1] =	stream.linear.gather [hbm4b:s21+s4], $0x40, $0x38;
	[tilespmem:$0x18F80] =	vst v63  }
0x1a2: {  	s16 =	sadd.s32 $0x40, s2;
	s17 =	simm.s32 $0xEB00  }
0x1a3: {  	[tilespmem:s17], [sflag:$0x1] =	stream.linear.gather [hbm4b:s16+s4], $0x40, $0x38;
	[tilespmem:$0x18F80] =	vst v63  }
0x1a4: {  	s18 =	sadd.s32 $0x50, s2;
	s20 =	simm.s32 $0xEB80  }
0x1a5: {  	[tilespmem:s20], [sflag:$0x1] =	stream.linear.gather [hbm4b:s18+s4], $0x40, $0x38;
	[tilespmem:$0x18F80] =	vst v63  }
0x1a6: {  	s21 =	sadd.s32 $0x60, s2;
	s28 =	simm.s32 $0xEC00  }
0x1a7: {  	[tilespmem:s28], [sflag:$0x1] =	stream.linear.gather [hbm4b:s21+s4], $0x40, $0x38;
	[tilespmem:$0x18F80] =	vst v63  }
0x1a8: {  	s16 =	sadd.s32 $0x70, s2;
	s17 =	simm.s32 $0xEC80  }
0x1a9: {  	[tilespmem:s17], [sflag:$0x1] =	stream.linear.gather [hbm4b:s16+s4], $0x40, $0x38;
	[tilespmem:$0x18F80] =	vst v63  }
0x1aa: {  	s10 =	sadd.s32 $0xF4280, s2;
	s18 =	simm.s32 $0xED00  }
0x1ab: {  	[tilespmem:s18], [sflag:$0x1] =	stream.linear.gather [hbm4b:s10+s4], $0x40, $0x38;
	[tilespmem:$0x18F80] =	vst v63  }
0x1ac: {  	s20 =	sadd.s32 $0x10, s10;
	s16 =	simm.s32 $0xED80  }
0x1ad: {  	[tilespmem:s16], [sflag:$0x1] =	stream.linear.gather [hbm4b:s20+s4], $0x40, $0x38;
	[tilespmem:$0x18F80] =	vst v63  }
0x1ae: {  	s21 =	sadd.s32 $0x20, s10;
	s28 =	simm.s32 $0xEE00  }
0x1af: {  	[tilespmem:s28], [sflag:$0x1] =	stream.linear.gather [hbm4b:s21+s4], $0x40, $0x38;
	[tilespmem:$0x18F80] =	vst v63  }
0x1b0: {  	s17 =	simm.s32 $0xEE80;
	s16 =	sadd.s32 $0x30, s10  }
0x1b1: {  	[tilespmem:s17], [sflag:$0x1] =	stream.linear.gather [hbm4b:s16+s4], $0x40, $0x38;
	[tilespmem:$0x18F80] =	vst v63  }
0x1b2: {  	s18 =	sadd.s32 $0x40, s10;
	s20 =	simm.s32 $0xEF00  }
0x1b3: {  	[tilespmem:s20], [sflag:$0x1] =	stream.linear.gather [hbm4b:s18+s4], $0x40, $0x38;
	[tilespmem:$0x18F80] =	vst v63  }
0x1b4: {  	s21 =	sadd.s32 $0x50, s10;
	s28 =	simm.s32 $0xEF80  }
0x1b5: {  	[tilespmem:s28], [sflag:$0x1] =	stream.linear.gather [hbm4b:s21+s4], $0x40, $0x38;
	[tilespmem:$0x18F80] =	vst v63  }
0x1b6: {  	s16 =	sadd.s32 $0x60, s10;
	s17 =	simm.s32 $0xF000  }
0x1b7: {  	[tilespmem:s17], [sflag:$0x1] =	stream.linear.gather [hbm4b:s16+s4], $0x40, $0x38;
	[tilespmem:$0x18F80] =	vst v63  }
0x1b8: {  	s10 =	sadd.s32 $0x70, s10;
	s18 =	simm.s32 $0xF080  }
0x1b9: {  	[tilespmem:s18], [sflag:$0x1] =	stream.linear.gather [hbm4b:s10+s4], $0x40, $0x38;
	[tilespmem:$0x18F80] =	vst v63  }
0x1ba: {  	s20 =	simm.s32 $0xF100;
	s10 =	sadd.s32 $0x1E8500, s2  }
0x1bb: {  	[tilespmem:s20], [sflag:$0x1] =	stream.linear.gather [hbm4b:s10+s4], $0x40, $0x38;
	[tilespmem:$0x18F80] =	vst v63  }
0x1bc: {  	s28 =	simm.s32 $0xF180;
	s21 =	sadd.s32 $0x10, s10  }
0x1bd: {  	[tilespmem:s28], [sflag:$0x1] =	stream.linear.gather [hbm4b:s21+s4], $0x40, $0x38;
	[tilespmem:$0x18F80] =	vst v63  }
0x1be: {  	s17 =	simm.s32 $0xF200;
	s16 =	sadd.s32 $0x20, s10  }
0x1bf: {  	[tilespmem:s17], [sflag:$0x1] =	stream.linear.gather [hbm4b:s16+s4], $0x40, $0x38;
	[tilespmem:$0x18F80] =	vst v63  }
0x1c0: {  	s18 =	sadd.s32 $0x30, s10;
	s20 =	simm.s32 $0xF280  }
0x1c1: {  	[tilespmem:s20], [sflag:$0x1] =	stream.linear.gather [hbm4b:s18+s4], $0x40, $0x38;
	[tilespmem:$0x18F80] =	vst v63  }
0x1c2: {  	s21 =	sadd.s32 $0x40, s10;
	s28 =	simm.s32 $0xF300  }
0x1c3: {  	[tilespmem:s28], [sflag:$0x1] =	stream.linear.gather [hbm4b:s21+s4], $0x40, $0x38;
	[tilespmem:$0x18F80] =	vst v63  }
0x1c4: {  	s17 =	sadd.s32 $0x50, s10;
	s18 =	simm.s32 $0xF380  }
0x1c5: {  	[tilespmem:s18], [sflag:$0x1] =	stream.linear.gather [hbm4b:s17+s4], $0x40, $0x38;
	[tilespmem:$0x18F80] =	vst v63  }
0x1c6: {  	s20 =	sadd.s32 $0x60, s10;
	s21 =	simm.s32 $0xF400  }
0x1c7: {  	[tilespmem:s21], [sflag:$0x1] =	stream.linear.gather [hbm4b:s20+s4], $0x40, $0x38;
	[tilespmem:$0x18F80] =	vst v63  }
0x1c8: {  	s10 =	sadd.s32 $0x70, s10;
	s28 =	simm.s32 $0xF480  }
0x1c9: {  	[tilespmem:s28], [sflag:$0x1] =	stream.linear.gather [hbm4b:s10+s4], $0x40, $0x38;
	[tilespmem:$0x18F80] =	vst v63  }
0x1ca: {  	s13 =	simm.s32 $0xF500;
	s2 =	sadd.s32 $0x2DC780, s2  }
0x1cb: {  	[tilespmem:s13], [sflag:$0x1] =	stream.linear.gather [hbm4b:s2+s4], $0x40, $0x38;
	[tilespmem:$0x18F80] =	vst v63  }
0x1cc: {  	s16 =	sadd.s32 $0x10, s2;
	s17 =	simm.s32 $0xF580  }
0x1cd: {  	[tilespmem:s17], [sflag:$0x1] =	stream.linear.gather [hbm4b:s16+s4], $0x40, $0x38;
	[tilespmem:$0x18F80] =	vst v63  }
0x1ce: {  	s18 =	sadd.s32 $0x20, s2;
	s20 =	simm.s32 $0xF600  }
0x1cf: {  	[tilespmem:s20], [sflag:$0x1] =	stream.linear.gather [hbm4b:s18+s4], $0x40, $0x38;
	[tilespmem:$0x18F80] =	vst v63  }
0x1d0: {  	s21 =	sadd.s32 $0x30, s2;
	s28 =	simm.s32 $0xF680  }
0x1d1: {  	[tilespmem:s28], [sflag:$0x1] =	stream.linear.gather [hbm4b:s21+s4], $0x40, $0x38;
	[tilespmem:$0x18F80] =	vst v63  }
0x1d2: {  	s13 =	sadd.s32 $0x40, s2;
	s16 =	simm.s32 $0xF700  }
0x1d3: {  	[tilespmem:s16], [sflag:$0x1] =	stream.linear.gather [hbm4b:s13+s4], $0x40, $0x38;
	[tilespmem:$0x18F80] =	vst v63  }
0x1d4: {  	s17 =	sadd.s32 $0x50, s2;
	s18 =	simm.s32 $0xF780  }
0x1d5: {  	[tilespmem:s18], [sflag:$0x1] =	stream.linear.gather [hbm4b:s17+s4], $0x40, $0x38;
	[tilespmem:$0x18F80] =	vst v63  }
.Ltmp11:
0x1d6: {  	_ = 	snop;
	(pc) =	sbr.rel .LBB2_19-.Ltmp11, $4  }
0x1d7: {  	s20 =	sadd.s32 $0x60, s2;
	s21 =	simm.s32 $0xF800  }
0x1d8: {  	[tilespmem:s21], [sflag:$0x1] =	stream.linear.gather [hbm4b:s20+s4], $0x40, $0x38;
	[tilespmem:$0x18F80] =	vst v63  }
0x1d9: {  	s2 =	sadd.s32 $0x70, s2;
	s28 =	simm.s32 $0xF880  }
0x1da: {  	[tilespmem:s28], [sflag:$0x1] =	stream.linear.gather [hbm4b:s2+s4], $0x40, $0x38;
	[tilespmem:$0x18F80] =	vst v63  }
.LBB2_18:
0x1db: {  	s2 =	sand.u32 $0xFFFFF80, s2  }
0x1dc: {  	s10 =	simm.s32 $0xE900;
	s2 =	sadd.s32 s3, s2  }
0x1dd: {  	[tilespmem:s10], [sflag:$0x1] =	stream.strided.gather [hbm4b:s2+s0], $0x1000, s12, s0, $0x38;
	[tilespmem:$0x18F80] =	vst v63  }
.LBB2_19:
0x1de: {  	(v2sf) =	vpush v34, $0x3;
	_ =	sdelay $0xe  }
0x1df: {  	s2 =	spop (v2sf)  }
0x1e0: {  	s10 =	sand.u32 $0x40, s2  }
0x1e1: {  	p0 =	sne.s32 s10, $0x0  }
.Ltmp12:
0x1e2: {  	_ = 	snop;
	(pc) =	sbr.rel @p0 .LBB2_21-.Ltmp12, $1  }
0x1e3: {  	_ =	sdelay $0x3  }
0x1e4: {  	s2 =	sand.u32 $0x1FFFFF80, s2  }
0x1e5: {  	s10 =	simm.s32 $0x3900;
	s2 =	sadd.s32 s1, s2  }
0x1e6: {  	[tilespmem:s10], [sflag:$0x1] =	stream.linear.gather [hbm4b:s2+s4], $0x40, $0x38;
	[tilespmem:$0x18F80] =	vst v63  }
0x1e7: {  	s13 =	simm.s32 $0x3980;
	s17 =	sadd.s32 $0x10, s2  }
0x1e8: {  	[tilespmem:s13], [sflag:$0x1] =	stream.linear.gather [hbm4b:s17+s4], $0x40, $0x38;
	[tilespmem:$0x18F80] =	vst v63  }
0x1e9: {  	s20 =	simm.s32 $0x3A00;
	s18 =	sadd.s32 $0x20, s2  }
0x1ea: {  	[tilespmem:s20], [sflag:$0x1] =	stream.linear.gather [hbm4b:s18+s4], $0x40, $0x38;
	[tilespmem:$0x18F80] =	vst v63  }
0x1eb: {  	s28 =	simm.s32 $0x3A80;
	s21 =	sadd.s32 $0x30, s2  }
0x1ec: {  	[tilespmem:s28], [sflag:$0x1] =	stream.linear.gather [hbm4b:s21+s4], $0x40, $0x38;
	[tilespmem:$0x18F80] =	vst v63  }
0x1ed: {  	s16 =	sadd.s32 $0x40, s2;
	s17 =	simm.s32 $0x3B00  }
0x1ee: {  	[tilespmem:s17], [sflag:$0x1] =	stream.linear.gather [hbm4b:s16+s4], $0x40, $0x38;
	[tilespmem:$0x18F80] =	vst v63  }
0x1ef: {  	s18 =	sadd.s32 $0x50, s2;
	s20 =	simm.s32 $0x3B80  }
0x1f0: {  	[tilespmem:s20], [sflag:$0x1] =	stream.linear.gather [hbm4b:s18+s4], $0x40, $0x38;
	[tilespmem:$0x18F80] =	vst v63  }
0x1f1: {  	s21 =	sadd.s32 $0x60, s2;
	s28 =	simm.s32 $0x3C00  }
0x1f2: {  	[tilespmem:s28], [sflag:$0x1] =	stream.linear.gather [hbm4b:s21+s4], $0x40, $0x38;
	[tilespmem:$0x18F80] =	vst v63  }
0x1f3: {  	s16 =	sadd.s32 $0x70, s2;
	s17 =	simm.s32 $0x3C80  }
0x1f4: {  	[tilespmem:s17], [sflag:$0x1] =	stream.linear.gather [hbm4b:s16+s4], $0x40, $0x38;
	[tilespmem:$0x18F80] =	vst v63  }
0x1f5: {  	s10 =	sadd.s32 $0xF4280, s2;
	s18 =	simm.s32 $0x3D00  }
0x1f6: {  	[tilespmem:s18], [sflag:$0x1] =	stream.linear.gather [hbm4b:s10+s4], $0x40, $0x38;
	[tilespmem:$0x18F80] =	vst v63  }
0x1f7: {  	s20 =	sadd.s32 $0x10, s10;
	s16 =	simm.s32 $0x3D80  }
0x1f8: {  	[tilespmem:s16], [sflag:$0x1] =	stream.linear.gather [hbm4b:s20+s4], $0x40, $0x38;
	[tilespmem:$0x18F80] =	vst v63  }
0x1f9: {  	s21 =	sadd.s32 $0x20, s10;
	s28 =	simm.s32 $0x3E00  }
0x1fa: {  	[tilespmem:s28], [sflag:$0x1] =	stream.linear.gather [hbm4b:s21+s4], $0x40, $0x38;
	[tilespmem:$0x18F80] =	vst v63  }
0x1fb: {  	s17 =	simm.s32 $0x3E80;
	s16 =	sadd.s32 $0x30, s10  }
0x1fc: {  	[tilespmem:s17], [sflag:$0x1] =	stream.linear.gather [hbm4b:s16+s4], $0x40, $0x38;
	[tilespmem:$0x18F80] =	vst v63  }
0x1fd: {  	s18 =	sadd.s32 $0x40, s10;
	s20 =	simm.s32 $0x3F00  }
0x1fe: {  	[tilespmem:s20], [sflag:$0x1] =	stream.linear.gather [hbm4b:s18+s4], $0x40, $0x38;
	[tilespmem:$0x18F80] =	vst v63  }
0x1ff: {  	s21 =	sadd.s32 $0x50, s10;
	s28 =	simm.s32 $0x3F80  }
0x200: {  	[tilespmem:s28], [sflag:$0x1] =	stream.linear.gather [hbm4b:s21+s4], $0x40, $0x38;
	[tilespmem:$0x18F80] =	vst v63  }
0x201: {  	s16 =	sadd.s32 $0x60, s10;
	s17 =	simm.s32 $0x4000  }
0x202: {  	[tilespmem:s17], [sflag:$0x1] =	stream.linear.gather [hbm4b:s16+s4], $0x40, $0x38;
	[tilespmem:$0x18F80] =	vst v63  }
0x203: {  	s10 =	sadd.s32 $0x70, s10;
	s18 =	simm.s32 $0x4080  }
0x204: {  	[tilespmem:s18], [sflag:$0x1] =	stream.linear.gather [hbm4b:s10+s4], $0x40, $0x38;
	[tilespmem:$0x18F80] =	vst v63  }
0x205: {  	s20 =	simm.s32 $0x4100;
	s10 =	sadd.s32 $0x1E8500, s2  }
0x206: {  	[tilespmem:s20], [sflag:$0x1] =	stream.linear.gather [hbm4b:s10+s4], $0x40, $0x38;
	[tilespmem:$0x18F80] =	vst v63  }
0x207: {  	s28 =	simm.s32 $0x4180;
	s21 =	sadd.s32 $0x10, s10  }
0x208: {  	[tilespmem:s28], [sflag:$0x1] =	stream.linear.gather [hbm4b:s21+s4], $0x40, $0x38;
	[tilespmem:$0x18F80] =	vst v63  }
0x209: {  	s17 =	simm.s32 $0x4200;
	s16 =	sadd.s32 $0x20, s10  }
0x20a: {  	[tilespmem:s17], [sflag:$0x1] =	stream.linear.gather [hbm4b:s16+s4], $0x40, $0x38;
	[tilespmem:$0x18F80] =	vst v63  }
0x20b: {  	s18 =	sadd.s32 $0x30, s10;
	s20 =	simm.s32 $0x4280  }
0x20c: {  	[tilespmem:s20], [sflag:$0x1] =	stream.linear.gather [hbm4b:s18+s4], $0x40, $0x38;
	[tilespmem:$0x18F80] =	vst v63  }
0x20d: {  	s21 =	sadd.s32 $0x40, s10;
	s28 =	simm.s32 $0x4300  }
0x20e: {  	[tilespmem:s28], [sflag:$0x1] =	stream.linear.gather [hbm4b:s21+s4], $0x40, $0x38;
	[tilespmem:$0x18F80] =	vst v63  }
0x20f: {  	s17 =	sadd.s32 $0x50, s10;
	s18 =	simm.s32 $0x4380  }
0x210: {  	[tilespmem:s18], [sflag:$0x1] =	stream.linear.gather [hbm4b:s17+s4], $0x40, $0x38;
	[tilespmem:$0x18F80] =	vst v63  }
0x211: {  	s20 =	sadd.s32 $0x60, s10;
	s21 =	simm.s32 $0x4400  }
0x212: {  	[tilespmem:s21], [sflag:$0x1] =	stream.linear.gather [hbm4b:s20+s4], $0x40, $0x38;
	[tilespmem:$0x18F80] =	vst v63  }
0x213: {  	s10 =	sadd.s32 $0x70, s10;
	s28 =	simm.s32 $0x4480  }
0x214: {  	[tilespmem:s28], [sflag:$0x1] =	stream.linear.gather [hbm4b:s10+s4], $0x40, $0x38;
	[tilespmem:$0x18F80] =	vst v63  }
0x215: {  	s13 =	simm.s32 $0x4500;
	s2 =	sadd.s32 $0x2DC780, s2  }
0x216: {  	[tilespmem:s13], [sflag:$0x1] =	stream.linear.gather [hbm4b:s2+s4], $0x40, $0x38;
	[tilespmem:$0x18F80] =	vst v63  }
0x217: {  	s16 =	sadd.s32 $0x10, s2;
	s17 =	simm.s32 $0x4580  }
0x218: {  	[tilespmem:s17], [sflag:$0x1] =	stream.linear.gather [hbm4b:s16+s4], $0x40, $0x38;
	[tilespmem:$0x18F80] =	vst v63  }
0x219: {  	s18 =	sadd.s32 $0x20, s2;
	s20 =	simm.s32 $0x4600  }
0x21a: {  	[tilespmem:s20], [sflag:$0x1] =	stream.linear.gather [hbm4b:s18+s4], $0x40, $0x38;
	[tilespmem:$0x18F80] =	vst v63  }
0x21b: {  	s21 =	sadd.s32 $0x30, s2;
	s28 =	simm.s32 $0x4680  }
0x21c: {  	[tilespmem:s28], [sflag:$0x1] =	stream.linear.gather [hbm4b:s21+s4], $0x40, $0x38;
	[tilespmem:$0x18F80] =	vst v63  }
0x21d: {  	s13 =	sadd.s32 $0x40, s2;
	s16 =	simm.s32 $0x4700  }
0x21e: {  	[tilespmem:s16], [sflag:$0x1] =	stream.linear.gather [hbm4b:s13+s4], $0x40, $0x38;
	[tilespmem:$0x18F80] =	vst v63  }
0x21f: {  	s17 =	sadd.s32 $0x50, s2;
	s18 =	simm.s32 $0x4780  }
0x220: {  	[tilespmem:s18], [sflag:$0x1] =	stream.linear.gather [hbm4b:s17+s4], $0x40, $0x38;
	[tilespmem:$0x18F80] =	vst v63  }
.Ltmp13:
0x221: {  	_ = 	snop;
	(pc) =	sbr.rel .LBB2_22-.Ltmp13, $4  }
0x222: {  	s20 =	sadd.s32 $0x60, s2;
	s21 =	simm.s32 $0x4800  }
0x223: {  	[tilespmem:s21], [sflag:$0x1] =	stream.linear.gather [hbm4b:s20+s4], $0x40, $0x38;
	[tilespmem:$0x18F80] =	vst v63  }
0x224: {  	s2 =	sadd.s32 $0x70, s2;
	s28 =	simm.s32 $0x4880  }
0x225: {  	[tilespmem:s28], [sflag:$0x1] =	stream.linear.gather [hbm4b:s2+s4], $0x40, $0x38;
	[tilespmem:$0x18F80] =	vst v63  }
.LBB2_21:
0x226: {  	s2 =	sand.u32 $0xFFFFF80, s2  }
0x227: {  	s10 =	simm.s32 $0x3900;
	s2 =	sadd.s32 s1, s2  }
0x228: {  	[tilespmem:s10], [sflag:$0x1] =	stream.strided.gather [hbm4b:s2+s0], $0x1000, s12, s0, $0x38;
	[tilespmem:$0x18F80] =	vst v63  }
.LBB2_22:
0x229: {  	(v2sf) =	vpush v33, $0x3;
	_ =	sdelay $0xe  }
0x22a: {  	s2 =	spop (v2sf)  }
0x22b: {  	s10 =	sand.u32 $0x40, s2  }
0x22c: {  	p0 =	sne.s32 s10, $0x0  }
.Ltmp14:
0x22d: {  	_ = 	snop;
	(pc) =	sbr.rel @p0 .LBB2_24-.Ltmp14, $1  }
0x22e: {  	_ =	sdelay $0x3  }
0x22f: {  	s2 =	sand.u32 $0x1FFFFF80, s2  }
0x230: {  	s10 =	simm.s32 $0xF900;
	s2 =	sadd.s32 s3, s2  }
0x231: {  	[tilespmem:s10], [sflag:$0x1] =	stream.linear.gather [hbm4b:s2+s4], $0x40, $0x38;
	[tilespmem:$0x18F80] =	vst v63  }
0x232: {  	s13 =	simm.s32 $0xF980;
	s17 =	sadd.s32 $0x10, s2  }
0x233: {  	[tilespmem:s13], [sflag:$0x1] =	stream.linear.gather [hbm4b:s17+s4], $0x40, $0x38;
	[tilespmem:$0x18F80] =	vst v63  }
0x234: {  	s20 =	simm.s32 $0xFA00;
	s18 =	sadd.s32 $0x20, s2  }
0x235: {  	[tilespmem:s20], [sflag:$0x1] =	stream.linear.gather [hbm4b:s18+s4], $0x40, $0x38;
	[tilespmem:$0x18F80] =	vst v63  }
0x236: {  	s28 =	simm.s32 $0xFA80;
	s21 =	sadd.s32 $0x30, s2  }
0x237: {  	[tilespmem:s28], [sflag:$0x1] =	stream.linear.gather [hbm4b:s21+s4], $0x40, $0x38;
	[tilespmem:$0x18F80] =	vst v63  }
0x238: {  	s16 =	sadd.s32 $0x40, s2;
	s17 =	simm.s32 $0xFB00  }
0x239: {  	[tilespmem:s17], [sflag:$0x1] =	stream.linear.gather [hbm4b:s16+s4], $0x40, $0x38;
	[tilespmem:$0x18F80] =	vst v63  }
0x23a: {  	s18 =	sadd.s32 $0x50, s2;
	s20 =	simm.s32 $0xFB80  }
0x23b: {  	[tilespmem:s20], [sflag:$0x1] =	stream.linear.gather [hbm4b:s18+s4], $0x40, $0x38;
	[tilespmem:$0x18F80] =	vst v63  }
0x23c: {  	s21 =	sadd.s32 $0x60, s2;
	s28 =	simm.s32 $0xFC00  }
0x23d: {  	[tilespmem:s28], [sflag:$0x1] =	stream.linear.gather [hbm4b:s21+s4], $0x40, $0x38;
	[tilespmem:$0x18F80] =	vst v63  }
0x23e: {  	s16 =	sadd.s32 $0x70, s2;
	s17 =	simm.s32 $0xFC80  }
0x23f: {  	[tilespmem:s17], [sflag:$0x1] =	stream.linear.gather [hbm4b:s16+s4], $0x40, $0x38;
	[tilespmem:$0x18F80] =	vst v63  }
0x240: {  	s10 =	sadd.s32 $0xF4280, s2;
	s18 =	simm.s32 $0xFD00  }
0x241: {  	[tilespmem:s18], [sflag:$0x1] =	stream.linear.gather [hbm4b:s10+s4], $0x40, $0x38;
	[tilespmem:$0x18F80] =	vst v63  }
0x242: {  	s20 =	sadd.s32 $0x10, s10;
	s16 =	simm.s32 $0xFD80  }
0x243: {  	[tilespmem:s16], [sflag:$0x1] =	stream.linear.gather [hbm4b:s20+s4], $0x40, $0x38;
	[tilespmem:$0x18F80] =	vst v63  }
0x244: {  	s21 =	sadd.s32 $0x20, s10;
	s28 =	simm.s32 $0xFE00  }
0x245: {  	[tilespmem:s28], [sflag:$0x1] =	stream.linear.gather [hbm4b:s21+s4], $0x40, $0x38;
	[tilespmem:$0x18F80] =	vst v63  }
0x246: {  	s17 =	simm.s32 $0xFE80;
	s16 =	sadd.s32 $0x30, s10  }
0x247: {  	[tilespmem:s17], [sflag:$0x1] =	stream.linear.gather [hbm4b:s16+s4], $0x40, $0x38;
	[tilespmem:$0x18F80] =	vst v63  }
0x248: {  	s18 =	sadd.s32 $0x40, s10;
	s20 =	simm.s32 $0xFF00  }
0x249: {  	[tilespmem:s20], [sflag:$0x1] =	stream.linear.gather [hbm4b:s18+s4], $0x40, $0x38;
	[tilespmem:$0x18F80] =	vst v63  }
0x24a: {  	s21 =	sadd.s32 $0x50, s10;
	s28 =	simm.s32 $0xFF80  }
0x24b: {  	[tilespmem:s28], [sflag:$0x1] =	stream.linear.gather [hbm4b:s21+s4], $0x40, $0x38;
	[tilespmem:$0x18F80] =	vst v63  }
0x24c: {  	s16 =	sadd.s32 $0x60, s10;
	s17 =	simm.s32 $0x10000  }
0x24d: {  	[tilespmem:s17], [sflag:$0x1] =	stream.linear.gather [hbm4b:s16+s4], $0x40, $0x38;
	[tilespmem:$0x18F80] =	vst v63  }
0x24e: {  	s10 =	sadd.s32 $0x70, s10;
	s18 =	simm.s32 $0x10080  }
0x24f: {  	[tilespmem:s18], [sflag:$0x1] =	stream.linear.gather [hbm4b:s10+s4], $0x40, $0x38;
	[tilespmem:$0x18F80] =	vst v63  }
0x250: {  	s20 =	simm.s32 $0x10100;
	s10 =	sadd.s32 $0x1E8500, s2  }
0x251: {  	[tilespmem:s20], [sflag:$0x1] =	stream.linear.gather [hbm4b:s10+s4], $0x40, $0x38;
	[tilespmem:$0x18F80] =	vst v63  }
0x252: {  	s28 =	simm.s32 $0x10180;
	s21 =	sadd.s32 $0x10, s10  }
0x253: {  	[tilespmem:s28], [sflag:$0x1] =	stream.linear.gather [hbm4b:s21+s4], $0x40, $0x38;
	[tilespmem:$0x18F80] =	vst v63  }
0x254: {  	s17 =	simm.s32 $0x10200;
	s16 =	sadd.s32 $0x20, s10  }
0x255: {  	[tilespmem:s17], [sflag:$0x1] =	stream.linear.gather [hbm4b:s16+s4], $0x40, $0x38;
	[tilespmem:$0x18F80] =	vst v63  }
0x256: {  	s18 =	sadd.s32 $0x30, s10;
	s20 =	simm.s32 $0x10280  }
0x257: {  	[tilespmem:s20], [sflag:$0x1] =	stream.linear.gather [hbm4b:s18+s4], $0x40, $0x38;
	[tilespmem:$0x18F80] =	vst v63  }
0x258: {  	s21 =	sadd.s32 $0x40, s10;
	s28 =	simm.s32 $0x10300  }
0x259: {  	[tilespmem:s28], [sflag:$0x1] =	stream.linear.gather [hbm4b:s21+s4], $0x40, $0x38;
	[tilespmem:$0x18F80] =	vst v63  }
0x25a: {  	s17 =	sadd.s32 $0x50, s10;
	s18 =	simm.s32 $0x10380  }
0x25b: {  	[tilespmem:s18], [sflag:$0x1] =	stream.linear.gather [hbm4b:s17+s4], $0x40, $0x38;
	[tilespmem:$0x18F80] =	vst v63  }
0x25c: {  	s20 =	sadd.s32 $0x60, s10;
	s21 =	simm.s32 $0x10400  }
0x25d: {  	[tilespmem:s21], [sflag:$0x1] =	stream.linear.gather [hbm4b:s20+s4], $0x40, $0x38;
	[tilespmem:$0x18F80] =	vst v63  }
0x25e: {  	s10 =	sadd.s32 $0x70, s10;
	s28 =	simm.s32 $0x10480  }
0x25f: {  	[tilespmem:s28], [sflag:$0x1] =	stream.linear.gather [hbm4b:s10+s4], $0x40, $0x38;
	[tilespmem:$0x18F80] =	vst v63  }
0x260: {  	s13 =	simm.s32 $0x10500;
	s2 =	sadd.s32 $0x2DC780, s2  }
0x261: {  	[tilespmem:s13], [sflag:$0x1] =	stream.linear.gather [hbm4b:s2+s4], $0x40, $0x38;
	[tilespmem:$0x18F80] =	vst v63  }
0x262: {  	s16 =	sadd.s32 $0x10, s2;
	s17 =	simm.s32 $0x10580  }
0x263: {  	[tilespmem:s17], [sflag:$0x1] =	stream.linear.gather [hbm4b:s16+s4], $0x40, $0x38;
	[tilespmem:$0x18F80] =	vst v63  }
0x264: {  	s18 =	sadd.s32 $0x20, s2;
	s20 =	simm.s32 $0x10600  }
0x265: {  	[tilespmem:s20], [sflag:$0x1] =	stream.linear.gather [hbm4b:s18+s4], $0x40, $0x38;
	[tilespmem:$0x18F80] =	vst v63  }
0x266: {  	s21 =	sadd.s32 $0x30, s2;
	s28 =	simm.s32 $0x10680  }
0x267: {  	[tilespmem:s28], [sflag:$0x1] =	stream.linear.gather [hbm4b:s21+s4], $0x40, $0x38;
	[tilespmem:$0x18F80] =	vst v63  }
0x268: {  	s13 =	sadd.s32 $0x40, s2;
	s16 =	simm.s32 $0x10700  }
0x269: {  	[tilespmem:s16], [sflag:$0x1] =	stream.linear.gather [hbm4b:s13+s4], $0x40, $0x38;
	[tilespmem:$0x18F80] =	vst v63  }
0x26a: {  	s17 =	sadd.s32 $0x50, s2;
	s18 =	simm.s32 $0x10780  }
0x26b: {  	[tilespmem:s18], [sflag:$0x1] =	stream.linear.gather [hbm4b:s17+s4], $0x40, $0x38;
	[tilespmem:$0x18F80] =	vst v63  }
.Ltmp15:
0x26c: {  	_ = 	snop;
	(pc) =	sbr.rel .LBB2_25-.Ltmp15, $4  }
0x26d: {  	s20 =	sadd.s32 $0x60, s2;
	s21 =	simm.s32 $0x10800  }
0x26e: {  	[tilespmem:s21], [sflag:$0x1] =	stream.linear.gather [hbm4b:s20+s4], $0x40, $0x38;
	[tilespmem:$0x18F80] =	vst v63  }
0x26f: {  	s2 =	sadd.s32 $0x70, s2;
	s28 =	simm.s32 $0x10880  }
0x270: {  	[tilespmem:s28], [sflag:$0x1] =	stream.linear.gather [hbm4b:s2+s4], $0x40, $0x38;
	[tilespmem:$0x18F80] =	vst v63  }
.LBB2_24:
0x271: {  	s2 =	sand.u32 $0xFFFFF80, s2  }
0x272: {  	s10 =	simm.s32 $0xF900;
	s2 =	sadd.s32 s3, s2  }
0x273: {  	[tilespmem:s10], [sflag:$0x1] =	stream.strided.gather [hbm4b:s2+s0], $0x1000, s12, s0, $0x38;
	[tilespmem:$0x18F80] =	vst v63  }
.LBB2_25:
0x274: {  	v34 =	vld [tilespmem:$0x8];
	_ =	sdelay $0x4  }
0x275: {  	(v2sf) =	vpush v34, $0x0;
	_ =	sdelay $0xe  }
0x276: {  	s2 =	spop (v2sf)  }
0x277: {  	s10 =	sand.u32 $0x40, s2  }
0x278: {  	p0 =	sne.s32 s10, $0x0  }
.Ltmp16:
0x279: {  	_ = 	snop;
	(pc) =	sbr.rel @p0 .LBB2_27-.Ltmp16, $2  }
0x27a: {  	_ =	sdelay $0x2  }
0x27b: {  	v33 =	vld [tilespmem:$0x488]  }
0x27c: {  	s2 =	sand.u32 $0x1FFFFF80, s2  }
0x27d: {  	s2 =	sadd.s32 s1, s2  }
0x27e: {  	[tilespmem:s29], [sflag:$0x1] =	stream.linear.gather [hbm4b:s2+s4], $0x40, $0x38;
	[tilespmem:$0x18F80] =	vst v63  }
0x27f: {  	s13 =	simm.s32 $0x4980;
	s10 =	sadd.s32 $0x10, s2  }
0x280: {  	[tilespmem:s13], [sflag:$0x1] =	stream.linear.gather [hbm4b:s10+s4], $0x40, $0x38;
	[tilespmem:$0x18F80] =	vst v63  }
0x281: {  	s20 =	simm.s32 $0x4A00;
	s18 =	sadd.s32 $0x20, s2  }
0x282: {  	[tilespmem:s20], [sflag:$0x1] =	stream.linear.gather [hbm4b:s18+s4], $0x40, $0x38;
	[tilespmem:$0x18F80] =	vst v63  }
0x283: {  	s28 =	simm.s32 $0x4A80;
	s21 =	sadd.s32 $0x30, s2  }
0x284: {  	[tilespmem:s28], [sflag:$0x1] =	stream.linear.gather [hbm4b:s21+s4], $0x40, $0x38;
	[tilespmem:$0x18F80] =	vst v63  }
0x285: {  	s17 =	simm.s32 $0x4B00;
	s16 =	sadd.s32 $0x40, s2  }
0x286: {  	[tilespmem:s17], [sflag:$0x1] =	stream.linear.gather [hbm4b:s16+s4], $0x40, $0x38;
	[tilespmem:$0x18F80] =	vst v63  }
0x287: {  	s18 =	sadd.s32 $0x50, s2;
	s20 =	simm.s32 $0x4B80  }
0x288: {  	[tilespmem:s20], [sflag:$0x1] =	stream.linear.gather [hbm4b:s18+s4], $0x40, $0x38;
	[tilespmem:$0x18F80] =	vst v63  }
0x289: {  	s21 =	sadd.s32 $0x60, s2;
	s28 =	simm.s32 $0x4C00  }
0x28a: {  	[tilespmem:s28], [sflag:$0x1] =	stream.linear.gather [hbm4b:s21+s4], $0x40, $0x38;
	[tilespmem:$0x18F80] =	vst v63  }
0x28b: {  	s16 =	sadd.s32 $0x70, s2;
	s17 =	simm.s32 $0x4C80  }
0x28c: {  	[tilespmem:s17], [sflag:$0x1] =	stream.linear.gather [hbm4b:s16+s4], $0x40, $0x38;
	[tilespmem:$0x18F80] =	vst v63  }
0x28d: {  	s10 =	sadd.s32 $0xF4280, s2;
	s18 =	simm.s32 $0x4D00  }
0x28e: {  	[tilespmem:s18], [sflag:$0x1] =	stream.linear.gather [hbm4b:s10+s4], $0x40, $0x38;
	[tilespmem:$0x18F80] =	vst v63  }
0x28f: {  	s20 =	sadd.s32 $0x10, s10;
	s16 =	simm.s32 $0x4D80  }
0x290: {  	[tilespmem:s16], [sflag:$0x1] =	stream.linear.gather [hbm4b:s20+s4], $0x40, $0x38;
	[tilespmem:$0x18F80] =	vst v63  }
0x291: {  	s21 =	sadd.s32 $0x20, s10;
	s28 =	simm.s32 $0x4E00  }
0x292: {  	[tilespmem:s28], [sflag:$0x1] =	stream.linear.gather [hbm4b:s21+s4], $0x40, $0x38;
	[tilespmem:$0x18F80] =	vst v63  }
0x293: {  	s17 =	simm.s32 $0x4E80;
	s16 =	sadd.s32 $0x30, s10  }
0x294: {  	[tilespmem:s17], [sflag:$0x1] =	stream.linear.gather [hbm4b:s16+s4], $0x40, $0x38;
	[tilespmem:$0x18F80] =	vst v63  }
0x295: {  	s18 =	sadd.s32 $0x40, s10;
	s20 =	simm.s32 $0x4F00  }
0x296: {  	[tilespmem:s20], [sflag:$0x1] =	stream.linear.gather [hbm4b:s18+s4], $0x40, $0x38;
	[tilespmem:$0x18F80] =	vst v63  }
0x297: {  	s21 =	sadd.s32 $0x50, s10;
	s28 =	simm.s32 $0x4F80  }
0x298: {  	[tilespmem:s28], [sflag:$0x1] =	stream.linear.gather [hbm4b:s21+s4], $0x40, $0x38;
	[tilespmem:$0x18F80] =	vst v63  }
0x299: {  	s16 =	sadd.s32 $0x60, s10;
	s17 =	simm.s32 $0x5000  }
0x29a: {  	[tilespmem:s17], [sflag:$0x1] =	stream.linear.gather [hbm4b:s16+s4], $0x40, $0x38;
	[tilespmem:$0x18F80] =	vst v63  }
0x29b: {  	s10 =	sadd.s32 $0x70, s10;
	s18 =	simm.s32 $0x5080  }
0x29c: {  	[tilespmem:s18], [sflag:$0x1] =	stream.linear.gather [hbm4b:s10+s4], $0x40, $0x38;
	[tilespmem:$0x18F80] =	vst v63  }
0x29d: {  	s20 =	simm.s32 $0x5100;
	s10 =	sadd.s32 $0x1E8500, s2  }
0x29e: {  	[tilespmem:s20], [sflag:$0x1] =	stream.linear.gather [hbm4b:s10+s4], $0x40, $0x38;
	[tilespmem:$0x18F80] =	vst v63  }
0x29f: {  	s28 =	simm.s32 $0x5180;
	s21 =	sadd.s32 $0x10, s10  }
0x2a0: {  	[tilespmem:s28], [sflag:$0x1] =	stream.linear.gather [hbm4b:s21+s4], $0x40, $0x38;
	[tilespmem:$0x18F80] =	vst v63  }
0x2a1: {  	s17 =	simm.s32 $0x5200;
	s16 =	sadd.s32 $0x20, s10  }
0x2a2: {  	[tilespmem:s17], [sflag:$0x1] =	stream.linear.gather [hbm4b:s16+s4], $0x40, $0x38;
	[tilespmem:$0x18F80] =	vst v63  }
0x2a3: {  	s18 =	sadd.s32 $0x30, s10;
	s20 =	simm.s32 $0x5280  }
0x2a4: {  	[tilespmem:s20], [sflag:$0x1] =	stream.linear.gather [hbm4b:s18+s4], $0x40, $0x38;
	[tilespmem:$0x18F80] =	vst v63  }
0x2a5: {  	s21 =	sadd.s32 $0x40, s10;
	s28 =	simm.s32 $0x5300  }
0x2a6: {  	[tilespmem:s28], [sflag:$0x1] =	stream.linear.gather [hbm4b:s21+s4], $0x40, $0x38;
	[tilespmem:$0x18F80] =	vst v63  }
0x2a7: {  	s17 =	sadd.s32 $0x50, s10;
	s18 =	simm.s32 $0x5380  }
0x2a8: {  	[tilespmem:s18], [sflag:$0x1] =	stream.linear.gather [hbm4b:s17+s4], $0x40, $0x38;
	[tilespmem:$0x18F80] =	vst v63  }
0x2a9: {  	s20 =	sadd.s32 $0x60, s10;
	s21 =	simm.s32 $0x5400  }
0x2aa: {  	[tilespmem:s21], [sflag:$0x1] =	stream.linear.gather [hbm4b:s20+s4], $0x40, $0x38;
	[tilespmem:$0x18F80] =	vst v63  }
0x2ab: {  	s10 =	sadd.s32 $0x70, s10;
	s28 =	simm.s32 $0x5480  }
0x2ac: {  	[tilespmem:s28], [sflag:$0x1] =	stream.linear.gather [hbm4b:s10+s4], $0x40, $0x38;
	[tilespmem:$0x18F80] =	vst v63  }
0x2ad: {  	s13 =	simm.s32 $0x5500;
	s2 =	sadd.s32 $0x2DC780, s2  }
0x2ae: {  	[tilespmem:s13], [sflag:$0x1] =	stream.linear.gather [hbm4b:s2+s4], $0x40, $0x38;
	[tilespmem:$0x18F80] =	vst v63  }
0x2af: {  	s16 =	sadd.s32 $0x10, s2;
	s17 =	simm.s32 $0x5580  }
0x2b0: {  	[tilespmem:s17], [sflag:$0x1] =	stream.linear.gather [hbm4b:s16+s4], $0x40, $0x38;
	[tilespmem:$0x18F80] =	vst v63  }
0x2b1: {  	s18 =	sadd.s32 $0x20, s2;
	s20 =	simm.s32 $0x5600  }
0x2b2: {  	[tilespmem:s20], [sflag:$0x1] =	stream.linear.gather [hbm4b:s18+s4], $0x40, $0x38;
	[tilespmem:$0x18F80] =	vst v63  }
0x2b3: {  	s21 =	sadd.s32 $0x30, s2;
	s28 =	simm.s32 $0x5680  }
0x2b4: {  	[tilespmem:s28], [sflag:$0x1] =	stream.linear.gather [hbm4b:s21+s4], $0x40, $0x38;
	[tilespmem:$0x18F80] =	vst v63  }
0x2b5: {  	s13 =	sadd.s32 $0x40, s2;
	s16 =	simm.s32 $0x5700  }
0x2b6: {  	[tilespmem:s16], [sflag:$0x1] =	stream.linear.gather [hbm4b:s13+s4], $0x40, $0x38;
	[tilespmem:$0x18F80] =	vst v63  }
0x2b7: {  	s17 =	sadd.s32 $0x50, s2;
	s18 =	simm.s32 $0x5780  }
0x2b8: {  	[tilespmem:s18], [sflag:$0x1] =	stream.linear.gather [hbm4b:s17+s4], $0x40, $0x38;
	[tilespmem:$0x18F80] =	vst v63  }
.Ltmp17:
0x2b9: {  	_ = 	snop;
	(pc) =	sbr.rel .LBB2_28-.Ltmp17, $4  }
0x2ba: {  	s20 =	sadd.s32 $0x60, s2;
	s21 =	simm.s32 $0x5800  }
0x2bb: {  	[tilespmem:s21], [sflag:$0x1] =	stream.linear.gather [hbm4b:s20+s4], $0x40, $0x38;
	[tilespmem:$0x18F80] =	vst v63  }
0x2bc: {  	s2 =	sadd.s32 $0x70, s2;
	s28 =	simm.s32 $0x5880  }
0x2bd: {  	[tilespmem:s28], [sflag:$0x1] =	stream.linear.gather [hbm4b:s2+s4], $0x40, $0x38;
	[tilespmem:$0x18F80] =	vst v63  }
.LBB2_27:
0x2be: {  	s2 =	sand.u32 $0xFFFFF80, s2  }
0x2bf: {  	s2 =	sadd.s32 s1, s2  }
0x2c0: {  	[tilespmem:s29], [sflag:$0x1] =	stream.strided.gather [hbm4b:s2+s0], $0x1000, s12, s0, $0x38;
	[tilespmem:$0x18F80] =	vst v63  }
.LBB2_28:
0x2c1: {  	_ = 	snop  }
0x2c2: {  	(v2sf) =	vpush v33, $0x0;
	_ =	sdelay $0xe  }
0x2c3: {  	s2 =	spop (v2sf)  }
0x2c4: {  	s10 =	sand.u32 $0x40, s2  }
0x2c5: {  	p0 =	sne.s32 s10, $0x0  }
.Ltmp18:
0x2c6: {  	_ = 	snop;
	(pc) =	sbr.rel @p0 .LBB2_30-.Ltmp18, $1  }
0x2c7: {  	_ =	sdelay $0x3  }
0x2c8: {  	s2 =	sand.u32 $0x1FFFFF80, s2  }
0x2c9: {  	s10 =	simm.s32 $0x10900;
	s2 =	sadd.s32 s3, s2  }
0x2ca: {  	[tilespmem:s10], [sflag:$0x1] =	stream.linear.gather [hbm4b:s2+s4], $0x40, $0x38;
	[tilespmem:$0x18F80] =	vst v63  }
0x2cb: {  	s13 =	simm.s32 $0x10980;
	s17 =	sadd.s32 $0x10, s2  }
0x2cc: {  	[tilespmem:s13], [sflag:$0x1] =	stream.linear.gather [hbm4b:s17+s4], $0x40, $0x38;
	[tilespmem:$0x18F80] =	vst v63  }
0x2cd: {  	s20 =	simm.s32 $0x10A00;
	s18 =	sadd.s32 $0x20, s2  }
0x2ce: {  	[tilespmem:s20], [sflag:$0x1] =	stream.linear.gather [hbm4b:s18+s4], $0x40, $0x38;
	[tilespmem:$0x18F80] =	vst v63  }
0x2cf: {  	s28 =	simm.s32 $0x10A80;
	s21 =	sadd.s32 $0x30, s2  }
0x2d0: {  	[tilespmem:s28], [sflag:$0x1] =	stream.linear.gather [hbm4b:s21+s4], $0x40, $0x38;
	[tilespmem:$0x18F80] =	vst v63  }
0x2d1: {  	s16 =	sadd.s32 $0x40, s2;
	s17 =	simm.s32 $0x10B00  }
0x2d2: {  	[tilespmem:s17], [sflag:$0x1] =	stream.linear.gather [hbm4b:s16+s4], $0x40, $0x38;
	[tilespmem:$0x18F80] =	vst v63  }
0x2d3: {  	s18 =	sadd.s32 $0x50, s2;
	s20 =	simm.s32 $0x10B80  }
0x2d4: {  	[tilespmem:s20], [sflag:$0x1] =	stream.linear.gather [hbm4b:s18+s4], $0x40, $0x38;
	[tilespmem:$0x18F80] =	vst v63  }
0x2d5: {  	s21 =	sadd.s32 $0x60, s2;
	s28 =	simm.s32 $0x10C00  }
0x2d6: {  	[tilespmem:s28], [sflag:$0x1] =	stream.linear.gather [hbm4b:s21+s4], $0x40, $0x38;
	[tilespmem:$0x18F80] =	vst v63  }
0x2d7: {  	s16 =	sadd.s32 $0x70, s2;
	s17 =	simm.s32 $0x10C80  }
0x2d8: {  	[tilespmem:s17], [sflag:$0x1] =	stream.linear.gather [hbm4b:s16+s4], $0x40, $0x38;
	[tilespmem:$0x18F80] =	vst v63  }
0x2d9: {  	s10 =	sadd.s32 $0xF4280, s2;
	s18 =	simm.s32 $0x10D00  }
0x2da: {  	[tilespmem:s18], [sflag:$0x1] =	stream.linear.gather [hbm4b:s10+s4], $0x40, $0x38;
	[tilespmem:$0x18F80] =	vst v63  }
0x2db: {  	s20 =	sadd.s32 $0x10, s10;
	s16 =	simm.s32 $0x10D80  }
0x2dc: {  	[tilespmem:s16], [sflag:$0x1] =	stream.linear.gather [hbm4b:s20+s4], $0x40, $0x38;
	[tilespmem:$0x18F80] =	vst v63  }
0x2dd: {  	s21 =	sadd.s32 $0x20, s10;
	s28 =	simm.s32 $0x10E00  }
0x2de: {  	[tilespmem:s28], [sflag:$0x1] =	stream.linear.gather [hbm4b:s21+s4], $0x40, $0x38;
	[tilespmem:$0x18F80] =	vst v63  }
0x2df: {  	s17 =	simm.s32 $0x10E80;
	s16 =	sadd.s32 $0x30, s10  }
0x2e0: {  	[tilespmem:s17], [sflag:$0x1] =	stream.linear.gather [hbm4b:s16+s4], $0x40, $0x38;
	[tilespmem:$0x18F80] =	vst v63  }
0x2e1: {  	s18 =	sadd.s32 $0x40, s10;
	s20 =	simm.s32 $0x10F00  }
0x2e2: {  	[tilespmem:s20], [sflag:$0x1] =	stream.linear.gather [hbm4b:s18+s4], $0x40, $0x38;
	[tilespmem:$0x18F80] =	vst v63  }
0x2e3: {  	s21 =	sadd.s32 $0x50, s10;
	s28 =	simm.s32 $0x10F80  }
0x2e4: {  	[tilespmem:s28], [sflag:$0x1] =	stream.linear.gather [hbm4b:s21+s4], $0x40, $0x38;
	[tilespmem:$0x18F80] =	vst v63  }
0x2e5: {  	s16 =	sadd.s32 $0x60, s10;
	s17 =	simm.s32 $0x11000  }
0x2e6: {  	[tilespmem:s17], [sflag:$0x1] =	stream.linear.gather [hbm4b:s16+s4], $0x40, $0x38;
	[tilespmem:$0x18F80] =	vst v63  }
0x2e7: {  	s10 =	sadd.s32 $0x70, s10;
	s18 =	simm.s32 $0x11080  }
0x2e8: {  	[tilespmem:s18], [sflag:$0x1] =	stream.linear.gather [hbm4b:s10+s4], $0x40, $0x38;
	[tilespmem:$0x18F80] =	vst v63  }
0x2e9: {  	s20 =	simm.s32 $0x11100;
	s10 =	sadd.s32 $0x1E8500, s2  }
0x2ea: {  	[tilespmem:s20], [sflag:$0x1] =	stream.linear.gather [hbm4b:s10+s4], $0x40, $0x38;
	[tilespmem:$0x18F80] =	vst v63  }
0x2eb: {  	s28 =	simm.s32 $0x11180;
	s21 =	sadd.s32 $0x10, s10  }
0x2ec: {  	[tilespmem:s28], [sflag:$0x1] =	stream.linear.gather [hbm4b:s21+s4], $0x40, $0x38;
	[tilespmem:$0x18F80] =	vst v63  }
0x2ed: {  	s17 =	simm.s32 $0x11200;
	s16 =	sadd.s32 $0x20, s10  }
0x2ee: {  	[tilespmem:s17], [sflag:$0x1] =	stream.linear.gather [hbm4b:s16+s4], $0x40, $0x38;
	[tilespmem:$0x18F80] =	vst v63  }
0x2ef: {  	s18 =	sadd.s32 $0x30, s10;
	s20 =	simm.s32 $0x11280  }
0x2f0: {  	[tilespmem:s20], [sflag:$0x1] =	stream.linear.gather [hbm4b:s18+s4], $0x40, $0x38;
	[tilespmem:$0x18F80] =	vst v63  }
0x2f1: {  	s21 =	sadd.s32 $0x40, s10;
	s28 =	simm.s32 $0x11300  }
0x2f2: {  	[tilespmem:s28], [sflag:$0x1] =	stream.linear.gather [hbm4b:s21+s4], $0x40, $0x38;
	[tilespmem:$0x18F80] =	vst v63  }
0x2f3: {  	s17 =	sadd.s32 $0x50, s10;
	s18 =	simm.s32 $0x11380  }
0x2f4: {  	[tilespmem:s18], [sflag:$0x1] =	stream.linear.gather [hbm4b:s17+s4], $0x40, $0x38;
	[tilespmem:$0x18F80] =	vst v63  }
0x2f5: {  	s20 =	sadd.s32 $0x60, s10;
	s21 =	simm.s32 $0x11400  }
0x2f6: {  	[tilespmem:s21], [sflag:$0x1] =	stream.linear.gather [hbm4b:s20+s4], $0x40, $0x38;
	[tilespmem:$0x18F80] =	vst v63  }
0x2f7: {  	s10 =	sadd.s32 $0x70, s10;
	s28 =	simm.s32 $0x11480  }
0x2f8: {  	[tilespmem:s28], [sflag:$0x1] =	stream.linear.gather [hbm4b:s10+s4], $0x40, $0x38;
	[tilespmem:$0x18F80] =	vst v63  }
0x2f9: {  	s13 =	simm.s32 $0x11500;
	s2 =	sadd.s32 $0x2DC780, s2  }
0x2fa: {  	[tilespmem:s13], [sflag:$0x1] =	stream.linear.gather [hbm4b:s2+s4], $0x40, $0x38;
	[tilespmem:$0x18F80] =	vst v63  }
0x2fb: {  	s16 =	sadd.s32 $0x10, s2;
	s17 =	simm.s32 $0x11580  }
0x2fc: {  	[tilespmem:s17], [sflag:$0x1] =	stream.linear.gather [hbm4b:s16+s4], $0x40, $0x38;
	[tilespmem:$0x18F80] =	vst v63  }
0x2fd: {  	s18 =	sadd.s32 $0x20, s2;
	s20 =	simm.s32 $0x11600  }
0x2fe: {  	[tilespmem:s20], [sflag:$0x1] =	stream.linear.gather [hbm4b:s18+s4], $0x40, $0x38;
	[tilespmem:$0x18F80] =	vst v63  }
0x2ff: {  	s21 =	sadd.s32 $0x30, s2;
	s28 =	simm.s32 $0x11680  }
0x300: {  	[tilespmem:s28], [sflag:$0x1] =	stream.linear.gather [hbm4b:s21+s4], $0x40, $0x38;
	[tilespmem:$0x18F80] =	vst v63  }
0x301: {  	s13 =	sadd.s32 $0x40, s2;
	s16 =	simm.s32 $0x11700  }
0x302: {  	[tilespmem:s16], [sflag:$0x1] =	stream.linear.gather [hbm4b:s13+s4], $0x40, $0x38;
	[tilespmem:$0x18F80] =	vst v63  }
0x303: {  	s17 =	sadd.s32 $0x50, s2;
	s18 =	simm.s32 $0x11780  }
0x304: {  	[tilespmem:s18], [sflag:$0x1] =	stream.linear.gather [hbm4b:s17+s4], $0x40, $0x38;
	[tilespmem:$0x18F80] =	vst v63  }
.Ltmp19:
0x305: {  	_ = 	snop;
	(pc) =	sbr.rel .LBB2_31-.Ltmp19, $4  }
0x306: {  	s20 =	sadd.s32 $0x60, s2;
	s21 =	simm.s32 $0x11800  }
0x307: {  	[tilespmem:s21], [sflag:$0x1] =	stream.linear.gather [hbm4b:s20+s4], $0x40, $0x38;
	[tilespmem:$0x18F80] =	vst v63  }
0x308: {  	s2 =	sadd.s32 $0x70, s2;
	s28 =	simm.s32 $0x11880  }
0x309: {  	[tilespmem:s28], [sflag:$0x1] =	stream.linear.gather [hbm4b:s2+s4], $0x40, $0x38;
	[tilespmem:$0x18F80] =	vst v63  }
.LBB2_30:
0x30a: {  	s2 =	sand.u32 $0xFFFFF80, s2  }
0x30b: {  	s10 =	simm.s32 $0x10900;
	s2 =	sadd.s32 s3, s2  }
0x30c: {  	[tilespmem:s10], [sflag:$0x1] =	stream.strided.gather [hbm4b:s2+s0], $0x1000, s12, s0, $0x38;
	[tilespmem:$0x18F80] =	vst v63  }
.LBB2_31:
0x30d: {  	(v2sf) =	vpush v34, $0x1;
	_ =	sdelay $0xe  }
0x30e: {  	s2 =	spop (v2sf)  }
0x30f: {  	s10 =	sand.u32 $0x40, s2  }
0x310: {  	p0 =	sne.s32 s10, $0x0  }
.Ltmp20:
0x311: {  	_ = 	snop;
	(pc) =	sbr.rel @p0 .LBB2_33-.Ltmp20, $1  }
0x312: {  	_ =	sdelay $0x3  }
0x313: {  	s2 =	sand.u32 $0x1FFFFF80, s2  }
0x314: {  	s2 =	sadd.s32 s1, s2  }
0x315: {  	[tilespmem:s30], [sflag:$0x1] =	stream.linear.gather [hbm4b:s2+s4], $0x40, $0x38;
	[tilespmem:$0x18F80] =	vst v63  }
0x316: {  	s13 =	simm.s32 $0x5980;
	s10 =	sadd.s32 $0x10, s2  }
0x317: {  	[tilespmem:s13], [sflag:$0x1] =	stream.linear.gather [hbm4b:s10+s4], $0x40, $0x38;
	[tilespmem:$0x18F80] =	vst v63  }
0x318: {  	s20 =	simm.s32 $0x5A00;
	s18 =	sadd.s32 $0x20, s2  }
0x319: {  	[tilespmem:s20], [sflag:$0x1] =	stream.linear.gather [hbm4b:s18+s4], $0x40, $0x38;
	[tilespmem:$0x18F80] =	vst v63  }
0x31a: {  	s28 =	simm.s32 $0x5A80;
	s21 =	sadd.s32 $0x30, s2  }
0x31b: {  	[tilespmem:s28], [sflag:$0x1] =	stream.linear.gather [hbm4b:s21+s4], $0x40, $0x38;
	[tilespmem:$0x18F80] =	vst v63  }
0x31c: {  	s17 =	simm.s32 $0x5B00;
	s16 =	sadd.s32 $0x40, s2  }
0x31d: {  	[tilespmem:s17], [sflag:$0x1] =	stream.linear.gather [hbm4b:s16+s4], $0x40, $0x38;
	[tilespmem:$0x18F80] =	vst v63  }
0x31e: {  	s18 =	sadd.s32 $0x50, s2;
	s20 =	simm.s32 $0x5B80  }
0x31f: {  	[tilespmem:s20], [sflag:$0x1] =	stream.linear.gather [hbm4b:s18+s4], $0x40, $0x38;
	[tilespmem:$0x18F80] =	vst v63  }
0x320: {  	s21 =	sadd.s32 $0x60, s2;
	s28 =	simm.s32 $0x5C00  }
0x321: {  	[tilespmem:s28], [sflag:$0x1] =	stream.linear.gather [hbm4b:s21+s4], $0x40, $0x38;
	[tilespmem:$0x18F80] =	vst v63  }
0x322: {  	s16 =	sadd.s32 $0x70, s2;
	s17 =	simm.s32 $0x5C80  }
0x323: {  	[tilespmem:s17], [sflag:$0x1] =	stream.linear.gather [hbm4b:s16+s4], $0x40, $0x38;
	[tilespmem:$0x18F80] =	vst v63  }
0x324: {  	s10 =	sadd.s32 $0xF4280, s2;
	s18 =	simm.s32 $0x5D00  }
0x325: {  	[tilespmem:s18], [sflag:$0x1] =	stream.linear.gather [hbm4b:s10+s4], $0x40, $0x38;
	[tilespmem:$0x18F80] =	vst v63  }
0x326: {  	s20 =	sadd.s32 $0x10, s10;
	s16 =	simm.s32 $0x5D80  }
0x327: {  	[tilespmem:s16], [sflag:$0x1] =	stream.linear.gather [hbm4b:s20+s4], $0x40, $0x38;
	[tilespmem:$0x18F80] =	vst v63  }
0x328: {  	s21 =	sadd.s32 $0x20, s10;
	s28 =	simm.s32 $0x5E00  }
0x329: {  	[tilespmem:s28], [sflag:$0x1] =	stream.linear.gather [hbm4b:s21+s4], $0x40, $0x38;
	[tilespmem:$0x18F80] =	vst v63  }
0x32a: {  	s17 =	simm.s32 $0x5E80;
	s16 =	sadd.s32 $0x30, s10  }
0x32b: {  	[tilespmem:s17], [sflag:$0x1] =	stream.linear.gather [hbm4b:s16+s4], $0x40, $0x38;
	[tilespmem:$0x18F80] =	vst v63  }
0x32c: {  	s18 =	sadd.s32 $0x40, s10;
	s20 =	simm.s32 $0x5F00  }
0x32d: {  	[tilespmem:s20], [sflag:$0x1] =	stream.linear.gather [hbm4b:s18+s4], $0x40, $0x38;
	[tilespmem:$0x18F80] =	vst v63  }
0x32e: {  	s21 =	sadd.s32 $0x50, s10;
	s28 =	simm.s32 $0x5F80  }
0x32f: {  	[tilespmem:s28], [sflag:$0x1] =	stream.linear.gather [hbm4b:s21+s4], $0x40, $0x38;
	[tilespmem:$0x18F80] =	vst v63  }
0x330: {  	s16 =	sadd.s32 $0x60, s10;
	s17 =	simm.s32 $0x6000  }
0x331: {  	[tilespmem:s17], [sflag:$0x1] =	stream.linear.gather [hbm4b:s16+s4], $0x40, $0x38;
	[tilespmem:$0x18F80] =	vst v63  }
0x332: {  	s10 =	sadd.s32 $0x70, s10;
	s18 =	simm.s32 $0x6080  }
0x333: {  	[tilespmem:s18], [sflag:$0x1] =	stream.linear.gather [hbm4b:s10+s4], $0x40, $0x38;
	[tilespmem:$0x18F80] =	vst v63  }
0x334: {  	s20 =	simm.s32 $0x6100;
	s10 =	sadd.s32 $0x1E8500, s2  }
0x335: {  	[tilespmem:s20], [sflag:$0x1] =	stream.linear.gather [hbm4b:s10+s4], $0x40, $0x38;
	[tilespmem:$0x18F80] =	vst v63  }
0x336: {  	s28 =	simm.s32 $0x6180;
	s21 =	sadd.s32 $0x10, s10  }
0x337: {  	[tilespmem:s28], [sflag:$0x1] =	stream.linear.gather [hbm4b:s21+s4], $0x40, $0x38;
	[tilespmem:$0x18F80] =	vst v63  }
0x338: {  	s17 =	simm.s32 $0x6200;
	s16 =	sadd.s32 $0x20, s10  }
0x339: {  	[tilespmem:s17], [sflag:$0x1] =	stream.linear.gather [hbm4b:s16+s4], $0x40, $0x38;
	[tilespmem:$0x18F80] =	vst v63  }
0x33a: {  	s18 =	sadd.s32 $0x30, s10;
	s20 =	simm.s32 $0x6280  }
0x33b: {  	[tilespmem:s20], [sflag:$0x1] =	stream.linear.gather [hbm4b:s18+s4], $0x40, $0x38;
	[tilespmem:$0x18F80] =	vst v63  }
0x33c: {  	s21 =	sadd.s32 $0x40, s10;
	s28 =	simm.s32 $0x6300  }
0x33d: {  	[tilespmem:s28], [sflag:$0x1] =	stream.linear.gather [hbm4b:s21+s4], $0x40, $0x38;
	[tilespmem:$0x18F80] =	vst v63  }
0x33e: {  	s17 =	sadd.s32 $0x50, s10;
	s18 =	simm.s32 $0x6380  }
0x33f: {  	[tilespmem:s18], [sflag:$0x1] =	stream.linear.gather [hbm4b:s17+s4], $0x40, $0x38;
	[tilespmem:$0x18F80] =	vst v63  }
0x340: {  	s20 =	sadd.s32 $0x60, s10;
	s21 =	simm.s32 $0x6400  }
0x341: {  	[tilespmem:s21], [sflag:$0x1] =	stream.linear.gather [hbm4b:s20+s4], $0x40, $0x38;
	[tilespmem:$0x18F80] =	vst v63  }
0x342: {  	s10 =	sadd.s32 $0x70, s10;
	s28 =	simm.s32 $0x6480  }
0x343: {  	[tilespmem:s28], [sflag:$0x1] =	stream.linear.gather [hbm4b:s10+s4], $0x40, $0x38;
	[tilespmem:$0x18F80] =	vst v63  }
0x344: {  	s13 =	simm.s32 $0x6500;
	s2 =	sadd.s32 $0x2DC780, s2  }
0x345: {  	[tilespmem:s13], [sflag:$0x1] =	stream.linear.gather [hbm4b:s2+s4], $0x40, $0x38;
	[tilespmem:$0x18F80] =	vst v63  }
0x346: {  	s16 =	sadd.s32 $0x10, s2;
	s17 =	simm.s32 $0x6580  }
0x347: {  	[tilespmem:s17], [sflag:$0x1] =	stream.linear.gather [hbm4b:s16+s4], $0x40, $0x38;
	[tilespmem:$0x18F80] =	vst v63  }
0x348: {  	s18 =	sadd.s32 $0x20, s2;
	s20 =	simm.s32 $0x6600  }
0x349: {  	[tilespmem:s20], [sflag:$0x1] =	stream.linear.gather [hbm4b:s18+s4], $0x40, $0x38;
	[tilespmem:$0x18F80] =	vst v63  }
0x34a: {  	s21 =	sadd.s32 $0x30, s2;
	s28 =	simm.s32 $0x6680  }
0x34b: {  	[tilespmem:s28], [sflag:$0x1] =	stream.linear.gather [hbm4b:s21+s4], $0x40, $0x38;
	[tilespmem:$0x18F80] =	vst v63  }
0x34c: {  	s13 =	sadd.s32 $0x40, s2;
	s16 =	simm.s32 $0x6700  }
0x34d: {  	[tilespmem:s16], [sflag:$0x1] =	stream.linear.gather [hbm4b:s13+s4], $0x40, $0x38;
	[tilespmem:$0x18F80] =	vst v63  }
0x34e: {  	s17 =	sadd.s32 $0x50, s2;
	s18 =	simm.s32 $0x6780  }
0x34f: {  	[tilespmem:s18], [sflag:$0x1] =	stream.linear.gather [hbm4b:s17+s4], $0x40, $0x38;
	[tilespmem:$0x18F80] =	vst v63  }
.Ltmp21:
0x350: {  	_ = 	snop;
	(pc) =	sbr.rel .LBB2_34-.Ltmp21, $4  }
0x351: {  	s20 =	sadd.s32 $0x60, s2;
	s21 =	simm.s32 $0x6800  }
0x352: {  	[tilespmem:s21], [sflag:$0x1] =	stream.linear.gather [hbm4b:s20+s4], $0x40, $0x38;
	[tilespmem:$0x18F80] =	vst v63  }
0x353: {  	s2 =	sadd.s32 $0x70, s2;
	s28 =	simm.s32 $0x6880  }
0x354: {  	[tilespmem:s28], [sflag:$0x1] =	stream.linear.gather [hbm4b:s2+s4], $0x40, $0x38;
	[tilespmem:$0x18F80] =	vst v63  }
.LBB2_33:
0x355: {  	s2 =	sand.u32 $0xFFFFF80, s2  }
0x356: {  	s2 =	sadd.s32 s1, s2  }
0x357: {  	[tilespmem:s30], [sflag:$0x1] =	stream.strided.gather [hbm4b:s2+s0], $0x1000, s12, s0, $0x38;
	[tilespmem:$0x18F80] =	vst v63  }
.LBB2_34:
0x358: {  	(v2sf) =	vpush v33, $0x1;
	_ =	sdelay $0xe  }
0x359: {  	s2 =	spop (v2sf)  }
0x35a: {  	s10 =	sand.u32 $0x40, s2  }
0x35b: {  	p0 =	sne.s32 s10, $0x0  }
.Ltmp22:
0x35c: {  	_ = 	snop;
	(pc) =	sbr.rel @p0 .LBB2_36-.Ltmp22, $1  }
0x35d: {  	_ =	sdelay $0x3  }
0x35e: {  	s2 =	sand.u32 $0x1FFFFF80, s2  }
0x35f: {  	s2 =	sadd.s32 s3, s2  }
0x360: {  	[tilespmem:s25], [sflag:$0x1] =	stream.linear.gather [hbm4b:s2+s4], $0x40, $0x38;
	[tilespmem:$0x18F80] =	vst v63  }
0x361: {  	s13 =	simm.s32 $0x11980;
	s10 =	sadd.s32 $0x10, s2  }
0x362: {  	[tilespmem:s13], [sflag:$0x1] =	stream.linear.gather [hbm4b:s10+s4], $0x40, $0x38;
	[tilespmem:$0x18F80] =	vst v63  }
0x363: {  	s20 =	simm.s32 $0x11A00;
	s18 =	sadd.s32 $0x20, s2  }
0x364: {  	[tilespmem:s20], [sflag:$0x1] =	stream.linear.gather [hbm4b:s18+s4], $0x40, $0x38;
	[tilespmem:$0x18F80] =	vst v63  }
0x365: {  	s28 =	simm.s32 $0x11A80;
	s21 =	sadd.s32 $0x30, s2  }
0x366: {  	[tilespmem:s28], [sflag:$0x1] =	stream.linear.gather [hbm4b:s21+s4], $0x40, $0x38;
	[tilespmem:$0x18F80] =	vst v63  }
0x367: {  	s17 =	simm.s32 $0x11B00;
	s16 =	sadd.s32 $0x40, s2  }
0x368: {  	[tilespmem:s17], [sflag:$0x1] =	stream.linear.gather [hbm4b:s16+s4], $0x40, $0x38;
	[tilespmem:$0x18F80] =	vst v63  }
0x369: {  	s18 =	sadd.s32 $0x50, s2;
	s20 =	simm.s32 $0x11B80  }
0x36a: {  	[tilespmem:s20], [sflag:$0x1] =	stream.linear.gather [hbm4b:s18+s4], $0x40, $0x38;
	[tilespmem:$0x18F80] =	vst v63  }
0x36b: {  	s21 =	sadd.s32 $0x60, s2;
	s28 =	simm.s32 $0x11C00  }
0x36c: {  	[tilespmem:s28], [sflag:$0x1] =	stream.linear.gather [hbm4b:s21+s4], $0x40, $0x38;
	[tilespmem:$0x18F80] =	vst v63  }
0x36d: {  	s16 =	sadd.s32 $0x70, s2;
	s17 =	simm.s32 $0x11C80  }
0x36e: {  	[tilespmem:s17], [sflag:$0x1] =	stream.linear.gather [hbm4b:s16+s4], $0x40, $0x38;
	[tilespmem:$0x18F80] =	vst v63  }
0x36f: {  	s10 =	sadd.s32 $0xF4280, s2;
	s18 =	simm.s32 $0x11D00  }
0x370: {  	[tilespmem:s18], [sflag:$0x1] =	stream.linear.gather [hbm4b:s10+s4], $0x40, $0x38;
	[tilespmem:$0x18F80] =	vst v63  }
0x371: {  	s20 =	sadd.s32 $0x10, s10;
	s16 =	simm.s32 $0x11D80  }
0x372: {  	[tilespmem:s16], [sflag:$0x1] =	stream.linear.gather [hbm4b:s20+s4], $0x40, $0x38;
	[tilespmem:$0x18F80] =	vst v63  }
0x373: {  	s21 =	sadd.s32 $0x20, s10;
	s28 =	simm.s32 $0x11E00  }
0x374: {  	[tilespmem:s28], [sflag:$0x1] =	stream.linear.gather [hbm4b:s21+s4], $0x40, $0x38;
	[tilespmem:$0x18F80] =	vst v63  }
0x375: {  	s17 =	simm.s32 $0x11E80;
	s16 =	sadd.s32 $0x30, s10  }
0x376: {  	[tilespmem:s17], [sflag:$0x1] =	stream.linear.gather [hbm4b:s16+s4], $0x40, $0x38;
	[tilespmem:$0x18F80] =	vst v63  }
0x377: {  	s18 =	sadd.s32 $0x40, s10;
	s20 =	simm.s32 $0x11F00  }
0x378: {  	[tilespmem:s20], [sflag:$0x1] =	stream.linear.gather [hbm4b:s18+s4], $0x40, $0x38;
	[tilespmem:$0x18F80] =	vst v63  }
0x379: {  	s21 =	sadd.s32 $0x50, s10;
	s28 =	simm.s32 $0x11F80  }
0x37a: {  	[tilespmem:s28], [sflag:$0x1] =	stream.linear.gather [hbm4b:s21+s4], $0x40, $0x38;
	[tilespmem:$0x18F80] =	vst v63  }
0x37b: {  	s16 =	sadd.s32 $0x60, s10;
	s17 =	simm.s32 $0x12000  }
0x37c: {  	[tilespmem:s17], [sflag:$0x1] =	stream.linear.gather [hbm4b:s16+s4], $0x40, $0x38;
	[tilespmem:$0x18F80] =	vst v63  }
0x37d: {  	s10 =	sadd.s32 $0x70, s10;
	s18 =	simm.s32 $0x12080  }
0x37e: {  	[tilespmem:s18], [sflag:$0x1] =	stream.linear.gather [hbm4b:s10+s4], $0x40, $0x38;
	[tilespmem:$0x18F80] =	vst v63  }
0x37f: {  	s20 =	simm.s32 $0x12100;
	s10 =	sadd.s32 $0x1E8500, s2  }
0x380: {  	[tilespmem:s20], [sflag:$0x1] =	stream.linear.gather [hbm4b:s10+s4], $0x40, $0x38;
	[tilespmem:$0x18F80] =	vst v63  }
0x381: {  	s28 =	simm.s32 $0x12180;
	s21 =	sadd.s32 $0x10, s10  }
0x382: {  	[tilespmem:s28], [sflag:$0x1] =	stream.linear.gather [hbm4b:s21+s4], $0x40, $0x38;
	[tilespmem:$0x18F80] =	vst v63  }
0x383: {  	s17 =	simm.s32 $0x12200;
	s16 =	sadd.s32 $0x20, s10  }
0x384: {  	[tilespmem:s17], [sflag:$0x1] =	stream.linear.gather [hbm4b:s16+s4], $0x40, $0x38;
	[tilespmem:$0x18F80] =	vst v63  }
0x385: {  	s18 =	sadd.s32 $0x30, s10;
	s20 =	simm.s32 $0x12280  }
0x386: {  	[tilespmem:s20], [sflag:$0x1] =	stream.linear.gather [hbm4b:s18+s4], $0x40, $0x38;
	[tilespmem:$0x18F80] =	vst v63  }
0x387: {  	s21 =	sadd.s32 $0x40, s10;
	s28 =	simm.s32 $0x12300  }
0x388: {  	[tilespmem:s28], [sflag:$0x1] =	stream.linear.gather [hbm4b:s21+s4], $0x40, $0x38;
	[tilespmem:$0x18F80] =	vst v63  }
0x389: {  	s17 =	sadd.s32 $0x50, s10;
	s18 =	simm.s32 $0x12380  }
0x38a: {  	[tilespmem:s18], [sflag:$0x1] =	stream.linear.gather [hbm4b:s17+s4], $0x40, $0x38;
	[tilespmem:$0x18F80] =	vst v63  }
0x38b: {  	s20 =	sadd.s32 $0x60, s10;
	s21 =	simm.s32 $0x12400  }
0x38c: {  	[tilespmem:s21], [sflag:$0x1] =	stream.linear.gather [hbm4b:s20+s4], $0x40, $0x38;
	[tilespmem:$0x18F80] =	vst v63  }
0x38d: {  	s10 =	sadd.s32 $0x70, s10;
	s28 =	simm.s32 $0x12480  }
0x38e: {  	[tilespmem:s28], [sflag:$0x1] =	stream.linear.gather [hbm4b:s10+s4], $0x40, $0x38;
	[tilespmem:$0x18F80] =	vst v63  }
0x38f: {  	s13 =	simm.s32 $0x12500;
	s2 =	sadd.s32 $0x2DC780, s2  }
0x390: {  	[tilespmem:s13], [sflag:$0x1] =	stream.linear.gather [hbm4b:s2+s4], $0x40, $0x38;
	[tilespmem:$0x18F80] =	vst v63  }
0x391: {  	s16 =	sadd.s32 $0x10, s2;
	s17 =	simm.s32 $0x12580  }
0x392: {  	[tilespmem:s17], [sflag:$0x1] =	stream.linear.gather [hbm4b:s16+s4], $0x40, $0x38;
	[tilespmem:$0x18F80] =	vst v63  }
0x393: {  	s18 =	sadd.s32 $0x20, s2;
	s20 =	simm.s32 $0x12600  }
0x394: {  	[tilespmem:s20], [sflag:$0x1] =	stream.linear.gather [hbm4b:s18+s4], $0x40, $0x38;
	[tilespmem:$0x18F80] =	vst v63  }
0x395: {  	s21 =	sadd.s32 $0x30, s2;
	s28 =	simm.s32 $0x12680  }
0x396: {  	[tilespmem:s28], [sflag:$0x1] =	stream.linear.gather [hbm4b:s21+s4], $0x40, $0x38;
	[tilespmem:$0x18F80] =	vst v63  }
0x397: {  	s13 =	sadd.s32 $0x40, s2;
	s16 =	simm.s32 $0x12700  }
0x398: {  	[tilespmem:s16], [sflag:$0x1] =	stream.linear.gather [hbm4b:s13+s4], $0x40, $0x38;
	[tilespmem:$0x18F80] =	vst v63  }
0x399: {  	s17 =	sadd.s32 $0x50, s2;
	s18 =	simm.s32 $0x12780  }
0x39a: {  	[tilespmem:s18], [sflag:$0x1] =	stream.linear.gather [hbm4b:s17+s4], $0x40, $0x38;
	[tilespmem:$0x18F80] =	vst v63  }
.Ltmp23:
0x39b: {  	_ = 	snop;
	(pc) =	sbr.rel .LBB2_37-.Ltmp23, $4  }
0x39c: {  	s20 =	sadd.s32 $0x60, s2;
	s21 =	simm.s32 $0x12800  }
0x39d: {  	[tilespmem:s21], [sflag:$0x1] =	stream.linear.gather [hbm4b:s20+s4], $0x40, $0x38;
	[tilespmem:$0x18F80] =	vst v63  }
0x39e: {  	s2 =	sadd.s32 $0x70, s2;
	s28 =	simm.s32 $0x12880  }
0x39f: {  	[tilespmem:s28], [sflag:$0x1] =	stream.linear.gather [hbm4b:s2+s4], $0x40, $0x38;
	[tilespmem:$0x18F80] =	vst v63  }
.LBB2_36:
0x3a0: {  	s2 =	sand.u32 $0xFFFFF80, s2  }
0x3a1: {  	s2 =	sadd.s32 s3, s2  }
0x3a2: {  	[tilespmem:s25], [sflag:$0x1] =	stream.strided.gather [hbm4b:s2+s0], $0x1000, s12, s0, $0x38;
	[tilespmem:$0x18F80] =	vst v63  }
.LBB2_37:
0x3a3: {  	(v2sf) =	vpush v34, $0x2;
	_ =	sdelay $0xe  }
0x3a4: {  	s2 =	spop (v2sf)  }
0x3a5: {  	s10 =	sand.u32 $0x40, s2  }
0x3a6: {  	p0 =	sne.s32 s10, $0x0  }
.Ltmp24:
0x3a7: {  	_ = 	snop;
	(pc) =	sbr.rel @p0 .LBB2_39-.Ltmp24, $1  }
0x3a8: {  	_ =	sdelay $0x3  }
0x3a9: {  	s2 =	sand.u32 $0x1FFFFF80, s2  }
0x3aa: {  	s2 =	sadd.s32 s1, s2  }
0x3ab: {  	[tilespmem:s31], [sflag:$0x1] =	stream.linear.gather [hbm4b:s2+s4], $0x40, $0x38;
	[tilespmem:$0x18F80] =	vst v63  }
0x3ac: {  	s13 =	simm.s32 $0x6980;
	s10 =	sadd.s32 $0x10, s2  }
0x3ad: {  	[tilespmem:s13], [sflag:$0x1] =	stream.linear.gather [hbm4b:s10+s4], $0x40, $0x38;
	[tilespmem:$0x18F80] =	vst v63  }
0x3ae: {  	s20 =	simm.s32 $0x6A00;
	s18 =	sadd.s32 $0x20, s2  }
0x3af: {  	[tilespmem:s20], [sflag:$0x1] =	stream.linear.gather [hbm4b:s18+s4], $0x40, $0x38;
	[tilespmem:$0x18F80] =	vst v63  }
0x3b0: {  	s28 =	simm.s32 $0x6A80;
	s21 =	sadd.s32 $0x30, s2  }
0x3b1: {  	[tilespmem:s28], [sflag:$0x1] =	stream.linear.gather [hbm4b:s21+s4], $0x40, $0x38;
	[tilespmem:$0x18F80] =	vst v63  }
0x3b2: {  	s17 =	simm.s32 $0x6B00;
	s16 =	sadd.s32 $0x40, s2  }
0x3b3: {  	[tilespmem:s17], [sflag:$0x1] =	stream.linear.gather [hbm4b:s16+s4], $0x40, $0x38;
	[tilespmem:$0x18F80] =	vst v63  }
0x3b4: {  	s18 =	sadd.s32 $0x50, s2;
	s20 =	simm.s32 $0x6B80  }
0x3b5: {  	[tilespmem:s20], [sflag:$0x1] =	stream.linear.gather [hbm4b:s18+s4], $0x40, $0x38;
	[tilespmem:$0x18F80] =	vst v63  }
0x3b6: {  	s21 =	sadd.s32 $0x60, s2;
	s28 =	simm.s32 $0x6C00  }
0x3b7: {  	[tilespmem:s28], [sflag:$0x1] =	stream.linear.gather [hbm4b:s21+s4], $0x40, $0x38;
	[tilespmem:$0x18F80] =	vst v63  }
0x3b8: {  	s16 =	sadd.s32 $0x70, s2;
	s17 =	simm.s32 $0x6C80  }
0x3b9: {  	[tilespmem:s17], [sflag:$0x1] =	stream.linear.gather [hbm4b:s16+s4], $0x40, $0x38;
	[tilespmem:$0x18F80] =	vst v63  }
0x3ba: {  	s10 =	sadd.s32 $0xF4280, s2;
	s18 =	simm.s32 $0x6D00  }
0x3bb: {  	[tilespmem:s18], [sflag:$0x1] =	stream.linear.gather [hbm4b:s10+s4], $0x40, $0x38;
	[tilespmem:$0x18F80] =	vst v63  }
0x3bc: {  	s20 =	sadd.s32 $0x10, s10;
	s16 =	simm.s32 $0x6D80  }
0x3bd: {  	[tilespmem:s16], [sflag:$0x1] =	stream.linear.gather [hbm4b:s20+s4], $0x40, $0x38;
	[tilespmem:$0x18F80] =	vst v63  }
0x3be: {  	s21 =	sadd.s32 $0x20, s10;
	s28 =	simm.s32 $0x6E00  }
0x3bf: {  	[tilespmem:s28], [sflag:$0x1] =	stream.linear.gather [hbm4b:s21+s4], $0x40, $0x38;
	[tilespmem:$0x18F80] =	vst v63  }
0x3c0: {  	s17 =	simm.s32 $0x6E80;
	s16 =	sadd.s32 $0x30, s10  }
0x3c1: {  	[tilespmem:s17], [sflag:$0x1] =	stream.linear.gather [hbm4b:s16+s4], $0x40, $0x38;
	[tilespmem:$0x18F80] =	vst v63  }
0x3c2: {  	s18 =	sadd.s32 $0x40, s10;
	s20 =	simm.s32 $0x6F00  }
0x3c3: {  	[tilespmem:s20], [sflag:$0x1] =	stream.linear.gather [hbm4b:s18+s4], $0x40, $0x38;
	[tilespmem:$0x18F80] =	vst v63  }
0x3c4: {  	s21 =	sadd.s32 $0x50, s10;
	s28 =	simm.s32 $0x6F80  }
0x3c5: {  	[tilespmem:s28], [sflag:$0x1] =	stream.linear.gather [hbm4b:s21+s4], $0x40, $0x38;
	[tilespmem:$0x18F80] =	vst v63  }
0x3c6: {  	s16 =	sadd.s32 $0x60, s10;
	s17 =	simm.s32 $0x7000  }
0x3c7: {  	[tilespmem:s17], [sflag:$0x1] =	stream.linear.gather [hbm4b:s16+s4], $0x40, $0x38;
	[tilespmem:$0x18F80] =	vst v63  }
0x3c8: {  	s10 =	sadd.s32 $0x70, s10;
	s18 =	simm.s32 $0x7080  }
0x3c9: {  	[tilespmem:s18], [sflag:$0x1] =	stream.linear.gather [hbm4b:s10+s4], $0x40, $0x38;
	[tilespmem:$0x18F80] =	vst v63  }
0x3ca: {  	s20 =	simm.s32 $0x7100;
	s10 =	sadd.s32 $0x1E8500, s2  }
0x3cb: {  	[tilespmem:s20], [sflag:$0x1] =	stream.linear.gather [hbm4b:s10+s4], $0x40, $0x38;
	[tilespmem:$0x18F80] =	vst v63  }
0x3cc: {  	s28 =	simm.s32 $0x7180;
	s21 =	sadd.s32 $0x10, s10  }
0x3cd: {  	[tilespmem:s28], [sflag:$0x1] =	stream.linear.gather [hbm4b:s21+s4], $0x40, $0x38;
	[tilespmem:$0x18F80] =	vst v63  }
0x3ce: {  	s17 =	simm.s32 $0x7200;
	s16 =	sadd.s32 $0x20, s10  }
0x3cf: {  	[tilespmem:s17], [sflag:$0x1] =	stream.linear.gather [hbm4b:s16+s4], $0x40, $0x38;
	[tilespmem:$0x18F80] =	vst v63  }
0x3d0: {  	s18 =	sadd.s32 $0x30, s10;
	s20 =	simm.s32 $0x7280  }
0x3d1: {  	[tilespmem:s20], [sflag:$0x1] =	stream.linear.gather [hbm4b:s18+s4], $0x40, $0x38;
	[tilespmem:$0x18F80] =	vst v63  }
0x3d2: {  	s21 =	sadd.s32 $0x40, s10;
	s28 =	simm.s32 $0x7300  }
0x3d3: {  	[tilespmem:s28], [sflag:$0x1] =	stream.linear.gather [hbm4b:s21+s4], $0x40, $0x38;
	[tilespmem:$0x18F80] =	vst v63  }
0x3d4: {  	s17 =	sadd.s32 $0x50, s10;
	s18 =	simm.s32 $0x7380  }
0x3d5: {  	[tilespmem:s18], [sflag:$0x1] =	stream.linear.gather [hbm4b:s17+s4], $0x40, $0x38;
	[tilespmem:$0x18F80] =	vst v63  }
0x3d6: {  	s20 =	sadd.s32 $0x60, s10;
	s21 =	simm.s32 $0x7400  }
0x3d7: {  	[tilespmem:s21], [sflag:$0x1] =	stream.linear.gather [hbm4b:s20+s4], $0x40, $0x38;
	[tilespmem:$0x18F80] =	vst v63  }
0x3d8: {  	s10 =	sadd.s32 $0x70, s10;
	s28 =	simm.s32 $0x7480  }
0x3d9: {  	[tilespmem:s28], [sflag:$0x1] =	stream.linear.gather [hbm4b:s10+s4], $0x40, $0x38;
	[tilespmem:$0x18F80] =	vst v63  }
0x3da: {  	s13 =	simm.s32 $0x7500;
	s2 =	sadd.s32 $0x2DC780, s2  }
0x3db: {  	[tilespmem:s13], [sflag:$0x1] =	stream.linear.gather [hbm4b:s2+s4], $0x40, $0x38;
	[tilespmem:$0x18F80] =	vst v63  }
0x3dc: {  	s16 =	sadd.s32 $0x10, s2;
	s17 =	simm.s32 $0x7580  }
0x3dd: {  	[tilespmem:s17], [sflag:$0x1] =	stream.linear.gather [hbm4b:s16+s4], $0x40, $0x38;
	[tilespmem:$0x18F80] =	vst v63  }
0x3de: {  	s18 =	sadd.s32 $0x20, s2;
	s20 =	simm.s32 $0x7600  }
0x3df: {  	[tilespmem:s20], [sflag:$0x1] =	stream.linear.gather [hbm4b:s18+s4], $0x40, $0x38;
	[tilespmem:$0x18F80] =	vst v63  }
0x3e0: {  	s21 =	sadd.s32 $0x30, s2;
	s28 =	simm.s32 $0x7680  }
0x3e1: {  	[tilespmem:s28], [sflag:$0x1] =	stream.linear.gather [hbm4b:s21+s4], $0x40, $0x38;
	[tilespmem:$0x18F80] =	vst v63  }
0x3e2: {  	s13 =	sadd.s32 $0x40, s2;
	s16 =	simm.s32 $0x7700  }
0x3e3: {  	[tilespmem:s16], [sflag:$0x1] =	stream.linear.gather [hbm4b:s13+s4], $0x40, $0x38;
	[tilespmem:$0x18F80] =	vst v63  }
0x3e4: {  	s17 =	sadd.s32 $0x50, s2;
	s18 =	simm.s32 $0x7780  }
0x3e5: {  	[tilespmem:s18], [sflag:$0x1] =	stream.linear.gather [hbm4b:s17+s4], $0x40, $0x38;
	[tilespmem:$0x18F80] =	vst v63  }
.Ltmp25:
0x3e6: {  	_ = 	snop;
	(pc) =	sbr.rel .LBB2_40-.Ltmp25, $4  }
0x3e7: {  	s20 =	sadd.s32 $0x60, s2;
	s21 =	simm.s32 $0x7800  }
0x3e8: {  	[tilespmem:s21], [sflag:$0x1] =	stream.linear.gather [hbm4b:s20+s4], $0x40, $0x38;
	[tilespmem:$0x18F80] =	vst v63  }
0x3e9: {  	s2 =	sadd.s32 $0x70, s2;
	s28 =	simm.s32 $0x7880  }
0x3ea: {  	[tilespmem:s28], [sflag:$0x1] =	stream.linear.gather [hbm4b:s2+s4], $0x40, $0x38;
	[tilespmem:$0x18F80] =	vst v63  }
.LBB2_39:
0x3eb: {  	s2 =	sand.u32 $0xFFFFF80, s2  }
0x3ec: {  	s2 =	sadd.s32 s1, s2  }
0x3ed: {  	[tilespmem:s31], [sflag:$0x1] =	stream.strided.gather [hbm4b:s2+s0], $0x1000, s12, s0, $0x38;
	[tilespmem:$0x18F80] =	vst v63  }
.LBB2_40:
0x3ee: {  	(v2sf) =	vpush v33, $0x2;
	_ =	sdelay $0xe  }
0x3ef: {  	s2 =	spop (v2sf)  }
0x3f0: {  	s10 =	sand.u32 $0x40, s2  }
0x3f1: {  	p0 =	sne.s32 s10, $0x0  }
.Ltmp26:
0x3f2: {  	_ = 	snop;
	(pc) =	sbr.rel @p0 .LBB2_42-.Ltmp26, $1  }
0x3f3: {  	_ =	sdelay $0x3  }
0x3f4: {  	s2 =	sand.u32 $0x1FFFFF80, s2  }
0x3f5: {  	s2 =	sadd.s32 s3, s2  }
0x3f6: {  	[tilespmem:s15], [sflag:$0x1] =	stream.linear.gather [hbm4b:s2+s4], $0x40, $0x38;
	[tilespmem:$0x18F80] =	vst v63  }
0x3f7: {  	s13 =	simm.s32 $0x12980;
	s10 =	sadd.s32 $0x10, s2  }
0x3f8: {  	[tilespmem:s13], [sflag:$0x1] =	stream.linear.gather [hbm4b:s10+s4], $0x40, $0x38;
	[tilespmem:$0x18F80] =	vst v63  }
0x3f9: {  	s20 =	simm.s32 $0x12A00;
	s18 =	sadd.s32 $0x20, s2  }
0x3fa: {  	[tilespmem:s20], [sflag:$0x1] =	stream.linear.gather [hbm4b:s18+s4], $0x40, $0x38;
	[tilespmem:$0x18F80] =	vst v63  }
0x3fb: {  	s28 =	simm.s32 $0x12A80;
	s21 =	sadd.s32 $0x30, s2  }
0x3fc: {  	[tilespmem:s28], [sflag:$0x1] =	stream.linear.gather [hbm4b:s21+s4], $0x40, $0x38;
	[tilespmem:$0x18F80] =	vst v63  }
0x3fd: {  	s17 =	simm.s32 $0x12B00;
	s16 =	sadd.s32 $0x40, s2  }
0x3fe: {  	[tilespmem:s17], [sflag:$0x1] =	stream.linear.gather [hbm4b:s16+s4], $0x40, $0x38;
	[tilespmem:$0x18F80] =	vst v63  }
0x3ff: {  	s18 =	sadd.s32 $0x50, s2;
	s20 =	simm.s32 $0x12B80  }
0x400: {  	[tilespmem:s20], [sflag:$0x1] =	stream.linear.gather [hbm4b:s18+s4], $0x40, $0x38;
	[tilespmem:$0x18F80] =	vst v63  }
0x401: {  	s21 =	sadd.s32 $0x60, s2;
	s28 =	simm.s32 $0x12C00  }
0x402: {  	[tilespmem:s28], [sflag:$0x1] =	stream.linear.gather [hbm4b:s21+s4], $0x40, $0x38;
	[tilespmem:$0x18F80] =	vst v63  }
0x403: {  	s16 =	sadd.s32 $0x70, s2;
	s17 =	simm.s32 $0x12C80  }
0x404: {  	[tilespmem:s17], [sflag:$0x1] =	stream.linear.gather [hbm4b:s16+s4], $0x40, $0x38;
	[tilespmem:$0x18F80] =	vst v63  }
0x405: {  	s10 =	sadd.s32 $0xF4280, s2;
	s18 =	simm.s32 $0x12D00  }
0x406: {  	[tilespmem:s18], [sflag:$0x1] =	stream.linear.gather [hbm4b:s10+s4], $0x40, $0x38;
	[tilespmem:$0x18F80] =	vst v63  }
0x407: {  	s20 =	sadd.s32 $0x10, s10;
	s16 =	simm.s32 $0x12D80  }
0x408: {  	[tilespmem:s16], [sflag:$0x1] =	stream.linear.gather [hbm4b:s20+s4], $0x40, $0x38;
	[tilespmem:$0x18F80] =	vst v63  }
0x409: {  	s21 =	sadd.s32 $0x20, s10;
	s28 =	simm.s32 $0x12E00  }
0x40a: {  	[tilespmem:s28], [sflag:$0x1] =	stream.linear.gather [hbm4b:s21+s4], $0x40, $0x38;
	[tilespmem:$0x18F80] =	vst v63  }
0x40b: {  	s17 =	simm.s32 $0x12E80;
	s16 =	sadd.s32 $0x30, s10  }
0x40c: {  	[tilespmem:s17], [sflag:$0x1] =	stream.linear.gather [hbm4b:s16+s4], $0x40, $0x38;
	[tilespmem:$0x18F80] =	vst v63  }
0x40d: {  	s18 =	sadd.s32 $0x40, s10;
	s20 =	simm.s32 $0x12F00  }
0x40e: {  	[tilespmem:s20], [sflag:$0x1] =	stream.linear.gather [hbm4b:s18+s4], $0x40, $0x38;
	[tilespmem:$0x18F80] =	vst v63  }
0x40f: {  	s21 =	sadd.s32 $0x50, s10;
	s28 =	simm.s32 $0x12F80  }
0x410: {  	[tilespmem:s28], [sflag:$0x1] =	stream.linear.gather [hbm4b:s21+s4], $0x40, $0x38;
	[tilespmem:$0x18F80] =	vst v63  }
0x411: {  	s16 =	sadd.s32 $0x60, s10;
	s17 =	simm.s32 $0x13000  }
0x412: {  	[tilespmem:s17], [sflag:$0x1] =	stream.linear.gather [hbm4b:s16+s4], $0x40, $0x38;
	[tilespmem:$0x18F80] =	vst v63  }
0x413: {  	s10 =	sadd.s32 $0x70, s10;
	s18 =	simm.s32 $0x13080  }
0x414: {  	[tilespmem:s18], [sflag:$0x1] =	stream.linear.gather [hbm4b:s10+s4], $0x40, $0x38;
	[tilespmem:$0x18F80] =	vst v63  }
0x415: {  	s20 =	simm.s32 $0x13100;
	s10 =	sadd.s32 $0x1E8500, s2  }
0x416: {  	[tilespmem:s20], [sflag:$0x1] =	stream.linear.gather [hbm4b:s10+s4], $0x40, $0x38;
	[tilespmem:$0x18F80] =	vst v63  }
0x417: {  	s28 =	simm.s32 $0x13180;
	s21 =	sadd.s32 $0x10, s10  }
0x418: {  	[tilespmem:s28], [sflag:$0x1] =	stream.linear.gather [hbm4b:s21+s4], $0x40, $0x38;
	[tilespmem:$0x18F80] =	vst v63  }
0x419: {  	s17 =	simm.s32 $0x13200;
	s16 =	sadd.s32 $0x20, s10  }
0x41a: {  	[tilespmem:s17], [sflag:$0x1] =	stream.linear.gather [hbm4b:s16+s4], $0x40, $0x38;
	[tilespmem:$0x18F80] =	vst v63  }
0x41b: {  	s18 =	sadd.s32 $0x30, s10;
	s20 =	simm.s32 $0x13280  }
0x41c: {  	[tilespmem:s20], [sflag:$0x1] =	stream.linear.gather [hbm4b:s18+s4], $0x40, $0x38;
	[tilespmem:$0x18F80] =	vst v63  }
0x41d: {  	s21 =	sadd.s32 $0x40, s10;
	s28 =	simm.s32 $0x13300  }
0x41e: {  	[tilespmem:s28], [sflag:$0x1] =	stream.linear.gather [hbm4b:s21+s4], $0x40, $0x38;
	[tilespmem:$0x18F80] =	vst v63  }
0x41f: {  	s17 =	sadd.s32 $0x50, s10;
	s18 =	simm.s32 $0x13380  }
0x420: {  	[tilespmem:s18], [sflag:$0x1] =	stream.linear.gather [hbm4b:s17+s4], $0x40, $0x38;
	[tilespmem:$0x18F80] =	vst v63  }
0x421: {  	s20 =	sadd.s32 $0x60, s10;
	s21 =	simm.s32 $0x13400  }
0x422: {  	[tilespmem:s21], [sflag:$0x1] =	stream.linear.gather [hbm4b:s20+s4], $0x40, $0x38;
	[tilespmem:$0x18F80] =	vst v63  }
0x423: {  	s10 =	sadd.s32 $0x70, s10;
	s28 =	simm.s32 $0x13480  }
0x424: {  	[tilespmem:s28], [sflag:$0x1] =	stream.linear.gather [hbm4b:s10+s4], $0x40, $0x38;
	[tilespmem:$0x18F80] =	vst v63  }
0x425: {  	s13 =	simm.s32 $0x13500;
	s2 =	sadd.s32 $0x2DC780, s2  }
0x426: {  	[tilespmem:s13], [sflag:$0x1] =	stream.linear.gather [hbm4b:s2+s4], $0x40, $0x38;
	[tilespmem:$0x18F80] =	vst v63  }
0x427: {  	s16 =	sadd.s32 $0x10, s2;
	s17 =	simm.s32 $0x13580  }
0x428: {  	[tilespmem:s17], [sflag:$0x1] =	stream.linear.gather [hbm4b:s16+s4], $0x40, $0x38;
	[tilespmem:$0x18F80] =	vst v63  }
0x429: {  	s18 =	sadd.s32 $0x20, s2;
	s20 =	simm.s32 $0x13600  }
0x42a: {  	[tilespmem:s20], [sflag:$0x1] =	stream.linear.gather [hbm4b:s18+s4], $0x40, $0x38;
	[tilespmem:$0x18F80] =	vst v63  }
0x42b: {  	s21 =	sadd.s32 $0x30, s2;
	s28 =	simm.s32 $0x13680  }
0x42c: {  	[tilespmem:s28], [sflag:$0x1] =	stream.linear.gather [hbm4b:s21+s4], $0x40, $0x38;
	[tilespmem:$0x18F80] =	vst v63  }
0x42d: {  	s13 =	sadd.s32 $0x40, s2;
	s16 =	simm.s32 $0x13700  }
0x42e: {  	[tilespmem:s16], [sflag:$0x1] =	stream.linear.gather [hbm4b:s13+s4], $0x40, $0x38;
	[tilespmem:$0x18F80] =	vst v63  }
0x42f: {  	s17 =	sadd.s32 $0x50, s2;
	s18 =	simm.s32 $0x13780  }
0x430: {  	[tilespmem:s18], [sflag:$0x1] =	stream.linear.gather [hbm4b:s17+s4], $0x40, $0x38;
	[tilespmem:$0x18F80] =	vst v63  }
.Ltmp27:
0x431: {  	_ = 	snop;
	(pc) =	sbr.rel .LBB2_43-.Ltmp27, $4  }
0x432: {  	s20 =	sadd.s32 $0x60, s2;
	s21 =	simm.s32 $0x13800  }
0x433: {  	[tilespmem:s21], [sflag:$0x1] =	stream.linear.gather [hbm4b:s20+s4], $0x40, $0x38;
	[tilespmem:$0x18F80] =	vst v63  }
0x434: {  	s2 =	sadd.s32 $0x70, s2;
	s28 =	simm.s32 $0x13880  }
0x435: {  	[tilespmem:s28], [sflag:$0x1] =	stream.linear.gather [hbm4b:s2+s4], $0x40, $0x38;
	[tilespmem:$0x18F80] =	vst v63  }
.LBB2_42:
0x436: {  	s2 =	sand.u32 $0xFFFFF80, s2  }
0x437: {  	s2 =	sadd.s32 s3, s2  }
0x438: {  	[tilespmem:s15], [sflag:$0x1] =	stream.strided.gather [hbm4b:s2+s0], $0x1000, s12, s0, $0x38;
	[tilespmem:$0x18F80] =	vst v63  }
.LBB2_43:
0x439: {  	(v2sf) =	vpush v34, $0x3;
	_ =	sdelay $0xe  }
0x43a: {  	s2 =	spop (v2sf)  }
0x43b: {  	s10 =	sand.u32 $0x40, s2  }
0x43c: {  	p0 =	sne.s32 s10, $0x0  }
.Ltmp28:
0x43d: {  	_ = 	snop;
	(pc) =	sbr.rel @p0 .LBB2_45-.Ltmp28, $1  }
0x43e: {  	_ =	sdelay $0x3  }
0x43f: {  	s2 =	sand.u32 $0x1FFFFF80, s2  }
0x440: {  	s2 =	sadd.s32 s1, s2  }
0x441: {  	[tilespmem:s14], [sflag:$0x1] =	stream.linear.gather [hbm4b:s2+s4], $0x40, $0x38;
	[tilespmem:$0x18F80] =	vst v63  }
0x442: {  	s13 =	simm.s32 $0x7980;
	s10 =	sadd.s32 $0x10, s2  }
0x443: {  	[tilespmem:s13], [sflag:$0x1] =	stream.linear.gather [hbm4b:s10+s4], $0x40, $0x38;
	[tilespmem:$0x18F80] =	vst v63  }
0x444: {  	s20 =	simm.s32 $0x7A00;
	s18 =	sadd.s32 $0x20, s2  }
0x445: {  	[tilespmem:s20], [sflag:$0x1] =	stream.linear.gather [hbm4b:s18+s4], $0x40, $0x38;
	[tilespmem:$0x18F80] =	vst v63  }
0x446: {  	s28 =	simm.s32 $0x7A80;
	s21 =	sadd.s32 $0x30, s2  }
0x447: {  	[tilespmem:s28], [sflag:$0x1] =	stream.linear.gather [hbm4b:s21+s4], $0x40, $0x38;
	[tilespmem:$0x18F80] =	vst v63  }
0x448: {  	s17 =	simm.s32 $0x7B00;
	s16 =	sadd.s32 $0x40, s2  }
0x449: {  	[tilespmem:s17], [sflag:$0x1] =	stream.linear.gather [hbm4b:s16+s4], $0x40, $0x38;
	[tilespmem:$0x18F80] =	vst v63  }
0x44a: {  	s18 =	sadd.s32 $0x50, s2;
	s20 =	simm.s32 $0x7B80  }
0x44b: {  	[tilespmem:s20], [sflag:$0x1] =	stream.linear.gather [hbm4b:s18+s4], $0x40, $0x38;
	[tilespmem:$0x18F80] =	vst v63  }
0x44c: {  	s21 =	sadd.s32 $0x60, s2;
	s28 =	simm.s32 $0x7C00  }
0x44d: {  	[tilespmem:s28], [sflag:$0x1] =	stream.linear.gather [hbm4b:s21+s4], $0x40, $0x38;
	[tilespmem:$0x18F80] =	vst v63  }
0x44e: {  	s16 =	sadd.s32 $0x70, s2;
	s17 =	simm.s32 $0x7C80  }
0x44f: {  	[tilespmem:s17], [sflag:$0x1] =	stream.linear.gather [hbm4b:s16+s4], $0x40, $0x38;
	[tilespmem:$0x18F80] =	vst v63  }
0x450: {  	s10 =	sadd.s32 $0xF4280, s2;
	s18 =	simm.s32 $0x7D00  }
0x451: {  	[tilespmem:s18], [sflag:$0x1] =	stream.linear.gather [hbm4b:s10+s4], $0x40, $0x38;
	[tilespmem:$0x18F80] =	vst v63  }
0x452: {  	s20 =	sadd.s32 $0x10, s10;
	s16 =	simm.s32 $0x7D80  }
0x453: {  	[tilespmem:s16], [sflag:$0x1] =	stream.linear.gather [hbm4b:s20+s4], $0x40, $0x38;
	[tilespmem:$0x18F80] =	vst v63  }
0x454: {  	s21 =	sadd.s32 $0x20, s10;
	s28 =	simm.s32 $0x7E00  }
0x455: {  	[tilespmem:s28], [sflag:$0x1] =	stream.linear.gather [hbm4b:s21+s4], $0x40, $0x38;
	[tilespmem:$0x18F80] =	vst v63  }
0x456: {  	s17 =	simm.s32 $0x7E80;
	s16 =	sadd.s32 $0x30, s10  }
0x457: {  	[tilespmem:s17], [sflag:$0x1] =	stream.linear.gather [hbm4b:s16+s4], $0x40, $0x38;
	[tilespmem:$0x18F80] =	vst v63  }
0x458: {  	s18 =	sadd.s32 $0x40, s10;
	s20 =	simm.s32 $0x7F00  }
0x459: {  	[tilespmem:s20], [sflag:$0x1] =	stream.linear.gather [hbm4b:s18+s4], $0x40, $0x38;
	[tilespmem:$0x18F80] =	vst v63  }
0x45a: {  	s21 =	sadd.s32 $0x50, s10;
	s28 =	simm.s32 $0x7F80  }
0x45b: {  	[tilespmem:s28], [sflag:$0x1] =	stream.linear.gather [hbm4b:s21+s4], $0x40, $0x38;
	[tilespmem:$0x18F80] =	vst v63  }
0x45c: {  	s16 =	sadd.s32 $0x60, s10;
	s17 =	simm.s32 $0x8000  }
0x45d: {  	[tilespmem:s17], [sflag:$0x1] =	stream.linear.gather [hbm4b:s16+s4], $0x40, $0x38;
	[tilespmem:$0x18F80] =	vst v63  }
0x45e: {  	s10 =	sadd.s32 $0x70, s10;
	s18 =	simm.s32 $0x8080  }
0x45f: {  	[tilespmem:s18], [sflag:$0x1] =	stream.linear.gather [hbm4b:s10+s4], $0x40, $0x38;
	[tilespmem:$0x18F80] =	vst v63  }
0x460: {  	s20 =	simm.s32 $0x8100;
	s10 =	sadd.s32 $0x1E8500, s2  }
0x461: {  	[tilespmem:s20], [sflag:$0x1] =	stream.linear.gather [hbm4b:s10+s4], $0x40, $0x38;
	[tilespmem:$0x18F80] =	vst v63  }
0x462: {  	s28 =	simm.s32 $0x8180;
	s21 =	sadd.s32 $0x10, s10  }
0x463: {  	[tilespmem:s28], [sflag:$0x1] =	stream.linear.gather [hbm4b:s21+s4], $0x40, $0x38;
	[tilespmem:$0x18F80] =	vst v63  }
0x464: {  	s17 =	simm.s32 $0x8200;
	s16 =	sadd.s32 $0x20, s10  }
0x465: {  	[tilespmem:s17], [sflag:$0x1] =	stream.linear.gather [hbm4b:s16+s4], $0x40, $0x38;
	[tilespmem:$0x18F80] =	vst v63  }
0x466: {  	s18 =	sadd.s32 $0x30, s10;
	s20 =	simm.s32 $0x8280  }
0x467: {  	[tilespmem:s20], [sflag:$0x1] =	stream.linear.gather [hbm4b:s18+s4], $0x40, $0x38;
	[tilespmem:$0x18F80] =	vst v63  }
0x468: {  	s21 =	sadd.s32 $0x40, s10;
	s28 =	simm.s32 $0x8300  }
0x469: {  	[tilespmem:s28], [sflag:$0x1] =	stream.linear.gather [hbm4b:s21+s4], $0x40, $0x38;
	[tilespmem:$0x18F80] =	vst v63  }
0x46a: {  	s17 =	sadd.s32 $0x50, s10;
	s18 =	simm.s32 $0x8380  }
0x46b: {  	[tilespmem:s18], [sflag:$0x1] =	stream.linear.gather [hbm4b:s17+s4], $0x40, $0x38;
	[tilespmem:$0x18F80] =	vst v63  }
0x46c: {  	s20 =	sadd.s32 $0x60, s10;
	s21 =	simm.s32 $0x8400  }
0x46d: {  	[tilespmem:s21], [sflag:$0x1] =	stream.linear.gather [hbm4b:s20+s4], $0x40, $0x38;
	[tilespmem:$0x18F80] =	vst v63  }
0x46e: {  	s10 =	sadd.s32 $0x70, s10;
	s28 =	simm.s32 $0x8480  }
0x46f: {  	[tilespmem:s28], [sflag:$0x1] =	stream.linear.gather [hbm4b:s10+s4], $0x40, $0x38;
	[tilespmem:$0x18F80] =	vst v63  }
0x470: {  	s13 =	simm.s32 $0x8500;
	s2 =	sadd.s32 $0x2DC780, s2  }
0x471: {  	[tilespmem:s13], [sflag:$0x1] =	stream.linear.gather [hbm4b:s2+s4], $0x40, $0x38;
	[tilespmem:$0x18F80] =	vst v63  }
0x472: {  	s16 =	sadd.s32 $0x10, s2;
	s17 =	simm.s32 $0x8580  }
0x473: {  	[tilespmem:s17], [sflag:$0x1] =	stream.linear.gather [hbm4b:s16+s4], $0x40, $0x38;
	[tilespmem:$0x18F80] =	vst v63  }
0x474: {  	s18 =	sadd.s32 $0x20, s2;
	s20 =	simm.s32 $0x8600  }
0x475: {  	[tilespmem:s20], [sflag:$0x1] =	stream.linear.gather [hbm4b:s18+s4], $0x40, $0x38;
	[tilespmem:$0x18F80] =	vst v63  }
0x476: {  	s21 =	sadd.s32 $0x30, s2;
	s28 =	simm.s32 $0x8680  }
0x477: {  	[tilespmem:s28], [sflag:$0x1] =	stream.linear.gather [hbm4b:s21+s4], $0x40, $0x38;
	[tilespmem:$0x18F80] =	vst v63  }
0x478: {  	s13 =	sadd.s32 $0x40, s2;
	s16 =	simm.s32 $0x8700  }
0x479: {  	[tilespmem:s16], [sflag:$0x1] =	stream.linear.gather [hbm4b:s13+s4], $0x40, $0x38;
	[tilespmem:$0x18F80] =	vst v63  }
0x47a: {  	s17 =	sadd.s32 $0x50, s2;
	s18 =	simm.s32 $0x8780  }
0x47b: {  	[tilespmem:s18], [sflag:$0x1] =	stream.linear.gather [hbm4b:s17+s4], $0x40, $0x38;
	[tilespmem:$0x18F80] =	vst v63  }
.Ltmp29:
0x47c: {  	_ = 	snop;
	(pc) =	sbr.rel .LBB2_46-.Ltmp29, $4  }
0x47d: {  	s20 =	sadd.s32 $0x60, s2;
	s21 =	simm.s32 $0x8800  }
0x47e: {  	[tilespmem:s21], [sflag:$0x1] =	stream.linear.gather [hbm4b:s20+s4], $0x40, $0x38;
	[tilespmem:$0x18F80] =	vst v63  }
0x47f: {  	s2 =	sadd.s32 $0x70, s2;
	s28 =	simm.s32 $0x8880  }
0x480: {  	[tilespmem:s28], [sflag:$0x1] =	stream.linear.gather [hbm4b:s2+s4], $0x40, $0x38;
	[tilespmem:$0x18F80] =	vst v63  }
.LBB2_45:
0x481: {  	s2 =	sand.u32 $0xFFFFF80, s2  }
0x482: {  	s2 =	sadd.s32 s1, s2  }
0x483: {  	[tilespmem:s14], [sflag:$0x1] =	stream.strided.gather [hbm4b:s2+s0], $0x1000, s12, s0, $0x38;
	[tilespmem:$0x18F80] =	vst v63  }
.LBB2_46:
0x484: {  	(v2sf) =	vpush v33, $0x3;
	_ =	sdelay $0xe  }
0x485: {  	s2 =	spop (v2sf)  }
0x486: {  	s10 =	sand.u32 $0x40, s2  }
0x487: {  	p0 =	sne.s32 s10, $0x0  }
.Ltmp30:
0x488: {  	_ = 	snop;
	(pc) =	sbr.rel @p0 .LBB2_48-.Ltmp30, $1  }
0x489: {  	_ =	sdelay $0x3  }
0x48a: {  	s2 =	sand.u32 $0x1FFFFF80, s2  }
0x48b: {  	s2 =	sadd.s32 s3, s2  }
0x48c: {  	[tilespmem:s26], [sflag:$0x1] =	stream.linear.gather [hbm4b:s2+s4], $0x40, $0x38;
	[tilespmem:$0x18F80] =	vst v63  }
0x48d: {  	s13 =	simm.s32 $0x13980;
	s10 =	sadd.s32 $0x10, s2  }
0x48e: {  	[tilespmem:s13], [sflag:$0x1] =	stream.linear.gather [hbm4b:s10+s4], $0x40, $0x38;
	[tilespmem:$0x18F80] =	vst v63  }
0x48f: {  	s20 =	simm.s32 $0x13A00;
	s18 =	sadd.s32 $0x20, s2  }
0x490: {  	[tilespmem:s20], [sflag:$0x1] =	stream.linear.gather [hbm4b:s18+s4], $0x40, $0x38;
	[tilespmem:$0x18F80] =	vst v63  }
0x491: {  	s28 =	simm.s32 $0x13A80;
	s21 =	sadd.s32 $0x30, s2  }
0x492: {  	[tilespmem:s28], [sflag:$0x1] =	stream.linear.gather [hbm4b:s21+s4], $0x40, $0x38;
	[tilespmem:$0x18F80] =	vst v63  }
0x493: {  	s17 =	simm.s32 $0x13B00;
	s16 =	sadd.s32 $0x40, s2  }
0x494: {  	[tilespmem:s17], [sflag:$0x1] =	stream.linear.gather [hbm4b:s16+s4], $0x40, $0x38;
	[tilespmem:$0x18F80] =	vst v63  }
0x495: {  	s18 =	sadd.s32 $0x50, s2;
	s20 =	simm.s32 $0x13B80  }
0x496: {  	[tilespmem:s20], [sflag:$0x1] =	stream.linear.gather [hbm4b:s18+s4], $0x40, $0x38;
	[tilespmem:$0x18F80] =	vst v63  }
0x497: {  	s21 =	sadd.s32 $0x60, s2;
	s28 =	simm.s32 $0x13C00  }
0x498: {  	[tilespmem:s28], [sflag:$0x1] =	stream.linear.gather [hbm4b:s21+s4], $0x40, $0x38;
	[tilespmem:$0x18F80] =	vst v63  }
0x499: {  	s16 =	sadd.s32 $0x70, s2;
	s17 =	simm.s32 $0x13C80  }
0x49a: {  	[tilespmem:s17], [sflag:$0x1] =	stream.linear.gather [hbm4b:s16+s4], $0x40, $0x38;
	[tilespmem:$0x18F80] =	vst v63  }
0x49b: {  	s10 =	sadd.s32 $0xF4280, s2;
	s18 =	simm.s32 $0x13D00  }
0x49c: {  	[tilespmem:s18], [sflag:$0x1] =	stream.linear.gather [hbm4b:s10+s4], $0x40, $0x38;
	[tilespmem:$0x18F80] =	vst v63  }
0x49d: {  	s20 =	sadd.s32 $0x10, s10;
	s16 =	simm.s32 $0x13D80  }
0x49e: {  	[tilespmem:s16], [sflag:$0x1] =	stream.linear.gather [hbm4b:s20+s4], $0x40, $0x38;
	[tilespmem:$0x18F80] =	vst v63  }
0x49f: {  	s21 =	sadd.s32 $0x20, s10;
	s28 =	simm.s32 $0x13E00  }
0x4a0: {  	[tilespmem:s28], [sflag:$0x1] =	stream.linear.gather [hbm4b:s21+s4], $0x40, $0x38;
	[tilespmem:$0x18F80] =	vst v63  }
0x4a1: {  	s17 =	simm.s32 $0x13E80;
	s16 =	sadd.s32 $0x30, s10  }
0x4a2: {  	[tilespmem:s17], [sflag:$0x1] =	stream.linear.gather [hbm4b:s16+s4], $0x40, $0x38;
	[tilespmem:$0x18F80] =	vst v63  }
0x4a3: {  	s18 =	sadd.s32 $0x40, s10;
	s20 =	simm.s32 $0x13F00  }
0x4a4: {  	[tilespmem:s20], [sflag:$0x1] =	stream.linear.gather [hbm4b:s18+s4], $0x40, $0x38;
	[tilespmem:$0x18F80] =	vst v63  }
0x4a5: {  	s21 =	sadd.s32 $0x50, s10;
	s28 =	simm.s32 $0x13F80  }
0x4a6: {  	[tilespmem:s28], [sflag:$0x1] =	stream.linear.gather [hbm4b:s21+s4], $0x40, $0x38;
	[tilespmem:$0x18F80] =	vst v63  }
0x4a7: {  	s16 =	sadd.s32 $0x60, s10;
	s17 =	simm.s32 $0x14000  }
0x4a8: {  	[tilespmem:s17], [sflag:$0x1] =	stream.linear.gather [hbm4b:s16+s4], $0x40, $0x38;
	[tilespmem:$0x18F80] =	vst v63  }
0x4a9: {  	s10 =	sadd.s32 $0x70, s10;
	s18 =	simm.s32 $0x14080  }
0x4aa: {  	[tilespmem:s18], [sflag:$0x1] =	stream.linear.gather [hbm4b:s10+s4], $0x40, $0x38;
	[tilespmem:$0x18F80] =	vst v63  }
0x4ab: {  	s20 =	simm.s32 $0x14100;
	s10 =	sadd.s32 $0x1E8500, s2  }
0x4ac: {  	[tilespmem:s20], [sflag:$0x1] =	stream.linear.gather [hbm4b:s10+s4], $0x40, $0x38;
	[tilespmem:$0x18F80] =	vst v63  }
0x4ad: {  	s28 =	simm.s32 $0x14180;
	s21 =	sadd.s32 $0x10, s10  }
0x4ae: {  	[tilespmem:s28], [sflag:$0x1] =	stream.linear.gather [hbm4b:s21+s4], $0x40, $0x38;
	[tilespmem:$0x18F80] =	vst v63  }
0x4af: {  	s17 =	simm.s32 $0x14200;
	s16 =	sadd.s32 $0x20, s10  }
0x4b0: {  	[tilespmem:s17], [sflag:$0x1] =	stream.linear.gather [hbm4b:s16+s4], $0x40, $0x38;
	[tilespmem:$0x18F80] =	vst v63  }
0x4b1: {  	s18 =	sadd.s32 $0x30, s10;
	s20 =	simm.s32 $0x14280  }
0x4b2: {  	[tilespmem:s20], [sflag:$0x1] =	stream.linear.gather [hbm4b:s18+s4], $0x40, $0x38;
	[tilespmem:$0x18F80] =	vst v63  }
0x4b3: {  	s21 =	sadd.s32 $0x40, s10;
	s28 =	simm.s32 $0x14300  }
0x4b4: {  	[tilespmem:s28], [sflag:$0x1] =	stream.linear.gather [hbm4b:s21+s4], $0x40, $0x38;
	[tilespmem:$0x18F80] =	vst v63  }
0x4b5: {  	s17 =	sadd.s32 $0x50, s10;
	s18 =	simm.s32 $0x14380  }
0x4b6: {  	[tilespmem:s18], [sflag:$0x1] =	stream.linear.gather [hbm4b:s17+s4], $0x40, $0x38;
	[tilespmem:$0x18F80] =	vst v63  }
0x4b7: {  	s20 =	sadd.s32 $0x60, s10;
	s21 =	simm.s32 $0x14400  }
0x4b8: {  	[tilespmem:s21], [sflag:$0x1] =	stream.linear.gather [hbm4b:s20+s4], $0x40, $0x38;
	[tilespmem:$0x18F80] =	vst v63  }
0x4b9: {  	s10 =	sadd.s32 $0x70, s10;
	s28 =	simm.s32 $0x14480  }
0x4ba: {  	[tilespmem:s28], [sflag:$0x1] =	stream.linear.gather [hbm4b:s10+s4], $0x40, $0x38;
	[tilespmem:$0x18F80] =	vst v63  }
0x4bb: {  	s13 =	simm.s32 $0x14500;
	s2 =	sadd.s32 $0x2DC780, s2  }
0x4bc: {  	[tilespmem:s13], [sflag:$0x1] =	stream.linear.gather [hbm4b:s2+s4], $0x40, $0x38;
	[tilespmem:$0x18F80] =	vst v63  }
0x4bd: {  	s16 =	sadd.s32 $0x10, s2;
	s17 =	simm.s32 $0x14580  }
0x4be: {  	[tilespmem:s17], [sflag:$0x1] =	stream.linear.gather [hbm4b:s16+s4], $0x40, $0x38;
	[tilespmem:$0x18F80] =	vst v63  }
0x4bf: {  	s18 =	sadd.s32 $0x20, s2;
	s20 =	simm.s32 $0x14600  }
0x4c0: {  	[tilespmem:s20], [sflag:$0x1] =	stream.linear.gather [hbm4b:s18+s4], $0x40, $0x38;
	[tilespmem:$0x18F80] =	vst v63  }
0x4c1: {  	s21 =	sadd.s32 $0x30, s2;
	s28 =	simm.s32 $0x14680  }
0x4c2: {  	[tilespmem:s28], [sflag:$0x1] =	stream.linear.gather [hbm4b:s21+s4], $0x40, $0x38;
	[tilespmem:$0x18F80] =	vst v63  }
0x4c3: {  	s13 =	sadd.s32 $0x40, s2;
	s16 =	simm.s32 $0x14700  }
0x4c4: {  	[tilespmem:s16], [sflag:$0x1] =	stream.linear.gather [hbm4b:s13+s4], $0x40, $0x38;
	[tilespmem:$0x18F80] =	vst v63  }
0x4c5: {  	s17 =	sadd.s32 $0x50, s2;
	s18 =	simm.s32 $0x14780  }
0x4c6: {  	[tilespmem:s18], [sflag:$0x1] =	stream.linear.gather [hbm4b:s17+s4], $0x40, $0x38;
	[tilespmem:$0x18F80] =	vst v63  }
.Ltmp31:
0x4c7: {  	_ = 	snop;
	(pc) =	sbr.rel .LBB2_49-.Ltmp31, $4  }
0x4c8: {  	s20 =	sadd.s32 $0x60, s2;
	s21 =	simm.s32 $0x14800  }
0x4c9: {  	[tilespmem:s21], [sflag:$0x1] =	stream.linear.gather [hbm4b:s20+s4], $0x40, $0x38;
	[tilespmem:$0x18F80] =	vst v63  }
0x4ca: {  	s2 =	sadd.s32 $0x70, s2;
	s28 =	simm.s32 $0x14880  }
0x4cb: {  	[tilespmem:s28], [sflag:$0x1] =	stream.linear.gather [hbm4b:s2+s4], $0x40, $0x38;
	[tilespmem:$0x18F80] =	vst v63  }
.LBB2_48:
0x4cc: {  	s2 =	sand.u32 $0xFFFFF80, s2  }
0x4cd: {  	s2 =	sadd.s32 s3, s2  }
0x4ce: {  	[tilespmem:s26], [sflag:$0x1] =	stream.strided.gather [hbm4b:s2+s0], $0x1000, s12, s0, $0x38;
	[tilespmem:$0x18F80] =	vst v63  }
.LBB2_49:
.Ltmp32:
0x4cf: {  	(pc) =	sbr.rel .LBB2_50-.Ltmp32, $3  }
0x4d0: {  	_ =	sdelay $0x1  }
0x4d1: {  	s2 =	simm.s32 $0x0  }
0x4d2: {  	s10 =	simm.s32 $0x10;
	s13 =	simm.s32 $0x490;
	s28 =	simm.s32 $0x18900  }
.LBB2_74:
0x4d3: {  	s16 =	sand.u32 $0xFFFFF80, s18  }
0x4d4: {  	s16 =	sadd.s32 s3, s16  }
0x4d5: {  	[tilespmem:s17], [sflag:$0x1] =	stream.strided.gather [hbm4b:s16+s0], $0x1000, s12, s0, $0x38;
	[tilespmem:$0x18F80] =	vst v63  }
.LBB2_75:
0x4d6: {  	v33 =	vld [tilespmem:s10+$0xFFFFFFF0];
	_ =	sdelay $0x4  }
0x4d7: {  	(v2sf) =	vpush v33, $0x0;
	_ =	sdelay $0xe  }
0x4d8: {  	s16 =	spop (v2sf)  }
0x4d9: {  	s16 =	sand.u32 $0x40, s16  }
0x4da: {  	p0 =	sne.s32 s16, $0x0  }
0x4db: {  	v34 =	vld [tilespmem:s13+$0xFFFFFFF0];
	s16 =	simm.s32 @p0 $0x1  }
0x4dc: {  	_ =	swait.ge @p0 [sflag:s16], $0x1000  }
0x4dd: {  	[sflag:s16] =	ssyncset.done @p0 $0x0  }
0x4de: {  	[sflag:s16] =	ssyncadd.s32 @p0 $0xFFFFF000;
	s16 =	simm.s32 @!p0 $0x1  }
0x4df: {  	_ =	swait.ge @!p0 [sflag:s16], $0x800  }
0x4e0: {  	(v2sf) =	vpush v34, $0x0;
	_ =	sdelay $0xe  }
0x4e1: {  	s17 =	spop (v2sf)  }
0x4e2: {  	s17 =	sand.u32 $0x40, s17  }
0x4e3: {  	[sflag:s16] =	ssyncset.done @!p0 $0x0;
	p1 =	sne.s32 s17, $0x0  }
0x4e4: {  	[sflag:s16] =	ssyncadd.s32 @!p0 $0xFFFFF800;
	s16 =	simm.s32 @p1 $0x1  }
0x4e5: {  	_ =	swait.ge @p1 [sflag:s16], $0x1000  }
0x4e6: {  	[sflag:s16] =	ssyncset.done @p1 $0x0  }
0x4e7: {  	[sflag:s16] =	ssyncadd.s32 @p1 $0xFFFFF000;
	s16 =	simm.s32 @!p1 $0x1  }
0x4e8: {  	_ =	swait.ge @!p1 [sflag:s16], $0x800  }
0x4e9: {  	(v2sf) =	vpush v33, $0x1;
	_ =	sdelay $0xe  }
0x4ea: {  	s18 =	spop (v2sf)  }
0x4eb: {  	s17 =	sand.u32 $0x40, s18  }
0x4ec: {  	[sflag:s16] =	ssyncset.done @!p1 $0x0;
	p0 =	sne.s32 s17, $0x0  }
0x4ed: {  	[sflag:s16] =	ssyncadd.s32 @!p1 $0xFFFFF800;
	s16 =	simm.s32 @p0 $0x1  }
0x4ee: {  	_ =	swait.ge @p0 [sflag:s16], $0x1000  }
0x4ef: {  	[sflag:s16] =	ssyncset.done @p0 $0x0  }
0x4f0: {  	[sflag:s16] =	ssyncadd.s32 @p0 $0xFFFFF000;
	s16 =	simm.s32 @!p0 $0x1  }
0x4f1: {  	_ =	swait.ge @!p0 [sflag:s16], $0x800  }
0x4f2: {  	(v2sf) =	vpush v34, $0x1;
	_ =	sdelay $0xe  }
0x4f3: {  	s20 =	spop (v2sf)  }
0x4f4: {  	s17 =	sand.u32 $0x40, s20  }
0x4f5: {  	[sflag:s16] =	ssyncset.done @!p0 $0x0;
	p1 =	sne.s32 s17, $0x0  }
0x4f6: {  	[sflag:s16] =	ssyncadd.s32 @!p0 $0xFFFFF800;
	s16 =	simm.s32 @p1 $0x1  }
0x4f7: {  	_ =	swait.ge @p1 [sflag:s16], $0x1000  }
0x4f8: {  	[sflag:s16] =	ssyncset.done @p1 $0x0  }
0x4f9: {  	[sflag:s16] =	ssyncadd.s32 @p1 $0xFFFFF000;
	s16 =	simm.s32 @!p1 $0x1  }
0x4fa: {  	_ =	swait.ge @!p1 [sflag:s16], $0x800  }
0x4fb: {  	(v2sf) =	vpush v33, $0x2;
	_ =	sdelay $0xe  }
0x4fc: {  	s21 =	spop (v2sf)  }
0x4fd: {  	s17 =	sand.u32 $0x40, s21  }
0x4fe: {  	[sflag:s16] =	ssyncset.done @!p1 $0x0;
	p0 =	sne.s32 s17, $0x0  }
0x4ff: {  	[sflag:s16] =	ssyncadd.s32 @!p1 $0xFFFFF800;
	s16 =	simm.s32 @p0 $0x1  }
0x500: {  	_ =	swait.ge @p0 [sflag:s16], $0x1000  }
0x501: {  	[sflag:s16] =	ssyncset.done @p0 $0x0  }
0x502: {  	[sflag:s16] =	ssyncadd.s32 @p0 $0xFFFFF000;
	s16 =	simm.s32 @!p0 $0x1  }
0x503: {  	_ =	swait.ge @!p0 [sflag:s16], $0x800  }
0x504: {  	(v2sf) =	vpush v34, $0x2;
	_ =	sdelay $0xe  }
0x505: {  	s18 =	spop (v2sf)  }
0x506: {  	s17 =	sand.u32 $0x40, s18  }
0x507: {  	[sflag:s16] =	ssyncset.done @!p0 $0x0;
	p2 =	sne.s32 s17, $0x0  }
0x508: {  	[sflag:s16] =	ssyncadd.s32 @!p0 $0xFFFFF800;
	s16 =	simm.s32 @p2 $0x1  }
0x509: {  	_ =	swait.ge @p2 [sflag:s16], $0x1000  }
0x50a: {  	[sflag:s16] =	ssyncset.done @p2 $0x0  }
0x50b: {  	[sflag:s16] =	ssyncadd.s32 @p2 $0xFFFFF000;
	s16 =	simm.s32 @!p2 $0x1  }
0x50c: {  	_ =	swait.ge @!p2 [sflag:s16], $0x800  }
0x50d: {  	(v2sf) =	vpush v33, $0x3;
	_ =	sdelay $0xe  }
0x50e: {  	s20 =	spop (v2sf)  }
0x50f: {  	s17 =	sand.u32 $0x40, s20  }
0x510: {  	[sflag:s16] =	ssyncset.done @!p2 $0x0;
	p1 =	sne.s32 s17, $0x0  }
0x511: {  	[sflag:s16] =	ssyncadd.s32 @!p2 $0xFFFFF800;
	s16 =	simm.s32 @p1 $0x1  }
0x512: {  	_ =	swait.ge @p1 [sflag:s16], $0x1000  }
0x513: {  	[sflag:s16] =	ssyncset.done @p1 $0x0  }
0x514: {  	[sflag:s16] =	ssyncadd.s32 @p1 $0xFFFFF000;
	s16 =	simm.s32 @!p1 $0x1  }
0x515: {  	_ =	swait.ge @!p1 [sflag:s16], $0x800  }
0x516: {  	(v2sf) =	vpush v34, $0x3;
	_ =	sdelay $0xb  }
0x517: {  	s21 =	smulhi.u32 $0xAAAAAAAB, s2;
	_ =	sdelay $0x1  }
0x518: {  	s17 =	sshrl.u32 s21, $0x1  }
0x519: {  	s17 =	smul.u32 $0xFFFFFFFD, s17;
	s18 =	spop (v2sf)  }
0x51a: {  	s18 =	sand.u32 $0x40, s18  }
0x51b: {  	s17 =	sadd.s32 s17, s2;
	[sflag:s16] =	ssyncset.done @!p1 $0x0;
	p0 =	sne.s32 s18, $0x0  }
0x51c: {  	s21 =	sshll.u32 s17, $0xE;
	[sflag:s16] =	ssyncadd.s32 @!p1 $0xFFFFF800;
	s16 =	simm.s32 @p0 $0x1  }
0x51d: {  	v33 =	vand.u32 $0x7F, v33;
	v35 =	vor.u32 s21, v0;
	_ =	swait.ge @p0 [sflag:s16], $0x1000  }
0x51e: {  	v34 =	vand.u32 $0x7F, v34;
	v36 =	vor.u32 v35, v33;
	[sflag:s16] =	ssyncset.done @p0 $0x0  }
0x51f: {  	v37 =	vor.u32 s21, v1;
	v35 =	vor.u32 v35, v34;
	[sflag:s16] =	ssyncadd.s32 @p0 $0xFFFFF000;
	s16 =	simm.s32 @!p0 $0x1  }
0x520: {  	v38 =	vor.u32 v37, v33;
	_ =	swait.ge @!p0 [sflag:s16], $0x800  }
0x521: {  	v39 =	vor.u32 s21, v2;
	v37 =	vor.u32 v37, v34;
	[sflag:s16] =	ssyncset.done @!p0 $0x0  }
0x522: {  	v40 =	vor.u32 v39, v33;
	[sflag:s16] =	ssyncadd.s32 @!p0 $0xFFFFF800  }
0x523: {  	v41 =	vor.u32 s21, v3;
	v39 =	vor.u32 v39, v34;
	v36 =	vld.idx.msk [tilespmem:v36+s11+$0x0], $0xffff  }
0x524: {  	v42 =	vor.u32 v41, v33;
	v35 =	vld.idx.msk [tilespmem:v35+s22+$0x0], $0xffff  }
0x525: {  	v43 =	vor.u32 s21, v4;
	v41 =	vor.u32 v41, v34;
	v38 =	vld.idx.msk [tilespmem:v38+s11+$0x0], $0xffff  }
0x526: {  	v44 =	vor.u32 v43, v33;
	v37 =	vld.idx.msk [tilespmem:v37+s22+$0x0], $0xffff  }
0x527: {  	v45 =	vor.u32 s21, v5;
	v43 =	vor.u32 v43, v34;
	v40 =	vld.idx.msk [tilespmem:v40+s11+$0x0], $0xffff  }
0x528: {  	v49 =	vor.u32 v45, v33;
	v39 =	vld.idx.msk [tilespmem:v39+s22+$0x0], $0xffff  }
0x529: {  	v46 =	vor.u32 s21, v6;
	v45 =	vor.u32 v45, v34;
	v48 =	vld.idx.msk [tilespmem:v42+s11+$0x0], $0xffff  }
0x52a: {  	v47 =	vor.u32 s21, v7;
	v50 =	vor.u32 v46, v33;
	v46 =	vor.u32 v46, v34;
	v41 =	vld.idx.msk [tilespmem:v41+s22+$0x0], $0xffff  }
0x52b: {  	v55 =	vor.u32 s21, v8;
	v54 =	vor.u32 v47, v34;
	v44 =	vld.idx.msk [tilespmem:v44+s11+$0x0], $0xffff  }
0x52c: {  	v57 =	vor.u32 v55, v33;
	v52 =	vld.idx.msk [tilespmem:v43+s22+$0x0], $0xffff;
	v35 =	vmul.f32 v35, v36  }
0x52d: {  	v59 =	vor.u32 s21, v9;
	v42 =	vld.idx.msk [tilespmem:v49+s11+$0x0], $0xffff  }
0x52e: {  	v53 =	vor.u32 v47, v33;
	v56 =	vld.idx.msk [tilespmem:v45+s22+$0x0], $0xffff;
	v37 =	vmul.f32 v37, v38;
	v35 =	vadd.f32 $0.0e+00, v35  }
0x52f: {  	v61 =	vor.u32 v59, v33;
	v60 =	vld.idx.msk [tilespmem:v46+s22+$0x0], $0xffff  }
0x530: {  	v62 =	vor.u32 v59, v34;
	v43 =	vld.idx.msk [tilespmem:v54+s22+$0x0], $0xffff;
	v51 =	vmul.f32 v39, v40;
	v35 =	vadd.f32 v37, v35  }
0x531: {  	v63 =	vor.u32 s21, v10;
	v58 =	vor.u32 v55, v34;
	v49 =	vld.idx.msk [tilespmem:v57+s11+$0x0], $0xffff  }
0x532: {  	v36 =	vmul.f32 v41, v48;
	v38 =	vld.idx.msk [tilespmem:v50+s11+$0x0], $0xffff;
	v48 =	vor.u32 v63, v33;
	v35 =	vadd.f32 v51, v35  }
0x533: {  	v39 =	vmul.f32 v52, v44;
	v40 =	vld.idx.msk [tilespmem:v53+s11+$0x0], $0xffff;
	v50 =	vor.u32 v63, v34;
	v52 =	vor.u32 s21, v11  }
0x534: {  	v55 =	vor.u32 s21, v12;
	v53 =	vld.idx.msk [tilespmem:v61+s11+$0x0], $0xffff;
	v54 =	vor.u32 v52, v33;
	v35 =	vadd.f32 v36, v35  }
0x535: {  	v59 =	vor.u32 s21, v13;
	v46 =	vor.u32 v55, v34;
	v44 =	vld.idx.msk [tilespmem:v62+s22+$0x0], $0xffff  }
0x536: {  	v61 =	vor.u32 v59, v33;
	v37 =	vmul.f32 v56, v42;
	v51 =	vld.idx.msk [tilespmem:v58+s22+$0x0], $0xffff;
	v35 =	vadd.f32 v39, v35  }
0x537: {  	v45 =	vor.u32 v52, v34;
	v57 =	vld.idx.msk [tilespmem:v48+s11+$0x0], $0xffff  }
0x538: {  	v41 =	vld.idx.msk [tilespmem:v50+s22+$0x0], $0xffff;
	v58 =	vor.u32 v55, v33;
	v36 =	vmul.f32 v60, v38;
	v35 =	vadd.f32 v37, v35  }
0x539: {  	v62 =	vor.u32 v59, v34;
	v38 =	vld.idx.msk [tilespmem:v54+s11+$0x0], $0xffff  }
0x53a: {  	v63 =	vor.u32 s21, v14;
	v56 =	vmul.f32 v43, v40;
	v54 =	vld.idx.msk [tilespmem:v46+s22+$0x0], $0xffff;
	v35 =	vadd.f32 v36, v35  }
0x53b: {  	v39 =	vld.idx.msk [tilespmem:v61+s11+$0x0], $0xffff;
	v60 =	vmul.f32 v51, v49;
	v51 =	vor.u32 v63, v34  }
0x53c: {  	v52 =	vor.u32 s21, v15;
	v50 =	vor.u32 v63, v33;
	v49 =	vld.idx.msk [tilespmem:v45+s22+$0x0], $0xffff;
	v35 =	vadd.f32 v56, v35  }
0x53d: {  	v48 =	vmul.f32 v44, v53;
	v55 =	vor.u32 v52, v33;
	v53 =	vmul.f32 v41, v57;
	v43 =	vld.idx.msk [tilespmem:v58+s11+$0x0], $0xffff  }
0x53e: {  	v57 =	vor.u32 s21, v16;
	v58 =	vld.idx.msk [tilespmem:v62+s22+$0x0], $0xffff;
	v56 =	vor.u32 v52, v34;
	v35 =	vadd.f32 v60, v35  }
0x53f: {  	v61 =	vor.u32 v57, v34  }
0x540: {  	v59 =	vor.u32 v57, v33;
	v62 =	vor.u32 s21, v17;
	v45 =	vld.idx.msk [tilespmem:v51+s22+$0x0], $0xffff;
	v35 =	vadd.f32 v48, v35  }
0x541: {  	v63 =	vor.u32 v62, v33;
	v60 =	vld.idx.msk [tilespmem:v50+s11+$0x0], $0xffff  }
0x542: {  	v37 =	vmul.f32 v49, v38;
	v51 =	vor.u32 v62, v34;
	v50 =	vld.idx.msk [tilespmem:v55+s11+$0x0], $0xffff;
	v35 =	vadd.f32 v53, v35  }
0x543: {  	v49 =	vmul.f32 v54, v43;
	v36 =	vmul.f32 v58, v39;
	v58 =	vor.u32 s21, v19;
	v52 =	vld.idx.msk [tilespmem:v56+s22+$0x0], $0xffff  }
0x544: {  	v56 =	vld.idx.msk [tilespmem:v61+s22+$0x0], $0xffff;
	v61 =	vor.u32 v58, v33;
	v53 =	vor.u32 s21, v18;
	v35 =	vadd.f32 v37, v35  }
0x545: {  	v54 =	vld.idx.msk [tilespmem:v59+s11+$0x0], $0xffff;
	v55 =	vor.u32 v53, v33  }
0x546: {  	v57 =	vor.u32 v53, v34;
	v35 =	vadd.f32 v49, v35  }
0x547: {  	v62 =	vor.u32 s21, v20;
	v46 =	vor.u32 v58, v34;
	v41 =	vld.idx.msk [tilespmem:v51+s22+$0x0], $0xffff  }
0x548: {  	v48 =	vor.u32 v62, v33;
	v59 =	vmul.f32 v45, v60;
	v60 =	vld.idx.msk [tilespmem:v63+s11+$0x0], $0xffff;
	v35 =	vadd.f32 v36, v35  }
0x549: {  	v63 =	vmul.f32 v52, v50;
	v49 =	vor.u32 v62, v34;
	v50 =	vor.u32 s21, v21;
	v44 =	vld.idx.msk [tilespmem:v61+s11+$0x0], $0xffff  }
0x54a: {  	v51 =	vmul.f32 v56, v54;
	v54 =	vor.u32 v50, v34;
	v39 =	vld.idx.msk [tilespmem:v55+s11+$0x0], $0xffff;
	v35 =	vadd.f32 v59, v35  }
0x54b: {  	v53 =	vor.u32 v50, v33;
	v52 =	vld.idx.msk [tilespmem:v57+s22+$0x0], $0xffff;
	v55 =	vor.u32 s21, v22  }
0x54c: {  	v57 =	vld.idx.msk [tilespmem:v46+s22+$0x0], $0xffff;
	v58 =	vor.u32 v55, v33;
	v35 =	vadd.f32 v63, v35  }
0x54d: {  	v40 =	vld.idx.msk [tilespmem:v48+s11+$0x0], $0xffff;
	v56 =	vmul.f32 v41, v60;
	v60 =	vor.u32 s21, v23;
	v59 =	vor.u32 v55, v34  }
0x54e: {  	v62 =	vor.u32 v60, v33;
	v61 =	vld.idx.msk [tilespmem:v49+s22+$0x0], $0xffff;
	v35 =	vadd.f32 v51, v35  }
0x54f: {  	v63 =	vor.u32 v60, v34;
	v45 =	vld.idx.msk [tilespmem:v54+s22+$0x0], $0xffff  }
0x550: {  	v37 =	vmul.f32 v52, v39;
	v39 =	vld.idx.msk [tilespmem:v53+s11+$0x0], $0xffff;
	v52 =	vor.u32 s21, v24;
	v35 =	vadd.f32 v56, v35  }
0x551: {  	v54 =	vmul.f32 v57, v44;
	v53 =	vor.u32 v52, v33;
	v55 =	vld.idx.msk [tilespmem:v58+s11+$0x0], $0xffff  }
0x552: {  	v58 =	vor.u32 s21, v25;
	v57 =	vld.idx.msk [tilespmem:v59+s22+$0x0], $0xffff;
	v56 =	vor.u32 v52, v34;
	v35 =	vadd.f32 v37, v35  }
0x553: {  	v59 =	vld.idx.msk [tilespmem:v62+s11+$0x0], $0xffff;
	v60 =	vor.u32 v58, v33;
	v62 =	vor.u32 s21, v26  }
0x554: {  	v36 =	vmul.f32 v61, v40;
	v61 =	vor.u32 v58, v34;
	v35 =	vadd.f32 v54, v35  }
0x555: {  	v51 =	vor.u32 s21, v27;
	v50 =	vor.u32 v62, v33;
	v42 =	vld.idx.msk [tilespmem:v63+s22+$0x0], $0xffff  }
0x556: {  	v46 =	vor.u32 v62, v34;
	v63 =	vmul.f32 v45, v39;
	v49 =	vld.idx.msk [tilespmem:v53+s11+$0x0], $0xffff;
	v35 =	vadd.f32 v36, v35  }
0x557: {  	v53 =	vor.u32 v51, v33;
	v52 =	vmul.f32 v57, v55;
	v41 =	vld.idx.msk [tilespmem:v56+s22+$0x0], $0xffff  }
0x558: {  	v40 =	vld.idx.msk [tilespmem:v60+s11+$0x0], $0xffff;
	v54 =	vor.u32 v51, v34;
	v55 =	vor.u32 s21, v28;
	v35 =	vadd.f32 v63, v35  }
0x559: {  	v57 =	vld.idx.msk [tilespmem:v61+s22+$0x0], $0xffff;
	v58 =	vor.u32 v55, v33;
	v60 =	vor.u32 v55, v34  }
0x55a: {  	v61 =	vor.u32 s21, v29;
	v56 =	vmul.f32 v42, v59;
	v59 =	vld.idx.msk [tilespmem:v50+s11+$0x0], $0xffff;
	v35 =	vadd.f32 v52, v35  }
0x55b: {  	v48 =	vor.u32 v61, v33;
	v50 =	vor.u32 s21, v30;
	v63 =	vld.idx.msk [tilespmem:v46+s22+$0x0], $0xffff  }
0x55c: {  	v38 =	vld.idx.msk [tilespmem:v53+s11+$0x0], $0xffff;
	v62 =	vmul.f32 v41, v49;
	v49 =	vor.u32 v61, v34;
	v35 =	vadd.f32 v56, v35  }
0x55d: {  	v55 =	vor.u32 s21, v31;
	v51 =	vld.idx.msk [tilespmem:v54+s22+$0x0], $0xffff;
	v54 =	vor.u32 v50, v34  }
0x55e: {  	v52 =	vor.u32 v50, v33;
	v37 =	vmul.f32 v57, v40;
	v53 =	vld.idx.msk [tilespmem:v58+s11+$0x0], $0xffff;
	v35 =	vadd.f32 v62, v35  }
0x55f: {  	v45 =	vld.idx.msk [tilespmem:v60+s22+$0x0], $0xffff;
	v33 =	vor.u32 v55, v33  }
0x560: {  	v34 =	vor.u32 v55, v34;
	v57 =	vld.idx.msk [tilespmem:v48+s11+$0x0], $0xffff;
	v56 =	vmul.f32 v63, v59;
	v35 =	vadd.f32 v37, v35  }
0x561: {  	v58 =	vld.idx.msk [tilespmem:v49+s22+$0x0], $0xffff  }
0x562: {  	v36 =	vmul.f32 v51, v38;
	v60 =	vld.idx.msk [tilespmem:v54+s22+$0x0], $0xffff;
	v35 =	vadd.f32 v56, v35  }
0x563: {  	v59 =	vld.idx.msk [tilespmem:v52+s11+$0x0], $0xffff  }
0x564: {  	v61 =	vmul.f32 v45, v53;
	v33 =	vld.idx.msk [tilespmem:v33+s11+$0x0], $0xffff;
	v35 =	vadd.f32 v36, v35  }
0x565: {  	v34 =	vld.idx.msk [tilespmem:v34+s22+$0x0], $0xffff  }
0x566: {  	v62 =	vmul.f32 v58, v57;
	v35 =	vadd.f32 v61, v35;
	_ =	sdelay $0x1  }
0x567: {  	s2 =	sadd.s32 $0x1, s2;
	v63 =	vmul.f32 v60, v59;
	v35 =	vadd.f32 v62, v35  }
0x568: {  	p0 =	sne.s32 s2, $0x80  }
.Ltmp33:
0x569: {  	v33 =	vmul.f32 v34, v33;
	v35 =	vadd.f32 v63, v35;
	(pc) =	sbr.rel @!p0 .LBB2_76-.Ltmp33, $3  }
0x56a: {  	_ = 	snop  }
0x56b: {  	v33 =	vadd.f32 v33, v35;
	_ =	sdelay $0x1  }
0x56c: {  	s10 =	sadd.s32 $0x8, s10;
	s13 =	sadd.s32 $0x8, s13;
	[tilespmem:s28+$0x0] =	vst.msk $0xf, v33;
	s28 =	sadd.s32 $0x8, s28  }
.LBB2_50:
0x56d: {  	p0 =	sgt.u32 s2, $0x7D  }
.Ltmp34:
0x56e: {  	_ = 	snop;
	(pc) =	sbr.rel @p0 .LBB2_75-.Ltmp34, $1  }
0x56f: {  	_ =	sdelay $0x3  }
0x570: {  	v34 =	vld [tilespmem:s10+$0x0];
	_ =	sdelay $0x4  }
0x571: {  	(v2sf) =	vpush v34, $0x0;
	_ =	sdelay $0x7  }
0x572: {  	s17 =	sadd.s32 $0x2, s2  }
0x573: {  	s18 =	smul.u32 $0xAB, s17;
	_ =	sdelay $0x1  }
0x574: {  	s18 =	sshrl.u32 s18, $0x9  }
0x575: {  	s18 =	sand.u32 $0x7F, s18  }
0x576: {  	s18 =	smul.u32 $0x3, s18;
	_ =	sdelay $0x1  }
0x577: {  	s17 =	ssub.s32 s17, s18;
	s18 =	spop (v2sf)  }
0x578: {  	s21 =	sand.u32 $0x40, s18  }
0x579: {  	p0 =	sne.s32 s21, $0x0  }
.Ltmp35:
0x57a: {  	_ = 	snop;
	(pc) =	sbr.rel @p0 .LBB2_53-.Ltmp35, $4  }
0x57b: {  	_ = 	snop  }
0x57c: {  	s17 =	sand.u32 $0xFF, s17  }
0x57d: {  	s21 =	sshll.u32 s17, $0xE  }
0x57e: {  	v33 =	vld [tilespmem:s13+$0x0];
	s17 =	sor.u32 $0x900, s21  }
0x57f: {  	s18 =	sand.u32 $0x1FFFFF80, s18  }
0x580: {  	s18 =	sadd.s32 s1, s18  }
0x581: {  	[tilespmem:s17], [sflag:$0x1] =	stream.linear.gather [hbm4b:s18+s4], $0x40, $0x38;
	[tilespmem:$0x18F80] =	vst v63  }
0x582: {  	s20 =	sor.u32 $0x980, s21;
	s16 =	sadd.s32 $0x10, s18  }
0x583: {  	[tilespmem:s20], [sflag:$0x1] =	stream.linear.gather [hbm4b:s16+s4], $0x40, $0x38;
	[tilespmem:$0x18F80] =	vst v63  }
0x584: {  	s20 =	sadd.s32 $0x20, s18;
	s16 =	sor.u32 $0xA00, s21  }
0x585: {  	[tilespmem:s16], [sflag:$0x1] =	stream.linear.gather [hbm4b:s20+s4], $0x40, $0x38;
	[tilespmem:$0x18F80] =	vst v63  }
0x586: {  	s20 =	sadd.s32 $0x30, s18;
	s16 =	sor.u32 $0xA80, s21  }
0x587: {  	[tilespmem:s16], [sflag:$0x1] =	stream.linear.gather [hbm4b:s20+s4], $0x40, $0x38;
	[tilespmem:$0x18F80] =	vst v63  }
0x588: {  	s20 =	sadd.s32 $0x40, s18;
	s16 =	sor.u32 $0xB00, s21  }
0x589: {  	[tilespmem:s16], [sflag:$0x1] =	stream.linear.gather [hbm4b:s20+s4], $0x40, $0x38;
	[tilespmem:$0x18F80] =	vst v63  }
0x58a: {  	s20 =	sadd.s32 $0x50, s18;
	s16 =	sor.u32 $0xB80, s21  }
0x58b: {  	[tilespmem:s16], [sflag:$0x1] =	stream.linear.gather [hbm4b:s20+s4], $0x40, $0x38;
	[tilespmem:$0x18F80] =	vst v63  }
0x58c: {  	s20 =	sadd.s32 $0x60, s18;
	s16 =	sor.u32 $0xC00, s21  }
0x58d: {  	[tilespmem:s16], [sflag:$0x1] =	stream.linear.gather [hbm4b:s20+s4], $0x40, $0x38;
	[tilespmem:$0x18F80] =	vst v63  }
0x58e: {  	s20 =	sadd.s32 $0x70, s18;
	s16 =	sor.u32 $0xC80, s21  }
0x58f: {  	[tilespmem:s16], [sflag:$0x1] =	stream.linear.gather [hbm4b:s20+s4], $0x40, $0x38;
	[tilespmem:$0x18F80] =	vst v63  }
0x590: {  	s17 =	sadd.s32 $0xF4280, s18;
	s16 =	sor.u32 $0xD00, s21  }
0x591: {  	[tilespmem:s16], [sflag:$0x1] =	stream.linear.gather [hbm4b:s17+s4], $0x40, $0x38;
	[tilespmem:$0x18F80] =	vst v63  }
0x592: {  	s20 =	sadd.s32 $0x10, s17;
	s16 =	sor.u32 $0xD80, s21  }
0x593: {  	[tilespmem:s16], [sflag:$0x1] =	stream.linear.gather [hbm4b:s20+s4], $0x40, $0x38;
	[tilespmem:$0x18F80] =	vst v63  }
0x594: {  	s16 =	sadd.s32 $0x20, s17;
	s20 =	sor.u32 $0xE00, s21  }
0x595: {  	[tilespmem:s20], [sflag:$0x1] =	stream.linear.gather [hbm4b:s16+s4], $0x40, $0x38;
	[tilespmem:$0x18F80] =	vst v63  }
0x596: {  	s16 =	sadd.s32 $0x30, s17;
	s20 =	sor.u32 $0xE80, s21  }
0x597: {  	[tilespmem:s20], [sflag:$0x1] =	stream.linear.gather [hbm4b:s16+s4], $0x40, $0x38;
	[tilespmem:$0x18F80] =	vst v63  }
0x598: {  	s16 =	sadd.s32 $0x40, s17;
	s20 =	sor.u32 $0xF00, s21  }
0x599: {  	[tilespmem:s20], [sflag:$0x1] =	stream.linear.gather [hbm4b:s16+s4], $0x40, $0x38;
	[tilespmem:$0x18F80] =	vst v63  }
0x59a: {  	s16 =	sadd.s32 $0x50, s17;
	s20 =	sor.u32 $0xF80, s21  }
0x59b: {  	[tilespmem:s20], [sflag:$0x1] =	stream.linear.gather [hbm4b:s16+s4], $0x40, $0x38;
	[tilespmem:$0x18F80] =	vst v63  }
0x59c: {  	s16 =	sadd.s32 $0x60, s17;
	s20 =	sor.u32 $0x1000, s21  }
0x59d: {  	[tilespmem:s20], [sflag:$0x1] =	stream.linear.gather [hbm4b:s16+s4], $0x40, $0x38;
	[tilespmem:$0x18F80] =	vst v63  }
0x59e: {  	s17 =	sadd.s32 $0x70, s17;
	s20 =	sor.u32 $0x1080, s21  }
0x59f: {  	[tilespmem:s20], [sflag:$0x1] =	stream.linear.gather [hbm4b:s17+s4], $0x40, $0x38;
	[tilespmem:$0x18F80] =	vst v63  }
0x5a0: {  	s16 =	sadd.s32 $0x1E8500, s18;
	s20 =	sor.u32 $0x1100, s21  }
0x5a1: {  	[tilespmem:s20], [sflag:$0x1] =	stream.linear.gather [hbm4b:s16+s4], $0x40, $0x38;
	[tilespmem:$0x18F80] =	vst v63  }
0x5a2: {  	s17 =	sadd.s32 $0x10, s16;
	s20 =	sor.u32 $0x1180, s21  }
0x5a3: {  	[tilespmem:s20], [sflag:$0x1] =	stream.linear.gather [hbm4b:s17+s4], $0x40, $0x38;
	[tilespmem:$0x18F80] =	vst v63  }
0x5a4: {  	s17 =	sadd.s32 $0x20, s16;
	s20 =	sor.u32 $0x1200, s21  }
0x5a5: {  	[tilespmem:s20], [sflag:$0x1] =	stream.linear.gather [hbm4b:s17+s4], $0x40, $0x38;
	[tilespmem:$0x18F80] =	vst v63  }
0x5a6: {  	s17 =	sadd.s32 $0x30, s16;
	s20 =	sor.u32 $0x1280, s21  }
0x5a7: {  	[tilespmem:s20], [sflag:$0x1] =	stream.linear.gather [hbm4b:s17+s4], $0x40, $0x38;
	[tilespmem:$0x18F80] =	vst v63  }
0x5a8: {  	s17 =	sadd.s32 $0x40, s16;
	s20 =	sor.u32 $0x1300, s21  }
0x5a9: {  	[tilespmem:s20], [sflag:$0x1] =	stream.linear.gather [hbm4b:s17+s4], $0x40, $0x38;
	[tilespmem:$0x18F80] =	vst v63  }
0x5aa: {  	s17 =	sadd.s32 $0x50, s16;
	s20 =	sor.u32 $0x1380, s21  }
0x5ab: {  	[tilespmem:s20], [sflag:$0x1] =	stream.linear.gather [hbm4b:s17+s4], $0x40, $0x38;
	[tilespmem:$0x18F80] =	vst v63  }
0x5ac: {  	s17 =	sadd.s32 $0x60, s16;
	s20 =	sor.u32 $0x1400, s21  }
0x5ad: {  	[tilespmem:s20], [sflag:$0x1] =	stream.linear.gather [hbm4b:s17+s4], $0x40, $0x38;
	[tilespmem:$0x18F80] =	vst v63  }
0x5ae: {  	s16 =	sadd.s32 $0x70, s16;
	s20 =	sor.u32 $0x1480, s21  }
0x5af: {  	[tilespmem:s20], [sflag:$0x1] =	stream.linear.gather [hbm4b:s16+s4], $0x40, $0x38;
	[tilespmem:$0x18F80] =	vst v63  }
0x5b0: {  	s16 =	sadd.s32 $0x2DC780, s18;
	s20 =	sor.u32 $0x1500, s21  }
0x5b1: {  	[tilespmem:s20], [sflag:$0x1] =	stream.linear.gather [hbm4b:s16+s4], $0x40, $0x38;
	[tilespmem:$0x18F80] =	vst v63  }
0x5b2: {  	s18 =	sadd.s32 $0x10, s16;
	s20 =	sor.u32 $0x1580, s21  }
0x5b3: {  	[tilespmem:s20], [sflag:$0x1] =	stream.linear.gather [hbm4b:s18+s4], $0x40, $0x38;
	[tilespmem:$0x18F80] =	vst v63  }
0x5b4: {  	s18 =	sadd.s32 $0x20, s16;
	s20 =	sor.u32 $0x1600, s21  }
0x5b5: {  	[tilespmem:s20], [sflag:$0x1] =	stream.linear.gather [hbm4b:s18+s4], $0x40, $0x38;
	[tilespmem:$0x18F80] =	vst v63  }
0x5b6: {  	s18 =	sadd.s32 $0x30, s16;
	s20 =	sor.u32 $0x1680, s21  }
0x5b7: {  	[tilespmem:s20], [sflag:$0x1] =	stream.linear.gather [hbm4b:s18+s4], $0x40, $0x38;
	[tilespmem:$0x18F80] =	vst v63  }
0x5b8: {  	s18 =	sadd.s32 $0x40, s16;
	s20 =	sor.u32 $0x1700, s21  }
0x5b9: {  	[tilespmem:s20], [sflag:$0x1] =	stream.linear.gather [hbm4b:s18+s4], $0x40, $0x38;
	[tilespmem:$0x18F80] =	vst v63  }
0x5ba: {  	s18 =	sadd.s32 $0x50, s16;
	s20 =	sor.u32 $0x1780, s21  }
0x5bb: {  	[tilespmem:s20], [sflag:$0x1] =	stream.linear.gather [hbm4b:s18+s4], $0x40, $0x38;
	[tilespmem:$0x18F80] =	vst v63  }
.Ltmp36:
0x5bc: {  	_ = 	snop;
	(pc) =	sbr.rel .LBB2_54-.Ltmp36, $4  }
0x5bd: {  	s18 =	sadd.s32 $0x60, s16;
	s20 =	sor.u32 $0x1800, s21  }
0x5be: {  	[tilespmem:s20], [sflag:$0x1] =	stream.linear.gather [hbm4b:s18+s4], $0x40, $0x38;
	[tilespmem:$0x18F80] =	vst v63  }
0x5bf: {  	s16 =	sadd.s32 $0x70, s16;
	s20 =	sor.u32 $0x1880, s21  }
0x5c0: {  	[tilespmem:s20], [sflag:$0x1] =	stream.linear.gather [hbm4b:s16+s4], $0x40, $0x38;
	[tilespmem:$0x18F80] =	vst v63  }
.LBB2_53:
0x5c1: {  	s16 =	sand.u32 $0xFFFFF80, s18  }
0x5c2: {  	s16 =	sadd.s32 s1, s16  }
0x5c3: {  	[tilespmem:s17], [sflag:$0x1] =	stream.strided.gather [hbm4b:s16+s0], $0x1000, s12, s0, $0x38;
	[tilespmem:$0x18F80] =	vst v63  }
.LBB2_54:
0x5c4: {  	_ = 	snop  }
0x5c5: {  	(v2sf) =	vpush v33, $0x0;
	_ =	sdelay $0xe  }
0x5c6: {  	s18 =	spop (v2sf)  }
0x5c7: {  	s16 =	sand.u32 $0x40, s18  }
0x5c8: {  	p0 =	sne.s32 s16, $0x0  }
.Ltmp37:
0x5c9: {  	_ = 	snop;
	(pc) =	sbr.rel @p0 .LBB2_56-.Ltmp37, $2  }
0x5ca: {  	_ =	sdelay $0x2  }
0x5cb: {  	s17 =	sadd.s32 $0xC900, s21  }
0x5cc: {  	s16 =	sand.u32 $0x1FFFFF80, s18  }
0x5cd: {  	s18 =	sadd.s32 s3, s16  }
0x5ce: {  	[tilespmem:s17], [sflag:$0x1] =	stream.linear.gather [hbm4b:s18+s4], $0x40, $0x38;
	[tilespmem:$0x18F80] =	vst v63  }
0x5cf: {  	s20 =	sadd.s32 $0xC980, s21;
	s16 =	sadd.s32 $0x10, s18  }
0x5d0: {  	[tilespmem:s20], [sflag:$0x1] =	stream.linear.gather [hbm4b:s16+s4], $0x40, $0x38;
	[tilespmem:$0x18F80] =	vst v63  }
0x5d1: {  	s17 =	sadd.s32 $0x20, s18;
	s20 =	sadd.s32 $0xCA00, s21  }
0x5d2: {  	[tilespmem:s20], [sflag:$0x1] =	stream.linear.gather [hbm4b:s17+s4], $0x40, $0x38;
	[tilespmem:$0x18F80] =	vst v63  }
0x5d3: {  	s17 =	sadd.s32 $0x30, s18;
	s20 =	sadd.s32 $0xCA80, s21  }
0x5d4: {  	[tilespmem:s20], [sflag:$0x1] =	stream.linear.gather [hbm4b:s17+s4], $0x40, $0x38;
	[tilespmem:$0x18F80] =	vst v63  }
0x5d5: {  	s17 =	sadd.s32 $0x40, s18;
	s20 =	sadd.s32 $0xCB00, s21  }
0x5d6: {  	[tilespmem:s20], [sflag:$0x1] =	stream.linear.gather [hbm4b:s17+s4], $0x40, $0x38;
	[tilespmem:$0x18F80] =	vst v63  }
0x5d7: {  	s17 =	sadd.s32 $0x50, s18;
	s20 =	sadd.s32 $0xCB80, s21  }
0x5d8: {  	[tilespmem:s20], [sflag:$0x1] =	stream.linear.gather [hbm4b:s17+s4], $0x40, $0x38;
	[tilespmem:$0x18F80] =	vst v63  }
0x5d9: {  	s17 =	sadd.s32 $0x60, s18;
	s20 =	sadd.s32 $0xCC00, s21  }
0x5da: {  	[tilespmem:s20], [sflag:$0x1] =	stream.linear.gather [hbm4b:s17+s4], $0x40, $0x38;
	[tilespmem:$0x18F80] =	vst v63  }
0x5db: {  	s17 =	sadd.s32 $0x70, s18;
	s20 =	sadd.s32 $0xCC80, s21  }
0x5dc: {  	[tilespmem:s20], [sflag:$0x1] =	stream.linear.gather [hbm4b:s17+s4], $0x40, $0x38;
	[tilespmem:$0x18F80] =	vst v63  }
0x5dd: {  	s16 =	sadd.s32 $0xF4280, s18;
	s20 =	sadd.s32 $0xCD00, s21  }
0x5de: {  	[tilespmem:s20], [sflag:$0x1] =	stream.linear.gather [hbm4b:s16+s4], $0x40, $0x38;
	[tilespmem:$0x18F80] =	vst v63  }
0x5df: {  	s17 =	sadd.s32 $0x10, s16;
	s20 =	sadd.s32 $0xCD80, s21  }
0x5e0: {  	[tilespmem:s20], [sflag:$0x1] =	stream.linear.gather [hbm4b:s17+s4], $0x40, $0x38;
	[tilespmem:$0x18F80] =	vst v63  }
0x5e1: {  	s17 =	sadd.s32 $0x20, s16;
	s20 =	sadd.s32 $0xCE00, s21  }
0x5e2: {  	[tilespmem:s20], [sflag:$0x1] =	stream.linear.gather [hbm4b:s17+s4], $0x40, $0x38;
	[tilespmem:$0x18F80] =	vst v63  }
0x5e3: {  	s17 =	sadd.s32 $0x30, s16;
	s20 =	sadd.s32 $0xCE80, s21  }
0x5e4: {  	[tilespmem:s20], [sflag:$0x1] =	stream.linear.gather [hbm4b:s17+s4], $0x40, $0x38;
	[tilespmem:$0x18F80] =	vst v63  }
0x5e5: {  	s17 =	sadd.s32 $0x40, s16;
	s20 =	sadd.s32 $0xCF00, s21  }
0x5e6: {  	[tilespmem:s20], [sflag:$0x1] =	stream.linear.gather [hbm4b:s17+s4], $0x40, $0x38;
	[tilespmem:$0x18F80] =	vst v63  }
0x5e7: {  	s17 =	sadd.s32 $0x50, s16;
	s20 =	sadd.s32 $0xCF80, s21  }
0x5e8: {  	[tilespmem:s20], [sflag:$0x1] =	stream.linear.gather [hbm4b:s17+s4], $0x40, $0x38;
	[tilespmem:$0x18F80] =	vst v63  }
0x5e9: {  	s17 =	sadd.s32 $0x60, s16;
	s20 =	sadd.s32 $0xD000, s21  }
0x5ea: {  	[tilespmem:s20], [sflag:$0x1] =	stream.linear.gather [hbm4b:s17+s4], $0x40, $0x38;
	[tilespmem:$0x18F80] =	vst v63  }
0x5eb: {  	s16 =	sadd.s32 $0x70, s16;
	s20 =	sadd.s32 $0xD080, s21  }
0x5ec: {  	[tilespmem:s20], [sflag:$0x1] =	stream.linear.gather [hbm4b:s16+s4], $0x40, $0x38;
	[tilespmem:$0x18F80] =	vst v63  }
0x5ed: {  	s16 =	sadd.s32 $0x1E8500, s18;
	s20 =	sadd.s32 $0xD100, s21  }
0x5ee: {  	[tilespmem:s20], [sflag:$0x1] =	stream.linear.gather [hbm4b:s16+s4], $0x40, $0x38;
	[tilespmem:$0x18F80] =	vst v63  }
0x5ef: {  	s17 =	sadd.s32 $0x10, s16;
	s20 =	sadd.s32 $0xD180, s21  }
0x5f0: {  	[tilespmem:s20], [sflag:$0x1] =	stream.linear.gather [hbm4b:s17+s4], $0x40, $0x38;
	[tilespmem:$0x18F80] =	vst v63  }
0x5f1: {  	s17 =	sadd.s32 $0x20, s16;
	s20 =	sadd.s32 $0xD200, s21  }
0x5f2: {  	[tilespmem:s20], [sflag:$0x1] =	stream.linear.gather [hbm4b:s17+s4], $0x40, $0x38;
	[tilespmem:$0x18F80] =	vst v63  }
0x5f3: {  	s17 =	sadd.s32 $0x30, s16;
	s20 =	sadd.s32 $0xD280, s21  }
0x5f4: {  	[tilespmem:s20], [sflag:$0x1] =	stream.linear.gather [hbm4b:s17+s4], $0x40, $0x38;
	[tilespmem:$0x18F80] =	vst v63  }
0x5f5: {  	s17 =	sadd.s32 $0x40, s16;
	s20 =	sadd.s32 $0xD300, s21  }
0x5f6: {  	[tilespmem:s20], [sflag:$0x1] =	stream.linear.gather [hbm4b:s17+s4], $0x40, $0x38;
	[tilespmem:$0x18F80] =	vst v63  }
0x5f7: {  	s17 =	sadd.s32 $0x50, s16;
	s20 =	sadd.s32 $0xD380, s21  }
0x5f8: {  	[tilespmem:s20], [sflag:$0x1] =	stream.linear.gather [hbm4b:s17+s4], $0x40, $0x38;
	[tilespmem:$0x18F80] =	vst v63  }
0x5f9: {  	s17 =	sadd.s32 $0x60, s16;
	s20 =	sadd.s32 $0xD400, s21  }
0x5fa: {  	[tilespmem:s20], [sflag:$0x1] =	stream.linear.gather [hbm4b:s17+s4], $0x40, $0x38;
	[tilespmem:$0x18F80] =	vst v63  }
0x5fb: {  	s16 =	sadd.s32 $0x70, s16;
	s20 =	sadd.s32 $0xD480, s21  }
0x5fc: {  	[tilespmem:s20], [sflag:$0x1] =	stream.linear.gather [hbm4b:s16+s4], $0x40, $0x38;
	[tilespmem:$0x18F80] =	vst v63  }
0x5fd: {  	s16 =	sadd.s32 $0x2DC780, s18;
	s20 =	sadd.s32 $0xD500, s21  }
0x5fe: {  	[tilespmem:s20], [sflag:$0x1] =	stream.linear.gather [hbm4b:s16+s4], $0x40, $0x38;
	[tilespmem:$0x18F80] =	vst v63  }
0x5ff: {  	s18 =	sadd.s32 $0x10, s16;
	s20 =	sadd.s32 $0xD580, s21  }
0x600: {  	[tilespmem:s20], [sflag:$0x1] =	stream.linear.gather [hbm4b:s18+s4], $0x40, $0x38;
	[tilespmem:$0x18F80] =	vst v63  }
0x601: {  	s18 =	sadd.s32 $0x20, s16;
	s20 =	sadd.s32 $0xD600, s21  }
0x602: {  	[tilespmem:s20], [sflag:$0x1] =	stream.linear.gather [hbm4b:s18+s4], $0x40, $0x38;
	[tilespmem:$0x18F80] =	vst v63  }
0x603: {  	s18 =	sadd.s32 $0x30, s16;
	s20 =	sadd.s32 $0xD680, s21  }
0x604: {  	[tilespmem:s20], [sflag:$0x1] =	stream.linear.gather [hbm4b:s18+s4], $0x40, $0x38;
	[tilespmem:$0x18F80] =	vst v63  }
0x605: {  	s18 =	sadd.s32 $0x40, s16;
	s20 =	sadd.s32 $0xD700, s21  }
0x606: {  	[tilespmem:s20], [sflag:$0x1] =	stream.linear.gather [hbm4b:s18+s4], $0x40, $0x38;
	[tilespmem:$0x18F80] =	vst v63  }
0x607: {  	s18 =	sadd.s32 $0x50, s16;
	s20 =	sadd.s32 $0xD780, s21  }
0x608: {  	[tilespmem:s20], [sflag:$0x1] =	stream.linear.gather [hbm4b:s18+s4], $0x40, $0x38;
	[tilespmem:$0x18F80] =	vst v63  }
.Ltmp38:
0x609: {  	_ = 	snop;
	(pc) =	sbr.rel .LBB2_57-.Ltmp38, $4  }
0x60a: {  	s18 =	sadd.s32 $0x60, s16;
	s20 =	sadd.s32 $0xD800, s21  }
0x60b: {  	[tilespmem:s20], [sflag:$0x1] =	stream.linear.gather [hbm4b:s18+s4], $0x40, $0x38;
	[tilespmem:$0x18F80] =	vst v63  }
0x60c: {  	s16 =	sadd.s32 $0x70, s16;
	s20 =	sadd.s32 $0xD880, s21  }
0x60d: {  	[tilespmem:s20], [sflag:$0x1] =	stream.linear.gather [hbm4b:s16+s4], $0x40, $0x38;
	[tilespmem:$0x18F80] =	vst v63  }
.LBB2_56:
0x60e: {  	s16 =	sand.u32 $0xFFFFF80, s18  }
0x60f: {  	s16 =	sadd.s32 s3, s16  }
0x610: {  	[tilespmem:s17], [sflag:$0x1] =	stream.strided.gather [hbm4b:s16+s0], $0x1000, s12, s0, $0x38;
	[tilespmem:$0x18F80] =	vst v63  }
.LBB2_57:
0x611: {  	(v2sf) =	vpush v34, $0x1;
	_ =	sdelay $0xe  }
0x612: {  	s18 =	spop (v2sf)  }
0x613: {  	s16 =	sand.u32 $0x40, s18  }
0x614: {  	p0 =	sne.s32 s16, $0x0  }
.Ltmp39:
0x615: {  	_ = 	snop;
	(pc) =	sbr.rel @p0 .LBB2_59-.Ltmp39, $2  }
0x616: {  	_ =	sdelay $0x2  }
0x617: {  	s17 =	sor.u32 $0x1900, s21  }
0x618: {  	s16 =	sand.u32 $0x1FFFFF80, s18  }
0x619: {  	s18 =	sadd.s32 s1, s16  }
0x61a: {  	[tilespmem:s17], [sflag:$0x1] =	stream.linear.gather [hbm4b:s18+s4], $0x40, $0x38;
	[tilespmem:$0x18F80] =	vst v63  }
0x61b: {  	s20 =	sor.u32 $0x1980, s21;
	s16 =	sadd.s32 $0x10, s18  }
0x61c: {  	[tilespmem:s20], [sflag:$0x1] =	stream.linear.gather [hbm4b:s16+s4], $0x40, $0x38;
	[tilespmem:$0x18F80] =	vst v63  }
0x61d: {  	s17 =	sadd.s32 $0x20, s18;
	s20 =	sor.u32 $0x1A00, s21  }
0x61e: {  	[tilespmem:s20], [sflag:$0x1] =	stream.linear.gather [hbm4b:s17+s4], $0x40, $0x38;
	[tilespmem:$0x18F80] =	vst v63  }
0x61f: {  	s17 =	sadd.s32 $0x30, s18;
	s20 =	sor.u32 $0x1A80, s21  }
0x620: {  	[tilespmem:s20], [sflag:$0x1] =	stream.linear.gather [hbm4b:s17+s4], $0x40, $0x38;
	[tilespmem:$0x18F80] =	vst v63  }
0x621: {  	s17 =	sadd.s32 $0x40, s18;
	s20 =	sor.u32 $0x1B00, s21  }
0x622: {  	[tilespmem:s20], [sflag:$0x1] =	stream.linear.gather [hbm4b:s17+s4], $0x40, $0x38;
	[tilespmem:$0x18F80] =	vst v63  }
0x623: {  	s17 =	sadd.s32 $0x50, s18;
	s20 =	sor.u32 $0x1B80, s21  }
0x624: {  	[tilespmem:s20], [sflag:$0x1] =	stream.linear.gather [hbm4b:s17+s4], $0x40, $0x38;
	[tilespmem:$0x18F80] =	vst v63  }
0x625: {  	s17 =	sadd.s32 $0x60, s18;
	s20 =	sor.u32 $0x1C00, s21  }
0x626: {  	[tilespmem:s20], [sflag:$0x1] =	stream.linear.gather [hbm4b:s17+s4], $0x40, $0x38;
	[tilespmem:$0x18F80] =	vst v63  }
0x627: {  	s17 =	sadd.s32 $0x70, s18;
	s20 =	sor.u32 $0x1C80, s21  }
0x628: {  	[tilespmem:s20], [sflag:$0x1] =	stream.linear.gather [hbm4b:s17+s4], $0x40, $0x38;
	[tilespmem:$0x18F80] =	vst v63  }
0x629: {  	s16 =	sadd.s32 $0xF4280, s18;
	s20 =	sor.u32 $0x1D00, s21  }
0x62a: {  	[tilespmem:s20], [sflag:$0x1] =	stream.linear.gather [hbm4b:s16+s4], $0x40, $0x38;
	[tilespmem:$0x18F80] =	vst v63  }
0x62b: {  	s17 =	sadd.s32 $0x10, s16;
	s20 =	sor.u32 $0x1D80, s21  }
0x62c: {  	[tilespmem:s20], [sflag:$0x1] =	stream.linear.gather [hbm4b:s17+s4], $0x40, $0x38;
	[tilespmem:$0x18F80] =	vst v63  }
0x62d: {  	s17 =	sadd.s32 $0x20, s16;
	s20 =	sor.u32 $0x1E00, s21  }
0x62e: {  	[tilespmem:s20], [sflag:$0x1] =	stream.linear.gather [hbm4b:s17+s4], $0x40, $0x38;
	[tilespmem:$0x18F80] =	vst v63  }
0x62f: {  	s17 =	sadd.s32 $0x30, s16;
	s20 =	sor.u32 $0x1E80, s21  }
0x630: {  	[tilespmem:s20], [sflag:$0x1] =	stream.linear.gather [hbm4b:s17+s4], $0x40, $0x38;
	[tilespmem:$0x18F80] =	vst v63  }
0x631: {  	s17 =	sadd.s32 $0x40, s16;
	s20 =	sor.u32 $0x1F00, s21  }
0x632: {  	[tilespmem:s20], [sflag:$0x1] =	stream.linear.gather [hbm4b:s17+s4], $0x40, $0x38;
	[tilespmem:$0x18F80] =	vst v63  }
0x633: {  	s17 =	sadd.s32 $0x50, s16;
	s20 =	sor.u32 $0x1F80, s21  }
0x634: {  	[tilespmem:s20], [sflag:$0x1] =	stream.linear.gather [hbm4b:s17+s4], $0x40, $0x38;
	[tilespmem:$0x18F80] =	vst v63  }
0x635: {  	s17 =	sadd.s32 $0x60, s16;
	s20 =	sor.u32 $0x2000, s21  }
0x636: {  	[tilespmem:s20], [sflag:$0x1] =	stream.linear.gather [hbm4b:s17+s4], $0x40, $0x38;
	[tilespmem:$0x18F80] =	vst v63  }
0x637: {  	s16 =	sadd.s32 $0x70, s16;
	s20 =	sor.u32 $0x2080, s21  }
0x638: {  	[tilespmem:s20], [sflag:$0x1] =	stream.linear.gather [hbm4b:s16+s4], $0x40, $0x38;
	[tilespmem:$0x18F80] =	vst v63  }
0x639: {  	s16 =	sadd.s32 $0x1E8500, s18;
	s20 =	sor.u32 $0x2100, s21  }
0x63a: {  	[tilespmem:s20], [sflag:$0x1] =	stream.linear.gather [hbm4b:s16+s4], $0x40, $0x38;
	[tilespmem:$0x18F80] =	vst v63  }
0x63b: {  	s17 =	sadd.s32 $0x10, s16;
	s20 =	sor.u32 $0x2180, s21  }
0x63c: {  	[tilespmem:s20], [sflag:$0x1] =	stream.linear.gather [hbm4b:s17+s4], $0x40, $0x38;
	[tilespmem:$0x18F80] =	vst v63  }
0x63d: {  	s17 =	sadd.s32 $0x20, s16;
	s20 =	sor.u32 $0x2200, s21  }
0x63e: {  	[tilespmem:s20], [sflag:$0x1] =	stream.linear.gather [hbm4b:s17+s4], $0x40, $0x38;
	[tilespmem:$0x18F80] =	vst v63  }
0x63f: {  	s17 =	sadd.s32 $0x30, s16;
	s20 =	sor.u32 $0x2280, s21  }
0x640: {  	[tilespmem:s20], [sflag:$0x1] =	stream.linear.gather [hbm4b:s17+s4], $0x40, $0x38;
	[tilespmem:$0x18F80] =	vst v63  }
0x641: {  	s17 =	sadd.s32 $0x40, s16;
	s20 =	sor.u32 $0x2300, s21  }
0x642: {  	[tilespmem:s20], [sflag:$0x1] =	stream.linear.gather [hbm4b:s17+s4], $0x40, $0x38;
	[tilespmem:$0x18F80] =	vst v63  }
0x643: {  	s17 =	sadd.s32 $0x50, s16;
	s20 =	sor.u32 $0x2380, s21  }
0x644: {  	[tilespmem:s20], [sflag:$0x1] =	stream.linear.gather [hbm4b:s17+s4], $0x40, $0x38;
	[tilespmem:$0x18F80] =	vst v63  }
0x645: {  	s17 =	sadd.s32 $0x60, s16;
	s20 =	sor.u32 $0x2400, s21  }
0x646: {  	[tilespmem:s20], [sflag:$0x1] =	stream.linear.gather [hbm4b:s17+s4], $0x40, $0x38;
	[tilespmem:$0x18F80] =	vst v63  }
0x647: {  	s16 =	sadd.s32 $0x70, s16;
	s20 =	sor.u32 $0x2480, s21  }
0x648: {  	[tilespmem:s20], [sflag:$0x1] =	stream.linear.gather [hbm4b:s16+s4], $0x40, $0x38;
	[tilespmem:$0x18F80] =	vst v63  }
0x649: {  	s16 =	sadd.s32 $0x2DC780, s18;
	s20 =	sor.u32 $0x2500, s21  }
0x64a: {  	[tilespmem:s20], [sflag:$0x1] =	stream.linear.gather [hbm4b:s16+s4], $0x40, $0x38;
	[tilespmem:$0x18F80] =	vst v63  }
0x64b: {  	s18 =	sadd.s32 $0x10, s16;
	s20 =	sor.u32 $0x2580, s21  }
0x64c: {  	[tilespmem:s20], [sflag:$0x1] =	stream.linear.gather [hbm4b:s18+s4], $0x40, $0x38;
	[tilespmem:$0x18F80] =	vst v63  }
0x64d: {  	s18 =	sadd.s32 $0x20, s16;
	s20 =	sor.u32 $0x2600, s21  }
0x64e: {  	[tilespmem:s20], [sflag:$0x1] =	stream.linear.gather [hbm4b:s18+s4], $0x40, $0x38;
	[tilespmem:$0x18F80] =	vst v63  }
0x64f: {  	s18 =	sadd.s32 $0x30, s16;
	s20 =	sor.u32 $0x2680, s21  }
0x650: {  	[tilespmem:s20], [sflag:$0x1] =	stream.linear.gather [hbm4b:s18+s4], $0x40, $0x38;
	[tilespmem:$0x18F80] =	vst v63  }
0x651: {  	s18 =	sadd.s32 $0x40, s16;
	s20 =	sor.u32 $0x2700, s21  }
0x652: {  	[tilespmem:s20], [sflag:$0x1] =	stream.linear.gather [hbm4b:s18+s4], $0x40, $0x38;
	[tilespmem:$0x18F80] =	vst v63  }
0x653: {  	s18 =	sadd.s32 $0x50, s16;
	s20 =	sor.u32 $0x2780, s21  }
0x654: {  	[tilespmem:s20], [sflag:$0x1] =	stream.linear.gather [hbm4b:s18+s4], $0x40, $0x38;
	[tilespmem:$0x18F80] =	vst v63  }
.Ltmp40:
0x655: {  	_ = 	snop;
	(pc) =	sbr.rel .LBB2_60-.Ltmp40, $4  }
0x656: {  	s18 =	sadd.s32 $0x60, s16;
	s20 =	sor.u32 $0x2800, s21  }
0x657: {  	[tilespmem:s20], [sflag:$0x1] =	stream.linear.gather [hbm4b:s18+s4], $0x40, $0x38;
	[tilespmem:$0x18F80] =	vst v63  }
0x658: {  	s16 =	sadd.s32 $0x70, s16;
	s20 =	sor.u32 $0x2880, s21  }
0x659: {  	[tilespmem:s20], [sflag:$0x1] =	stream.linear.gather [hbm4b:s16+s4], $0x40, $0x38;
	[tilespmem:$0x18F80] =	vst v63  }
.LBB2_59:
0x65a: {  	s16 =	sand.u32 $0xFFFFF80, s18  }
0x65b: {  	s16 =	sadd.s32 s1, s16  }
0x65c: {  	[tilespmem:s17], [sflag:$0x1] =	stream.strided.gather [hbm4b:s16+s0], $0x1000, s12, s0, $0x38;
	[tilespmem:$0x18F80] =	vst v63  }
.LBB2_60:
0x65d: {  	(v2sf) =	vpush v33, $0x1;
	_ =	sdelay $0xe  }
0x65e: {  	s18 =	spop (v2sf)  }
0x65f: {  	s16 =	sand.u32 $0x40, s18  }
0x660: {  	p0 =	sne.s32 s16, $0x0  }
.Ltmp41:
0x661: {  	_ = 	snop;
	(pc) =	sbr.rel @p0 .LBB2_62-.Ltmp41, $2  }
0x662: {  	_ =	sdelay $0x2  }
0x663: {  	s17 =	sadd.s32 $0xD900, s21  }
0x664: {  	s16 =	sand.u32 $0x1FFFFF80, s18  }
0x665: {  	s18 =	sadd.s32 s3, s16  }
0x666: {  	[tilespmem:s17], [sflag:$0x1] =	stream.linear.gather [hbm4b:s18+s4], $0x40, $0x38;
	[tilespmem:$0x18F80] =	vst v63  }
0x667: {  	s20 =	sadd.s32 $0xD980, s21;
	s16 =	sadd.s32 $0x10, s18  }
0x668: {  	[tilespmem:s20], [sflag:$0x1] =	stream.linear.gather [hbm4b:s16+s4], $0x40, $0x38;
	[tilespmem:$0x18F80] =	vst v63  }
0x669: {  	s17 =	sadd.s32 $0x20, s18;
	s20 =	sadd.s32 $0xDA00, s21  }
0x66a: {  	[tilespmem:s20], [sflag:$0x1] =	stream.linear.gather [hbm4b:s17+s4], $0x40, $0x38;
	[tilespmem:$0x18F80] =	vst v63  }
0x66b: {  	s17 =	sadd.s32 $0x30, s18;
	s20 =	sadd.s32 $0xDA80, s21  }
0x66c: {  	[tilespmem:s20], [sflag:$0x1] =	stream.linear.gather [hbm4b:s17+s4], $0x40, $0x38;
	[tilespmem:$0x18F80] =	vst v63  }
0x66d: {  	s17 =	sadd.s32 $0x40, s18;
	s20 =	sadd.s32 $0xDB00, s21  }
0x66e: {  	[tilespmem:s20], [sflag:$0x1] =	stream.linear.gather [hbm4b:s17+s4], $0x40, $0x38;
	[tilespmem:$0x18F80] =	vst v63  }
0x66f: {  	s17 =	sadd.s32 $0x50, s18;
	s20 =	sadd.s32 $0xDB80, s21  }
0x670: {  	[tilespmem:s20], [sflag:$0x1] =	stream.linear.gather [hbm4b:s17+s4], $0x40, $0x38;
	[tilespmem:$0x18F80] =	vst v63  }
0x671: {  	s17 =	sadd.s32 $0x60, s18;
	s20 =	sadd.s32 $0xDC00, s21  }
0x672: {  	[tilespmem:s20], [sflag:$0x1] =	stream.linear.gather [hbm4b:s17+s4], $0x40, $0x38;
	[tilespmem:$0x18F80] =	vst v63  }
0x673: {  	s17 =	sadd.s32 $0x70, s18;
	s20 =	sadd.s32 $0xDC80, s21  }
0x674: {  	[tilespmem:s20], [sflag:$0x1] =	stream.linear.gather [hbm4b:s17+s4], $0x40, $0x38;
	[tilespmem:$0x18F80] =	vst v63  }
0x675: {  	s16 =	sadd.s32 $0xF4280, s18;
	s20 =	sadd.s32 $0xDD00, s21  }
0x676: {  	[tilespmem:s20], [sflag:$0x1] =	stream.linear.gather [hbm4b:s16+s4], $0x40, $0x38;
	[tilespmem:$0x18F80] =	vst v63  }
0x677: {  	s17 =	sadd.s32 $0x10, s16;
	s20 =	sadd.s32 $0xDD80, s21  }
0x678: {  	[tilespmem:s20], [sflag:$0x1] =	stream.linear.gather [hbm4b:s17+s4], $0x40, $0x38;
	[tilespmem:$0x18F80] =	vst v63  }
0x679: {  	s17 =	sadd.s32 $0x20, s16;
	s20 =	sadd.s32 $0xDE00, s21  }
0x67a: {  	[tilespmem:s20], [sflag:$0x1] =	stream.linear.gather [hbm4b:s17+s4], $0x40, $0x38;
	[tilespmem:$0x18F80] =	vst v63  }
0x67b: {  	s17 =	sadd.s32 $0x30, s16;
	s20 =	sadd.s32 $0xDE80, s21  }
0x67c: {  	[tilespmem:s20], [sflag:$0x1] =	stream.linear.gather [hbm4b:s17+s4], $0x40, $0x38;
	[tilespmem:$0x18F80] =	vst v63  }
0x67d: {  	s17 =	sadd.s32 $0x40, s16;
	s20 =	sadd.s32 $0xDF00, s21  }
0x67e: {  	[tilespmem:s20], [sflag:$0x1] =	stream.linear.gather [hbm4b:s17+s4], $0x40, $0x38;
	[tilespmem:$0x18F80] =	vst v63  }
0x67f: {  	s17 =	sadd.s32 $0x50, s16;
	s20 =	sadd.s32 $0xDF80, s21  }
0x680: {  	[tilespmem:s20], [sflag:$0x1] =	stream.linear.gather [hbm4b:s17+s4], $0x40, $0x38;
	[tilespmem:$0x18F80] =	vst v63  }
0x681: {  	s17 =	sadd.s32 $0x60, s16;
	s20 =	sadd.s32 $0xE000, s21  }
0x682: {  	[tilespmem:s20], [sflag:$0x1] =	stream.linear.gather [hbm4b:s17+s4], $0x40, $0x38;
	[tilespmem:$0x18F80] =	vst v63  }
0x683: {  	s16 =	sadd.s32 $0x70, s16;
	s20 =	sadd.s32 $0xE080, s21  }
0x684: {  	[tilespmem:s20], [sflag:$0x1] =	stream.linear.gather [hbm4b:s16+s4], $0x40, $0x38;
	[tilespmem:$0x18F80] =	vst v63  }
0x685: {  	s16 =	sadd.s32 $0x1E8500, s18;
	s20 =	sadd.s32 $0xE100, s21  }
0x686: {  	[tilespmem:s20], [sflag:$0x1] =	stream.linear.gather [hbm4b:s16+s4], $0x40, $0x38;
	[tilespmem:$0x18F80] =	vst v63  }
0x687: {  	s17 =	sadd.s32 $0x10, s16;
	s20 =	sadd.s32 $0xE180, s21  }
0x688: {  	[tilespmem:s20], [sflag:$0x1] =	stream.linear.gather [hbm4b:s17+s4], $0x40, $0x38;
	[tilespmem:$0x18F80] =	vst v63  }
0x689: {  	s17 =	sadd.s32 $0x20, s16;
	s20 =	sadd.s32 $0xE200, s21  }
0x68a: {  	[tilespmem:s20], [sflag:$0x1] =	stream.linear.gather [hbm4b:s17+s4], $0x40, $0x38;
	[tilespmem:$0x18F80] =	vst v63  }
0x68b: {  	s17 =	sadd.s32 $0x30, s16;
	s20 =	sadd.s32 $0xE280, s21  }
0x68c: {  	[tilespmem:s20], [sflag:$0x1] =	stream.linear.gather [hbm4b:s17+s4], $0x40, $0x38;
	[tilespmem:$0x18F80] =	vst v63  }
0x68d: {  	s17 =	sadd.s32 $0x40, s16;
	s20 =	sadd.s32 $0xE300, s21  }
0x68e: {  	[tilespmem:s20], [sflag:$0x1] =	stream.linear.gather [hbm4b:s17+s4], $0x40, $0x38;
	[tilespmem:$0x18F80] =	vst v63  }
0x68f: {  	s17 =	sadd.s32 $0x50, s16;
	s20 =	sadd.s32 $0xE380, s21  }
0x690: {  	[tilespmem:s20], [sflag:$0x1] =	stream.linear.gather [hbm4b:s17+s4], $0x40, $0x38;
	[tilespmem:$0x18F80] =	vst v63  }
0x691: {  	s17 =	sadd.s32 $0x60, s16;
	s20 =	sadd.s32 $0xE400, s21  }
0x692: {  	[tilespmem:s20], [sflag:$0x1] =	stream.linear.gather [hbm4b:s17+s4], $0x40, $0x38;
	[tilespmem:$0x18F80] =	vst v63  }
0x693: {  	s16 =	sadd.s32 $0x70, s16;
	s20 =	sadd.s32 $0xE480, s21  }
0x694: {  	[tilespmem:s20], [sflag:$0x1] =	stream.linear.gather [hbm4b:s16+s4], $0x40, $0x38;
	[tilespmem:$0x18F80] =	vst v63  }
0x695: {  	s16 =	sadd.s32 $0x2DC780, s18;
	s20 =	sadd.s32 $0xE500, s21  }
0x696: {  	[tilespmem:s20], [sflag:$0x1] =	stream.linear.gather [hbm4b:s16+s4], $0x40, $0x38;
	[tilespmem:$0x18F80] =	vst v63  }
0x697: {  	s18 =	sadd.s32 $0x10, s16;
	s20 =	sadd.s32 $0xE580, s21  }
0x698: {  	[tilespmem:s20], [sflag:$0x1] =	stream.linear.gather [hbm4b:s18+s4], $0x40, $0x38;
	[tilespmem:$0x18F80] =	vst v63  }
0x699: {  	s18 =	sadd.s32 $0x20, s16;
	s20 =	sadd.s32 $0xE600, s21  }
0x69a: {  	[tilespmem:s20], [sflag:$0x1] =	stream.linear.gather [hbm4b:s18+s4], $0x40, $0x38;
	[tilespmem:$0x18F80] =	vst v63  }
0x69b: {  	s18 =	sadd.s32 $0x30, s16;
	s20 =	sadd.s32 $0xE680, s21  }
0x69c: {  	[tilespmem:s20], [sflag:$0x1] =	stream.linear.gather [hbm4b:s18+s4], $0x40, $0x38;
	[tilespmem:$0x18F80] =	vst v63  }
0x69d: {  	s18 =	sadd.s32 $0x40, s16;
	s20 =	sadd.s32 $0xE700, s21  }
0x69e: {  	[tilespmem:s20], [sflag:$0x1] =	stream.linear.gather [hbm4b:s18+s4], $0x40, $0x38;
	[tilespmem:$0x18F80] =	vst v63  }
0x69f: {  	s18 =	sadd.s32 $0x50, s16;
	s20 =	sadd.s32 $0xE780, s21  }
0x6a0: {  	[tilespmem:s20], [sflag:$0x1] =	stream.linear.gather [hbm4b:s18+s4], $0x40, $0x38;
	[tilespmem:$0x18F80] =	vst v63  }
.Ltmp42:
0x6a1: {  	_ = 	snop;
	(pc) =	sbr.rel .LBB2_63-.Ltmp42, $4  }
0x6a2: {  	s18 =	sadd.s32 $0x60, s16;
	s20 =	sadd.s32 $0xE800, s21  }
0x6a3: {  	[tilespmem:s20], [sflag:$0x1] =	stream.linear.gather [hbm4b:s18+s4], $0x40, $0x38;
	[tilespmem:$0x18F80] =	vst v63  }
0x6a4: {  	s16 =	sadd.s32 $0x70, s16;
	s20 =	sadd.s32 $0xE880, s21  }
0x6a5: {  	[tilespmem:s20], [sflag:$0x1] =	stream.linear.gather [hbm4b:s16+s4], $0x40, $0x38;
	[tilespmem:$0x18F80] =	vst v63  }
.LBB2_62:
0x6a6: {  	s16 =	sand.u32 $0xFFFFF80, s18  }
0x6a7: {  	s16 =	sadd.s32 s3, s16  }
0x6a8: {  	[tilespmem:s17], [sflag:$0x1] =	stream.strided.gather [hbm4b:s16+s0], $0x1000, s12, s0, $0x38;
	[tilespmem:$0x18F80] =	vst v63  }
.LBB2_63:
0x6a9: {  	(v2sf) =	vpush v34, $0x2;
	_ =	sdelay $0xe  }
0x6aa: {  	s18 =	spop (v2sf)  }
0x6ab: {  	s16 =	sand.u32 $0x40, s18  }
0x6ac: {  	p0 =	sne.s32 s16, $0x0  }
.Ltmp43:
0x6ad: {  	_ = 	snop;
	(pc) =	sbr.rel @p0 .LBB2_65-.Ltmp43, $2  }
0x6ae: {  	_ =	sdelay $0x2  }
0x6af: {  	s17 =	sor.u32 $0x2900, s21  }
0x6b0: {  	s16 =	sand.u32 $0x1FFFFF80, s18  }
0x6b1: {  	s18 =	sadd.s32 s1, s16  }
0x6b2: {  	[tilespmem:s17], [sflag:$0x1] =	stream.linear.gather [hbm4b:s18+s4], $0x40, $0x38;
	[tilespmem:$0x18F80] =	vst v63  }
0x6b3: {  	s20 =	sor.u32 $0x2980, s21;
	s16 =	sadd.s32 $0x10, s18  }
0x6b4: {  	[tilespmem:s20], [sflag:$0x1] =	stream.linear.gather [hbm4b:s16+s4], $0x40, $0x38;
	[tilespmem:$0x18F80] =	vst v63  }
0x6b5: {  	s17 =	sadd.s32 $0x20, s18;
	s20 =	sor.u32 $0x2A00, s21  }
0x6b6: {  	[tilespmem:s20], [sflag:$0x1] =	stream.linear.gather [hbm4b:s17+s4], $0x40, $0x38;
	[tilespmem:$0x18F80] =	vst v63  }
0x6b7: {  	s17 =	sadd.s32 $0x30, s18;
	s20 =	sor.u32 $0x2A80, s21  }
0x6b8: {  	[tilespmem:s20], [sflag:$0x1] =	stream.linear.gather [hbm4b:s17+s4], $0x40, $0x38;
	[tilespmem:$0x18F80] =	vst v63  }
0x6b9: {  	s17 =	sadd.s32 $0x40, s18;
	s20 =	sor.u32 $0x2B00, s21  }
0x6ba: {  	[tilespmem:s20], [sflag:$0x1] =	stream.linear.gather [hbm4b:s17+s4], $0x40, $0x38;
	[tilespmem:$0x18F80] =	vst v63  }
0x6bb: {  	s17 =	sadd.s32 $0x50, s18;
	s20 =	sor.u32 $0x2B80, s21  }
0x6bc: {  	[tilespmem:s20], [sflag:$0x1] =	stream.linear.gather [hbm4b:s17+s4], $0x40, $0x38;
	[tilespmem:$0x18F80] =	vst v63  }
0x6bd: {  	s17 =	sadd.s32 $0x60, s18;
	s20 =	sor.u32 $0x2C00, s21  }
0x6be: {  	[tilespmem:s20], [sflag:$0x1] =	stream.linear.gather [hbm4b:s17+s4], $0x40, $0x38;
	[tilespmem:$0x18F80] =	vst v63  }
0x6bf: {  	s17 =	sadd.s32 $0x70, s18;
	s20 =	sor.u32 $0x2C80, s21  }
0x6c0: {  	[tilespmem:s20], [sflag:$0x1] =	stream.linear.gather [hbm4b:s17+s4], $0x40, $0x38;
	[tilespmem:$0x18F80] =	vst v63  }
0x6c1: {  	s16 =	sadd.s32 $0xF4280, s18;
	s20 =	sor.u32 $0x2D00, s21  }
0x6c2: {  	[tilespmem:s20], [sflag:$0x1] =	stream.linear.gather [hbm4b:s16+s4], $0x40, $0x38;
	[tilespmem:$0x18F80] =	vst v63  }
0x6c3: {  	s17 =	sadd.s32 $0x10, s16;
	s20 =	sor.u32 $0x2D80, s21  }
0x6c4: {  	[tilespmem:s20], [sflag:$0x1] =	stream.linear.gather [hbm4b:s17+s4], $0x40, $0x38;
	[tilespmem:$0x18F80] =	vst v63  }
0x6c5: {  	s17 =	sadd.s32 $0x20, s16;
	s20 =	sor.u32 $0x2E00, s21  }
0x6c6: {  	[tilespmem:s20], [sflag:$0x1] =	stream.linear.gather [hbm4b:s17+s4], $0x40, $0x38;
	[tilespmem:$0x18F80] =	vst v63  }
0x6c7: {  	s17 =	sadd.s32 $0x30, s16;
	s20 =	sor.u32 $0x2E80, s21  }
0x6c8: {  	[tilespmem:s20], [sflag:$0x1] =	stream.linear.gather [hbm4b:s17+s4], $0x40, $0x38;
	[tilespmem:$0x18F80] =	vst v63  }
0x6c9: {  	s17 =	sadd.s32 $0x40, s16;
	s20 =	sor.u32 $0x2F00, s21  }
0x6ca: {  	[tilespmem:s20], [sflag:$0x1] =	stream.linear.gather [hbm4b:s17+s4], $0x40, $0x38;
	[tilespmem:$0x18F80] =	vst v63  }
0x6cb: {  	s17 =	sadd.s32 $0x50, s16;
	s20 =	sor.u32 $0x2F80, s21  }
0x6cc: {  	[tilespmem:s20], [sflag:$0x1] =	stream.linear.gather [hbm4b:s17+s4], $0x40, $0x38;
	[tilespmem:$0x18F80] =	vst v63  }
0x6cd: {  	s17 =	sadd.s32 $0x60, s16;
	s20 =	sor.u32 $0x3000, s21  }
0x6ce: {  	[tilespmem:s20], [sflag:$0x1] =	stream.linear.gather [hbm4b:s17+s4], $0x40, $0x38;
	[tilespmem:$0x18F80] =	vst v63  }
0x6cf: {  	s16 =	sadd.s32 $0x70, s16;
	s20 =	sor.u32 $0x3080, s21  }
0x6d0: {  	[tilespmem:s20], [sflag:$0x1] =	stream.linear.gather [hbm4b:s16+s4], $0x40, $0x38;
	[tilespmem:$0x18F80] =	vst v63  }
0x6d1: {  	s16 =	sadd.s32 $0x1E8500, s18;
	s20 =	sor.u32 $0x3100, s21  }
0x6d2: {  	[tilespmem:s20], [sflag:$0x1] =	stream.linear.gather [hbm4b:s16+s4], $0x40, $0x38;
	[tilespmem:$0x18F80] =	vst v63  }
0x6d3: {  	s17 =	sadd.s32 $0x10, s16;
	s20 =	sor.u32 $0x3180, s21  }
0x6d4: {  	[tilespmem:s20], [sflag:$0x1] =	stream.linear.gather [hbm4b:s17+s4], $0x40, $0x38;
	[tilespmem:$0x18F80] =	vst v63  }
0x6d5: {  	s17 =	sadd.s32 $0x20, s16;
	s20 =	sor.u32 $0x3200, s21  }
0x6d6: {  	[tilespmem:s20], [sflag:$0x1] =	stream.linear.gather [hbm4b:s17+s4], $0x40, $0x38;
	[tilespmem:$0x18F80] =	vst v63  }
0x6d7: {  	s17 =	sadd.s32 $0x30, s16;
	s20 =	sor.u32 $0x3280, s21  }
0x6d8: {  	[tilespmem:s20], [sflag:$0x1] =	stream.linear.gather [hbm4b:s17+s4], $0x40, $0x38;
	[tilespmem:$0x18F80] =	vst v63  }
0x6d9: {  	s17 =	sadd.s32 $0x40, s16;
	s20 =	sor.u32 $0x3300, s21  }
0x6da: {  	[tilespmem:s20], [sflag:$0x1] =	stream.linear.gather [hbm4b:s17+s4], $0x40, $0x38;
	[tilespmem:$0x18F80] =	vst v63  }
0x6db: {  	s17 =	sadd.s32 $0x50, s16;
	s20 =	sor.u32 $0x3380, s21  }
0x6dc: {  	[tilespmem:s20], [sflag:$0x1] =	stream.linear.gather [hbm4b:s17+s4], $0x40, $0x38;
	[tilespmem:$0x18F80] =	vst v63  }
0x6dd: {  	s17 =	sadd.s32 $0x60, s16;
	s20 =	sor.u32 $0x3400, s21  }
0x6de: {  	[tilespmem:s20], [sflag:$0x1] =	stream.linear.gather [hbm4b:s17+s4], $0x40, $0x38;
	[tilespmem:$0x18F80] =	vst v63  }
0x6df: {  	s16 =	sadd.s32 $0x70, s16;
	s20 =	sor.u32 $0x3480, s21  }
0x6e0: {  	[tilespmem:s20], [sflag:$0x1] =	stream.linear.gather [hbm4b:s16+s4], $0x40, $0x38;
	[tilespmem:$0x18F80] =	vst v63  }
0x6e1: {  	s16 =	sadd.s32 $0x2DC780, s18;
	s20 =	sor.u32 $0x3500, s21  }
0x6e2: {  	[tilespmem:s20], [sflag:$0x1] =	stream.linear.gather [hbm4b:s16+s4], $0x40, $0x38;
	[tilespmem:$0x18F80] =	vst v63  }
0x6e3: {  	s18 =	sadd.s32 $0x10, s16;
	s20 =	sor.u32 $0x3580, s21  }
0x6e4: {  	[tilespmem:s20], [sflag:$0x1] =	stream.linear.gather [hbm4b:s18+s4], $0x40, $0x38;
	[tilespmem:$0x18F80] =	vst v63  }
0x6e5: {  	s18 =	sadd.s32 $0x20, s16;
	s20 =	sor.u32 $0x3600, s21  }
0x6e6: {  	[tilespmem:s20], [sflag:$0x1] =	stream.linear.gather [hbm4b:s18+s4], $0x40, $0x38;
	[tilespmem:$0x18F80] =	vst v63  }
0x6e7: {  	s18 =	sadd.s32 $0x30, s16;
	s20 =	sor.u32 $0x3680, s21  }
0x6e8: {  	[tilespmem:s20], [sflag:$0x1] =	stream.linear.gather [hbm4b:s18+s4], $0x40, $0x38;
	[tilespmem:$0x18F80] =	vst v63  }
0x6e9: {  	s18 =	sadd.s32 $0x40, s16;
	s20 =	sor.u32 $0x3700, s21  }
0x6ea: {  	[tilespmem:s20], [sflag:$0x1] =	stream.linear.gather [hbm4b:s18+s4], $0x40, $0x38;
	[tilespmem:$0x18F80] =	vst v63  }
0x6eb: {  	s18 =	sadd.s32 $0x50, s16;
	s20 =	sor.u32 $0x3780, s21  }
0x6ec: {  	[tilespmem:s20], [sflag:$0x1] =	stream.linear.gather [hbm4b:s18+s4], $0x40, $0x38;
	[tilespmem:$0x18F80] =	vst v63  }
.Ltmp44:
0x6ed: {  	_ = 	snop;
	(pc) =	sbr.rel .LBB2_66-.Ltmp44, $4  }
0x6ee: {  	s18 =	sadd.s32 $0x60, s16;
	s20 =	sor.u32 $0x3800, s21  }
0x6ef: {  	[tilespmem:s20], [sflag:$0x1] =	stream.linear.gather [hbm4b:s18+s4], $0x40, $0x38;
	[tilespmem:$0x18F80] =	vst v63  }
0x6f0: {  	s16 =	sadd.s32 $0x70, s16;
	s20 =	sor.u32 $0x3880, s21  }
0x6f1: {  	[tilespmem:s20], [sflag:$0x1] =	stream.linear.gather [hbm4b:s16+s4], $0x40, $0x38;
	[tilespmem:$0x18F80] =	vst v63  }
.LBB2_65:
0x6f2: {  	s16 =	sand.u32 $0xFFFFF80, s18  }
0x6f3: {  	s16 =	sadd.s32 s1, s16  }
0x6f4: {  	[tilespmem:s17], [sflag:$0x1] =	stream.strided.gather [hbm4b:s16+s0], $0x1000, s12, s0, $0x38;
	[tilespmem:$0x18F80] =	vst v63  }
.LBB2_66:
0x6f5: {  	(v2sf) =	vpush v33, $0x2;
	_ =	sdelay $0xe  }
0x6f6: {  	s18 =	spop (v2sf)  }
0x6f7: {  	s16 =	sand.u32 $0x40, s18  }
0x6f8: {  	p0 =	sne.s32 s16, $0x0  }
.Ltmp45:
0x6f9: {  	_ = 	snop;
	(pc) =	sbr.rel @p0 .LBB2_68-.Ltmp45, $2  }
0x6fa: {  	_ =	sdelay $0x2  }
0x6fb: {  	s17 =	sadd.s32 $0xE900, s21  }
0x6fc: {  	s16 =	sand.u32 $0x1FFFFF80, s18  }
0x6fd: {  	s18 =	sadd.s32 s3, s16  }
0x6fe: {  	[tilespmem:s17], [sflag:$0x1] =	stream.linear.gather [hbm4b:s18+s4], $0x40, $0x38;
	[tilespmem:$0x18F80] =	vst v63  }
0x6ff: {  	s20 =	sadd.s32 $0xE980, s21;
	s16 =	sadd.s32 $0x10, s18  }
0x700: {  	[tilespmem:s20], [sflag:$0x1] =	stream.linear.gather [hbm4b:s16+s4], $0x40, $0x38;
	[tilespmem:$0x18F80] =	vst v63  }
0x701: {  	s17 =	sadd.s32 $0x20, s18;
	s20 =	sadd.s32 $0xEA00, s21  }
0x702: {  	[tilespmem:s20], [sflag:$0x1] =	stream.linear.gather [hbm4b:s17+s4], $0x40, $0x38;
	[tilespmem:$0x18F80] =	vst v63  }
0x703: {  	s17 =	sadd.s32 $0x30, s18;
	s20 =	sadd.s32 $0xEA80, s21  }
0x704: {  	[tilespmem:s20], [sflag:$0x1] =	stream.linear.gather [hbm4b:s17+s4], $0x40, $0x38;
	[tilespmem:$0x18F80] =	vst v63  }
0x705: {  	s17 =	sadd.s32 $0x40, s18;
	s20 =	sadd.s32 $0xEB00, s21  }
0x706: {  	[tilespmem:s20], [sflag:$0x1] =	stream.linear.gather [hbm4b:s17+s4], $0x40, $0x38;
	[tilespmem:$0x18F80] =	vst v63  }
0x707: {  	s17 =	sadd.s32 $0x50, s18;
	s20 =	sadd.s32 $0xEB80, s21  }
0x708: {  	[tilespmem:s20], [sflag:$0x1] =	stream.linear.gather [hbm4b:s17+s4], $0x40, $0x38;
	[tilespmem:$0x18F80] =	vst v63  }
0x709: {  	s17 =	sadd.s32 $0x60, s18;
	s20 =	sadd.s32 $0xEC00, s21  }
0x70a: {  	[tilespmem:s20], [sflag:$0x1] =	stream.linear.gather [hbm4b:s17+s4], $0x40, $0x38;
	[tilespmem:$0x18F80] =	vst v63  }
0x70b: {  	s17 =	sadd.s32 $0x70, s18;
	s20 =	sadd.s32 $0xEC80, s21  }
0x70c: {  	[tilespmem:s20], [sflag:$0x1] =	stream.linear.gather [hbm4b:s17+s4], $0x40, $0x38;
	[tilespmem:$0x18F80] =	vst v63  }
0x70d: {  	s16 =	sadd.s32 $0xF4280, s18;
	s20 =	sadd.s32 $0xED00, s21  }
0x70e: {  	[tilespmem:s20], [sflag:$0x1] =	stream.linear.gather [hbm4b:s16+s4], $0x40, $0x38;
	[tilespmem:$0x18F80] =	vst v63  }
0x70f: {  	s17 =	sadd.s32 $0x10, s16;
	s20 =	sadd.s32 $0xED80, s21  }
0x710: {  	[tilespmem:s20], [sflag:$0x1] =	stream.linear.gather [hbm4b:s17+s4], $0x40, $0x38;
	[tilespmem:$0x18F80] =	vst v63  }
0x711: {  	s17 =	sadd.s32 $0x20, s16;
	s20 =	sadd.s32 $0xEE00, s21  }
0x712: {  	[tilespmem:s20], [sflag:$0x1] =	stream.linear.gather [hbm4b:s17+s4], $0x40, $0x38;
	[tilespmem:$0x18F80] =	vst v63  }
0x713: {  	s17 =	sadd.s32 $0x30, s16;
	s20 =	sadd.s32 $0xEE80, s21  }
0x714: {  	[tilespmem:s20], [sflag:$0x1] =	stream.linear.gather [hbm4b:s17+s4], $0x40, $0x38;
	[tilespmem:$0x18F80] =	vst v63  }
0x715: {  	s17 =	sadd.s32 $0x40, s16;
	s20 =	sadd.s32 $0xEF00, s21  }
0x716: {  	[tilespmem:s20], [sflag:$0x1] =	stream.linear.gather [hbm4b:s17+s4], $0x40, $0x38;
	[tilespmem:$0x18F80] =	vst v63  }
0x717: {  	s17 =	sadd.s32 $0x50, s16;
	s20 =	sadd.s32 $0xEF80, s21  }
0x718: {  	[tilespmem:s20], [sflag:$0x1] =	stream.linear.gather [hbm4b:s17+s4], $0x40, $0x38;
	[tilespmem:$0x18F80] =	vst v63  }
0x719: {  	s17 =	sadd.s32 $0x60, s16;
	s20 =	sadd.s32 $0xF000, s21  }
0x71a: {  	[tilespmem:s20], [sflag:$0x1] =	stream.linear.gather [hbm4b:s17+s4], $0x40, $0x38;
	[tilespmem:$0x18F80] =	vst v63  }
0x71b: {  	s16 =	sadd.s32 $0x70, s16;
	s20 =	sadd.s32 $0xF080, s21  }
0x71c: {  	[tilespmem:s20], [sflag:$0x1] =	stream.linear.gather [hbm4b:s16+s4], $0x40, $0x38;
	[tilespmem:$0x18F80] =	vst v63  }
0x71d: {  	s16 =	sadd.s32 $0x1E8500, s18;
	s20 =	sadd.s32 $0xF100, s21  }
0x71e: {  	[tilespmem:s20], [sflag:$0x1] =	stream.linear.gather [hbm4b:s16+s4], $0x40, $0x38;
	[tilespmem:$0x18F80] =	vst v63  }
0x71f: {  	s17 =	sadd.s32 $0x10, s16;
	s20 =	sadd.s32 $0xF180, s21  }
0x720: {  	[tilespmem:s20], [sflag:$0x1] =	stream.linear.gather [hbm4b:s17+s4], $0x40, $0x38;
	[tilespmem:$0x18F80] =	vst v63  }
0x721: {  	s17 =	sadd.s32 $0x20, s16;
	s20 =	sadd.s32 $0xF200, s21  }
0x722: {  	[tilespmem:s20], [sflag:$0x1] =	stream.linear.gather [hbm4b:s17+s4], $0x40, $0x38;
	[tilespmem:$0x18F80] =	vst v63  }
0x723: {  	s17 =	sadd.s32 $0x30, s16;
	s20 =	sadd.s32 $0xF280, s21  }
0x724: {  	[tilespmem:s20], [sflag:$0x1] =	stream.linear.gather [hbm4b:s17+s4], $0x40, $0x38;
	[tilespmem:$0x18F80] =	vst v63  }
0x725: {  	s17 =	sadd.s32 $0x40, s16;
	s20 =	sadd.s32 $0xF300, s21  }
0x726: {  	[tilespmem:s20], [sflag:$0x1] =	stream.linear.gather [hbm4b:s17+s4], $0x40, $0x38;
	[tilespmem:$0x18F80] =	vst v63  }
0x727: {  	s17 =	sadd.s32 $0x50, s16;
	s20 =	sadd.s32 $0xF380, s21  }
0x728: {  	[tilespmem:s20], [sflag:$0x1] =	stream.linear.gather [hbm4b:s17+s4], $0x40, $0x38;
	[tilespmem:$0x18F80] =	vst v63  }
0x729: {  	s17 =	sadd.s32 $0x60, s16;
	s20 =	sadd.s32 $0xF400, s21  }
0x72a: {  	[tilespmem:s20], [sflag:$0x1] =	stream.linear.gather [hbm4b:s17+s4], $0x40, $0x38;
	[tilespmem:$0x18F80] =	vst v63  }
0x72b: {  	s16 =	sadd.s32 $0x70, s16;
	s20 =	sadd.s32 $0xF480, s21  }
0x72c: {  	[tilespmem:s20], [sflag:$0x1] =	stream.linear.gather [hbm4b:s16+s4], $0x40, $0x38;
	[tilespmem:$0x18F80] =	vst v63  }
0x72d: {  	s16 =	sadd.s32 $0x2DC780, s18;
	s20 =	sadd.s32 $0xF500, s21  }
0x72e: {  	[tilespmem:s20], [sflag:$0x1] =	stream.linear.gather [hbm4b:s16+s4], $0x40, $0x38;
	[tilespmem:$0x18F80] =	vst v63  }
0x72f: {  	s18 =	sadd.s32 $0x10, s16;
	s20 =	sadd.s32 $0xF580, s21  }
0x730: {  	[tilespmem:s20], [sflag:$0x1] =	stream.linear.gather [hbm4b:s18+s4], $0x40, $0x38;
	[tilespmem:$0x18F80] =	vst v63  }
0x731: {  	s18 =	sadd.s32 $0x20, s16;
	s20 =	sadd.s32 $0xF600, s21  }
0x732: {  	[tilespmem:s20], [sflag:$0x1] =	stream.linear.gather [hbm4b:s18+s4], $0x40, $0x38;
	[tilespmem:$0x18F80] =	vst v63  }
0x733: {  	s18 =	sadd.s32 $0x30, s16;
	s20 =	sadd.s32 $0xF680, s21  }
0x734: {  	[tilespmem:s20], [sflag:$0x1] =	stream.linear.gather [hbm4b:s18+s4], $0x40, $0x38;
	[tilespmem:$0x18F80] =	vst v63  }
0x735: {  	s18 =	sadd.s32 $0x40, s16;
	s20 =	sadd.s32 $0xF700, s21  }
0x736: {  	[tilespmem:s20], [sflag:$0x1] =	stream.linear.gather [hbm4b:s18+s4], $0x40, $0x38;
	[tilespmem:$0x18F80] =	vst v63  }
0x737: {  	s18 =	sadd.s32 $0x50, s16;
	s20 =	sadd.s32 $0xF780, s21  }
0x738: {  	[tilespmem:s20], [sflag:$0x1] =	stream.linear.gather [hbm4b:s18+s4], $0x40, $0x38;
	[tilespmem:$0x18F80] =	vst v63  }
.Ltmp46:
0x739: {  	_ = 	snop;
	(pc) =	sbr.rel .LBB2_69-.Ltmp46, $4  }
0x73a: {  	s18 =	sadd.s32 $0x60, s16;
	s20 =	sadd.s32 $0xF800, s21  }
0x73b: {  	[tilespmem:s20], [sflag:$0x1] =	stream.linear.gather [hbm4b:s18+s4], $0x40, $0x38;
	[tilespmem:$0x18F80] =	vst v63  }
0x73c: {  	s16 =	sadd.s32 $0x70, s16;
	s20 =	sadd.s32 $0xF880, s21  }
0x73d: {  	[tilespmem:s20], [sflag:$0x1] =	stream.linear.gather [hbm4b:s16+s4], $0x40, $0x38;
	[tilespmem:$0x18F80] =	vst v63  }
.LBB2_68:
0x73e: {  	s16 =	sand.u32 $0xFFFFF80, s18  }
0x73f: {  	s16 =	sadd.s32 s3, s16  }
0x740: {  	[tilespmem:s17], [sflag:$0x1] =	stream.strided.gather [hbm4b:s16+s0], $0x1000, s12, s0, $0x38;
	[tilespmem:$0x18F80] =	vst v63  }
.LBB2_69:
0x741: {  	(v2sf) =	vpush v34, $0x3;
	_ =	sdelay $0xe  }
0x742: {  	s18 =	spop (v2sf)  }
0x743: {  	s16 =	sand.u32 $0x40, s18  }
0x744: {  	p0 =	sne.s32 s16, $0x0  }
.Ltmp47:
0x745: {  	_ = 	snop;
	(pc) =	sbr.rel @p0 .LBB2_71-.Ltmp47, $2  }
0x746: {  	_ =	sdelay $0x2  }
0x747: {  	s17 =	sor.u32 $0x3900, s21  }
0x748: {  	s16 =	sand.u32 $0x1FFFFF80, s18  }
0x749: {  	s18 =	sadd.s32 s1, s16  }
0x74a: {  	[tilespmem:s17], [sflag:$0x1] =	stream.linear.gather [hbm4b:s18+s4], $0x40, $0x38;
	[tilespmem:$0x18F80] =	vst v63  }
0x74b: {  	s20 =	sor.u32 $0x3980, s21;
	s16 =	sadd.s32 $0x10, s18  }
0x74c: {  	[tilespmem:s20], [sflag:$0x1] =	stream.linear.gather [hbm4b:s16+s4], $0x40, $0x38;
	[tilespmem:$0x18F80] =	vst v63  }
0x74d: {  	s17 =	sadd.s32 $0x20, s18;
	s20 =	sor.u32 $0x3A00, s21  }
0x74e: {  	[tilespmem:s20], [sflag:$0x1] =	stream.linear.gather [hbm4b:s17+s4], $0x40, $0x38;
	[tilespmem:$0x18F80] =	vst v63  }
0x74f: {  	s17 =	sadd.s32 $0x30, s18;
	s20 =	sor.u32 $0x3A80, s21  }
0x750: {  	[tilespmem:s20], [sflag:$0x1] =	stream.linear.gather [hbm4b:s17+s4], $0x40, $0x38;
	[tilespmem:$0x18F80] =	vst v63  }
0x751: {  	s17 =	sadd.s32 $0x40, s18;
	s20 =	sor.u32 $0x3B00, s21  }
0x752: {  	[tilespmem:s20], [sflag:$0x1] =	stream.linear.gather [hbm4b:s17+s4], $0x40, $0x38;
	[tilespmem:$0x18F80] =	vst v63  }
0x753: {  	s17 =	sadd.s32 $0x50, s18;
	s20 =	sor.u32 $0x3B80, s21  }
0x754: {  	[tilespmem:s20], [sflag:$0x1] =	stream.linear.gather [hbm4b:s17+s4], $0x40, $0x38;
	[tilespmem:$0x18F80] =	vst v63  }
0x755: {  	s17 =	sadd.s32 $0x60, s18;
	s20 =	sor.u32 $0x3C00, s21  }
0x756: {  	[tilespmem:s20], [sflag:$0x1] =	stream.linear.gather [hbm4b:s17+s4], $0x40, $0x38;
	[tilespmem:$0x18F80] =	vst v63  }
0x757: {  	s17 =	sadd.s32 $0x70, s18;
	s20 =	sor.u32 $0x3C80, s21  }
0x758: {  	[tilespmem:s20], [sflag:$0x1] =	stream.linear.gather [hbm4b:s17+s4], $0x40, $0x38;
	[tilespmem:$0x18F80] =	vst v63  }
0x759: {  	s16 =	sadd.s32 $0xF4280, s18;
	s20 =	sor.u32 $0x3D00, s21  }
0x75a: {  	[tilespmem:s20], [sflag:$0x1] =	stream.linear.gather [hbm4b:s16+s4], $0x40, $0x38;
	[tilespmem:$0x18F80] =	vst v63  }
0x75b: {  	s17 =	sadd.s32 $0x10, s16;
	s20 =	sor.u32 $0x3D80, s21  }
0x75c: {  	[tilespmem:s20], [sflag:$0x1] =	stream.linear.gather [hbm4b:s17+s4], $0x40, $0x38;
	[tilespmem:$0x18F80] =	vst v63  }
0x75d: {  	s17 =	sadd.s32 $0x20, s16;
	s20 =	sor.u32 $0x3E00, s21  }
0x75e: {  	[tilespmem:s20], [sflag:$0x1] =	stream.linear.gather [hbm4b:s17+s4], $0x40, $0x38;
	[tilespmem:$0x18F80] =	vst v63  }
0x75f: {  	s17 =	sadd.s32 $0x30, s16;
	s20 =	sor.u32 $0x3E80, s21  }
0x760: {  	[tilespmem:s20], [sflag:$0x1] =	stream.linear.gather [hbm4b:s17+s4], $0x40, $0x38;
	[tilespmem:$0x18F80] =	vst v63  }
0x761: {  	s17 =	sadd.s32 $0x40, s16;
	s20 =	sor.u32 $0x3F00, s21  }
0x762: {  	[tilespmem:s20], [sflag:$0x1] =	stream.linear.gather [hbm4b:s17+s4], $0x40, $0x38;
	[tilespmem:$0x18F80] =	vst v63  }
0x763: {  	s17 =	sadd.s32 $0x50, s16;
	s20 =	sor.u32 $0x3F80, s21  }
0x764: {  	[tilespmem:s20], [sflag:$0x1] =	stream.linear.gather [hbm4b:s17+s4], $0x40, $0x38;
	[tilespmem:$0x18F80] =	vst v63  }
0x765: {  	s17 =	sadd.s32 $0x60, s16;
	s20 =	sadd.s32 $0x4000, s21  }
0x766: {  	[tilespmem:s20], [sflag:$0x1] =	stream.linear.gather [hbm4b:s17+s4], $0x40, $0x38;
	[tilespmem:$0x18F80] =	vst v63  }
0x767: {  	s16 =	sadd.s32 $0x70, s16;
	s20 =	sadd.s32 $0x4080, s21  }
0x768: {  	[tilespmem:s20], [sflag:$0x1] =	stream.linear.gather [hbm4b:s16+s4], $0x40, $0x38;
	[tilespmem:$0x18F80] =	vst v63  }
0x769: {  	s16 =	sadd.s32 $0x1E8500, s18;
	s20 =	sadd.s32 $0x4100, s21  }
0x76a: {  	[tilespmem:s20], [sflag:$0x1] =	stream.linear.gather [hbm4b:s16+s4], $0x40, $0x38;
	[tilespmem:$0x18F80] =	vst v63  }
0x76b: {  	s17 =	sadd.s32 $0x10, s16;
	s20 =	sadd.s32 $0x4180, s21  }
0x76c: {  	[tilespmem:s20], [sflag:$0x1] =	stream.linear.gather [hbm4b:s17+s4], $0x40, $0x38;
	[tilespmem:$0x18F80] =	vst v63  }
0x76d: {  	s17 =	sadd.s32 $0x20, s16;
	s20 =	sadd.s32 $0x4200, s21  }
0x76e: {  	[tilespmem:s20], [sflag:$0x1] =	stream.linear.gather [hbm4b:s17+s4], $0x40, $0x38;
	[tilespmem:$0x18F80] =	vst v63  }
0x76f: {  	s17 =	sadd.s32 $0x30, s16;
	s20 =	sadd.s32 $0x4280, s21  }
0x770: {  	[tilespmem:s20], [sflag:$0x1] =	stream.linear.gather [hbm4b:s17+s4], $0x40, $0x38;
	[tilespmem:$0x18F80] =	vst v63  }
0x771: {  	s17 =	sadd.s32 $0x40, s16;
	s20 =	sadd.s32 $0x4300, s21  }
0x772: {  	[tilespmem:s20], [sflag:$0x1] =	stream.linear.gather [hbm4b:s17+s4], $0x40, $0x38;
	[tilespmem:$0x18F80] =	vst v63  }
0x773: {  	s17 =	sadd.s32 $0x50, s16;
	s20 =	sadd.s32 $0x4380, s21  }
0x774: {  	[tilespmem:s20], [sflag:$0x1] =	stream.linear.gather [hbm4b:s17+s4], $0x40, $0x38;
	[tilespmem:$0x18F80] =	vst v63  }
0x775: {  	s17 =	sadd.s32 $0x60, s16;
	s20 =	sadd.s32 $0x4400, s21  }
0x776: {  	[tilespmem:s20], [sflag:$0x1] =	stream.linear.gather [hbm4b:s17+s4], $0x40, $0x38;
	[tilespmem:$0x18F80] =	vst v63  }
0x777: {  	s16 =	sadd.s32 $0x70, s16;
	s20 =	sadd.s32 $0x4480, s21  }
0x778: {  	[tilespmem:s20], [sflag:$0x1] =	stream.linear.gather [hbm4b:s16+s4], $0x40, $0x38;
	[tilespmem:$0x18F80] =	vst v63  }
0x779: {  	s16 =	sadd.s32 $0x2DC780, s18;
	s20 =	sadd.s32 $0x4500, s21  }
0x77a: {  	[tilespmem:s20], [sflag:$0x1] =	stream.linear.gather [hbm4b:s16+s4], $0x40, $0x38;
	[tilespmem:$0x18F80] =	vst v63  }
0x77b: {  	s18 =	sadd.s32 $0x10, s16;
	s20 =	sadd.s32 $0x4580, s21  }
0x77c: {  	[tilespmem:s20], [sflag:$0x1] =	stream.linear.gather [hbm4b:s18+s4], $0x40, $0x38;
	[tilespmem:$0x18F80] =	vst v63  }
0x77d: {  	s18 =	sadd.s32 $0x20, s16;
	s20 =	sadd.s32 $0x4600, s21  }
0x77e: {  	[tilespmem:s20], [sflag:$0x1] =	stream.linear.gather [hbm4b:s18+s4], $0x40, $0x38;
	[tilespmem:$0x18F80] =	vst v63  }
0x77f: {  	s18 =	sadd.s32 $0x30, s16;
	s20 =	sadd.s32 $0x4680, s21  }
0x780: {  	[tilespmem:s20], [sflag:$0x1] =	stream.linear.gather [hbm4b:s18+s4], $0x40, $0x38;
	[tilespmem:$0x18F80] =	vst v63  }
0x781: {  	s18 =	sadd.s32 $0x40, s16;
	s20 =	sadd.s32 $0x4700, s21  }
0x782: {  	[tilespmem:s20], [sflag:$0x1] =	stream.linear.gather [hbm4b:s18+s4], $0x40, $0x38;
	[tilespmem:$0x18F80] =	vst v63  }
0x783: {  	s18 =	sadd.s32 $0x50, s16;
	s20 =	sadd.s32 $0x4780, s21  }
0x784: {  	[tilespmem:s20], [sflag:$0x1] =	stream.linear.gather [hbm4b:s18+s4], $0x40, $0x38;
	[tilespmem:$0x18F80] =	vst v63  }
.Ltmp48:
0x785: {  	_ = 	snop;
	(pc) =	sbr.rel .LBB2_72-.Ltmp48, $4  }
0x786: {  	s18 =	sadd.s32 $0x60, s16;
	s20 =	sadd.s32 $0x4800, s21  }
0x787: {  	[tilespmem:s20], [sflag:$0x1] =	stream.linear.gather [hbm4b:s18+s4], $0x40, $0x38;
	[tilespmem:$0x18F80] =	vst v63  }
0x788: {  	s16 =	sadd.s32 $0x70, s16;
	s20 =	sadd.s32 $0x4880, s21  }
0x789: {  	[tilespmem:s20], [sflag:$0x1] =	stream.linear.gather [hbm4b:s16+s4], $0x40, $0x38;
	[tilespmem:$0x18F80] =	vst v63  }
.LBB2_71:
0x78a: {  	s16 =	sand.u32 $0xFFFFF80, s18  }
0x78b: {  	s16 =	sadd.s32 s1, s16  }
0x78c: {  	[tilespmem:s17], [sflag:$0x1] =	stream.strided.gather [hbm4b:s16+s0], $0x1000, s12, s0, $0x38;
	[tilespmem:$0x18F80] =	vst v63  }
.LBB2_72:
0x78d: {  	(v2sf) =	vpush v33, $0x3;
	_ =	sdelay $0xe  }
0x78e: {  	s18 =	spop (v2sf)  }
0x78f: {  	s16 =	sand.u32 $0x40, s18  }
0x790: {  	p0 =	sne.s32 s16, $0x0  }
.Ltmp49:
0x791: {  	_ = 	snop;
	(pc) =	sbr.rel @p0 .LBB2_74-.Ltmp49, $2  }
0x792: {  	_ =	sdelay $0x2  }
0x793: {  	s17 =	sadd.s32 $0xF900, s21  }
0x794: {  	s16 =	sand.u32 $0x1FFFFF80, s18  }
0x795: {  	s18 =	sadd.s32 s3, s16  }
0x796: {  	[tilespmem:s17], [sflag:$0x1] =	stream.linear.gather [hbm4b:s18+s4], $0x40, $0x38;
	[tilespmem:$0x18F80] =	vst v63  }
0x797: {  	s20 =	sadd.s32 $0xF980, s21;
	s16 =	sadd.s32 $0x10, s18  }
0x798: {  	[tilespmem:s20], [sflag:$0x1] =	stream.linear.gather [hbm4b:s16+s4], $0x40, $0x38;
	[tilespmem:$0x18F80] =	vst v63  }
0x799: {  	s17 =	sadd.s32 $0x20, s18;
	s20 =	sadd.s32 $0xFA00, s21  }
0x79a: {  	[tilespmem:s20], [sflag:$0x1] =	stream.linear.gather [hbm4b:s17+s4], $0x40, $0x38;
	[tilespmem:$0x18F80] =	vst v63  }
0x79b: {  	s17 =	sadd.s32 $0x30, s18;
	s20 =	sadd.s32 $0xFA80, s21  }
0x79c: {  	[tilespmem:s20], [sflag:$0x1] =	stream.linear.gather [hbm4b:s17+s4], $0x40, $0x38;
	[tilespmem:$0x18F80] =	vst v63  }
0x79d: {  	s17 =	sadd.s32 $0x40, s18;
	s20 =	sadd.s32 $0xFB00, s21  }
0x79e: {  	[tilespmem:s20], [sflag:$0x1] =	stream.linear.gather [hbm4b:s17+s4], $0x40, $0x38;
	[tilespmem:$0x18F80] =	vst v63  }
0x79f: {  	s17 =	sadd.s32 $0x50, s18;
	s20 =	sadd.s32 $0xFB80, s21  }
0x7a0: {  	[tilespmem:s20], [sflag:$0x1] =	stream.linear.gather [hbm4b:s17+s4], $0x40, $0x38;
	[tilespmem:$0x18F80] =	vst v63  }
0x7a1: {  	s17 =	sadd.s32 $0x60, s18;
	s20 =	sadd.s32 $0xFC00, s21  }
0x7a2: {  	[tilespmem:s20], [sflag:$0x1] =	stream.linear.gather [hbm4b:s17+s4], $0x40, $0x38;
	[tilespmem:$0x18F80] =	vst v63  }
0x7a3: {  	s17 =	sadd.s32 $0x70, s18;
	s20 =	sadd.s32 $0xFC80, s21  }
0x7a4: {  	[tilespmem:s20], [sflag:$0x1] =	stream.linear.gather [hbm4b:s17+s4], $0x40, $0x38;
	[tilespmem:$0x18F80] =	vst v63  }
0x7a5: {  	s16 =	sadd.s32 $0xF4280, s18;
	s20 =	sadd.s32 $0xFD00, s21  }
0x7a6: {  	[tilespmem:s20], [sflag:$0x1] =	stream.linear.gather [hbm4b:s16+s4], $0x40, $0x38;
	[tilespmem:$0x18F80] =	vst v63  }
0x7a7: {  	s17 =	sadd.s32 $0x10, s16;
	s20 =	sadd.s32 $0xFD80, s21  }
0x7a8: {  	[tilespmem:s20], [sflag:$0x1] =	stream.linear.gather [hbm4b:s17+s4], $0x40, $0x38;
	[tilespmem:$0x18F80] =	vst v63  }
0x7a9: {  	s17 =	sadd.s32 $0x20, s16;
	s20 =	sadd.s32 $0xFE00, s21  }
0x7aa: {  	[tilespmem:s20], [sflag:$0x1] =	stream.linear.gather [hbm4b:s17+s4], $0x40, $0x38;
	[tilespmem:$0x18F80] =	vst v63  }
0x7ab: {  	s17 =	sadd.s32 $0x30, s16;
	s20 =	sadd.s32 $0xFE80, s21  }
0x7ac: {  	[tilespmem:s20], [sflag:$0x1] =	stream.linear.gather [hbm4b:s17+s4], $0x40, $0x38;
	[tilespmem:$0x18F80] =	vst v63  }
0x7ad: {  	s17 =	sadd.s32 $0x40, s16;
	s20 =	sadd.s32 $0xFF00, s21  }
0x7ae: {  	[tilespmem:s20], [sflag:$0x1] =	stream.linear.gather [hbm4b:s17+s4], $0x40, $0x38;
	[tilespmem:$0x18F80] =	vst v63  }
0x7af: {  	s17 =	sadd.s32 $0x50, s16;
	s20 =	sadd.s32 $0xFF80, s21  }
0x7b0: {  	[tilespmem:s20], [sflag:$0x1] =	stream.linear.gather [hbm4b:s17+s4], $0x40, $0x38;
	[tilespmem:$0x18F80] =	vst v63  }
0x7b1: {  	s17 =	sadd.s32 $0x60, s16;
	s20 =	sadd.s32 $0x10000, s21  }
0x7b2: {  	[tilespmem:s20], [sflag:$0x1] =	stream.linear.gather [hbm4b:s17+s4], $0x40, $0x38;
	[tilespmem:$0x18F80] =	vst v63  }
0x7b3: {  	s16 =	sadd.s32 $0x70, s16;
	s20 =	sadd.s32 $0x10080, s21  }
0x7b4: {  	[tilespmem:s20], [sflag:$0x1] =	stream.linear.gather [hbm4b:s16+s4], $0x40, $0x38;
	[tilespmem:$0x18F80] =	vst v63  }
0x7b5: {  	s16 =	sadd.s32 $0x1E8500, s18;
	s20 =	sadd.s32 $0x10100, s21  }
0x7b6: {  	[tilespmem:s20], [sflag:$0x1] =	stream.linear.gather [hbm4b:s16+s4], $0x40, $0x38;
	[tilespmem:$0x18F80] =	vst v63  }
0x7b7: {  	s17 =	sadd.s32 $0x10, s16;
	s20 =	sadd.s32 $0x10180, s21  }
0x7b8: {  	[tilespmem:s20], [sflag:$0x1] =	stream.linear.gather [hbm4b:s17+s4], $0x40, $0x38;
	[tilespmem:$0x18F80] =	vst v63  }
0x7b9: {  	s17 =	sadd.s32 $0x20, s16;
	s20 =	sadd.s32 $0x10200, s21  }
0x7ba: {  	[tilespmem:s20], [sflag:$0x1] =	stream.linear.gather [hbm4b:s17+s4], $0x40, $0x38;
	[tilespmem:$0x18F80] =	vst v63  }
0x7bb: {  	s17 =	sadd.s32 $0x30, s16;
	s20 =	sadd.s32 $0x10280, s21  }
0x7bc: {  	[tilespmem:s20], [sflag:$0x1] =	stream.linear.gather [hbm4b:s17+s4], $0x40, $0x38;
	[tilespmem:$0x18F80] =	vst v63  }
0x7bd: {  	s17 =	sadd.s32 $0x40, s16;
	s20 =	sadd.s32 $0x10300, s21  }
0x7be: {  	[tilespmem:s20], [sflag:$0x1] =	stream.linear.gather [hbm4b:s17+s4], $0x40, $0x38;
	[tilespmem:$0x18F80] =	vst v63  }
0x7bf: {  	s17 =	sadd.s32 $0x50, s16;
	s20 =	sadd.s32 $0x10380, s21  }
0x7c0: {  	[tilespmem:s20], [sflag:$0x1] =	stream.linear.gather [hbm4b:s17+s4], $0x40, $0x38;
	[tilespmem:$0x18F80] =	vst v63  }
0x7c1: {  	s17 =	sadd.s32 $0x60, s16;
	s20 =	sadd.s32 $0x10400, s21  }
0x7c2: {  	[tilespmem:s20], [sflag:$0x1] =	stream.linear.gather [hbm4b:s17+s4], $0x40, $0x38;
	[tilespmem:$0x18F80] =	vst v63  }
0x7c3: {  	s16 =	sadd.s32 $0x70, s16;
	s20 =	sadd.s32 $0x10480, s21  }
0x7c4: {  	[tilespmem:s20], [sflag:$0x1] =	stream.linear.gather [hbm4b:s16+s4], $0x40, $0x38;
	[tilespmem:$0x18F80] =	vst v63  }
0x7c5: {  	s16 =	sadd.s32 $0x2DC780, s18;
	s20 =	sadd.s32 $0x10500, s21  }
0x7c6: {  	[tilespmem:s20], [sflag:$0x1] =	stream.linear.gather [hbm4b:s16+s4], $0x40, $0x38;
	[tilespmem:$0x18F80] =	vst v63  }
0x7c7: {  	s18 =	sadd.s32 $0x10, s16;
	s20 =	sadd.s32 $0x10580, s21  }
0x7c8: {  	[tilespmem:s20], [sflag:$0x1] =	stream.linear.gather [hbm4b:s18+s4], $0x40, $0x38;
	[tilespmem:$0x18F80] =	vst v63  }
0x7c9: {  	s18 =	sadd.s32 $0x20, s16;
	s20 =	sadd.s32 $0x10600, s21  }
0x7ca: {  	[tilespmem:s20], [sflag:$0x1] =	stream.linear.gather [hbm4b:s18+s4], $0x40, $0x38;
	[tilespmem:$0x18F80] =	vst v63  }
0x7cb: {  	s18 =	sadd.s32 $0x30, s16;
	s20 =	sadd.s32 $0x10680, s21  }
0x7cc: {  	[tilespmem:s20], [sflag:$0x1] =	stream.linear.gather [hbm4b:s18+s4], $0x40, $0x38;
	[tilespmem:$0x18F80] =	vst v63  }
0x7cd: {  	s18 =	sadd.s32 $0x40, s16;
	s20 =	sadd.s32 $0x10700, s21  }
0x7ce: {  	[tilespmem:s20], [sflag:$0x1] =	stream.linear.gather [hbm4b:s18+s4], $0x40, $0x38;
	[tilespmem:$0x18F80] =	vst v63  }
0x7cf: {  	s18 =	sadd.s32 $0x50, s16;
	s20 =	sadd.s32 $0x10780, s21  }
0x7d0: {  	[tilespmem:s20], [sflag:$0x1] =	stream.linear.gather [hbm4b:s18+s4], $0x40, $0x38;
	[tilespmem:$0x18F80] =	vst v63  }
.Ltmp50:
0x7d1: {  	_ = 	snop;
	(pc) =	sbr.rel .LBB2_75-.Ltmp50, $4  }
0x7d2: {  	s18 =	sadd.s32 $0x60, s16;
	s20 =	sadd.s32 $0x10800, s21  }
0x7d3: {  	[tilespmem:s20], [sflag:$0x1] =	stream.linear.gather [hbm4b:s18+s4], $0x40, $0x38;
	[tilespmem:$0x18F80] =	vst v63  }
0x7d4: {  	s16 =	sadd.s32 $0x70, s16;
	s21 =	sadd.s32 $0x10880, s21  }
0x7d5: {  	[tilespmem:s21], [sflag:$0x1] =	stream.linear.gather [hbm4b:s16+s4], $0x40, $0x38;
	[tilespmem:$0x18F80] =	vst v63  }
.LBB2_76:
0x7d6: {  	s2 =	simm.s32 $0x0  }
0x7d7: {  	v33 =	vor.u32 s2, v32;
	_ =	sdelay $0x4  }
0x7d8: {  	s28 =	simm.s32 $0x20;
	v33 =	vld.idx.msk [tilespmem:v33+s19+$0x0], $0xffff  }
0x7d9: {  	v34 =	vor.u32 s28, v32;
	_ =	sdelay $0x2  }
0x7da: {  	s2 =	simm.s32 $0x18D80  }
0x7db: {  	[tilespmem:s2+$0x0] =	vst v33  }
0x7dc: {  	s10 =	simm.s32 $0x40;
	v33 =	vld.idx.msk [tilespmem:v34+s19+$0x0], $0xffff  }
0x7dd: {  	v34 =	vor.u32 s10, v32;
	s10 =	simm.s32 $0x60  }
.LBB2_77:
0x7de: {  	p0 =	sne.s32 s10, $0x3E0;
	_ =	sdelay $0x1  }
.Ltmp51:
0x7df: {  	s2 =	sadd.s32 $0x10, s2;
	(pc) =	sbr.rel @p0 .LBB2_77-.Ltmp51, $3  }
0x7e0: {  	[tilespmem:s2+$0x0] =	vst v33  }
0x7e1: {  	v33 =	vld.idx.msk [tilespmem:v34+s19+$0x0], $0xffff;
	_ =	sdelay $0x1  }
0x7e2: {  	v34 =	vor.u32 s10, v32;
	s10 =	sadd.s32 $0x20, s10  }
0x7e3: {  	_ =	sdelay $0x1  }
0x7e4: {  	s2 =	sadd.s32 $0x10, s2  }
0x7e5: {  	[tilespmem:s2+$0x0] =	vst v33  }
0x7e6: {  	v33 =	vld.idx.msk [tilespmem:v34+s19+$0x0], $0xffff;
	_ =	sdelay $0x2  }
0x7e7: {  	s24 =	sadd.s32 $0x1, s24  }
0x7e8: {  	p0 =	sne.s32 s24, s8;
	s2 =	sadd.s32 $0x10, s2  }
.Ltmp52:
0x7e9: {  	[tilespmem:s2+$0x0] =	vst v33;
	(pc) =	sbr.rel @p0 .LBB2_1-.Ltmp52, $4  }
0x7ea: {  	[hbm4b:s7+s4] =	stream.linear.scatter [tilespmem:s23], [sflag:$0x2], $0x200, $0x38;
	[tilespmem:$0x18F80] =	vst v63  }
0x7eb: {  	_ =	swait.ge [sflag:s9], $0x200  }
0x7ec: {  	[sflag:s9] =	ssyncset.done $0x0  }
0x7ed: {  	[sflag:s9] =	ssyncadd.s32 $0xFFFFFE00  }
0x7ee: {  	_ =	sfence.sel $0x180000  }
0x7ef: {  	[bflag:$0x0] =	sbarrier.arrive $0xFFFF  }
0x7f0: {  	_ =	strace $0x90000047  }
0x7f1: {  	s0 =	stileid.u32;
	[bflag:$0x2] =	sbarrier.arrive $0xFFFF  }
0x7f2: {  	p0 =	sne.s32 s0, $0x0;
	s0 =	rddreg [dreg:$0x4]  }
0x7f3: {  	s0 =	sadd.s32 @!p0 $0x100000, s0  }
0x7f4: {  	[sflag:s0] =	ssyncadd.tile.s32 @!p0 $0x1;
	_ =	shalt  }
.Lfunc_end2:
_tile_overlayer_lowered:
.L_overlay_start_2:
0x7f5: {  	(tag) =	ssettag $0x2  }
0x7f6: {  	s0 =	rddreg [dreg:$0x0];
	s2 =	stileid.u32  }
0x7f7: {  	s1 =	rddreg [dreg:$0x1];
	p0 =	sne.s32 s2, $0x0  }
0x7f8: {  	s3 =	rddreg [dreg:$0x2];
	[bflag:$0x3] =	sbarrier.arrive $0xFFFF;
	s2 =	simm.s32 @!p0 $0x1C02  }
0x7f9: {  	[timem:s3], [sflag:s2] =	dma.local @!p0 [hbm:s0], s1  }
0x7fa: {  	s0 =	simm.s32 @!p0 $0x2  }
0x7fb: {  	_ =	swait.ge @!p0 [sflag:s0], s1  }
0x7fc: {  	s1 =	ssub.s32 @!p0 $0x0, s1;
	[sflag:s0] =	ssyncset.done @!p0 $0x0  }
0x7fd: {  	[sflag:s0] =	ssyncadd.s32 @!p0 s1  }
0x7fe: {  	[bflag:$0x3] =	sbarrier.arrive $0xFFFF  }
0x7ff: {  	_ =	shalt  }

</sc_bundles>
